<compile_context>
chip_gen: v7x
topology: tpu7x:2x2x1
jax: 0.10.2.dev20260603
libtpu: 0.0.44.dev20260713+nightly
codegen_flags: <defaults>
</compile_context>

<pallas_src>
import functools

import jax
import jax.numpy as jnp
import numpy as np
from jax import lax
from jax.experimental import pallas as pl
from jax.experimental.pallas import tpu as pltpu
from jax.experimental.pallas import tpu_sc as plsc

N = 10000
E = 320000
DF = 128
NS = 8
NG = 16
DH = 128

NB = 5
BN = N // NB

NC = 2
NSUB = 16
NW = NC * NSUB
EPW = E // NW
K = 40
NCH = EPW // K
NPAD = 10240
RPT = NPAD // NSUB


def _pre_body(x_ref, bt_ref, sc_ref, W1_ref, b1_ref, A_ref, B_ref):
    xb = x_ref[...]
    bt = bt_ref[0, 0, :]
    oh = (bt[:, None] == lax.broadcasted_iota(jnp.int32, (1, NG), 1)
          ).astype(jnp.float32)
    s = jnp.dot(oh, sc_ref[...], preferred_element_type=jnp.float32)
    w1ax = W1_ref[0:DF, :]
    w1as = W1_ref[DF:DF + NS, :]
    w1bx = W1_ref[DF + NS:2 * DF + NS, :]
    w1bs = W1_ref[2 * DF + NS:, :]
    b1 = b1_ref[0, :]
    A_ref[...] = (jnp.dot(xb, w1ax - w1bx, preferred_element_type=jnp.float32)
                  + jnp.dot(s, w1as - w1bs, preferred_element_type=jnp.float32)
                  + b1[None, :])
    B_ref[...] = (jnp.dot(xb, w1bx, preferred_element_type=jnp.float32)
                  + jnp.dot(s, w1bs, preferred_element_type=jnp.float32))


_pre = pl.pallas_call(
    _pre_body,
    grid=(NB,),
    in_specs=[
        pl.BlockSpec((BN, DF), lambda i: (i, 0)),
        pl.BlockSpec((1, 1, BN), lambda i: (i, 0, 0)),
        pl.BlockSpec((NG, NS), lambda i: (0, 0)),
        pl.BlockSpec((2 * (DF + NS), DH), lambda i: (0, 0)),
        pl.BlockSpec((1, DH), lambda i: (0, 0)),
    ],
    out_specs=[pl.BlockSpec((BN, DH), lambda i: (i, 0)),
               pl.BlockSpec((BN, DH), lambda i: (i, 0))],
    out_shape=[jax.ShapeDtypeStruct((N, DH), jnp.float32),
               jax.ShapeDtypeStruct((N, DH), jnp.float32)],
)


_mesh = plsc.VectorSubcoreMesh(core_axis_name="c", subcore_axis_name="s")


@functools.partial(
    pl.kernel,
    out_type=(jax.ShapeDtypeStruct((NC, NPAD, DH), jnp.float32),
              jax.ShapeDtypeStruct((NC, NPAD, 16), jnp.float32)),
    mesh=_mesh,
    scratch_types=[
        pltpu.VMEM((K,), jnp.int32),
        pltpu.VMEM((K,), jnp.int32),
        pltpu.VMEM((K,), jnp.int32),
        pltpu.VMEM((K,), jnp.int32),
        pltpu.VMEM((K,), jnp.int32),
        pltpu.VMEM((K,), jnp.int32),
        pltpu.VMEM((K, DH), jnp.float32),
        pltpu.VMEM((K, DH), jnp.float32),
        pltpu.VMEM((K, DH), jnp.float32),
        pltpu.VMEM((K, DH), jnp.float32),
        pltpu.VMEM((K, DH), jnp.float32),
        pltpu.VMEM((K, DH), jnp.float32),
        pltpu.VMEM((K, 16), jnp.float32),
        pltpu.VMEM_SHARED((NPAD, DH), jnp.float32),
        pltpu.VMEM_SHARED((NPAD, 16), jnp.float32),
        pltpu.SemaphoreType.DMA,
        pltpu.SemaphoreType.DMA,
        pltpu.SemaphoreType.DMA,
        pltpu.SemaphoreType.DMA,
        pltpu.SemaphoreType.DMA,
        pltpu.SemaphoreType.DMA,
        pltpu.SemaphoreType.DMA,
        pltpu.SemaphoreType.DMA,
    ],
    compiler_params=pltpu.CompilerParams(use_tc_tiling_on_sc=False,
                                         needs_layout_passes=False),
)
def _edge(A_hbm, B_hbm, src_hbm, dst_hbm, S_out, Dg_out,
          di0, si0, dc0, di1, si1, dc1, ab0, bb0, ab1, bb1, rr0, rr1,
          ones_v, S_sh, D_sh, sg0, sg1, ss0, ss1, mi0, mi1, md0, md1):
    cid = lax.axis_index("c")
    sid = lax.axis_index("s")
    wid = sid * NC + cid

    zv = jnp.zeros((16,), jnp.float32)
    ov = jnp.ones((16,), jnp.float32)

    SETS = ((di0, si0, dc0, ab0, bb0, rr0, sg0, ss0, mi0, md0),
            (di1, si1, dc1, ab1, bb1, rr1, sg1, ss1, mi1, md1))

    def zrow(i, _):
        for t in range(DH // 16):
            rr0[i, pl.ds(t * 16, 16)] = zv
        ones_v[i, :] = zv
        return 0
    lax.fori_loop(0, K, zrow, 0)

    def zs(t, _):
        base = sid * RPT + t * K
        pltpu.sync_copy(rr0, S_sh.at[pl.ds(base, K)])
        pltpu.sync_copy(ones_v, D_sh.at[pl.ds(base, K)])
        return 0
    lax.fori_loop(0, RPT // K, zs, 0)
    plsc.subcore_barrier()

    def orow(i, _):
        ones_v[i, :] = ov
        return 0
    lax.fori_loop(0, K, orow, 0)

    def idx_load(j, p):
        di, si = SETS[p][0], SETS[p][1]
        mi = SETS[p][8]
        pltpu.async_copy(dst_hbm.at[wid, j], di, mi)
        pltpu.async_copy(src_hbm.at[wid, j], si, mi)

    def idx_wait(p):
        di, si = SETS[p][0], SETS[p][1]
        mi = SETS[p][8]
        pltpu.make_async_copy(dst_hbm.at[wid, 0], di, mi).wait()
        pltpu.make_async_copy(src_hbm.at[wid, 0], si, mi).wait()

    def gather_launch(p):
        di, si, _, ab, bb = SETS[p][:5]
        sg = SETS[p][6]
        pltpu.async_copy(A_hbm.at[di], ab, sg)
        pltpu.async_copy(B_hbm.at[si], bb, sg)

    def gather_wait(p):
        di, si, _, ab, bb = SETS[p][:5]
        sg = SETS[p][6]
        pltpu.make_async_copy(A_hbm.at[di], ab, sg).wait()
        pltpu.make_async_copy(B_hbm.at[si], bb, sg).wait()

    def scatter_wait(p):
        dc, rr, ss = SETS[p][2], SETS[p][5], SETS[p][7]
        pltpu.make_async_copy(rr, S_sh.at[dc], ss).wait()
        pltpu.make_async_copy(ones_v, D_sh.at[dc], ss).wait()

    def phase(j, p, drain=True, launch=True):
        di, si, dc, ab, bb, rr, sg, ss, mi, md = SETS[p]
        if drain:
            scatter_wait(p)
        pltpu.async_copy(dst_hbm.at[wid, j], dc, md)
        gather_wait(p)
        if launch:
            idx_load(j + 2, p)
        def row(i, _):
            for r in range(2):
                ii = i * 2 + r
                for t in range(DH // 16):
                    sl = pl.ds(t * 16, 16)
                    rr[ii, sl] = jnp.maximum(ab[ii, sl] + bb[ii, sl], 0.0)
            return 0
        lax.fori_loop(0, K // 2, row, 0)
        if launch:
            idx_wait(p)
            gather_launch(p)
        pltpu.make_async_copy(dst_hbm.at[wid, 0], dc, md).wait()
        pltpu.async_copy(rr, S_sh.at[dc], ss, add=True)
        pltpu.async_copy(ones_v, D_sh.at[dc], ss, add=True)

    idx_load(0, 0)
    idx_load(1, 1)
    idx_wait(0)
    gather_launch(0)
    idx_wait(1)
    gather_launch(1)
    phase(0, 0, drain=False)
    phase(1, 1, drain=False)

    def loop_body(t, _):
        phase(2 * t + 2, 0)
        phase(2 * t + 3, 1)
        return 0
    lax.fori_loop(0, (NCH - 4) // 2, loop_body, 0)

    phase(NCH - 2, 0, launch=False)
    phase(NCH - 1, 1, launch=False)
    scatter_wait(0)
    scatter_wait(1)
    plsc.subcore_barrier()

    def wb(t, _):
        base = sid * RPT + t * K
        pltpu.sync_copy(S_sh.at[pl.ds(base, K)], rr0)
        pltpu.sync_copy(rr0, S_out.at[cid, pl.ds(base, K)])
        pltpu.sync_copy(D_sh.at[pl.ds(base, K)], ones_v)
        pltpu.sync_copy(ones_v, Dg_out.at[cid, pl.ds(base, K)])
        return 0
    lax.fori_loop(0, RPT // K, wb, 0)


def _fin_body(S_ref, Dg_ref, W2_ref, b2_ref, o_ref):
    s = S_ref[0] + S_ref[1]
    deg = Dg_ref[0, :, 0] + Dg_ref[1, :, 0]
    o_ref[...] = (jnp.dot(s, W2_ref[...], preferred_element_type=jnp.float32)
                  + deg[:, None] * b2_ref[0, :][None, :])


_fin = pl.pallas_call(
    _fin_body,
    grid=(NB,),
    in_specs=[
        pl.BlockSpec((NC, BN, DH), lambda i: (0, i, 0)),
        pl.BlockSpec((NC, BN, 16), lambda i: (0, i, 0)),
        pl.BlockSpec((DH, DH), lambda i: (0, 0)),
        pl.BlockSpec((1, DH), lambda i: (0, 0)),
    ],
    out_specs=pl.BlockSpec((BN, DH), lambda i: (i, 0)),
    out_shape=jax.ShapeDtypeStruct((N, DH), jnp.float32),
)


def kernel(x, scalars, edge_index, batch, W1, b1, W2, b2):
    srcr = edge_index[0].reshape(NW, NCH, K)
    dstr = edge_index[1].reshape(NW, NCH, K)
    bt3 = batch.reshape(NB, 1, BN)
    A, B = _pre(x, bt3, scalars, W1, b1.reshape(1, DH))
    S, Dg = _edge(A, B, srcr, dstr)
    return _fin(S, Dg, W2, b2.reshape(1, DH))

# --- scband reference (transcript-rebuilt; emitter-appended) ---
"""Pipeline reference for scband-efnto-local-10943576670836 (READ-ONLY COPY).

The authoritative reference and input builder live on the scoring server;
editing this copy changes nothing except your own understanding.
"""

import jax, jax.numpy as jnp
import numpy as np

N = 10000
E = 320000
D_FEAT = 128
N_SCALARS = 8
N_GRAPHS = 16
D_IN = 2 * (D_FEAT + N_SCALARS)  # 272: EdgeConv-style cat([x_i, x_j - x_i])
D_HID = 128
D_OUT = 128


def setup_inputs(seed: int = 0) -> dict:
    key = jax.random.key(seed)
    ks = jax.random.split(key, 8)
    x = jax.random.normal(ks[0], (N, D_FEAT), dtype=jnp.float32)
    scalars = jax.random.normal(ks[1], (N_GRAPHS, N_SCALARS), dtype=jnp.float32)
    edge_index = jax.random.randint(ks[2], (2, E), 0, N, dtype=jnp.int32)
    batch = jnp.sort(jax.random.randint(ks[3], (N,), 0, N_GRAPHS, dtype=jnp.int32))
    W1 = jax.random.normal(ks[4], (D_IN, D_HID), dtype=jnp.float32) * (1.0 / np.sqrt(D_IN))
    b1 = jnp.zeros((D_HID,), dtype=jnp.float32)
    W2 = jax.random.normal(ks[5], (D_HID, D_OUT), dtype=jnp.float32) * (1.0 / np.sqrt(D_HID))
    b2 = jnp.zeros((D_OUT,), dtype=jnp.float32)
    return {"x": x, "scalars": scalars, "edge_index": edge_index, "batch": batch,
            "W1": W1, "b1": b1, "W2": W2, "b2": b2}


def reference(x, scalars, edge_index, batch, W1, b1, W2, b2):
    # EFNtoLocal.forward: broadcast per-graph scalars to nodes (len(scalars) > 1 branch),
    # concat onto node features, then PTConv(nn, aggr='add').
    s = scalars[batch]                       # gather: [N, N_SCALARS]
    h = jnp.concatenate([x, s], axis=1)      # [N, D_FEAT + N_SCALARS]
    src = edge_index[0]
    dst = edge_index[1]
    x_i = h[dst]                             # gather: [E, 136]
    x_j = h[src]                             # gather: [E, 136]
    m = jnp.concatenate([x_i, x_j - x_i], axis=1)   # [E, 272]
    m = jax.nn.relu(m @ W1 + b1)             # edge MLP layer 1
    m = m @ W2 + b2                          # edge MLP layer 2: [E, 128]
    out = jax.ops.segment_sum(m, dst, num_segments=N)  # scatter-add aggr='add'
    return out

if __name__ == "__main__":
    import jax
    _d = setup_inputs()
    print(jax.jit(kernel)(*tuple(_d.values())))

</pallas_src>

<mosaic_0001>
#map = affine_map<(d0, d1) -> (0, 0)>
#map1 = affine_map<(d0, d1) -> (0, 0, 0)>
module attributes {stable_mosaic.version = 14 : i64} {
  func.func @_edge(%arg0: i32, %arg1: i32, %arg2: memref<10000x128xf32, #tpu.memory_space<hbm>>, %arg3: memref<10000x128xf32, #tpu.memory_space<hbm>>, %arg4: memref<32x250x40xi32, #tpu.memory_space<hbm>>, %arg5: memref<32x250x40xi32, #tpu.memory_space<hbm>>, %arg6: memref<2x10240x128xf32, #tpu.memory_space<hbm>>, %arg7: memref<2x10240x16xf32, #tpu.memory_space<hbm>>, %arg8: memref<40xi32, #tpu.memory_space<vmem>>, %arg9: memref<40xi32, #tpu.memory_space<vmem>>, %arg10: memref<40xi32, #tpu.memory_space<vmem>>, %arg11: memref<40xi32, #tpu.memory_space<vmem>>, %arg12: memref<40xi32, #tpu.memory_space<vmem>>, %arg13: memref<40xi32, #tpu.memory_space<vmem>>, %arg14: memref<40x128xf32, #tpu.memory_space<vmem>>, %arg15: memref<40x128xf32, #tpu.memory_space<vmem>>, %arg16: memref<40x128xf32, #tpu.memory_space<vmem>>, %arg17: memref<40x128xf32, #tpu.memory_space<vmem>>, %arg18: memref<40x128xf32, #tpu.memory_space<vmem>>, %arg19: memref<40x128xf32, #tpu.memory_space<vmem>>, %arg20: memref<40x16xf32, #tpu.memory_space<vmem>>, %arg21: memref<10240x128xf32, #tpu.memory_space<vmem_shared>>, %arg22: memref<10240x16xf32, #tpu.memory_space<vmem_shared>>, %arg23: memref<!tpu.dma_semaphore, #tpu.memory_space<semaphore_mem>>, %arg24: memref<!tpu.dma_semaphore, #tpu.memory_space<semaphore_mem>>, %arg25: memref<!tpu.dma_semaphore, #tpu.memory_space<semaphore_mem>>, %arg26: memref<!tpu.dma_semaphore, #tpu.memory_space<semaphore_mem>>, %arg27: memref<!tpu.dma_semaphore, #tpu.memory_space<semaphore_mem>>, %arg28: memref<!tpu.dma_semaphore, #tpu.memory_space<semaphore_mem>>, %arg29: memref<!tpu.dma_semaphore, #tpu.memory_space<semaphore_mem>>, %arg30: memref<!tpu.dma_semaphore, #tpu.memory_space<semaphore_mem>>) attributes {dimension_semantics = [#tpu.dimension_semantics<core_parallel>, #tpu.dimension_semantics<subcore_parallel>], iteration_bounds = array<i64: 2, 16>, scalar_prefetch = 0 : i64, scratch_operands = 23 : i64, tpu.core_type = #tpu.core_type<sc_vector_subcore>, window_params = [{transform_indices = #map}, {transform_indices = #map}, {transform_indices = #map1}, {transform_indices = #map1}, {transform_indices = #map1}, {transform_indices = #map1}]} {
    %mul3A = arith.constant 2 : i32
    %mul3A_0 = arith.muli %arg1, %mul3A : i32
    %add3A = arith.addi %mul3A_0, %arg0 : i32
    %broadcast_in_dim3A = arith.constant 0.000000e+00 : f32
    %broadcast_in_dim3A_1 = vector.broadcast %broadcast_in_dim3A : f32 to vector<16xf32>
    %broadcast_in_dim3A_2 = arith.constant 1.000000e+00 : f32
    %broadcast_in_dim3A_3 = vector.broadcast %broadcast_in_dim3A_2 : f32 to vector<16xf32>
    %scan3A = arith.constant 0 : i32
    %scan3A_4 = arith.constant 0 : i32
    %scan3A_5 = arith.constant 40 : i32
    %scan3A_6 = arith.addi %scan3A_4, %scan3A_5 : i32
    %scan3A_7 = arith.constant 1 : i32
    %scan3A_8 = scf.for %scan3A_329 = %scan3A_4 to %scan3A_6 step %scan3A_7 iter_args(%scan3A_330 = %scan3A) -> (i32)  : i32 {
      %swap3A = arith.index_cast %scan3A_329 : i32 to index
      %swap3A_331 = arith.constant 0 : index
      %swap3A_332 = tpu.vector_load %arg18[%swap3A, %swap3A_331] {strides = array<i32>} : memref<40x128xf32, #tpu.memory_space<vmem>>, vector<16xf32>,
      tpu.vector_store %arg18[%swap3A, %swap3A_331], %broadcast_in_dim3A_1 {strides = array<i32>} : memref<40x128xf32, #tpu.memory_space<vmem>>, vector<16xf32>,
      %swap3A_333 = arith.index_cast %scan3A_329 : i32 to index
      %swap3A_334 = arith.constant 16 : index
      %swap3A_335 = tpu.vector_load %arg18[%swap3A_333, %swap3A_334] {strides = array<i32>} : memref<40x128xf32, #tpu.memory_space<vmem>>, vector<16xf32>,
      tpu.vector_store %arg18[%swap3A_333, %swap3A_334], %broadcast_in_dim3A_1 {strides = array<i32>} : memref<40x128xf32, #tpu.memory_space<vmem>>, vector<16xf32>,
      %swap3A_336 = arith.index_cast %scan3A_329 : i32 to index
      %swap3A_337 = arith.constant 32 : index
      %swap3A_338 = tpu.vector_load %arg18[%swap3A_336, %swap3A_337] {strides = array<i32>} : memref<40x128xf32, #tpu.memory_space<vmem>>, vector<16xf32>,
      tpu.vector_store %arg18[%swap3A_336, %swap3A_337], %broadcast_in_dim3A_1 {strides = array<i32>} : memref<40x128xf32, #tpu.memory_space<vmem>>, vector<16xf32>,
      %swap3A_339 = arith.index_cast %scan3A_329 : i32 to index
      %swap3A_340 = arith.constant 48 : index
      %swap3A_341 = tpu.vector_load %arg18[%swap3A_339, %swap3A_340] {strides = array<i32>} : memref<40x128xf32, #tpu.memory_space<vmem>>, vector<16xf32>,
      tpu.vector_store %arg18[%swap3A_339, %swap3A_340], %broadcast_in_dim3A_1 {strides = array<i32>} : memref<40x128xf32, #tpu.memory_space<vmem>>, vector<16xf32>,
      %swap3A_342 = arith.index_cast %scan3A_329 : i32 to index
      %swap3A_343 = arith.constant 64 : index
      %swap3A_344 = tpu.vector_load %arg18[%swap3A_342, %swap3A_343] {strides = array<i32>} : memref<40x128xf32, #tpu.memory_space<vmem>>, vector<16xf32>,
      tpu.vector_store %arg18[%swap3A_342, %swap3A_343], %broadcast_in_dim3A_1 {strides = array<i32>} : memref<40x128xf32, #tpu.memory_space<vmem>>, vector<16xf32>,
      %swap3A_345 = arith.index_cast %scan3A_329 : i32 to index
      %swap3A_346 = arith.constant 80 : index
      %swap3A_347 = tpu.vector_load %arg18[%swap3A_345, %swap3A_346] {strides = array<i32>} : memref<40x128xf32, #tpu.memory_space<vmem>>, vector<16xf32>,
      tpu.vector_store %arg18[%swap3A_345, %swap3A_346], %broadcast_in_dim3A_1 {strides = array<i32>} : memref<40x128xf32, #tpu.memory_space<vmem>>, vector<16xf32>,
      %swap3A_348 = arith.index_cast %scan3A_329 : i32 to index
      %swap3A_349 = arith.constant 96 : index
      %swap3A_350 = tpu.vector_load %arg18[%swap3A_348, %swap3A_349] {strides = array<i32>} : memref<40x128xf32, #tpu.memory_space<vmem>>, vector<16xf32>,
      tpu.vector_store %arg18[%swap3A_348, %swap3A_349], %broadcast_in_dim3A_1 {strides = array<i32>} : memref<40x128xf32, #tpu.memory_space<vmem>>, vector<16xf32>,
      %swap3A_351 = arith.index_cast %scan3A_329 : i32 to index
      %swap3A_352 = arith.constant 112 : index
      %swap3A_353 = tpu.vector_load %arg18[%swap3A_351, %swap3A_352] {strides = array<i32>} : memref<40x128xf32, #tpu.memory_space<vmem>>, vector<16xf32>,
      tpu.vector_store %arg18[%swap3A_351, %swap3A_352], %broadcast_in_dim3A_1 {strides = array<i32>} : memref<40x128xf32, #tpu.memory_space<vmem>>, vector<16xf32>,
      %swap3A_354 = arith.index_cast %scan3A_329 : i32 to index
      %swap3A_355 = arith.constant 0 : index
      %swap3A_356 = tpu.vector_load %arg20[%swap3A_354, %swap3A_355] {strides = array<i32>} : memref<40x16xf32, #tpu.memory_space<vmem>>, vector<16xf32>,
      tpu.vector_store %arg20[%swap3A_354, %swap3A_355], %broadcast_in_dim3A_1 {strides = array<i32>} : memref<40x16xf32, #tpu.memory_space<vmem>>, vector<16xf32>,
      %scan3A_357 = arith.constant 0 : i32
      scf.yield %scan3A_357 : i32
    }
    %scan3A_9 = arith.constant 40 : i32
    %scan3A_10 = arith.constant 0 : i32
    %scan3A_11 = arith.constant 0 : i32
    %scan3A_12 = arith.constant 16 : i32
    %scan3A_13 = arith.addi %scan3A_11, %scan3A_12 : i32
    %scan3A_14 = arith.constant 1 : i32
    %scan3A_15 = scf.for %scan3A_329 = %scan3A_11 to %scan3A_13 step %scan3A_14 iter_args(%scan3A_330 = %scan3A_10) -> (i32)  : i32 {
      %mul3A_331 = arith.constant 640 : i32
      %mul3A_332 = arith.muli %arg1, %mul3A_331 : i32
      %mul3A_333 = arith.constant 40 : i32
      %mul3A_334 = arith.muli %scan3A_329, %mul3A_333 : i32
      %add3A_335 = arith.addi %mul3A_332, %mul3A_334 : i32
      "tpu.region"() ({
        %run_scoped3A = tpu.sem_alloc : memref<!tpu.dma_semaphore, #tpu.memory_space<semaphore_mem>>
        %dma_start3A_337 = arith.constant 0 : i32
        %dma_start3A_338 = tpu.memref_slice %arg21[%add3A_335, %dma_start3A_337] : memref<10240x128xf32, #tpu.memory_space<vmem_shared>> -> memref<40x128xf32, #tpu.memory_space<vmem_shared>>
        %dma_start3A_339 = arith.constant 0 : i32
        %dma_start3A_340 = tpu.memref_slice %arg21[%add3A_335, %dma_start3A_339] : memref<10240x128xf32, #tpu.memory_space<vmem_shared>> -> memref<40x128xf32, #tpu.memory_space<vmem_shared>>
        tpu.enqueue_dma source(%arg18 : memref<40x128xf32, #tpu.memory_space<vmem>>) target(%dma_start3A_340 : memref<40x128xf32, #tpu.memory_space<vmem_shared>>) target_semaphore(%run_scoped3A : memref<!tpu.dma_semaphore, #tpu.memory_space<semaphore_mem>>)
        %dma_wait3A_341 = arith.constant 0 : i32
        %dma_wait3A_342 = tpu.memref_slice %arg21[%add3A_335, %dma_wait3A_341] : memref<10240x128xf32, #tpu.memory_space<vmem_shared>> -> memref<40x128xf32, #tpu.memory_space<vmem_shared>>
        %dma_wait3A_343 = arith.constant 0 : i32
        %dma_wait3A_344 = tpu.memref_slice %arg21[%add3A_335, %dma_wait3A_343] : memref<10240x128xf32, #tpu.memory_space<vmem_shared>> -> memref<40x128xf32, #tpu.memory_space<vmem_shared>>
        tpu.wait_dma2 semaphore(%run_scoped3A : memref<!tpu.dma_semaphore, #tpu.memory_space<semaphore_mem>>) src(%arg18 : memref<40x128xf32, #tpu.memory_space<vmem>>) dst(%dma_wait3A_344 : memref<40x128xf32, #tpu.memory_space<vmem_shared>>)
        tpu.yield
      }) : () -> ()
      "tpu.region"() ({
        %run_scoped3A = tpu.sem_alloc : memref<!tpu.dma_semaphore, #tpu.memory_space<semaphore_mem>>
        %dma_start3A_337 = arith.constant 0 : i32
        %dma_start3A_338 = tpu.memref_slice %arg22[%add3A_335, %dma_start3A_337] : memref<10240x16xf32, #tpu.memory_space<vmem_shared>> -> memref<40x16xf32, #tpu.memory_space<vmem_shared>>
        %dma_start3A_339 = arith.constant 0 : i32
        %dma_start3A_340 = tpu.memref_slice %arg22[%add3A_335, %dma_start3A_339] : memref<10240x16xf32, #tpu.memory_space<vmem_shared>> -> memref<40x16xf32, #tpu.memory_space<vmem_shared>>
        tpu.enqueue_dma source(%arg20 : memref<40x16xf32, #tpu.memory_space<vmem>>) target(%dma_start3A_340 : memref<40x16xf32, #tpu.memory_space<vmem_shared>>) target_semaphore(%run_scoped3A : memref<!tpu.dma_semaphore, #tpu.memory_space<semaphore_mem>>)
        %dma_wait3A_341 = arith.constant 0 : i32
        %dma_wait3A_342 = tpu.memref_slice %arg22[%add3A_335, %dma_wait3A_341] : memref<10240x16xf32, #tpu.memory_space<vmem_shared>> -> memref<40x16xf32, #tpu.memory_space<vmem_shared>>
        %dma_wait3A_343 = arith.constant 0 : i32
        %dma_wait3A_344 = tpu.memref_slice %arg22[%add3A_335, %dma_wait3A_343] : memref<10240x16xf32, #tpu.memory_space<vmem_shared>> -> memref<40x16xf32, #tpu.memory_space<vmem_shared>>
        tpu.wait_dma2 semaphore(%run_scoped3A : memref<!tpu.dma_semaphore, #tpu.memory_space<semaphore_mem>>) src(%arg20 : memref<40x16xf32, #tpu.memory_space<vmem>>) dst(%dma_wait3A_344 : memref<40x16xf32, #tpu.memory_space<vmem_shared>>)
        tpu.yield
      }) : () -> ()
      %scan3A_336 = arith.constant 0 : i32
      scf.yield %scan3A_336 : i32
    }
    %scan3A_16 = arith.constant 16 : i32
    %barrier3A = arith.constant 0 : index
    tpu.barrier barrier_id(%barrier3A)
    %scan3A_17 = arith.constant 0 : i32
    %scan3A_18 = arith.constant 0 : i32
    %scan3A_19 = arith.constant 40 : i32
    %scan3A_20 = arith.addi %scan3A_18, %scan3A_19 : i32
    %scan3A_21 = arith.constant 1 : i32
    %scan3A_22 = scf.for %scan3A_329 = %scan3A_18 to %scan3A_20 step %scan3A_21 iter_args(%scan3A_330 = %scan3A_17) -> (i32)  : i32 {
      %swap3A = arith.index_cast %scan3A_329 : i32 to index
      %swap3A_331 = arith.constant 0 : index
      %swap3A_332 = tpu.vector_load %arg20[%swap3A, %swap3A_331] {strides = array<i32>} : memref<40x16xf32, #tpu.memory_space<vmem>>, vector<16xf32>,
      tpu.vector_store %arg20[%swap3A, %swap3A_331], %broadcast_in_dim3A_3 {strides = array<i32>} : memref<40x16xf32, #tpu.memory_space<vmem>>, vector<16xf32>,
      %scan3A_333 = arith.constant 0 : i32
      scf.yield %scan3A_333 : i32
    }
    %scan3A_23 = arith.constant 40 : i32
    %dma_start3A = arith.constant 0 : i32
    %dma_start3A_24 = arith.constant 0 : i32
    %dma_start3A_25 = tpu.memref_slice %arg5[%add3A, %dma_start3A, %dma_start3A_24] : memref<32x250x40xi32, #tpu.memory_space<hbm>> -> memref<1x1x40xi32, #tpu.memory_space<hbm>>
    %dma_start3A_26 = tpu.memref_squeeze %dma_start3A_25 : memref<1x1x40xi32, #tpu.memory_space<hbm>> -> memref<40xi32, #tpu.memory_space<hbm>>
    %dma_start3A_27 = arith.constant 0 : i32
    %dma_start3A_28 = tpu.memref_slice %arg5[%add3A, %dma_start3A, %dma_start3A_27] : memref<32x250x40xi32, #tpu.memory_space<hbm>> -> memref<1x1x40xi32, #tpu.memory_space<hbm>>
    %dma_start3A_29 = tpu.memref_squeeze %dma_start3A_28 : memref<1x1x40xi32, #tpu.memory_space<hbm>> -> memref<40xi32, #tpu.memory_space<hbm>>
    tpu.enqueue_dma source(%dma_start3A_29 : memref<40xi32, #tpu.memory_space<hbm>>) target(%arg8 : memref<40xi32, #tpu.memory_space<vmem>>) target_semaphore(%arg27 : memref<!tpu.dma_semaphore, #tpu.memory_space<semaphore_mem>>)
    %dma_start3A_30 = arith.constant 0 : i32
    %dma_start3A_31 = arith.constant 0 : i32
    %dma_start3A_32 = tpu.memref_slice %arg4[%add3A, %dma_start3A_30, %dma_start3A_31] : memref<32x250x40xi32, #tpu.memory_space<hbm>> -> memref<1x1x40xi32, #tpu.memory_space<hbm>>
    %dma_start3A_33 = tpu.memref_squeeze %dma_start3A_32 : memref<1x1x40xi32, #tpu.memory_space<hbm>> -> memref<40xi32, #tpu.memory_space<hbm>>
    %dma_start3A_34 = arith.constant 0 : i32
    %dma_start3A_35 = tpu.memref_slice %arg4[%add3A, %dma_start3A_30, %dma_start3A_34] : memref<32x250x40xi32, #tpu.memory_space<hbm>> -> memref<1x1x40xi32, #tpu.memory_space<hbm>>
    %dma_start3A_36 = tpu.memref_squeeze %dma_start3A_35 : memref<1x1x40xi32, #tpu.memory_space<hbm>> -> memref<40xi32, #tpu.memory_space<hbm>>
    tpu.enqueue_dma source(%dma_start3A_36 : memref<40xi32, #tpu.memory_space<hbm>>) target(%arg9 : memref<40xi32, #tpu.memory_space<vmem>>) target_semaphore(%arg27 : memref<!tpu.dma_semaphore, #tpu.memory_space<semaphore_mem>>)
    %dma_start3A_37 = arith.constant 1 : i32
    %dma_start3A_38 = arith.constant 0 : i32
    %dma_start3A_39 = tpu.memref_slice %arg5[%add3A, %dma_start3A_37, %dma_start3A_38] : memref<32x250x40xi32, #tpu.memory_space<hbm>> -> memref<1x1x40xi32, #tpu.memory_space<hbm>>
    %dma_start3A_40 = tpu.memref_squeeze %dma_start3A_39 : memref<1x1x40xi32, #tpu.memory_space<hbm>> -> memref<40xi32, #tpu.memory_space<hbm>>
    %dma_start3A_41 = arith.constant 0 : i32
    %dma_start3A_42 = tpu.memref_slice %arg5[%add3A, %dma_start3A_37, %dma_start3A_41] : memref<32x250x40xi32, #tpu.memory_space<hbm>> -> memref<1x1x40xi32, #tpu.memory_space<hbm>>
    %dma_start3A_43 = tpu.memref_squeeze %dma_start3A_42 : memref<1x1x40xi32, #tpu.memory_space<hbm>> -> memref<40xi32, #tpu.memory_space<hbm>>
    tpu.enqueue_dma source(%dma_start3A_43 : memref<40xi32, #tpu.memory_space<hbm>>) target(%arg11 : memref<40xi32, #tpu.memory_space<vmem>>) target_semaphore(%arg28 : memref<!tpu.dma_semaphore, #tpu.memory_space<semaphore_mem>>)
    %dma_start3A_44 = arith.constant 1 : i32
    %dma_start3A_45 = arith.constant 0 : i32
    %dma_start3A_46 = tpu.memref_slice %arg4[%add3A, %dma_start3A_44, %dma_start3A_45] : memref<32x250x40xi32, #tpu.memory_space<hbm>> -> memref<1x1x40xi32, #tpu.memory_space<hbm>>
    %dma_start3A_47 = tpu.memref_squeeze %dma_start3A_46 : memref<1x1x40xi32, #tpu.memory_space<hbm>> -> memref<40xi32, #tpu.memory_space<hbm>>
    %dma_start3A_48 = arith.constant 0 : i32
    %dma_start3A_49 = tpu.memref_slice %arg4[%add3A, %dma_start3A_44, %dma_start3A_48] : memref<32x250x40xi32, #tpu.memory_space<hbm>> -> memref<1x1x40xi32, #tpu.memory_space<hbm>>
    %dma_start3A_50 = tpu.memref_squeeze %dma_start3A_49 : memref<1x1x40xi32, #tpu.memory_space<hbm>> -> memref<40xi32, #tpu.memory_space<hbm>>
    tpu.enqueue_dma source(%dma_start3A_50 : memref<40xi32, #tpu.memory_space<hbm>>) target(%arg12 : memref<40xi32, #tpu.memory_space<vmem>>) target_semaphore(%arg28 : memref<!tpu.dma_semaphore, #tpu.memory_space<semaphore_mem>>)
    %dma_wait3A = arith.constant 0 : i32
    %dma_wait3A_51 = arith.constant 0 : i32
    %dma_wait3A_52 = tpu.memref_slice %arg5[%add3A, %dma_wait3A, %dma_wait3A_51] : memref<32x250x40xi32, #tpu.memory_space<hbm>> -> memref<1x1x40xi32, #tpu.memory_space<hbm>>
    %dma_wait3A_53 = tpu.memref_squeeze %dma_wait3A_52 : memref<1x1x40xi32, #tpu.memory_space<hbm>> -> memref<40xi32, #tpu.memory_space<hbm>>
    %dma_wait3A_54 = arith.constant 0 : i32
    %dma_wait3A_55 = tpu.memref_slice %arg5[%add3A, %dma_wait3A, %dma_wait3A_54] : memref<32x250x40xi32, #tpu.memory_space<hbm>> -> memref<1x1x40xi32, #tpu.memory_space<hbm>>
    %dma_wait3A_56 = tpu.memref_squeeze %dma_wait3A_55 : memref<1x1x40xi32, #tpu.memory_space<hbm>> -> memref<40xi32, #tpu.memory_space<hbm>>
    tpu.wait_dma2 semaphore(%arg27 : memref<!tpu.dma_semaphore, #tpu.memory_space<semaphore_mem>>) src(%dma_wait3A_56 : memref<40xi32, #tpu.memory_space<hbm>>) dst(%arg8 : memref<40xi32, #tpu.memory_space<vmem>>)
    %dma_wait3A_57 = arith.constant 0 : i32
    %dma_wait3A_58 = arith.constant 0 : i32
    %dma_wait3A_59 = tpu.memref_slice %arg4[%add3A, %dma_wait3A_57, %dma_wait3A_58] : memref<32x250x40xi32, #tpu.memory_space<hbm>> -> memref<1x1x40xi32, #tpu.memory_space<hbm>>
    %dma_wait3A_60 = tpu.memref_squeeze %dma_wait3A_59 : memref<1x1x40xi32, #tpu.memory_space<hbm>> -> memref<40xi32, #tpu.memory_space<hbm>>
    %dma_wait3A_61 = arith.constant 0 : i32
    %dma_wait3A_62 = tpu.memref_slice %arg4[%add3A, %dma_wait3A_57, %dma_wait3A_61] : memref<32x250x40xi32, #tpu.memory_space<hbm>> -> memref<1x1x40xi32, #tpu.memory_space<hbm>>
    %dma_wait3A_63 = tpu.memref_squeeze %dma_wait3A_62 : memref<1x1x40xi32, #tpu.memory_space<hbm>> -> memref<40xi32, #tpu.memory_space<hbm>>
    tpu.wait_dma2 semaphore(%arg27 : memref<!tpu.dma_semaphore, #tpu.memory_space<semaphore_mem>>) src(%dma_wait3A_63 : memref<40xi32, #tpu.memory_space<hbm>>) dst(%arg9 : memref<40xi32, #tpu.memory_space<vmem>>)
    %dma_start3A_64 = arith.constant 0 : i32
    %dma_start3A_65 = arith.constant 0 : i32
    %dma_start3A_66 = tpu.memref_slice %arg2[%dma_start3A_64, %dma_start3A_65] : memref<10000x128xf32, #tpu.memory_space<hbm>> -> memref<10000x128xf32, #tpu.memory_space<hbm>>
    tpu.enqueue_indirect_dma source(%dma_start3A_66 : memref<10000x128xf32, #tpu.memory_space<hbm>>) target(%arg14 : memref<40x128xf32, #tpu.memory_space<vmem>>) offsets(%arg8 : memref<40xi32, #tpu.memory_space<vmem>>) semaphore(%arg23 : memref<!tpu.dma_semaphore, #tpu.memory_space<semaphore_mem>>)
    %dma_start3A_67 = arith.constant 0 : i32
    %dma_start3A_68 = arith.constant 0 : i32
    %dma_start3A_69 = tpu.memref_slice %arg3[%dma_start3A_67, %dma_start3A_68] : memref<10000x128xf32, #tpu.memory_space<hbm>> -> memref<10000x128xf32, #tpu.memory_space<hbm>>
    tpu.enqueue_indirect_dma source(%dma_start3A_69 : memref<10000x128xf32, #tpu.memory_space<hbm>>) target(%arg15 : memref<40x128xf32, #tpu.memory_space<vmem>>) offsets(%arg9 : memref<40xi32, #tpu.memory_space<vmem>>) semaphore(%arg23 : memref<!tpu.dma_semaphore, #tpu.memory_space<semaphore_mem>>)
    %dma_wait3A_70 = arith.constant 0 : i32
    %dma_wait3A_71 = arith.constant 0 : i32
    %dma_wait3A_72 = tpu.memref_slice %arg5[%add3A, %dma_wait3A_70, %dma_wait3A_71] : memref<32x250x40xi32, #tpu.memory_space<hbm>> -> memref<1x1x40xi32, #tpu.memory_space<hbm>>
    %dma_wait3A_73 = tpu.memref_squeeze %dma_wait3A_72 : memref<1x1x40xi32, #tpu.memory_space<hbm>> -> memref<40xi32, #tpu.memory_space<hbm>>
    %dma_wait3A_74 = arith.constant 0 : i32
    %dma_wait3A_75 = tpu.memref_slice %arg5[%add3A, %dma_wait3A_70, %dma_wait3A_74] : memref<32x250x40xi32, #tpu.memory_space<hbm>> -> memref<1x1x40xi32, #tpu.memory_space<hbm>>
    %dma_wait3A_76 = tpu.memref_squeeze %dma_wait3A_75 : memref<1x1x40xi32, #tpu.memory_space<hbm>> -> memref<40xi32, #tpu.memory_space<hbm>>
    tpu.wait_dma2 semaphore(%arg28 : memref<!tpu.dma_semaphore, #tpu.memory_space<semaphore_mem>>) src(%dma_wait3A_76 : memref<40xi32, #tpu.memory_space<hbm>>) dst(%arg11 : memref<40xi32, #tpu.memory_space<vmem>>)
    %dma_wait3A_77 = arith.constant 0 : i32
    %dma_wait3A_78 = arith.constant 0 : i32
    %dma_wait3A_79 = tpu.memref_slice %arg4[%add3A, %dma_wait3A_77, %dma_wait3A_78] : memref<32x250x40xi32, #tpu.memory_space<hbm>> -> memref<1x1x40xi32, #tpu.memory_space<hbm>>
    %dma_wait3A_80 = tpu.memref_squeeze %dma_wait3A_79 : memref<1x1x40xi32, #tpu.memory_space<hbm>> -> memref<40xi32, #tpu.memory_space<hbm>>
    %dma_wait3A_81 = arith.constant 0 : i32
    %dma_wait3A_82 = tpu.memref_slice %arg4[%add3A, %dma_wait3A_77, %dma_wait3A_81] : memref<32x250x40xi32, #tpu.memory_space<hbm>> -> memref<1x1x40xi32, #tpu.memory_space<hbm>>
    %dma_wait3A_83 = tpu.memref_squeeze %dma_wait3A_82 : memref<1x1x40xi32, #tpu.memory_space<hbm>> -> memref<40xi32, #tpu.memory_space<hbm>>
    tpu.wait_dma2 semaphore(%arg28 : memref<!tpu.dma_semaphore, #tpu.memory_space<semaphore_mem>>) src(%dma_wait3A_83 : memref<40xi32, #tpu.memory_space<hbm>>) dst(%arg12 : memref<40xi32, #tpu.memory_space<vmem>>)
    %dma_start3A_84 = arith.constant 0 : i32
    %dma_start3A_85 = arith.constant 0 : i32
    %dma_start3A_86 = tpu.memref_slice %arg2[%dma_start3A_84, %dma_start3A_85] : memref<10000x128xf32, #tpu.memory_space<hbm>> -> memref<10000x128xf32, #tpu.memory_space<hbm>>
    tpu.enqueue_indirect_dma source(%dma_start3A_86 : memref<10000x128xf32, #tpu.memory_space<hbm>>) target(%arg16 : memref<40x128xf32, #tpu.memory_space<vmem>>) offsets(%arg11 : memref<40xi32, #tpu.memory_space<vmem>>) semaphore(%arg24 : memref<!tpu.dma_semaphore, #tpu.memory_space<semaphore_mem>>)
    %dma_start3A_87 = arith.constant 0 : i32
    %dma_start3A_88 = arith.constant 0 : i32
    %dma_start3A_89 = tpu.memref_slice %arg3[%dma_start3A_87, %dma_start3A_88] : memref<10000x128xf32, #tpu.memory_space<hbm>> -> memref<10000x128xf32, #tpu.memory_space<hbm>>
    tpu.enqueue_indirect_dma source(%dma_start3A_89 : memref<10000x128xf32, #tpu.memory_space<hbm>>) target(%arg17 : memref<40x128xf32, #tpu.memory_space<vmem>>) offsets(%arg12 : memref<40xi32, #tpu.memory_space<vmem>>) semaphore(%arg24 : memref<!tpu.dma_semaphore, #tpu.memory_space<semaphore_mem>>)
    %dma_start3A_90 = arith.constant 0 : i32
    %dma_start3A_91 = arith.constant 0 : i32
    %dma_start3A_92 = tpu.memref_slice %arg5[%add3A, %dma_start3A_90, %dma_start3A_91] : memref<32x250x40xi32, #tpu.memory_space<hbm>> -> memref<1x1x40xi32, #tpu.memory_space<hbm>>
    %dma_start3A_93 = tpu.memref_squeeze %dma_start3A_92 : memref<1x1x40xi32, #tpu.memory_space<hbm>> -> memref<40xi32, #tpu.memory_space<hbm>>
    %dma_start3A_94 = arith.constant 0 : i32
    %dma_start3A_95 = tpu.memref_slice %arg5[%add3A, %dma_start3A_90, %dma_start3A_94] : memref<32x250x40xi32, #tpu.memory_space<hbm>> -> memref<1x1x40xi32, #tpu.memory_space<hbm>>
    %dma_start3A_96 = tpu.memref_squeeze %dma_start3A_95 : memref<1x1x40xi32, #tpu.memory_space<hbm>> -> memref<40xi32, #tpu.memory_space<hbm>>
    tpu.enqueue_dma source(%dma_start3A_96 : memref<40xi32, #tpu.memory_space<hbm>>) target(%arg10 : memref<40xi32, #tpu.memory_space<vmem>>) target_semaphore(%arg29 : memref<!tpu.dma_semaphore, #tpu.memory_space<semaphore_mem>>)
    %dma_wait3A_97 = arith.constant 0 : i32
    %dma_wait3A_98 = arith.constant 0 : i32
    %dma_wait3A_99 = tpu.memref_slice %arg2[%dma_wait3A_97, %dma_wait3A_98] : memref<10000x128xf32, #tpu.memory_space<hbm>> -> memref<10000x128xf32, #tpu.memory_space<hbm>>
    tpu.wait_indirect_dma semaphore(%arg23 : memref<!tpu.dma_semaphore, #tpu.memory_space<semaphore_mem>>) src(%dma_wait3A_99 : memref<10000x128xf32, #tpu.memory_space<hbm>>) dst(%arg14 : memref<40x128xf32, #tpu.memory_space<vmem>>)
    %dma_wait3A_100 = arith.constant 0 : i32
    %dma_wait3A_101 = arith.constant 0 : i32
    %dma_wait3A_102 = tpu.memref_slice %arg3[%dma_wait3A_100, %dma_wait3A_101] : memref<10000x128xf32, #tpu.memory_space<hbm>> -> memref<10000x128xf32, #tpu.memory_space<hbm>>
    tpu.wait_indirect_dma semaphore(%arg23 : memref<!tpu.dma_semaphore, #tpu.memory_space<semaphore_mem>>) src(%dma_wait3A_102 : memref<10000x128xf32, #tpu.memory_space<hbm>>) dst(%arg15 : memref<40x128xf32, #tpu.memory_space<vmem>>)
    %dma_start3A_103 = arith.constant 2 : i32
    %dma_start3A_104 = arith.constant 0 : i32
    %dma_start3A_105 = tpu.memref_slice %arg5[%add3A, %dma_start3A_103, %dma_start3A_104] : memref<32x250x40xi32, #tpu.memory_space<hbm>> -> memref<1x1x40xi32, #tpu.memory_space<hbm>>
    %dma_start3A_106 = tpu.memref_squeeze %dma_start3A_105 : memref<1x1x40xi32, #tpu.memory_space<hbm>> -> memref<40xi32, #tpu.memory_space<hbm>>
    %dma_start3A_107 = arith.constant 0 : i32
    %dma_start3A_108 = tpu.memref_slice %arg5[%add3A, %dma_start3A_103, %dma_start3A_107] : memref<32x250x40xi32, #tpu.memory_space<hbm>> -> memref<1x1x40xi32, #tpu.memory_space<hbm>>
    %dma_start3A_109 = tpu.memref_squeeze %dma_start3A_108 : memref<1x1x40xi32, #tpu.memory_space<hbm>> -> memref<40xi32, #tpu.memory_space<hbm>>
    tpu.enqueue_dma source(%dma_start3A_109 : memref<40xi32, #tpu.memory_space<hbm>>) target(%arg8 : memref<40xi32, #tpu.memory_space<vmem>>) target_semaphore(%arg27 : memref<!tpu.dma_semaphore, #tpu.memory_space<semaphore_mem>>)
    %dma_start3A_110 = arith.constant 2 : i32
    %dma_start3A_111 = arith.constant 0 : i32
    %dma_start3A_112 = tpu.memref_slice %arg4[%add3A, %dma_start3A_110, %dma_start3A_111] : memref<32x250x40xi32, #tpu.memory_space<hbm>> -> memref<1x1x40xi32, #tpu.memory_space<hbm>>
    %dma_start3A_113 = tpu.memref_squeeze %dma_start3A_112 : memref<1x1x40xi32, #tpu.memory_space<hbm>> -> memref<40xi32, #tpu.memory_space<hbm>>
    %dma_start3A_114 = arith.constant 0 : i32
    %dma_start3A_115 = tpu.memref_slice %arg4[%add3A, %dma_start3A_110, %dma_start3A_114] : memref<32x250x40xi32, #tpu.memory_space<hbm>> -> memref<1x1x40xi32, #tpu.memory_space<hbm>>
    %dma_start3A_116 = tpu.memref_squeeze %dma_start3A_115 : memref<1x1x40xi32, #tpu.memory_space<hbm>> -> memref<40xi32, #tpu.memory_space<hbm>>
    tpu.enqueue_dma source(%dma_start3A_116 : memref<40xi32, #tpu.memory_space<hbm>>) target(%arg9 : memref<40xi32, #tpu.memory_space<vmem>>) target_semaphore(%arg27 : memref<!tpu.dma_semaphore, #tpu.memory_space<semaphore_mem>>)
    %scan3A_117 = arith.constant 0 : i32
    %scan3A_118 = arith.constant 0 : i32
    %scan3A_119 = arith.constant 20 : i32
    %scan3A_120 = arith.addi %scan3A_118, %scan3A_119 : i32
    %scan3A_121 = arith.constant 1 : i32
    %scan3A_122 = scf.for %scan3A_329 = %scan3A_118 to %scan3A_120 step %scan3A_121 iter_args(%scan3A_330 = %scan3A_117) -> (i32)  : i32 {
      %mul3A_331 = arith.constant 2 : i32
      %mul3A_332 = arith.muli %scan3A_329, %mul3A_331 : i32
      %add3A_333 = arith.constant 0 : i32
      %add3A_334 = arith.addi %mul3A_332, %add3A_333 : i32
      %get3A = arith.index_cast %add3A_334 : i32 to index
      %get3A_335 = arith.constant 0 : index
      %get3A_336 = tpu.vector_load %arg14[%get3A, %get3A_335] {strides = array<i32>} : memref<40x128xf32, #tpu.memory_space<vmem>>, vector<16xf32>,
      %get3A_337 = arith.index_cast %add3A_334 : i32 to index
      %get3A_338 = arith.constant 0 : index
      %get3A_339 = tpu.vector_load %arg15[%get3A_337, %get3A_338] {strides = array<i32>} : memref<40x128xf32, #tpu.memory_space<vmem>>, vector<16xf32>,
      %add3A_340 = arith.addf %get3A_336, %get3A_339 : vector<16xf32>
      %max3A = arith.constant 0.000000e+00 : f32
      %max3A_341 = vector.broadcast %max3A : f32 to vector<16xf32>
      %max3A_342 = arith.maximumf %add3A_340, %max3A_341 : vector<16xf32>
      %swap3A = arith.index_cast %add3A_334 : i32 to index
      %swap3A_343 = arith.constant 0 : index
      %swap3A_344 = tpu.vector_load %arg18[%swap3A, %swap3A_343] {strides = array<i32>} : memref<40x128xf32, #tpu.memory_space<vmem>>, vector<16xf32>,
      tpu.vector_store %arg18[%swap3A, %swap3A_343], %max3A_342 {strides = array<i32>} : memref<40x128xf32, #tpu.memory_space<vmem>>, vector<16xf32>,
      %get3A_345 = arith.index_cast %add3A_334 : i32 to index
      %get3A_346 = arith.constant 16 : index
      %get3A_347 = tpu.vector_load %arg14[%get3A_345, %get3A_346] {strides = array<i32>} : memref<40x128xf32, #tpu.memory_space<vmem>>, vector<16xf32>,
      %get3A_348 = arith.index_cast %add3A_334 : i32 to index
      %get3A_349 = arith.constant 16 : index
      %get3A_350 = tpu.vector_load %arg15[%get3A_348, %get3A_349] {strides = array<i32>} : memref<40x128xf32, #tpu.memory_space<vmem>>, vector<16xf32>,
      %add3A_351 = arith.addf %get3A_347, %get3A_350 : vector<16xf32>
      %max3A_352 = arith.constant 0.000000e+00 : f32
      %max3A_353 = vector.broadcast %max3A_352 : f32 to vector<16xf32>
      %max3A_354 = arith.maximumf %add3A_351, %max3A_353 : vector<16xf32>
      %swap3A_355 = arith.index_cast %add3A_334 : i32 to index
      %swap3A_356 = arith.constant 16 : index
      %swap3A_357 = tpu.vector_load %arg18[%swap3A_355, %swap3A_356] {strides = array<i32>} : memref<40x128xf32, #tpu.memory_space<vmem>>, vector<16xf32>,
      tpu.vector_store %arg18[%swap3A_355, %swap3A_356], %max3A_354 {strides = array<i32>} : memref<40x128xf32, #tpu.memory_space<vmem>>, vector<16xf32>,
      %get3A_358 = arith.index_cast %add3A_334 : i32 to index
      %get3A_359 = arith.constant 32 : index
      %get3A_360 = tpu.vector_load %arg14[%get3A_358, %get3A_359] {strides = array<i32>} : memref<40x128xf32, #tpu.memory_space<vmem>>, vector<16xf32>,
      %get3A_361 = arith.index_cast %add3A_334 : i32 to index
      %get3A_362 = arith.constant 32 : index
      %get3A_363 = tpu.vector_load %arg15[%get3A_361, %get3A_362] {strides = array<i32>} : memref<40x128xf32, #tpu.memory_space<vmem>>, vector<16xf32>,
      %add3A_364 = arith.addf %get3A_360, %get3A_363 : vector<16xf32>
      %max3A_365 = arith.constant 0.000000e+00 : f32
      %max3A_366 = vector.broadcast %max3A_365 : f32 to vector<16xf32>
      %max3A_367 = arith.maximumf %add3A_364, %max3A_366 : vector<16xf32>
      %swap3A_368 = arith.index_cast %add3A_334 : i32 to index
      %swap3A_369 = arith.constant 32 : index
      %swap3A_370 = tpu.vector_load %arg18[%swap3A_368, %swap3A_369] {strides = array<i32>} : memref<40x128xf32, #tpu.memory_space<vmem>>, vector<16xf32>,
      tpu.vector_store %arg18[%swap3A_368, %swap3A_369], %max3A_367 {strides = array<i32>} : memref<40x128xf32, #tpu.memory_space<vmem>>, vector<16xf32>,
      %get3A_371 = arith.index_cast %add3A_334 : i32 to index
      %get3A_372 = arith.constant 48 : index
      %get3A_373 = tpu.vector_load %arg14[%get3A_371, %get3A_372] {strides = array<i32>} : memref<40x128xf32, #tpu.memory_space<vmem>>, vector<16xf32>,
      %get3A_374 = arith.index_cast %add3A_334 : i32 to index
      %get3A_375 = arith.constant 48 : index
      %get3A_376 = tpu.vector_load %arg15[%get3A_374, %get3A_375] {strides = array<i32>} : memref<40x128xf32, #tpu.memory_space<vmem>>, vector<16xf32>,
      %add3A_377 = arith.addf %get3A_373, %get3A_376 : vector<16xf32>
      %max3A_378 = arith.constant 0.000000e+00 : f32
      %max3A_379 = vector.broadcast %max3A_378 : f32 to vector<16xf32>
      %max3A_380 = arith.maximumf %add3A_377, %max3A_379 : vector<16xf32>
      %swap3A_381 = arith.index_cast %add3A_334 : i32 to index
      %swap3A_382 = arith.constant 48 : index
      %swap3A_383 = tpu.vector_load %arg18[%swap3A_381, %swap3A_382] {strides = array<i32>} : memref<40x128xf32, #tpu.memory_space<vmem>>, vector<16xf32>,
      tpu.vector_store %arg18[%swap3A_381, %swap3A_382], %max3A_380 {strides = array<i32>} : memref<40x128xf32, #tpu.memory_space<vmem>>, vector<16xf32>,
      %get3A_384 = arith.index_cast %add3A_334 : i32 to index
      %get3A_385 = arith.constant 64 : index
      %get3A_386 = tpu.vector_load %arg14[%get3A_384, %get3A_385] {strides = array<i32>} : memref<40x128xf32, #tpu.memory_space<vmem>>, vector<16xf32>,
      %get3A_387 = arith.index_cast %add3A_334 : i32 to index
      %get3A_388 = arith.constant 64 : index
      %get3A_389 = tpu.vector_load %arg15[%get3A_387, %get3A_388] {strides = array<i32>} : memref<40x128xf32, #tpu.memory_space<vmem>>, vector<16xf32>,
      %add3A_390 = arith.addf %get3A_386, %get3A_389 : vector<16xf32>
      %max3A_391 = arith.constant 0.000000e+00 : f32
      %max3A_392 = vector.broadcast %max3A_391 : f32 to vector<16xf32>
      %max3A_393 = arith.maximumf %add3A_390, %max3A_392 : vector<16xf32>
      %swap3A_394 = arith.index_cast %add3A_334 : i32 to index
      %swap3A_395 = arith.constant 64 : index
      %swap3A_396 = tpu.vector_load %arg18[%swap3A_394, %swap3A_395] {strides = array<i32>} : memref<40x128xf32, #tpu.memory_space<vmem>>, vector<16xf32>,
      tpu.vector_store %arg18[%swap3A_394, %swap3A_395], %max3A_393 {strides = array<i32>} : memref<40x128xf32, #tpu.memory_space<vmem>>, vector<16xf32>,
      %get3A_397 = arith.index_cast %add3A_334 : i32 to index
      %get3A_398 = arith.constant 80 : index
      %get3A_399 = tpu.vector_load %arg14[%get3A_397, %get3A_398] {strides = array<i32>} : memref<40x128xf32, #tpu.memory_space<vmem>>, vector<16xf32>,
      %get3A_400 = arith.index_cast %add3A_334 : i32 to index
      %get3A_401 = arith.constant 80 : index
      %get3A_402 = tpu.vector_load %arg15[%get3A_400, %get3A_401] {strides = array<i32>} : memref<40x128xf32, #tpu.memory_space<vmem>>, vector<16xf32>,
      %add3A_403 = arith.addf %get3A_399, %get3A_402 : vector<16xf32>
      %max3A_404 = arith.constant 0.000000e+00 : f32
      %max3A_405 = vector.broadcast %max3A_404 : f32 to vector<16xf32>
      %max3A_406 = arith.maximumf %add3A_403, %max3A_405 : vector<16xf32>
      %swap3A_407 = arith.index_cast %add3A_334 : i32 to index
      %swap3A_408 = arith.constant 80 : index
      %swap3A_409 = tpu.vector_load %arg18[%swap3A_407, %swap3A_408] {strides = array<i32>} : memref<40x128xf32, #tpu.memory_space<vmem>>, vector<16xf32>,
      tpu.vector_store %arg18[%swap3A_407, %swap3A_408], %max3A_406 {strides = array<i32>} : memref<40x128xf32, #tpu.memory_space<vmem>>, vector<16xf32>,
      %get3A_410 = arith.index_cast %add3A_334 : i32 to index
      %get3A_411 = arith.constant 96 : index
      %get3A_412 = tpu.vector_load %arg14[%get3A_410, %get3A_411] {strides = array<i32>} : memref<40x128xf32, #tpu.memory_space<vmem>>, vector<16xf32>,
      %get3A_413 = arith.index_cast %add3A_334 : i32 to index
      %get3A_414 = arith.constant 96 : index
      %get3A_415 = tpu.vector_load %arg15[%get3A_413, %get3A_414] {strides = array<i32>} : memref<40x128xf32, #tpu.memory_space<vmem>>, vector<16xf32>,
      %add3A_416 = arith.addf %get3A_412, %get3A_415 : vector<16xf32>
      %max3A_417 = arith.constant 0.000000e+00 : f32
      %max3A_418 = vector.broadcast %max3A_417 : f32 to vector<16xf32>
      %max3A_419 = arith.maximumf %add3A_416, %max3A_418 : vector<16xf32>
      %swap3A_420 = arith.index_cast %add3A_334 : i32 to index
      %swap3A_421 = arith.constant 96 : index
      %swap3A_422 = tpu.vector_load %arg18[%swap3A_420, %swap3A_421] {strides = array<i32>} : memref<40x128xf32, #tpu.memory_space<vmem>>, vector<16xf32>,
      tpu.vector_store %arg18[%swap3A_420, %swap3A_421], %max3A_419 {strides = array<i32>} : memref<40x128xf32, #tpu.memory_space<vmem>>, vector<16xf32>,
      %get3A_423 = arith.index_cast %add3A_334 : i32 to index
      %get3A_424 = arith.constant 112 : index
      %get3A_425 = tpu.vector_load %arg14[%get3A_423, %get3A_424] {strides = array<i32>} : memref<40x128xf32, #tpu.memory_space<vmem>>, vector<16xf32>,
      %get3A_426 = arith.index_cast %add3A_334 : i32 to index
      %get3A_427 = arith.constant 112 : index
      %get3A_428 = tpu.vector_load %arg15[%get3A_426, %get3A_427] {strides = array<i32>} : memref<40x128xf32, #tpu.memory_space<vmem>>, vector<16xf32>,
      %add3A_429 = arith.addf %get3A_425, %get3A_428 : vector<16xf32>
      %max3A_430 = arith.constant 0.000000e+00 : f32
      %max3A_431 = vector.broadcast %max3A_430 : f32 to vector<16xf32>
      %max3A_432 = arith.maximumf %add3A_429, %max3A_431 : vector<16xf32>
      %swap3A_433 = arith.index_cast %add3A_334 : i32 to index
      %swap3A_434 = arith.constant 112 : index
      %swap3A_435 = tpu.vector_load %arg18[%swap3A_433, %swap3A_434] {strides = array<i32>} : memref<40x128xf32, #tpu.memory_space<vmem>>, vector<16xf32>,
      tpu.vector_store %arg18[%swap3A_433, %swap3A_434], %max3A_432 {strides = array<i32>} : memref<40x128xf32, #tpu.memory_space<vmem>>, vector<16xf32>,
      %mul3A_436 = arith.constant 2 : i32
      %mul3A_437 = arith.muli %scan3A_329, %mul3A_436 : i32
      %add3A_438 = arith.constant 1 : i32
      %add3A_439 = arith.addi %mul3A_437, %add3A_438 : i32
      %get3A_440 = arith.index_cast %add3A_439 : i32 to index
      %get3A_441 = arith.constant 0 : index
      %get3A_442 = tpu.vector_load %arg14[%get3A_440, %get3A_441] {strides = array<i32>} : memref<40x128xf32, #tpu.memory_space<vmem>>, vector<16xf32>,
      %get3A_443 = arith.index_cast %add3A_439 : i32 to index
      %get3A_444 = arith.constant 0 : index
      %get3A_445 = tpu.vector_load %arg15[%get3A_443, %get3A_444] {strides = array<i32>} : memref<40x128xf32, #tpu.memory_space<vmem>>, vector<16xf32>,
      %add3A_446 = arith.addf %get3A_442, %get3A_445 : vector<16xf32>
      %max3A_447 = arith.constant 0.000000e+00 : f32
      %max3A_448 = vector.broadcast %max3A_447 : f32 to vector<16xf32>
      %max3A_449 = arith.maximumf %add3A_446, %max3A_448 : vector<16xf32>
      %swap3A_450 = arith.index_cast %add3A_439 : i32 to index
      %swap3A_451 = arith.constant 0 : index
      %swap3A_452 = tpu.vector_load %arg18[%swap3A_450, %swap3A_451] {strides = array<i32>} : memref<40x128xf32, #tpu.memory_space<vmem>>, vector<16xf32>,
      tpu.vector_store %arg18[%swap3A_450, %swap3A_451], %max3A_449 {strides = array<i32>} : memref<40x128xf32, #tpu.memory_space<vmem>>, vector<16xf32>,
      %get3A_453 = arith.index_cast %add3A_439 : i32 to index
      %get3A_454 = arith.constant 16 : index
      %get3A_455 = tpu.vector_load %arg14[%get3A_453, %get3A_454] {strides = array<i32>} : memref<40x128xf32, #tpu.memory_space<vmem>>, vector<16xf32>,
      %get3A_456 = arith.index_cast %add3A_439 : i32 to index
      %get3A_457 = arith.constant 16 : index
      %get3A_458 = tpu.vector_load %arg15[%get3A_456, %get3A_457] {strides = array<i32>} : memref<40x128xf32, #tpu.memory_space<vmem>>, vector<16xf32>,
      %add3A_459 = arith.addf %get3A_455, %get3A_458 : vector<16xf32>
      %max3A_460 = arith.constant 0.000000e+00 : f32
      %max3A_461 = vector.broadcast %max3A_460 : f32 to vector<16xf32>
      %max3A_462 = arith.maximumf %add3A_459, %max3A_461 : vector<16xf32>
      %swap3A_463 = arith.index_cast %add3A_439 : i32 to index
      %swap3A_464 = arith.constant 16 : index
      %swap3A_465 = tpu.vector_load %arg18[%swap3A_463, %swap3A_464] {strides = array<i32>} : memref<40x128xf32, #tpu.memory_space<vmem>>, vector<16xf32>,
      tpu.vector_store %arg18[%swap3A_463, %swap3A_464], %max3A_462 {strides = array<i32>} : memref<40x128xf32, #tpu.memory_space<vmem>>, vector<16xf32>,
      %get3A_466 = arith.index_cast %add3A_439 : i32 to index
      %get3A_467 = arith.constant 32 : index
      %get3A_468 = tpu.vector_load %arg14[%get3A_466, %get3A_467] {strides = array<i32>} : memref<40x128xf32, #tpu.memory_space<vmem>>, vector<16xf32>,
      %get3A_469 = arith.index_cast %add3A_439 : i32 to index
      %get3A_470 = arith.constant 32 : index
      %get3A_471 = tpu.vector_load %arg15[%get3A_469, %get3A_470] {strides = array<i32>} : memref<40x128xf32, #tpu.memory_space<vmem>>, vector<16xf32>,
      %add3A_472 = arith.addf %get3A_468, %get3A_471 : vector<16xf32>
      %max3A_473 = arith.constant 0.000000e+00 : f32
      %max3A_474 = vector.broadcast %max3A_473 : f32 to vector<16xf32>
      %max3A_475 = arith.maximumf %add3A_472, %max3A_474 : vector<16xf32>
      %swap3A_476 = arith.index_cast %add3A_439 : i32 to index
      %swap3A_477 = arith.constant 32 : index
      %swap3A_478 = tpu.vector_load %arg18[%swap3A_476, %swap3A_477] {strides = array<i32>} : memref<40x128xf32, #tpu.memory_space<vmem>>, vector<16xf32>,
      tpu.vector_store %arg18[%swap3A_476, %swap3A_477], %max3A_475 {strides = array<i32>} : memref<40x128xf32, #tpu.memory_space<vmem>>, vector<16xf32>,
      %get3A_479 = arith.index_cast %add3A_439 : i32 to index
      %get3A_480 = arith.constant 48 : index
      %get3A_481 = tpu.vector_load %arg14[%get3A_479, %get3A_480] {strides = array<i32>} : memref<40x128xf32, #tpu.memory_space<vmem>>, vector<16xf32>,
      %get3A_482 = arith.index_cast %add3A_439 : i32 to index
      %get3A_483 = arith.constant 48 : index
      %get3A_484 = tpu.vector_load %arg15[%get3A_482, %get3A_483] {strides = array<i32>} : memref<40x128xf32, #tpu.memory_space<vmem>>, vector<16xf32>,
      %add3A_485 = arith.addf %get3A_481, %get3A_484 : vector<16xf32>
      %max3A_486 = arith.constant 0.000000e+00 : f32
      %max3A_487 = vector.broadcast %max3A_486 : f32 to vector<16xf32>
      %max3A_488 = arith.maximumf %add3A_485, %max3A_487 : vector<16xf32>
      %swap3A_489 = arith.index_cast %add3A_439 : i32 to index
      %swap3A_490 = arith.constant 48 : index
      %swap3A_491 = tpu.vector_load %arg18[%swap3A_489, %swap3A_490] {strides = array<i32>} : memref<40x128xf32, #tpu.memory_space<vmem>>, vector<16xf32>,
      tpu.vector_store %arg18[%swap3A_489, %swap3A_490], %max3A_488 {strides = array<i32>} : memref<40x128xf32, #tpu.memory_space<vmem>>, vector<16xf32>,
      %get3A_492 = arith.index_cast %add3A_439 : i32 to index
      %get3A_493 = arith.constant 64 : index
      %get3A_494 = tpu.vector_load %arg14[%get3A_492, %get3A_493] {strides = array<i32>} : memref<40x128xf32, #tpu.memory_space<vmem>>, vector<16xf32>,
      %get3A_495 = arith.index_cast %add3A_439 : i32 to index
      %get3A_496 = arith.constant 64 : index
      %get3A_497 = tpu.vector_load %arg15[%get3A_495, %get3A_496] {strides = array<i32>} : memref<40x128xf32, #tpu.memory_space<vmem>>, vector<16xf32>,
      %add3A_498 = arith.addf %get3A_494, %get3A_497 : vector<16xf32>
      %max3A_499 = arith.constant 0.000000e+00 : f32
      %max3A_500 = vector.broadcast %max3A_499 : f32 to vector<16xf32>
      %max3A_501 = arith.maximumf %add3A_498, %max3A_500 : vector<16xf32>
      %swap3A_502 = arith.index_cast %add3A_439 : i32 to index
      %swap3A_503 = arith.constant 64 : index
      %swap3A_504 = tpu.vector_load %arg18[%swap3A_502, %swap3A_503] {strides = array<i32>} : memref<40x128xf32, #tpu.memory_space<vmem>>, vector<16xf32>,
      tpu.vector_store %arg18[%swap3A_502, %swap3A_503], %max3A_501 {strides = array<i32>} : memref<40x128xf32, #tpu.memory_space<vmem>>, vector<16xf32>,
      %get3A_505 = arith.index_cast %add3A_439 : i32 to index
      %get3A_506 = arith.constant 80 : index
      %get3A_507 = tpu.vector_load %arg14[%get3A_505, %get3A_506] {strides = array<i32>} : memref<40x128xf32, #tpu.memory_space<vmem>>, vector<16xf32>,
      %get3A_508 = arith.index_cast %add3A_439 : i32 to index
      %get3A_509 = arith.constant 80 : index
      %get3A_510 = tpu.vector_load %arg15[%get3A_508, %get3A_509] {strides = array<i32>} : memref<40x128xf32, #tpu.memory_space<vmem>>, vector<16xf32>,
      %add3A_511 = arith.addf %get3A_507, %get3A_510 : vector<16xf32>
      %max3A_512 = arith.constant 0.000000e+00 : f32
      %max3A_513 = vector.broadcast %max3A_512 : f32 to vector<16xf32>
      %max3A_514 = arith.maximumf %add3A_511, %max3A_513 : vector<16xf32>
      %swap3A_515 = arith.index_cast %add3A_439 : i32 to index
      %swap3A_516 = arith.constant 80 : index
      %swap3A_517 = tpu.vector_load %arg18[%swap3A_515, %swap3A_516] {strides = array<i32>} : memref<40x128xf32, #tpu.memory_space<vmem>>, vector<16xf32>,
      tpu.vector_store %arg18[%swap3A_515, %swap3A_516], %max3A_514 {strides = array<i32>} : memref<40x128xf32, #tpu.memory_space<vmem>>, vector<16xf32>,
      %get3A_518 = arith.index_cast %add3A_439 : i32 to index
      %get3A_519 = arith.constant 96 : index
      %get3A_520 = tpu.vector_load %arg14[%get3A_518, %get3A_519] {strides = array<i32>} : memref<40x128xf32, #tpu.memory_space<vmem>>, vector<16xf32>,
      %get3A_521 = arith.index_cast %add3A_439 : i32 to index
      %get3A_522 = arith.constant 96 : index
      %get3A_523 = tpu.vector_load %arg15[%get3A_521, %get3A_522] {strides = array<i32>} : memref<40x128xf32, #tpu.memory_space<vmem>>, vector<16xf32>,
      %add3A_524 = arith.addf %get3A_520, %get3A_523 : vector<16xf32>
      %max3A_525 = arith.constant 0.000000e+00 : f32
      %max3A_526 = vector.broadcast %max3A_525 : f32 to vector<16xf32>
      %max3A_527 = arith.maximumf %add3A_524, %max3A_526 : vector<16xf32>
      %swap3A_528 = arith.index_cast %add3A_439 : i32 to index
      %swap3A_529 = arith.constant 96 : index
      %swap3A_530 = tpu.vector_load %arg18[%swap3A_528, %swap3A_529] {strides = array<i32>} : memref<40x128xf32, #tpu.memory_space<vmem>>, vector<16xf32>,
      tpu.vector_store %arg18[%swap3A_528, %swap3A_529], %max3A_527 {strides = array<i32>} : memref<40x128xf32, #tpu.memory_space<vmem>>, vector<16xf32>,
      %get3A_531 = arith.index_cast %add3A_439 : i32 to index
      %get3A_532 = arith.constant 112 : index
      %get3A_533 = tpu.vector_load %arg14[%get3A_531, %get3A_532] {strides = array<i32>} : memref<40x128xf32, #tpu.memory_space<vmem>>, vector<16xf32>,
      %get3A_534 = arith.index_cast %add3A_439 : i32 to index
      %get3A_535 = arith.constant 112 : index
      %get3A_536 = tpu.vector_load %arg15[%get3A_534, %get3A_535] {strides = array<i32>} : memref<40x128xf32, #tpu.memory_space<vmem>>, vector<16xf32>,
      %add3A_537 = arith.addf %get3A_533, %get3A_536 : vector<16xf32>
      %max3A_538 = arith.constant 0.000000e+00 : f32
      %max3A_539 = vector.broadcast %max3A_538 : f32 to vector<16xf32>
      %max3A_540 = arith.maximumf %add3A_537, %max3A_539 : vector<16xf32>
      %swap3A_541 = arith.index_cast %add3A_439 : i32 to index
      %swap3A_542 = arith.constant 112 : index
      %swap3A_543 = tpu.vector_load %arg18[%swap3A_541, %swap3A_542] {strides = array<i32>} : memref<40x128xf32, #tpu.memory_space<vmem>>, vector<16xf32>,
      tpu.vector_store %arg18[%swap3A_541, %swap3A_542], %max3A_540 {strides = array<i32>} : memref<40x128xf32, #tpu.memory_space<vmem>>, vector<16xf32>,
      %scan3A_544 = arith.constant 0 : i32
      scf.yield %scan3A_544 : i32
    }
    %scan3A_123 = arith.constant 20 : i32
    %dma_wait3A_124 = arith.constant 0 : i32
    %dma_wait3A_125 = arith.constant 0 : i32
    %dma_wait3A_126 = tpu.memref_slice %arg5[%add3A, %dma_wait3A_124, %dma_wait3A_125] : memref<32x250x40xi32, #tpu.memory_space<hbm>> -> memref<1x1x40xi32, #tpu.memory_space<hbm>>
    %dma_wait3A_127 = tpu.memref_squeeze %dma_wait3A_126 : memref<1x1x40xi32, #tpu.memory_space<hbm>> -> memref<40xi32, #tpu.memory_space<hbm>>
    %dma_wait3A_128 = arith.constant 0 : i32
    %dma_wait3A_129 = tpu.memref_slice %arg5[%add3A, %dma_wait3A_124, %dma_wait3A_128] : memref<32x250x40xi32, #tpu.memory_space<hbm>> -> memref<1x1x40xi32, #tpu.memory_space<hbm>>
    %dma_wait3A_130 = tpu.memref_squeeze %dma_wait3A_129 : memref<1x1x40xi32, #tpu.memory_space<hbm>> -> memref<40xi32, #tpu.memory_space<hbm>>
    tpu.wait_dma2 semaphore(%arg27 : memref<!tpu.dma_semaphore, #tpu.memory_space<semaphore_mem>>) src(%dma_wait3A_130 : memref<40xi32, #tpu.memory_space<hbm>>) dst(%arg8 : memref<40xi32, #tpu.memory_space<vmem>>)
    %dma_wait3A_131 = arith.constant 0 : i32
    %dma_wait3A_132 = arith.constant 0 : i32
    %dma_wait3A_133 = tpu.memref_slice %arg4[%add3A, %dma_wait3A_131, %dma_wait3A_132] : memref<32x250x40xi32, #tpu.memory_space<hbm>> -> memref<1x1x40xi32, #tpu.memory_space<hbm>>
    %dma_wait3A_134 = tpu.memref_squeeze %dma_wait3A_133 : memref<1x1x40xi32, #tpu.memory_space<hbm>> -> memref<40xi32, #tpu.memory_space<hbm>>
    %dma_wait3A_135 = arith.constant 0 : i32
    %dma_wait3A_136 = tpu.memref_slice %arg4[%add3A, %dma_wait3A_131, %dma_wait3A_135] : memref<32x250x40xi32, #tpu.memory_space<hbm>> -> memref<1x1x40xi32, #tpu.memory_space<hbm>>
    %dma_wait3A_137 = tpu.memref_squeeze %dma_wait3A_136 : memref<1x1x40xi32, #tpu.memory_space<hbm>> -> memref<40xi32, #tpu.memory_space<hbm>>
    tpu.wait_dma2 semaphore(%arg27 : memref<!tpu.dma_semaphore, #tpu.memory_space<semaphore_mem>>) src(%dma_wait3A_137 : memref<40xi32, #tpu.memory_space<hbm>>) dst(%arg9 : memref<40xi32, #tpu.memory_space<vmem>>)
    %dma_start3A_138 = arith.constant 0 : i32
    %dma_start3A_139 = arith.constant 0 : i32
    %dma_start3A_140 = tpu.memref_slice %arg2[%dma_start3A_138, %dma_start3A_139] : memref<10000x128xf32, #tpu.memory_space<hbm>> -> memref<10000x128xf32, #tpu.memory_space<hbm>>
    tpu.enqueue_indirect_dma source(%dma_start3A_140 : memref<10000x128xf32, #tpu.memory_space<hbm>>) target(%arg14 : memref<40x128xf32, #tpu.memory_space<vmem>>) offsets(%arg8 : memref<40xi32, #tpu.memory_space<vmem>>) semaphore(%arg23 : memref<!tpu.dma_semaphore, #tpu.memory_space<semaphore_mem>>)
    %dma_start3A_141 = arith.constant 0 : i32
    %dma_start3A_142 = arith.constant 0 : i32
    %dma_start3A_143 = tpu.memref_slice %arg3[%dma_start3A_141, %dma_start3A_142] : memref<10000x128xf32, #tpu.memory_space<hbm>> -> memref<10000x128xf32, #tpu.memory_space<hbm>>
    tpu.enqueue_indirect_dma source(%dma_start3A_143 : memref<10000x128xf32, #tpu.memory_space<hbm>>) target(%arg15 : memref<40x128xf32, #tpu.memory_space<vmem>>) offsets(%arg9 : memref<40xi32, #tpu.memory_space<vmem>>) semaphore(%arg23 : memref<!tpu.dma_semaphore, #tpu.memory_space<semaphore_mem>>)
    %dma_wait3A_144 = arith.constant 0 : i32
    %dma_wait3A_145 = arith.constant 0 : i32
    %dma_wait3A_146 = tpu.memref_slice %arg5[%add3A, %dma_wait3A_144, %dma_wait3A_145] : memref<32x250x40xi32, #tpu.memory_space<hbm>> -> memref<1x1x40xi32, #tpu.memory_space<hbm>>
    %dma_wait3A_147 = tpu.memref_squeeze %dma_wait3A_146 : memref<1x1x40xi32, #tpu.memory_space<hbm>> -> memref<40xi32, #tpu.memory_space<hbm>>
    %dma_wait3A_148 = arith.constant 0 : i32
    %dma_wait3A_149 = tpu.memref_slice %arg5[%add3A, %dma_wait3A_144, %dma_wait3A_148] : memref<32x250x40xi32, #tpu.memory_space<hbm>> -> memref<1x1x40xi32, #tpu.memory_space<hbm>>
    %dma_wait3A_150 = tpu.memref_squeeze %dma_wait3A_149 : memref<1x1x40xi32, #tpu.memory_space<hbm>> -> memref<40xi32, #tpu.memory_space<hbm>>
    tpu.wait_dma2 semaphore(%arg29 : memref<!tpu.dma_semaphore, #tpu.memory_space<semaphore_mem>>) src(%dma_wait3A_150 : memref<40xi32, #tpu.memory_space<hbm>>) dst(%arg10 : memref<40xi32, #tpu.memory_space<vmem>>)
    %dma_start3A_151 = arith.constant 0 : i32
    %dma_start3A_152 = arith.constant 0 : i32
    %dma_start3A_153 = tpu.memref_slice %arg21[%dma_start3A_151, %dma_start3A_152] : memref<10240x128xf32, #tpu.memory_space<vmem_shared>> -> memref<10240x128xf32, #tpu.memory_space<vmem_shared>>
    tpu.enqueue_indirect_dma source(%arg18 : memref<40x128xf32, #tpu.memory_space<vmem>>) target(%dma_start3A_153 : memref<10240x128xf32, #tpu.memory_space<vmem_shared>>) offsets(%arg10 : memref<40xi32, #tpu.memory_space<vmem>>) semaphore(%arg25 : memref<!tpu.dma_semaphore, #tpu.memory_space<semaphore_mem>>) {add = true}
    %dma_start3A_154 = arith.constant 0 : i32
    %dma_start3A_155 = arith.constant 0 : i32
    %dma_start3A_156 = tpu.memref_slice %arg22[%dma_start3A_154, %dma_start3A_155] : memref<10240x16xf32, #tpu.memory_space<vmem_shared>> -> memref<10240x16xf32, #tpu.memory_space<vmem_shared>>
    tpu.enqueue_indirect_dma source(%arg20 : memref<40x16xf32, #tpu.memory_space<vmem>>) target(%dma_start3A_156 : memref<10240x16xf32, #tpu.memory_space<vmem_shared>>) offsets(%arg10 : memref<40xi32, #tpu.memory_space<vmem>>) semaphore(%arg25 : memref<!tpu.dma_semaphore, #tpu.memory_space<semaphore_mem>>) {add = true}
    %dma_start3A_157 = arith.constant 1 : i32
    %dma_start3A_158 = arith.constant 0 : i32
    %dma_start3A_159 = tpu.memref_slice %arg5[%add3A, %dma_start3A_157, %dma_start3A_158] : memref<32x250x40xi32, #tpu.memory_space<hbm>> -> memref<1x1x40xi32, #tpu.memory_space<hbm>>
    %dma_start3A_160 = tpu.memref_squeeze %dma_start3A_159 : memref<1x1x40xi32, #tpu.memory_space<hbm>> -> memref<40xi32, #tpu.memory_space<hbm>>
    %dma_start3A_161 = arith.constant 0 : i32
    %dma_start3A_162 = tpu.memref_slice %arg5[%add3A, %dma_start3A_157, %dma_start3A_161] : memref<32x250x40xi32, #tpu.memory_space<hbm>> -> memref<1x1x40xi32, #tpu.memory_space<hbm>>
    %dma_start3A_163 = tpu.memref_squeeze %dma_start3A_162 : memref<1x1x40xi32, #tpu.memory_space<hbm>> -> memref<40xi32, #tpu.memory_space<hbm>>
    tpu.enqueue_dma source(%dma_start3A_163 : memref<40xi32, #tpu.memory_space<hbm>>) target(%arg13 : memref<40xi32, #tpu.memory_space<vmem>>) target_semaphore(%arg30 : memref<!tpu.dma_semaphore, #tpu.memory_space<semaphore_mem>>)
    %dma_wait3A_164 = arith.constant 0 : i32
    %dma_wait3A_165 = arith.constant 0 : i32
    %dma_wait3A_166 = tpu.memref_slice %arg2[%dma_wait3A_164, %dma_wait3A_165] : memref<10000x128xf32, #tpu.memory_space<hbm>> -> memref<10000x128xf32, #tpu.memory_space<hbm>>
    tpu.wait_indirect_dma semaphore(%arg24 : memref<!tpu.dma_semaphore, #tpu.memory_space<semaphore_mem>>) src(%dma_wait3A_166 : memref<10000x128xf32, #tpu.memory_space<hbm>>) dst(%arg16 : memref<40x128xf32, #tpu.memory_space<vmem>>)
    %dma_wait3A_167 = arith.constant 0 : i32
    %dma_wait3A_168 = arith.constant 0 : i32
    %dma_wait3A_169 = tpu.memref_slice %arg3[%dma_wait3A_167, %dma_wait3A_168] : memref<10000x128xf32, #tpu.memory_space<hbm>> -> memref<10000x128xf32, #tpu.memory_space<hbm>>
    tpu.wait_indirect_dma semaphore(%arg24 : memref<!tpu.dma_semaphore, #tpu.memory_space<semaphore_mem>>) src(%dma_wait3A_169 : memref<10000x128xf32, #tpu.memory_space<hbm>>) dst(%arg17 : memref<40x128xf32, #tpu.memory_space<vmem>>)
    %dma_start3A_170 = arith.constant 3 : i32
    %dma_start3A_171 = arith.constant 0 : i32
    %dma_start3A_172 = tpu.memref_slice %arg5[%add3A, %dma_start3A_170, %dma_start3A_171] : memref<32x250x40xi32, #tpu.memory_space<hbm>> -> memref<1x1x40xi32, #tpu.memory_space<hbm>>
    %dma_start3A_173 = tpu.memref_squeeze %dma_start3A_172 : memref<1x1x40xi32, #tpu.memory_space<hbm>> -> memref<40xi32, #tpu.memory_space<hbm>>
    %dma_start3A_174 = arith.constant 0 : i32
    %dma_start3A_175 = tpu.memref_slice %arg5[%add3A, %dma_start3A_170, %dma_start3A_174] : memref<32x250x40xi32, #tpu.memory_space<hbm>> -> memref<1x1x40xi32, #tpu.memory_space<hbm>>
    %dma_start3A_176 = tpu.memref_squeeze %dma_start3A_175 : memref<1x1x40xi32, #tpu.memory_space<hbm>> -> memref<40xi32, #tpu.memory_space<hbm>>
    tpu.enqueue_dma source(%dma_start3A_176 : memref<40xi32, #tpu.memory_space<hbm>>) target(%arg11 : memref<40xi32, #tpu.memory_space<vmem>>) target_semaphore(%arg28 : memref<!tpu.dma_semaphore, #tpu.memory_space<semaphore_mem>>)
    %dma_start3A_177 = arith.constant 3 : i32
    %dma_start3A_178 = arith.constant 0 : i32
    %dma_start3A_179 = tpu.memref_slice %arg4[%add3A, %dma_start3A_177, %dma_start3A_178] : memref<32x250x40xi32, #tpu.memory_space<hbm>> -> memref<1x1x40xi32, #tpu.memory_space<hbm>>
    %dma_start3A_180 = tpu.memref_squeeze %dma_start3A_179 : memref<1x1x40xi32, #tpu.memory_space<hbm>> -> memref<40xi32, #tpu.memory_space<hbm>>
    %dma_start3A_181 = arith.constant 0 : i32
    %dma_start3A_182 = tpu.memref_slice %arg4[%add3A, %dma_start3A_177, %dma_start3A_181] : memref<32x250x40xi32, #tpu.memory_space<hbm>> -> memref<1x1x40xi32, #tpu.memory_space<hbm>>
    %dma_start3A_183 = tpu.memref_squeeze %dma_start3A_182 : memref<1x1x40xi32, #tpu.memory_space<hbm>> -> memref<40xi32, #tpu.memory_space<hbm>>
    tpu.enqueue_dma source(%dma_start3A_183 : memref<40xi32, #tpu.memory_space<hbm>>) target(%arg12 : memref<40xi32, #tpu.memory_space<vmem>>) target_semaphore(%arg28 : memref<!tpu.dma_semaphore, #tpu.memory_space<semaphore_mem>>)
    %scan3A_184 = arith.constant 0 : i32
    %scan3A_185 = arith.constant 0 : i32
    %scan3A_186 = arith.constant 20 : i32
    %scan3A_187 = arith.addi %scan3A_185, %scan3A_186 : i32
    %scan3A_188 = arith.constant 1 : i32
    %scan3A_189 = scf.for %scan3A_329 = %scan3A_185 to %scan3A_187 step %scan3A_188 iter_args(%scan3A_330 = %scan3A_184) -> (i32)  : i32 {
      %mul3A_331 = arith.constant 2 : i32
      %mul3A_332 = arith.muli %scan3A_329, %mul3A_331 : i32
      %add3A_333 = arith.constant 0 : i32
      %add3A_334 = arith.addi %mul3A_332, %add3A_333 : i32
      %get3A = arith.index_cast %add3A_334 : i32 to index
      %get3A_335 = arith.constant 0 : index
      %get3A_336 = tpu.vector_load %arg16[%get3A, %get3A_335] {strides = array<i32>} : memref<40x128xf32, #tpu.memory_space<vmem>>, vector<16xf32>,
      %get3A_337 = arith.index_cast %add3A_334 : i32 to index
      %get3A_338 = arith.constant 0 : index
      %get3A_339 = tpu.vector_load %arg17[%get3A_337, %get3A_338] {strides = array<i32>} : memref<40x128xf32, #tpu.memory_space<vmem>>, vector<16xf32>,
      %add3A_340 = arith.addf %get3A_336, %get3A_339 : vector<16xf32>
      %max3A = arith.constant 0.000000e+00 : f32
      %max3A_341 = vector.broadcast %max3A : f32 to vector<16xf32>
      %max3A_342 = arith.maximumf %add3A_340, %max3A_341 : vector<16xf32>
      %swap3A = arith.index_cast %add3A_334 : i32 to index
      %swap3A_343 = arith.constant 0 : index
      %swap3A_344 = tpu.vector_load %arg19[%swap3A, %swap3A_343] {strides = array<i32>} : memref<40x128xf32, #tpu.memory_space<vmem>>, vector<16xf32>,
      tpu.vector_store %arg19[%swap3A, %swap3A_343], %max3A_342 {strides = array<i32>} : memref<40x128xf32, #tpu.memory_space<vmem>>, vector<16xf32>,
      %get3A_345 = arith.index_cast %add3A_334 : i32 to index
      %get3A_346 = arith.constant 16 : index
      %get3A_347 = tpu.vector_load %arg16[%get3A_345, %get3A_346] {strides = array<i32>} : memref<40x128xf32, #tpu.memory_space<vmem>>, vector<16xf32>,
      %get3A_348 = arith.index_cast %add3A_334 : i32 to index
      %get3A_349 = arith.constant 16 : index
      %get3A_350 = tpu.vector_load %arg17[%get3A_348, %get3A_349] {strides = array<i32>} : memref<40x128xf32, #tpu.memory_space<vmem>>, vector<16xf32>,
      %add3A_351 = arith.addf %get3A_347, %get3A_350 : vector<16xf32>
      %max3A_352 = arith.constant 0.000000e+00 : f32
      %max3A_353 = vector.broadcast %max3A_352 : f32 to vector<16xf32>
      %max3A_354 = arith.maximumf %add3A_351, %max3A_353 : vector<16xf32>
      %swap3A_355 = arith.index_cast %add3A_334 : i32 to index
      %swap3A_356 = arith.constant 16 : index
      %swap3A_357 = tpu.vector_load %arg19[%swap3A_355, %swap3A_356] {strides = array<i32>} : memref<40x128xf32, #tpu.memory_space<vmem>>, vector<16xf32>,
      tpu.vector_store %arg19[%swap3A_355, %swap3A_356], %max3A_354 {strides = array<i32>} : memref<40x128xf32, #tpu.memory_space<vmem>>, vector<16xf32>,
      %get3A_358 = arith.index_cast %add3A_334 : i32 to index
      %get3A_359 = arith.constant 32 : index
      %get3A_360 = tpu.vector_load %arg16[%get3A_358, %get3A_359] {strides = array<i32>} : memref<40x128xf32, #tpu.memory_space<vmem>>, vector<16xf32>,
      %get3A_361 = arith.index_cast %add3A_334 : i32 to index
      %get3A_362 = arith.constant 32 : index
      %get3A_363 = tpu.vector_load %arg17[%get3A_361, %get3A_362] {strides = array<i32>} : memref<40x128xf32, #tpu.memory_space<vmem>>, vector<16xf32>,
      %add3A_364 = arith.addf %get3A_360, %get3A_363 : vector<16xf32>
      %max3A_365 = arith.constant 0.000000e+00 : f32
      %max3A_366 = vector.broadcast %max3A_365 : f32 to vector<16xf32>
      %max3A_367 = arith.maximumf %add3A_364, %max3A_366 : vector<16xf32>
      %swap3A_368 = arith.index_cast %add3A_334 : i32 to index
      %swap3A_369 = arith.constant 32 : index
      %swap3A_370 = tpu.vector_load %arg19[%swap3A_368, %swap3A_369] {strides = array<i32>} : memref<40x128xf32, #tpu.memory_space<vmem>>, vector<16xf32>,
      tpu.vector_store %arg19[%swap3A_368, %swap3A_369], %max3A_367 {strides = array<i32>} : memref<40x128xf32, #tpu.memory_space<vmem>>, vector<16xf32>,
      %get3A_371 = arith.index_cast %add3A_334 : i32 to index
      %get3A_372 = arith.constant 48 : index
      %get3A_373 = tpu.vector_load %arg16[%get3A_371, %get3A_372] {strides = array<i32>} : memref<40x128xf32, #tpu.memory_space<vmem>>, vector<16xf32>,
      %get3A_374 = arith.index_cast %add3A_334 : i32 to index
      %get3A_375 = arith.constant 48 : index
      %get3A_376 = tpu.vector_load %arg17[%get3A_374, %get3A_375] {strides = array<i32>} : memref<40x128xf32, #tpu.memory_space<vmem>>, vector<16xf32>,
      %add3A_377 = arith.addf %get3A_373, %get3A_376 : vector<16xf32>
      %max3A_378 = arith.constant 0.000000e+00 : f32
      %max3A_379 = vector.broadcast %max3A_378 : f32 to vector<16xf32>
      %max3A_380 = arith.maximumf %add3A_377, %max3A_379 : vector<16xf32>
      %swap3A_381 = arith.index_cast %add3A_334 : i32 to index
      %swap3A_382 = arith.constant 48 : index
      %swap3A_383 = tpu.vector_load %arg19[%swap3A_381, %swap3A_382] {strides = array<i32>} : memref<40x128xf32, #tpu.memory_space<vmem>>, vector<16xf32>,
      tpu.vector_store %arg19[%swap3A_381, %swap3A_382], %max3A_380 {strides = array<i32>} : memref<40x128xf32, #tpu.memory_space<vmem>>, vector<16xf32>,
      %get3A_384 = arith.index_cast %add3A_334 : i32 to index
      %get3A_385 = arith.constant 64 : index
      %get3A_386 = tpu.vector_load %arg16[%get3A_384, %get3A_385] {strides = array<i32>} : memref<40x128xf32, #tpu.memory_space<vmem>>, vector<16xf32>,
      %get3A_387 = arith.index_cast %add3A_334 : i32 to index
      %get3A_388 = arith.constant 64 : index
      %get3A_389 = tpu.vector_load %arg17[%get3A_387, %get3A_388] {strides = array<i32>} : memref<40x128xf32, #tpu.memory_space<vmem>>, vector<16xf32>,
      %add3A_390 = arith.addf %get3A_386, %get3A_389 : vector<16xf32>
      %max3A_391 = arith.constant 0.000000e+00 : f32
      %max3A_392 = vector.broadcast %max3A_391 : f32 to vector<16xf32>
      %max3A_393 = arith.maximumf %add3A_390, %max3A_392 : vector<16xf32>
      %swap3A_394 = arith.index_cast %add3A_334 : i32 to index
      %swap3A_395 = arith.constant 64 : index
      %swap3A_396 = tpu.vector_load %arg19[%swap3A_394, %swap3A_395] {strides = array<i32>} : memref<40x128xf32, #tpu.memory_space<vmem>>, vector<16xf32>,
      tpu.vector_store %arg19[%swap3A_394, %swap3A_395], %max3A_393 {strides = array<i32>} : memref<40x128xf32, #tpu.memory_space<vmem>>, vector<16xf32>,
      %get3A_397 = arith.index_cast %add3A_334 : i32 to index
      %get3A_398 = arith.constant 80 : index
      %get3A_399 = tpu.vector_load %arg16[%get3A_397, %get3A_398] {strides = array<i32>} : memref<40x128xf32, #tpu.memory_space<vmem>>, vector<16xf32>,
      %get3A_400 = arith.index_cast %add3A_334 : i32 to index
      %get3A_401 = arith.constant 80 : index
      %get3A_402 = tpu.vector_load %arg17[%get3A_400, %get3A_401] {strides = array<i32>} : memref<40x128xf32, #tpu.memory_space<vmem>>, vector<16xf32>,
      %add3A_403 = arith.addf %get3A_399, %get3A_402 : vector<16xf32>
      %max3A_404 = arith.constant 0.000000e+00 : f32
      %max3A_405 = vector.broadcast %max3A_404 : f32 to vector<16xf32>
      %max3A_406 = arith.maximumf %add3A_403, %max3A_405 : vector<16xf32>
      %swap3A_407 = arith.index_cast %add3A_334 : i32 to index
      %swap3A_408 = arith.constant 80 : index
      %swap3A_409 = tpu.vector_load %arg19[%swap3A_407, %swap3A_408] {strides = array<i32>} : memref<40x128xf32, #tpu.memory_space<vmem>>, vector<16xf32>,
      tpu.vector_store %arg19[%swap3A_407, %swap3A_408], %max3A_406 {strides = array<i32>} : memref<40x128xf32, #tpu.memory_space<vmem>>, vector<16xf32>,
      %get3A_410 = arith.index_cast %add3A_334 : i32 to index
      %get3A_411 = arith.constant 96 : index
      %get3A_412 = tpu.vector_load %arg16[%get3A_410, %get3A_411] {strides = array<i32>} : memref<40x128xf32, #tpu.memory_space<vmem>>, vector<16xf32>,
      %get3A_413 = arith.index_cast %add3A_334 : i32 to index
      %get3A_414 = arith.constant 96 : index
      %get3A_415 = tpu.vector_load %arg17[%get3A_413, %get3A_414] {strides = array<i32>} : memref<40x128xf32, #tpu.memory_space<vmem>>, vector<16xf32>,
      %add3A_416 = arith.addf %get3A_412, %get3A_415 : vector<16xf32>
      %max3A_417 = arith.constant 0.000000e+00 : f32
      %max3A_418 = vector.broadcast %max3A_417 : f32 to vector<16xf32>
      %max3A_419 = arith.maximumf %add3A_416, %max3A_418 : vector<16xf32>
      %swap3A_420 = arith.index_cast %add3A_334 : i32 to index
      %swap3A_421 = arith.constant 96 : index
      %swap3A_422 = tpu.vector_load %arg19[%swap3A_420, %swap3A_421] {strides = array<i32>} : memref<40x128xf32, #tpu.memory_space<vmem>>, vector<16xf32>,
      tpu.vector_store %arg19[%swap3A_420, %swap3A_421], %max3A_419 {strides = array<i32>} : memref<40x128xf32, #tpu.memory_space<vmem>>, vector<16xf32>,
      %get3A_423 = arith.index_cast %add3A_334 : i32 to index
      %get3A_424 = arith.constant 112 : index
      %get3A_425 = tpu.vector_load %arg16[%get3A_423, %get3A_424] {strides = array<i32>} : memref<40x128xf32, #tpu.memory_space<vmem>>, vector<16xf32>,
      %get3A_426 = arith.index_cast %add3A_334 : i32 to index
      %get3A_427 = arith.constant 112 : index
      %get3A_428 = tpu.vector_load %arg17[%get3A_426, %get3A_427] {strides = array<i32>} : memref<40x128xf32, #tpu.memory_space<vmem>>, vector<16xf32>,
      %add3A_429 = arith.addf %get3A_425, %get3A_428 : vector<16xf32>
      %max3A_430 = arith.constant 0.000000e+00 : f32
      %max3A_431 = vector.broadcast %max3A_430 : f32 to vector<16xf32>
      %max3A_432 = arith.maximumf %add3A_429, %max3A_431 : vector<16xf32>
      %swap3A_433 = arith.index_cast %add3A_334 : i32 to index
      %swap3A_434 = arith.constant 112 : index
      %swap3A_435 = tpu.vector_load %arg19[%swap3A_433, %swap3A_434] {strides = array<i32>} : memref<40x128xf32, #tpu.memory_space<vmem>>, vector<16xf32>,
      tpu.vector_store %arg19[%swap3A_433, %swap3A_434], %max3A_432 {strides = array<i32>} : memref<40x128xf32, #tpu.memory_space<vmem>>, vector<16xf32>,
      %mul3A_436 = arith.constant 2 : i32
      %mul3A_437 = arith.muli %scan3A_329, %mul3A_436 : i32
      %add3A_438 = arith.constant 1 : i32
      %add3A_439 = arith.addi %mul3A_437, %add3A_438 : i32
      %get3A_440 = arith.index_cast %add3A_439 : i32 to index
      %get3A_441 = arith.constant 0 : index
      %get3A_442 = tpu.vector_load %arg16[%get3A_440, %get3A_441] {strides = array<i32>} : memref<40x128xf32, #tpu.memory_space<vmem>>, vector<16xf32>,
      %get3A_443 = arith.index_cast %add3A_439 : i32 to index
      %get3A_444 = arith.constant 0 : index
      %get3A_445 = tpu.vector_load %arg17[%get3A_443, %get3A_444] {strides = array<i32>} : memref<40x128xf32, #tpu.memory_space<vmem>>, vector<16xf32>,
      %add3A_446 = arith.addf %get3A_442, %get3A_445 : vector<16xf32>
      %max3A_447 = arith.constant 0.000000e+00 : f32
      %max3A_448 = vector.broadcast %max3A_447 : f32 to vector<16xf32>
      %max3A_449 = arith.maximumf %add3A_446, %max3A_448 : vector<16xf32>
      %swap3A_450 = arith.index_cast %add3A_439 : i32 to index
      %swap3A_451 = arith.constant 0 : index
      %swap3A_452 = tpu.vector_load %arg19[%swap3A_450, %swap3A_451] {strides = array<i32>} : memref<40x128xf32, #tpu.memory_space<vmem>>, vector<16xf32>,
      tpu.vector_store %arg19[%swap3A_450, %swap3A_451], %max3A_449 {strides = array<i32>} : memref<40x128xf32, #tpu.memory_space<vmem>>, vector<16xf32>,
      %get3A_453 = arith.index_cast %add3A_439 : i32 to index
      %get3A_454 = arith.constant 16 : index
      %get3A_455 = tpu.vector_load %arg16[%get3A_453, %get3A_454] {strides = array<i32>} : memref<40x128xf32, #tpu.memory_space<vmem>>, vector<16xf32>,
      %get3A_456 = arith.index_cast %add3A_439 : i32 to index
      %get3A_457 = arith.constant 16 : index
      %get3A_458 = tpu.vector_load %arg17[%get3A_456, %get3A_457] {strides = array<i32>} : memref<40x128xf32, #tpu.memory_space<vmem>>, vector<16xf32>,
      %add3A_459 = arith.addf %get3A_455, %get3A_458 : vector<16xf32>
      %max3A_460 = arith.constant 0.000000e+00 : f32
      %max3A_461 = vector.broadcast %max3A_460 : f32 to vector<16xf32>
      %max3A_462 = arith.maximumf %add3A_459, %max3A_461 : vector<16xf32>
      %swap3A_463 = arith.index_cast %add3A_439 : i32 to index
      %swap3A_464 = arith.constant 16 : index
      %swap3A_465 = tpu.vector_load %arg19[%swap3A_463, %swap3A_464] {strides = array<i32>} : memref<40x128xf32, #tpu.memory_space<vmem>>, vector<16xf32>,
      tpu.vector_store %arg19[%swap3A_463, %swap3A_464], %max3A_462 {strides = array<i32>} : memref<40x128xf32, #tpu.memory_space<vmem>>, vector<16xf32>,
      %get3A_466 = arith.index_cast %add3A_439 : i32 to index
      %get3A_467 = arith.constant 32 : index
      %get3A_468 = tpu.vector_load %arg16[%get3A_466, %get3A_467] {strides = array<i32>} : memref<40x128xf32, #tpu.memory_space<vmem>>, vector<16xf32>,
      %get3A_469 = arith.index_cast %add3A_439 : i32 to index
      %get3A_470 = arith.constant 32 : index
      %get3A_471 = tpu.vector_load %arg17[%get3A_469, %get3A_470] {strides = array<i32>} : memref<40x128xf32, #tpu.memory_space<vmem>>, vector<16xf32>,
      %add3A_472 = arith.addf %get3A_468, %get3A_471 : vector<16xf32>
      %max3A_473 = arith.constant 0.000000e+00 : f32
      %max3A_474 = vector.broadcast %max3A_473 : f32 to vector<16xf32>
      %max3A_475 = arith.maximumf %add3A_472, %max3A_474 : vector<16xf32>
      %swap3A_476 = arith.index_cast %add3A_439 : i32 to index
      %swap3A_477 = arith.constant 32 : index
      %swap3A_478 = tpu.vector_load %arg19[%swap3A_476, %swap3A_477] {strides = array<i32>} : memref<40x128xf32, #tpu.memory_space<vmem>>, vector<16xf32>,
      tpu.vector_store %arg19[%swap3A_476, %swap3A_477], %max3A_475 {strides = array<i32>} : memref<40x128xf32, #tpu.memory_space<vmem>>, vector<16xf32>,
      %get3A_479 = arith.index_cast %add3A_439 : i32 to index
      %get3A_480 = arith.constant 48 : index
      %get3A_481 = tpu.vector_load %arg16[%get3A_479, %get3A_480] {strides = array<i32>} : memref<40x128xf32, #tpu.memory_space<vmem>>, vector<16xf32>,
      %get3A_482 = arith.index_cast %add3A_439 : i32 to index
      %get3A_483 = arith.constant 48 : index
      %get3A_484 = tpu.vector_load %arg17[%get3A_482, %get3A_483] {strides = array<i32>} : memref<40x128xf32, #tpu.memory_space<vmem>>, vector<16xf32>,
      %add3A_485 = arith.addf %get3A_481, %get3A_484 : vector<16xf32>
      %max3A_486 = arith.constant 0.000000e+00 : f32
      %max3A_487 = vector.broadcast %max3A_486 : f32 to vector<16xf32>
      %max3A_488 = arith.maximumf %add3A_485, %max3A_487 : vector<16xf32>
      %swap3A_489 = arith.index_cast %add3A_439 : i32 to index
      %swap3A_490 = arith.constant 48 : index
      %swap3A_491 = tpu.vector_load %arg19[%swap3A_489, %swap3A_490] {strides = array<i32>} : memref<40x128xf32, #tpu.memory_space<vmem>>, vector<16xf32>,
      tpu.vector_store %arg19[%swap3A_489, %swap3A_490], %max3A_488 {strides = array<i32>} : memref<40x128xf32, #tpu.memory_space<vmem>>, vector<16xf32>,
      %get3A_492 = arith.index_cast %add3A_439 : i32 to index
      %get3A_493 = arith.constant 64 : index
      %get3A_494 = tpu.vector_load %arg16[%get3A_492, %get3A_493] {strides = array<i32>} : memref<40x128xf32, #tpu.memory_space<vmem>>, vector<16xf32>,
      %get3A_495 = arith.index_cast %add3A_439 : i32 to index
      %get3A_496 = arith.constant 64 : index
      %get3A_497 = tpu.vector_load %arg17[%get3A_495, %get3A_496] {strides = array<i32>} : memref<40x128xf32, #tpu.memory_space<vmem>>, vector<16xf32>,
      %add3A_498 = arith.addf %get3A_494, %get3A_497 : vector<16xf32>
      %max3A_499 = arith.constant 0.000000e+00 : f32
      %max3A_500 = vector.broadcast %max3A_499 : f32 to vector<16xf32>
      %max3A_501 = arith.maximumf %add3A_498, %max3A_500 : vector<16xf32>
      %swap3A_502 = arith.index_cast %add3A_439 : i32 to index
      %swap3A_503 = arith.constant 64 : index
      %swap3A_504 = tpu.vector_load %arg19[%swap3A_502, %swap3A_503] {strides = array<i32>} : memref<40x128xf32, #tpu.memory_space<vmem>>, vector<16xf32>,
      tpu.vector_store %arg19[%swap3A_502, %swap3A_503], %max3A_501 {strides = array<i32>} : memref<40x128xf32, #tpu.memory_space<vmem>>, vector<16xf32>,
      %get3A_505 = arith.index_cast %add3A_439 : i32 to index
      %get3A_506 = arith.constant 80 : index
      %get3A_507 = tpu.vector_load %arg16[%get3A_505, %get3A_506] {strides = array<i32>} : memref<40x128xf32, #tpu.memory_space<vmem>>, vector<16xf32>,
      %get3A_508 = arith.index_cast %add3A_439 : i32 to index
      %get3A_509 = arith.constant 80 : index
      %get3A_510 = tpu.vector_load %arg17[%get3A_508, %get3A_509] {strides = array<i32>} : memref<40x128xf32, #tpu.memory_space<vmem>>, vector<16xf32>,
      %add3A_511 = arith.addf %get3A_507, %get3A_510 : vector<16xf32>
      %max3A_512 = arith.constant 0.000000e+00 : f32
      %max3A_513 = vector.broadcast %max3A_512 : f32 to vector<16xf32>
      %max3A_514 = arith.maximumf %add3A_511, %max3A_513 : vector<16xf32>
      %swap3A_515 = arith.index_cast %add3A_439 : i32 to index
      %swap3A_516 = arith.constant 80 : index
      %swap3A_517 = tpu.vector_load %arg19[%swap3A_515, %swap3A_516] {strides = array<i32>} : memref<40x128xf32, #tpu.memory_space<vmem>>, vector<16xf32>,
      tpu.vector_store %arg19[%swap3A_515, %swap3A_516], %max3A_514 {strides = array<i32>} : memref<40x128xf32, #tpu.memory_space<vmem>>, vector<16xf32>,
      %get3A_518 = arith.index_cast %add3A_439 : i32 to index
      %get3A_519 = arith.constant 96 : index
      %get3A_520 = tpu.vector_load %arg16[%get3A_518, %get3A_519] {strides = array<i32>} : memref<40x128xf32, #tpu.memory_space<vmem>>, vector<16xf32>,
      %get3A_521 = arith.index_cast %add3A_439 : i32 to index
      %get3A_522 = arith.constant 96 : index
      %get3A_523 = tpu.vector_load %arg17[%get3A_521, %get3A_522] {strides = array<i32>} : memref<40x128xf32, #tpu.memory_space<vmem>>, vector<16xf32>,
      %add3A_524 = arith.addf %get3A_520, %get3A_523 : vector<16xf32>
      %max3A_525 = arith.constant 0.000000e+00 : f32
      %max3A_526 = vector.broadcast %max3A_525 : f32 to vector<16xf32>
      %max3A_527 = arith.maximumf %add3A_524, %max3A_526 : vector<16xf32>
      %swap3A_528 = arith.index_cast %add3A_439 : i32 to index
      %swap3A_529 = arith.constant 96 : index
      %swap3A_530 = tpu.vector_load %arg19[%swap3A_528, %swap3A_529] {strides = array<i32>} : memref<40x128xf32, #tpu.memory_space<vmem>>, vector<16xf32>,
      tpu.vector_store %arg19[%swap3A_528, %swap3A_529], %max3A_527 {strides = array<i32>} : memref<40x128xf32, #tpu.memory_space<vmem>>, vector<16xf32>,
      %get3A_531 = arith.index_cast %add3A_439 : i32 to index
      %get3A_532 = arith.constant 112 : index
      %get3A_533 = tpu.vector_load %arg16[%get3A_531, %get3A_532] {strides = array<i32>} : memref<40x128xf32, #tpu.memory_space<vmem>>, vector<16xf32>,
      %get3A_534 = arith.index_cast %add3A_439 : i32 to index
      %get3A_535 = arith.constant 112 : index
      %get3A_536 = tpu.vector_load %arg17[%get3A_534, %get3A_535] {strides = array<i32>} : memref<40x128xf32, #tpu.memory_space<vmem>>, vector<16xf32>,
      %add3A_537 = arith.addf %get3A_533, %get3A_536 : vector<16xf32>
      %max3A_538 = arith.constant 0.000000e+00 : f32
      %max3A_539 = vector.broadcast %max3A_538 : f32 to vector<16xf32>
      %max3A_540 = arith.maximumf %add3A_537, %max3A_539 : vector<16xf32>
      %swap3A_541 = arith.index_cast %add3A_439 : i32 to index
      %swap3A_542 = arith.constant 112 : index
      %swap3A_543 = tpu.vector_load %arg19[%swap3A_541, %swap3A_542] {strides = array<i32>} : memref<40x128xf32, #tpu.memory_space<vmem>>, vector<16xf32>,
      tpu.vector_store %arg19[%swap3A_541, %swap3A_542], %max3A_540 {strides = array<i32>} : memref<40x128xf32, #tpu.memory_space<vmem>>, vector<16xf32>,
      %scan3A_544 = arith.constant 0 : i32
      scf.yield %scan3A_544 : i32
    }
    %scan3A_190 = arith.constant 20 : i32
    %dma_wait3A_191 = arith.constant 0 : i32
    %dma_wait3A_192 = arith.constant 0 : i32
    %dma_wait3A_193 = tpu.memref_slice %arg5[%add3A, %dma_wait3A_191, %dma_wait3A_192] : memref<32x250x40xi32, #tpu.memory_space<hbm>> -> memref<1x1x40xi32, #tpu.memory_space<hbm>>
    %dma_wait3A_194 = tpu.memref_squeeze %dma_wait3A_193 : memref<1x1x40xi32, #tpu.memory_space<hbm>> -> memref<40xi32, #tpu.memory_space<hbm>>
    %dma_wait3A_195 = arith.constant 0 : i32
    %dma_wait3A_196 = tpu.memref_slice %arg5[%add3A, %dma_wait3A_191, %dma_wait3A_195] : memref<32x250x40xi32, #tpu.memory_space<hbm>> -> memref<1x1x40xi32, #tpu.memory_space<hbm>>
    %dma_wait3A_197 = tpu.memref_squeeze %dma_wait3A_196 : memref<1x1x40xi32, #tpu.memory_space<hbm>> -> memref<40xi32, #tpu.memory_space<hbm>>
    tpu.wait_dma2 semaphore(%arg28 : memref<!tpu.dma_semaphore, #tpu.memory_space<semaphore_mem>>) src(%dma_wait3A_197 : memref<40xi32, #tpu.memory_space<hbm>>) dst(%arg11 : memref<40xi32, #tpu.memory_space<vmem>>)
    %dma_wait3A_198 = arith.constant 0 : i32
    %dma_wait3A_199 = arith.constant 0 : i32
    %dma_wait3A_200 = tpu.memref_slice %arg4[%add3A, %dma_wait3A_198, %dma_wait3A_199] : memref<32x250x40xi32, #tpu.memory_space<hbm>> -> memref<1x1x40xi32, #tpu.memory_space<hbm>>
    %dma_wait3A_201 = tpu.memref_squeeze %dma_wait3A_200 : memref<1x1x40xi32, #tpu.memory_space<hbm>> -> memref<40xi32, #tpu.memory_space<hbm>>
    %dma_wait3A_202 = arith.constant 0 : i32
    %dma_wait3A_203 = tpu.memref_slice %arg4[%add3A, %dma_wait3A_198, %dma_wait3A_202] : memref<32x250x40xi32, #tpu.memory_space<hbm>> -> memref<1x1x40xi32, #tpu.memory_space<hbm>>
    %dma_wait3A_204 = tpu.memref_squeeze %dma_wait3A_203 : memref<1x1x40xi32, #tpu.memory_space<hbm>> -> memref<40xi32, #tpu.memory_space<hbm>>
    tpu.wait_dma2 semaphore(%arg28 : memref<!tpu.dma_semaphore, #tpu.memory_space<semaphore_mem>>) src(%dma_wait3A_204 : memref<40xi32, #tpu.memory_space<hbm>>) dst(%arg12 : memref<40xi32, #tpu.memory_space<vmem>>)
    %dma_start3A_205 = arith.constant 0 : i32
    %dma_start3A_206 = arith.constant 0 : i32
    %dma_start3A_207 = tpu.memref_slice %arg2[%dma_start3A_205, %dma_start3A_206] : memref<10000x128xf32, #tpu.memory_space<hbm>> -> memref<10000x128xf32, #tpu.memory_space<hbm>>
    tpu.enqueue_indirect_dma source(%dma_start3A_207 : memref<10000x128xf32, #tpu.memory_space<hbm>>) target(%arg16 : memref<40x128xf32, #tpu.memory_space<vmem>>) offsets(%arg11 : memref<40xi32, #tpu.memory_space<vmem>>) semaphore(%arg24 : memref<!tpu.dma_semaphore, #tpu.memory_space<semaphore_mem>>)
    %dma_start3A_208 = arith.constant 0 : i32
    %dma_start3A_209 = arith.constant 0 : i32
    %dma_start3A_210 = tpu.memref_slice %arg3[%dma_start3A_208, %dma_start3A_209] : memref<10000x128xf32, #tpu.memory_space<hbm>> -> memref<10000x128xf32, #tpu.memory_space<hbm>>
    tpu.enqueue_indirect_dma source(%dma_start3A_210 : memref<10000x128xf32, #tpu.memory_space<hbm>>) target(%arg17 : memref<40x128xf32, #tpu.memory_space<vmem>>) offsets(%arg12 : memref<40xi32, #tpu.memory_space<vmem>>) semaphore(%arg24 : memref<!tpu.dma_semaphore, #tpu.memory_space<semaphore_mem>>)
    %dma_wait3A_211 = arith.constant 0 : i32
    %dma_wait3A_212 = arith.constant 0 : i32
    %dma_wait3A_213 = tpu.memref_slice %arg5[%add3A, %dma_wait3A_211, %dma_wait3A_212] : memref<32x250x40xi32, #tpu.memory_space<hbm>> -> memref<1x1x40xi32, #tpu.memory_space<hbm>>
    %dma_wait3A_214 = tpu.memref_squeeze %dma_wait3A_213 : memref<1x1x40xi32, #tpu.memory_space<hbm>> -> memref<40xi32, #tpu.memory_space<hbm>>
    %dma_wait3A_215 = arith.constant 0 : i32
    %dma_wait3A_216 = tpu.memref_slice %arg5[%add3A, %dma_wait3A_211, %dma_wait3A_215] : memref<32x250x40xi32, #tpu.memory_space<hbm>> -> memref<1x1x40xi32, #tpu.memory_space<hbm>>
    %dma_wait3A_217 = tpu.memref_squeeze %dma_wait3A_216 : memref<1x1x40xi32, #tpu.memory_space<hbm>> -> memref<40xi32, #tpu.memory_space<hbm>>
    tpu.wait_dma2 semaphore(%arg30 : memref<!tpu.dma_semaphore, #tpu.memory_space<semaphore_mem>>) src(%dma_wait3A_217 : memref<40xi32, #tpu.memory_space<hbm>>) dst(%arg13 : memref<40xi32, #tpu.memory_space<vmem>>)
    %dma_start3A_218 = arith.constant 0 : i32
    %dma_start3A_219 = arith.constant 0 : i32
    %dma_start3A_220 = tpu.memref_slice %arg21[%dma_start3A_218, %dma_start3A_219] : memref<10240x128xf32, #tpu.memory_space<vmem_shared>> -> memref<10240x128xf32, #tpu.memory_space<vmem_shared>>
    tpu.enqueue_indirect_dma source(%arg19 : memref<40x128xf32, #tpu.memory_space<vmem>>) target(%dma_start3A_220 : memref<10240x128xf32, #tpu.memory_space<vmem_shared>>) offsets(%arg13 : memref<40xi32, #tpu.memory_space<vmem>>) semaphore(%arg26 : memref<!tpu.dma_semaphore, #tpu.memory_space<semaphore_mem>>) {add = true}
    %dma_start3A_221 = arith.constant 0 : i32
    %dma_start3A_222 = arith.constant 0 : i32
    %dma_start3A_223 = tpu.memref_slice %arg22[%dma_start3A_221, %dma_start3A_222] : memref<10240x16xf32, #tpu.memory_space<vmem_shared>> -> memref<10240x16xf32, #tpu.memory_space<vmem_shared>>
    tpu.enqueue_indirect_dma source(%arg20 : memref<40x16xf32, #tpu.memory_space<vmem>>) target(%dma_start3A_223 : memref<10240x16xf32, #tpu.memory_space<vmem_shared>>) offsets(%arg13 : memref<40xi32, #tpu.memory_space<vmem>>) semaphore(%arg26 : memref<!tpu.dma_semaphore, #tpu.memory_space<semaphore_mem>>) {add = true}
    %scan3A_224 = arith.constant 0 : i32
    %scan3A_225 = arith.constant 0 : i32
    %scan3A_226 = arith.constant 123 : i32
    %scan3A_227 = arith.addi %scan3A_225, %scan3A_226 : i32
    %scan3A_228 = arith.constant 1 : i32
    %scan3A_229 = scf.for %scan3A_329 = %scan3A_225 to %scan3A_227 step %scan3A_228 iter_args(%scan3A_330 = %scan3A_224) -> (i32)  : i32 {
      %mul3A_331 = arith.constant 2 : i32
      %mul3A_332 = arith.muli %mul3A_331, %scan3A_329 : i32
      %add3A_333 = arith.constant 2 : i32
      %add3A_334 = arith.addi %mul3A_332, %add3A_333 : i32
      %dma_wait3A_335 = arith.constant 0 : i32
      %dma_wait3A_336 = arith.constant 0 : i32
      %dma_wait3A_337 = tpu.memref_slice %arg21[%dma_wait3A_335, %dma_wait3A_336] : memref<10240x128xf32, #tpu.memory_space<vmem_shared>> -> memref<10240x128xf32, #tpu.memory_space<vmem_shared>>
      tpu.wait_indirect_dma semaphore(%arg25 : memref<!tpu.dma_semaphore, #tpu.memory_space<semaphore_mem>>) src(%arg18 : memref<40x128xf32, #tpu.memory_space<vmem>>) dst(%dma_wait3A_337 : memref<10240x128xf32, #tpu.memory_space<vmem_shared>>)
      %dma_wait3A_338 = arith.constant 0 : i32
      %dma_wait3A_339 = arith.constant 0 : i32
      %dma_wait3A_340 = tpu.memref_slice %arg22[%dma_wait3A_338, %dma_wait3A_339] : memref<10240x16xf32, #tpu.memory_space<vmem_shared>> -> memref<10240x16xf32, #tpu.memory_space<vmem_shared>>
      tpu.wait_indirect_dma semaphore(%arg25 : memref<!tpu.dma_semaphore, #tpu.memory_space<semaphore_mem>>) src(%arg20 : memref<40x16xf32, #tpu.memory_space<vmem>>) dst(%dma_wait3A_340 : memref<10240x16xf32, #tpu.memory_space<vmem_shared>>)
      %dma_start3A_341 = arith.constant 0 : i32
      %dma_start3A_342 = tpu.memref_slice %arg5[%add3A, %add3A_334, %dma_start3A_341] : memref<32x250x40xi32, #tpu.memory_space<hbm>> -> memref<1x1x40xi32, #tpu.memory_space<hbm>>
      %dma_start3A_343 = tpu.memref_squeeze %dma_start3A_342 : memref<1x1x40xi32, #tpu.memory_space<hbm>> -> memref<40xi32, #tpu.memory_space<hbm>>
      %dma_start3A_344 = arith.constant 0 : i32
      %dma_start3A_345 = tpu.memref_slice %arg5[%add3A, %add3A_334, %dma_start3A_344] : memref<32x250x40xi32, #tpu.memory_space<hbm>> -> memref<1x1x40xi32, #tpu.memory_space<hbm>>
      %dma_start3A_346 = tpu.memref_squeeze %dma_start3A_345 : memref<1x1x40xi32, #tpu.memory_space<hbm>> -> memref<40xi32, #tpu.memory_space<hbm>>
      tpu.enqueue_dma source(%dma_start3A_346 : memref<40xi32, #tpu.memory_space<hbm>>) target(%arg10 : memref<40xi32, #tpu.memory_space<vmem>>) target_semaphore(%arg29 : memref<!tpu.dma_semaphore, #tpu.memory_space<semaphore_mem>>)
      %dma_wait3A_347 = arith.constant 0 : i32
      %dma_wait3A_348 = arith.constant 0 : i32
      %dma_wait3A_349 = tpu.memref_slice %arg2[%dma_wait3A_347, %dma_wait3A_348] : memref<10000x128xf32, #tpu.memory_space<hbm>> -> memref<10000x128xf32, #tpu.memory_space<hbm>>
      tpu.wait_indirect_dma semaphore(%arg23 : memref<!tpu.dma_semaphore, #tpu.memory_space<semaphore_mem>>) src(%dma_wait3A_349 : memref<10000x128xf32, #tpu.memory_space<hbm>>) dst(%arg14 : memref<40x128xf32, #tpu.memory_space<vmem>>)
      %dma_wait3A_350 = arith.constant 0 : i32
      %dma_wait3A_351 = arith.constant 0 : i32
      %dma_wait3A_352 = tpu.memref_slice %arg3[%dma_wait3A_350, %dma_wait3A_351] : memref<10000x128xf32, #tpu.memory_space<hbm>> -> memref<10000x128xf32, #tpu.memory_space<hbm>>
      tpu.wait_indirect_dma semaphore(%arg23 : memref<!tpu.dma_semaphore, #tpu.memory_space<semaphore_mem>>) src(%dma_wait3A_352 : memref<10000x128xf32, #tpu.memory_space<hbm>>) dst(%arg15 : memref<40x128xf32, #tpu.memory_space<vmem>>)
      %add3A_353 = arith.constant 2 : i32
      %add3A_354 = arith.addi %add3A_334, %add3A_353 : i32
      %dma_start3A_355 = arith.constant 0 : i32
      %dma_start3A_356 = tpu.memref_slice %arg5[%add3A, %add3A_354, %dma_start3A_355] : memref<32x250x40xi32, #tpu.memory_space<hbm>> -> memref<1x1x40xi32, #tpu.memory_space<hbm>>
      %dma_start3A_357 = tpu.memref_squeeze %dma_start3A_356 : memref<1x1x40xi32, #tpu.memory_space<hbm>> -> memref<40xi32, #tpu.memory_space<hbm>>
      %dma_start3A_358 = arith.constant 0 : i32
      %dma_start3A_359 = tpu.memref_slice %arg5[%add3A, %add3A_354, %dma_start3A_358] : memref<32x250x40xi32, #tpu.memory_space<hbm>> -> memref<1x1x40xi32, #tpu.memory_space<hbm>>
      %dma_start3A_360 = tpu.memref_squeeze %dma_start3A_359 : memref<1x1x40xi32, #tpu.memory_space<hbm>> -> memref<40xi32, #tpu.memory_space<hbm>>
      tpu.enqueue_dma source(%dma_start3A_360 : memref<40xi32, #tpu.memory_space<hbm>>) target(%arg8 : memref<40xi32, #tpu.memory_space<vmem>>) target_semaphore(%arg27 : memref<!tpu.dma_semaphore, #tpu.memory_space<semaphore_mem>>)
      %dma_start3A_361 = arith.constant 0 : i32
      %dma_start3A_362 = tpu.memref_slice %arg4[%add3A, %add3A_354, %dma_start3A_361] : memref<32x250x40xi32, #tpu.memory_space<hbm>> -> memref<1x1x40xi32, #tpu.memory_space<hbm>>
      %dma_start3A_363 = tpu.memref_squeeze %dma_start3A_362 : memref<1x1x40xi32, #tpu.memory_space<hbm>> -> memref<40xi32, #tpu.memory_space<hbm>>
      %dma_start3A_364 = arith.constant 0 : i32
      %dma_start3A_365 = tpu.memref_slice %arg4[%add3A, %add3A_354, %dma_start3A_364] : memref<32x250x40xi32, #tpu.memory_space<hbm>> -> memref<1x1x40xi32, #tpu.memory_space<hbm>>
      %dma_start3A_366 = tpu.memref_squeeze %dma_start3A_365 : memref<1x1x40xi32, #tpu.memory_space<hbm>> -> memref<40xi32, #tpu.memory_space<hbm>>
      tpu.enqueue_dma source(%dma_start3A_366 : memref<40xi32, #tpu.memory_space<hbm>>) target(%arg9 : memref<40xi32, #tpu.memory_space<vmem>>) target_semaphore(%arg27 : memref<!tpu.dma_semaphore, #tpu.memory_space<semaphore_mem>>)
      %scan3A_367 = arith.constant 0 : i32
      %scan3A_368 = arith.constant 0 : i32
      %scan3A_369 = arith.constant 20 : i32
      %scan3A_370 = arith.addi %scan3A_368, %scan3A_369 : i32
      %scan3A_371 = arith.constant 1 : i32
      %scan3A_372 = scf.for %scan3A_484 = %scan3A_368 to %scan3A_370 step %scan3A_371 iter_args(%scan3A_485 = %scan3A_367) -> (i32)  : i32 {
        %mul3A_486 = arith.constant 2 : i32
        %mul3A_487 = arith.muli %scan3A_484, %mul3A_486 : i32
        %add3A_488 = arith.constant 0 : i32
        %add3A_489 = arith.addi %mul3A_487, %add3A_488 : i32
        %get3A = arith.index_cast %add3A_489 : i32 to index
        %get3A_490 = arith.constant 0 : index
        %get3A_491 = tpu.vector_load %arg14[%get3A, %get3A_490] {strides = array<i32>} : memref<40x128xf32, #tpu.memory_space<vmem>>, vector<16xf32>,
        %get3A_492 = arith.index_cast %add3A_489 : i32 to index
        %get3A_493 = arith.constant 0 : index
        %get3A_494 = tpu.vector_load %arg15[%get3A_492, %get3A_493] {strides = array<i32>} : memref<40x128xf32, #tpu.memory_space<vmem>>, vector<16xf32>,
        %add3A_495 = arith.addf %get3A_491, %get3A_494 : vector<16xf32>
        %max3A = arith.constant 0.000000e+00 : f32
        %max3A_496 = vector.broadcast %max3A : f32 to vector<16xf32>
        %max3A_497 = arith.maximumf %add3A_495, %max3A_496 : vector<16xf32>
        %swap3A = arith.index_cast %add3A_489 : i32 to index
        %swap3A_498 = arith.constant 0 : index
        %swap3A_499 = tpu.vector_load %arg18[%swap3A, %swap3A_498] {strides = array<i32>} : memref<40x128xf32, #tpu.memory_space<vmem>>, vector<16xf32>,
        tpu.vector_store %arg18[%swap3A, %swap3A_498], %max3A_497 {strides = array<i32>} : memref<40x128xf32, #tpu.memory_space<vmem>>, vector<16xf32>,
        %get3A_500 = arith.index_cast %add3A_489 : i32 to index
        %get3A_501 = arith.constant 16 : index
        %get3A_502 = tpu.vector_load %arg14[%get3A_500, %get3A_501] {strides = array<i32>} : memref<40x128xf32, #tpu.memory_space<vmem>>, vector<16xf32>,
        %get3A_503 = arith.index_cast %add3A_489 : i32 to index
        %get3A_504 = arith.constant 16 : index
        %get3A_505 = tpu.vector_load %arg15[%get3A_503, %get3A_504] {strides = array<i32>} : memref<40x128xf32, #tpu.memory_space<vmem>>, vector<16xf32>,
        %add3A_506 = arith.addf %get3A_502, %get3A_505 : vector<16xf32>
        %max3A_507 = arith.constant 0.000000e+00 : f32
        %max3A_508 = vector.broadcast %max3A_507 : f32 to vector<16xf32>
        %max3A_509 = arith.maximumf %add3A_506, %max3A_508 : vector<16xf32>
        %swap3A_510 = arith.index_cast %add3A_489 : i32 to index
        %swap3A_511 = arith.constant 16 : index
        %swap3A_512 = tpu.vector_load %arg18[%swap3A_510, %swap3A_511] {strides = array<i32>} : memref<40x128xf32, #tpu.memory_space<vmem>>, vector<16xf32>,
        tpu.vector_store %arg18[%swap3A_510, %swap3A_511], %max3A_509 {strides = array<i32>} : memref<40x128xf32, #tpu.memory_space<vmem>>, vector<16xf32>,
        %get3A_513 = arith.index_cast %add3A_489 : i32 to index
        %get3A_514 = arith.constant 32 : index
        %get3A_515 = tpu.vector_load %arg14[%get3A_513, %get3A_514] {strides = array<i32>} : memref<40x128xf32, #tpu.memory_space<vmem>>, vector<16xf32>,
        %get3A_516 = arith.index_cast %add3A_489 : i32 to index
        %get3A_517 = arith.constant 32 : index
        %get3A_518 = tpu.vector_load %arg15[%get3A_516, %get3A_517] {strides = array<i32>} : memref<40x128xf32, #tpu.memory_space<vmem>>, vector<16xf32>,
        %add3A_519 = arith.addf %get3A_515, %get3A_518 : vector<16xf32>
        %max3A_520 = arith.constant 0.000000e+00 : f32
        %max3A_521 = vector.broadcast %max3A_520 : f32 to vector<16xf32>
        %max3A_522 = arith.maximumf %add3A_519, %max3A_521 : vector<16xf32>
        %swap3A_523 = arith.index_cast %add3A_489 : i32 to index
        %swap3A_524 = arith.constant 32 : index
        %swap3A_525 = tpu.vector_load %arg18[%swap3A_523, %swap3A_524] {strides = array<i32>} : memref<40x128xf32, #tpu.memory_space<vmem>>, vector<16xf32>,
        tpu.vector_store %arg18[%swap3A_523, %swap3A_524], %max3A_522 {strides = array<i32>} : memref<40x128xf32, #tpu.memory_space<vmem>>, vector<16xf32>,
        %get3A_526 = arith.index_cast %add3A_489 : i32 to index
        %get3A_527 = arith.constant 48 : index
        %get3A_528 = tpu.vector_load %arg14[%get3A_526, %get3A_527] {strides = array<i32>} : memref<40x128xf32, #tpu.memory_space<vmem>>, vector<16xf32>,
        %get3A_529 = arith.index_cast %add3A_489 : i32 to index
        %get3A_530 = arith.constant 48 : index
        %get3A_531 = tpu.vector_load %arg15[%get3A_529, %get3A_530] {strides = array<i32>} : memref<40x128xf32, #tpu.memory_space<vmem>>, vector<16xf32>,
        %add3A_532 = arith.addf %get3A_528, %get3A_531 : vector<16xf32>
        %max3A_533 = arith.constant 0.000000e+00 : f32
        %max3A_534 = vector.broadcast %max3A_533 : f32 to vector<16xf32>
        %max3A_535 = arith.maximumf %add3A_532, %max3A_534 : vector<16xf32>
        %swap3A_536 = arith.index_cast %add3A_489 : i32 to index
        %swap3A_537 = arith.constant 48 : index
        %swap3A_538 = tpu.vector_load %arg18[%swap3A_536, %swap3A_537] {strides = array<i32>} : memref<40x128xf32, #tpu.memory_space<vmem>>, vector<16xf32>,
        tpu.vector_store %arg18[%swap3A_536, %swap3A_537], %max3A_535 {strides = array<i32>} : memref<40x128xf32, #tpu.memory_space<vmem>>, vector<16xf32>,
        %get3A_539 = arith.index_cast %add3A_489 : i32 to index
        %get3A_540 = arith.constant 64 : index
        %get3A_541 = tpu.vector_load %arg14[%get3A_539, %get3A_540] {strides = array<i32>} : memref<40x128xf32, #tpu.memory_space<vmem>>, vector<16xf32>,
        %get3A_542 = arith.index_cast %add3A_489 : i32 to index
        %get3A_543 = arith.constant 64 : index
        %get3A_544 = tpu.vector_load %arg15[%get3A_542, %get3A_543] {strides = array<i32>} : memref<40x128xf32, #tpu.memory_space<vmem>>, vector<16xf32>,
        %add3A_545 = arith.addf %get3A_541, %get3A_544 : vector<16xf32>
        %max3A_546 = arith.constant 0.000000e+00 : f32
        %max3A_547 = vector.broadcast %max3A_546 : f32 to vector<16xf32>
        %max3A_548 = arith.maximumf %add3A_545, %max3A_547 : vector<16xf32>
        %swap3A_549 = arith.index_cast %add3A_489 : i32 to index
        %swap3A_550 = arith.constant 64 : index
        %swap3A_551 = tpu.vector_load %arg18[%swap3A_549, %swap3A_550] {strides = array<i32>} : memref<40x128xf32, #tpu.memory_space<vmem>>, vector<16xf32>,
        tpu.vector_store %arg18[%swap3A_549, %swap3A_550], %max3A_548 {strides = array<i32>} : memref<40x128xf32, #tpu.memory_space<vmem>>, vector<16xf32>,
        %get3A_552 = arith.index_cast %add3A_489 : i32 to index
        %get3A_553 = arith.constant 80 : index
        %get3A_554 = tpu.vector_load %arg14[%get3A_552, %get3A_553] {strides = array<i32>} : memref<40x128xf32, #tpu.memory_space<vmem>>, vector<16xf32>,
        %get3A_555 = arith.index_cast %add3A_489 : i32 to index
        %get3A_556 = arith.constant 80 : index
        %get3A_557 = tpu.vector_load %arg15[%get3A_555, %get3A_556] {strides = array<i32>} : memref<40x128xf32, #tpu.memory_space<vmem>>, vector<16xf32>,
        %add3A_558 = arith.addf %get3A_554, %get3A_557 : vector<16xf32>
        %max3A_559 = arith.constant 0.000000e+00 : f32
        %max3A_560 = vector.broadcast %max3A_559 : f32 to vector<16xf32>
        %max3A_561 = arith.maximumf %add3A_558, %max3A_560 : vector<16xf32>
        %swap3A_562 = arith.index_cast %add3A_489 : i32 to index
        %swap3A_563 = arith.constant 80 : index
        %swap3A_564 = tpu.vector_load %arg18[%swap3A_562, %swap3A_563] {strides = array<i32>} : memref<40x128xf32, #tpu.memory_space<vmem>>, vector<16xf32>,
        tpu.vector_store %arg18[%swap3A_562, %swap3A_563], %max3A_561 {strides = array<i32>} : memref<40x128xf32, #tpu.memory_space<vmem>>, vector<16xf32>,
        %get3A_565 = arith.index_cast %add3A_489 : i32 to index
        %get3A_566 = arith.constant 96 : index
        %get3A_567 = tpu.vector_load %arg14[%get3A_565, %get3A_566] {strides = array<i32>} : memref<40x128xf32, #tpu.memory_space<vmem>>, vector<16xf32>,
        %get3A_568 = arith.index_cast %add3A_489 : i32 to index
        %get3A_569 = arith.constant 96 : index
        %get3A_570 = tpu.vector_load %arg15[%get3A_568, %get3A_569] {strides = array<i32>} : memref<40x128xf32, #tpu.memory_space<vmem>>, vector<16xf32>,
        %add3A_571 = arith.addf %get3A_567, %get3A_570 : vector<16xf32>
        %max3A_572 = arith.constant 0.000000e+00 : f32
        %max3A_573 = vector.broadcast %max3A_572 : f32 to vector<16xf32>
        %max3A_574 = arith.maximumf %add3A_571, %max3A_573 : vector<16xf32>
        %swap3A_575 = arith.index_cast %add3A_489 : i32 to index
        %swap3A_576 = arith.constant 96 : index
        %swap3A_577 = tpu.vector_load %arg18[%swap3A_575, %swap3A_576] {strides = array<i32>} : memref<40x128xf32, #tpu.memory_space<vmem>>, vector<16xf32>,
        tpu.vector_store %arg18[%swap3A_575, %swap3A_576], %max3A_574 {strides = array<i32>} : memref<40x128xf32, #tpu.memory_space<vmem>>, vector<16xf32>,
        %get3A_578 = arith.index_cast %add3A_489 : i32 to index
        %get3A_579 = arith.constant 112 : index
        %get3A_580 = tpu.vector_load %arg14[%get3A_578, %get3A_579] {strides = array<i32>} : memref<40x128xf32, #tpu.memory_space<vmem>>, vector<16xf32>,
        %get3A_581 = arith.index_cast %add3A_489 : i32 to index
        %get3A_582 = arith.constant 112 : index
        %get3A_583 = tpu.vector_load %arg15[%get3A_581, %get3A_582] {strides = array<i32>} : memref<40x128xf32, #tpu.memory_space<vmem>>, vector<16xf32>,
        %add3A_584 = arith.addf %get3A_580, %get3A_583 : vector<16xf32>
        %max3A_585 = arith.constant 0.000000e+00 : f32
        %max3A_586 = vector.broadcast %max3A_585 : f32 to vector<16xf32>
        %max3A_587 = arith.maximumf %add3A_584, %max3A_586 : vector<16xf32>
        %swap3A_588 = arith.index_cast %add3A_489 : i32 to index
        %swap3A_589 = arith.constant 112 : index
        %swap3A_590 = tpu.vector_load %arg18[%swap3A_588, %swap3A_589] {strides = array<i32>} : memref<40x128xf32, #tpu.memory_space<vmem>>, vector<16xf32>,
        tpu.vector_store %arg18[%swap3A_588, %swap3A_589], %max3A_587 {strides = array<i32>} : memref<40x128xf32, #tpu.memory_space<vmem>>, vector<16xf32>,
        %mul3A_591 = arith.constant 2 : i32
        %mul3A_592 = arith.muli %scan3A_484, %mul3A_591 : i32
        %add3A_593 = arith.constant 1 : i32
        %add3A_594 = arith.addi %mul3A_592, %add3A_593 : i32
        %get3A_595 = arith.index_cast %add3A_594 : i32 to index
        %get3A_596 = arith.constant 0 : index
        %get3A_597 = tpu.vector_load %arg14[%get3A_595, %get3A_596] {strides = array<i32>} : memref<40x128xf32, #tpu.memory_space<vmem>>, vector<16xf32>,
        %get3A_598 = arith.index_cast %add3A_594 : i32 to index
        %get3A_599 = arith.constant 0 : index
        %get3A_600 = tpu.vector_load %arg15[%get3A_598, %get3A_599] {strides = array<i32>} : memref<40x128xf32, #tpu.memory_space<vmem>>, vector<16xf32>,
        %add3A_601 = arith.addf %get3A_597, %get3A_600 : vector<16xf32>
        %max3A_602 = arith.constant 0.000000e+00 : f32
        %max3A_603 = vector.broadcast %max3A_602 : f32 to vector<16xf32>
        %max3A_604 = arith.maximumf %add3A_601, %max3A_603 : vector<16xf32>
        %swap3A_605 = arith.index_cast %add3A_594 : i32 to index
        %swap3A_606 = arith.constant 0 : index
        %swap3A_607 = tpu.vector_load %arg18[%swap3A_605, %swap3A_606] {strides = array<i32>} : memref<40x128xf32, #tpu.memory_space<vmem>>, vector<16xf32>,
        tpu.vector_store %arg18[%swap3A_605, %swap3A_606], %max3A_604 {strides = array<i32>} : memref<40x128xf32, #tpu.memory_space<vmem>>, vector<16xf32>,
        %get3A_608 = arith.index_cast %add3A_594 : i32 to index
        %get3A_609 = arith.constant 16 : index
        %get3A_610 = tpu.vector_load %arg14[%get3A_608, %get3A_609] {strides = array<i32>} : memref<40x128xf32, #tpu.memory_space<vmem>>, vector<16xf32>,
        %get3A_611 = arith.index_cast %add3A_594 : i32 to index
        %get3A_612 = arith.constant 16 : index
        %get3A_613 = tpu.vector_load %arg15[%get3A_611, %get3A_612] {strides = array<i32>} : memref<40x128xf32, #tpu.memory_space<vmem>>, vector<16xf32>,
        %add3A_614 = arith.addf %get3A_610, %get3A_613 : vector<16xf32>
        %max3A_615 = arith.constant 0.000000e+00 : f32
        %max3A_616 = vector.broadcast %max3A_615 : f32 to vector<16xf32>
        %max3A_617 = arith.maximumf %add3A_614, %max3A_616 : vector<16xf32>
        %swap3A_618 = arith.index_cast %add3A_594 : i32 to index
        %swap3A_619 = arith.constant 16 : index
        %swap3A_620 = tpu.vector_load %arg18[%swap3A_618, %swap3A_619] {strides = array<i32>} : memref<40x128xf32, #tpu.memory_space<vmem>>, vector<16xf32>,
        tpu.vector_store %arg18[%swap3A_618, %swap3A_619], %max3A_617 {strides = array<i32>} : memref<40x128xf32, #tpu.memory_space<vmem>>, vector<16xf32>,
        %get3A_621 = arith.index_cast %add3A_594 : i32 to index
        %get3A_622 = arith.constant 32 : index
        %get3A_623 = tpu.vector_load %arg14[%get3A_621, %get3A_622] {strides = array<i32>} : memref<40x128xf32, #tpu.memory_space<vmem>>, vector<16xf32>,
        %get3A_624 = arith.index_cast %add3A_594 : i32 to index
        %get3A_625 = arith.constant 32 : index
        %get3A_626 = tpu.vector_load %arg15[%get3A_624, %get3A_625] {strides = array<i32>} : memref<40x128xf32, #tpu.memory_space<vmem>>, vector<16xf32>,
        %add3A_627 = arith.addf %get3A_623, %get3A_626 : vector<16xf32>
        %max3A_628 = arith.constant 0.000000e+00 : f32
        %max3A_629 = vector.broadcast %max3A_628 : f32 to vector<16xf32>
        %max3A_630 = arith.maximumf %add3A_627, %max3A_629 : vector<16xf32>
        %swap3A_631 = arith.index_cast %add3A_594 : i32 to index
        %swap3A_632 = arith.constant 32 : index
        %swap3A_633 = tpu.vector_load %arg18[%swap3A_631, %swap3A_632] {strides = array<i32>} : memref<40x128xf32, #tpu.memory_space<vmem>>, vector<16xf32>,
        tpu.vector_store %arg18[%swap3A_631, %swap3A_632], %max3A_630 {strides = array<i32>} : memref<40x128xf32, #tpu.memory_space<vmem>>, vector<16xf32>,
        %get3A_634 = arith.index_cast %add3A_594 : i32 to index
        %get3A_635 = arith.constant 48 : index
        %get3A_636 = tpu.vector_load %arg14[%get3A_634, %get3A_635] {strides = array<i32>} : memref<40x128xf32, #tpu.memory_space<vmem>>, vector<16xf32>,
        %get3A_637 = arith.index_cast %add3A_594 : i32 to index
        %get3A_638 = arith.constant 48 : index
        %get3A_639 = tpu.vector_load %arg15[%get3A_637, %get3A_638] {strides = array<i32>} : memref<40x128xf32, #tpu.memory_space<vmem>>, vector<16xf32>,
        %add3A_640 = arith.addf %get3A_636, %get3A_639 : vector<16xf32>
        %max3A_641 = arith.constant 0.000000e+00 : f32
        %max3A_642 = vector.broadcast %max3A_641 : f32 to vector<16xf32>
        %max3A_643 = arith.maximumf %add3A_640, %max3A_642 : vector<16xf32>
        %swap3A_644 = arith.index_cast %add3A_594 : i32 to index
        %swap3A_645 = arith.constant 48 : index
        %swap3A_646 = tpu.vector_load %arg18[%swap3A_644, %swap3A_645] {strides = array<i32>} : memref<40x128xf32, #tpu.memory_space<vmem>>, vector<16xf32>,
        tpu.vector_store %arg18[%swap3A_644, %swap3A_645], %max3A_643 {strides = array<i32>} : memref<40x128xf32, #tpu.memory_space<vmem>>, vector<16xf32>,
        %get3A_647 = arith.index_cast %add3A_594 : i32 to index
        %get3A_648 = arith.constant 64 : index
        %get3A_649 = tpu.vector_load %arg14[%get3A_647, %get3A_648] {strides = array<i32>} : memref<40x128xf32, #tpu.memory_space<vmem>>, vector<16xf32>,
        %get3A_650 = arith.index_cast %add3A_594 : i32 to index
        %get3A_651 = arith.constant 64 : index
        %get3A_652 = tpu.vector_load %arg15[%get3A_650, %get3A_651] {strides = array<i32>} : memref<40x128xf32, #tpu.memory_space<vmem>>, vector<16xf32>,
        %add3A_653 = arith.addf %get3A_649, %get3A_652 : vector<16xf32>
        %max3A_654 = arith.constant 0.000000e+00 : f32
        %max3A_655 = vector.broadcast %max3A_654 : f32 to vector<16xf32>
        %max3A_656 = arith.maximumf %add3A_653, %max3A_655 : vector<16xf32>
        %swap3A_657 = arith.index_cast %add3A_594 : i32 to index
        %swap3A_658 = arith.constant 64 : index
        %swap3A_659 = tpu.vector_load %arg18[%swap3A_657, %swap3A_658] {strides = array<i32>} : memref<40x128xf32, #tpu.memory_space<vmem>>, vector<16xf32>,
        tpu.vector_store %arg18[%swap3A_657, %swap3A_658], %max3A_656 {strides = array<i32>} : memref<40x128xf32, #tpu.memory_space<vmem>>, vector<16xf32>,
        %get3A_660 = arith.index_cast %add3A_594 : i32 to index
        %get3A_661 = arith.constant 80 : index
        %get3A_662 = tpu.vector_load %arg14[%get3A_660, %get3A_661] {strides = array<i32>} : memref<40x128xf32, #tpu.memory_space<vmem>>, vector<16xf32>,
        %get3A_663 = arith.index_cast %add3A_594 : i32 to index
        %get3A_664 = arith.constant 80 : index
        %get3A_665 = tpu.vector_load %arg15[%get3A_663, %get3A_664] {strides = array<i32>} : memref<40x128xf32, #tpu.memory_space<vmem>>, vector<16xf32>,
        %add3A_666 = arith.addf %get3A_662, %get3A_665 : vector<16xf32>
        %max3A_667 = arith.constant 0.000000e+00 : f32
        %max3A_668 = vector.broadcast %max3A_667 : f32 to vector<16xf32>
        %max3A_669 = arith.maximumf %add3A_666, %max3A_668 : vector<16xf32>
        %swap3A_670 = arith.index_cast %add3A_594 : i32 to index
        %swap3A_671 = arith.constant 80 : index
        %swap3A_672 = tpu.vector_load %arg18[%swap3A_670, %swap3A_671] {strides = array<i32>} : memref<40x128xf32, #tpu.memory_space<vmem>>, vector<16xf32>,
        tpu.vector_store %arg18[%swap3A_670, %swap3A_671], %max3A_669 {strides = array<i32>} : memref<40x128xf32, #tpu.memory_space<vmem>>, vector<16xf32>,
        %get3A_673 = arith.index_cast %add3A_594 : i32 to index
        %get3A_674 = arith.constant 96 : index
        %get3A_675 = tpu.vector_load %arg14[%get3A_673, %get3A_674] {strides = array<i32>} : memref<40x128xf32, #tpu.memory_space<vmem>>, vector<16xf32>,
        %get3A_676 = arith.index_cast %add3A_594 : i32 to index
        %get3A_677 = arith.constant 96 : index
        %get3A_678 = tpu.vector_load %arg15[%get3A_676, %get3A_677] {strides = array<i32>} : memref<40x128xf32, #tpu.memory_space<vmem>>, vector<16xf32>,
        %add3A_679 = arith.addf %get3A_675, %get3A_678 : vector<16xf32>
        %max3A_680 = arith.constant 0.000000e+00 : f32
        %max3A_681 = vector.broadcast %max3A_680 : f32 to vector<16xf32>
        %max3A_682 = arith.maximumf %add3A_679, %max3A_681 : vector<16xf32>
        %swap3A_683 = arith.index_cast %add3A_594 : i32 to index
        %swap3A_684 = arith.constant 96 : index
        %swap3A_685 = tpu.vector_load %arg18[%swap3A_683, %swap3A_684] {strides = array<i32>} : memref<40x128xf32, #tpu.memory_space<vmem>>, vector<16xf32>,
        tpu.vector_store %arg18[%swap3A_683, %swap3A_684], %max3A_682 {strides = array<i32>} : memref<40x128xf32, #tpu.memory_space<vmem>>, vector<16xf32>,
        %get3A_686 = arith.index_cast %add3A_594 : i32 to index
        %get3A_687 = arith.constant 112 : index
        %get3A_688 = tpu.vector_load %arg14[%get3A_686, %get3A_687] {strides = array<i32>} : memref<40x128xf32, #tpu.memory_space<vmem>>, vector<16xf32>,
        %get3A_689 = arith.index_cast %add3A_594 : i32 to index
        %get3A_690 = arith.constant 112 : index
        %get3A_691 = tpu.vector_load %arg15[%get3A_689, %get3A_690] {strides = array<i32>} : memref<40x128xf32, #tpu.memory_space<vmem>>, vector<16xf32>,
        %add3A_692 = arith.addf %get3A_688, %get3A_691 : vector<16xf32>
        %max3A_693 = arith.constant 0.000000e+00 : f32
        %max3A_694 = vector.broadcast %max3A_693 : f32 to vector<16xf32>
        %max3A_695 = arith.maximumf %add3A_692, %max3A_694 : vector<16xf32>
        %swap3A_696 = arith.index_cast %add3A_594 : i32 to index
        %swap3A_697 = arith.constant 112 : index
        %swap3A_698 = tpu.vector_load %arg18[%swap3A_696, %swap3A_697] {strides = array<i32>} : memref<40x128xf32, #tpu.memory_space<vmem>>, vector<16xf32>,
        tpu.vector_store %arg18[%swap3A_696, %swap3A_697], %max3A_695 {strides = array<i32>} : memref<40x128xf32, #tpu.memory_space<vmem>>, vector<16xf32>,
        %scan3A_699 = arith.constant 0 : i32
        scf.yield %scan3A_699 : i32
      }
      %scan3A_373 = arith.constant 20 : i32
      %dma_wait3A_374 = arith.constant 0 : i32
      %dma_wait3A_375 = arith.constant 0 : i32
      %dma_wait3A_376 = tpu.memref_slice %arg5[%add3A, %dma_wait3A_374, %dma_wait3A_375] : memref<32x250x40xi32, #tpu.memory_space<hbm>> -> memref<1x1x40xi32, #tpu.memory_space<hbm>>
      %dma_wait3A_377 = tpu.memref_squeeze %dma_wait3A_376 : memref<1x1x40xi32, #tpu.memory_space<hbm>> -> memref<40xi32, #tpu.memory_space<hbm>>
      %dma_wait3A_378 = arith.constant 0 : i32
      %dma_wait3A_379 = tpu.memref_slice %arg5[%add3A, %dma_wait3A_374, %dma_wait3A_378] : memref<32x250x40xi32, #tpu.memory_space<hbm>> -> memref<1x1x40xi32, #tpu.memory_space<hbm>>
      %dma_wait3A_380 = tpu.memref_squeeze %dma_wait3A_379 : memref<1x1x40xi32, #tpu.memory_space<hbm>> -> memref<40xi32, #tpu.memory_space<hbm>>
      tpu.wait_dma2 semaphore(%arg27 : memref<!tpu.dma_semaphore, #tpu.memory_space<semaphore_mem>>) src(%dma_wait3A_380 : memref<40xi32, #tpu.memory_space<hbm>>) dst(%arg8 : memref<40xi32, #tpu.memory_space<vmem>>)
      %dma_wait3A_381 = arith.constant 0 : i32
      %dma_wait3A_382 = arith.constant 0 : i32
      %dma_wait3A_383 = tpu.memref_slice %arg4[%add3A, %dma_wait3A_381, %dma_wait3A_382] : memref<32x250x40xi32, #tpu.memory_space<hbm>> -> memref<1x1x40xi32, #tpu.memory_space<hbm>>
      %dma_wait3A_384 = tpu.memref_squeeze %dma_wait3A_383 : memref<1x1x40xi32, #tpu.memory_space<hbm>> -> memref<40xi32, #tpu.memory_space<hbm>>
      %dma_wait3A_385 = arith.constant 0 : i32
      %dma_wait3A_386 = tpu.memref_slice %arg4[%add3A, %dma_wait3A_381, %dma_wait3A_385] : memref<32x250x40xi32, #tpu.memory_space<hbm>> -> memref<1x1x40xi32, #tpu.memory_space<hbm>>
      %dma_wait3A_387 = tpu.memref_squeeze %dma_wait3A_386 : memref<1x1x40xi32, #tpu.memory_space<hbm>> -> memref<40xi32, #tpu.memory_space<hbm>>
      tpu.wait_dma2 semaphore(%arg27 : memref<!tpu.dma_semaphore, #tpu.memory_space<semaphore_mem>>) src(%dma_wait3A_387 : memref<40xi32, #tpu.memory_space<hbm>>) dst(%arg9 : memref<40xi32, #tpu.memory_space<vmem>>)
      %dma_start3A_388 = arith.constant 0 : i32
      %dma_start3A_389 = arith.constant 0 : i32
      %dma_start3A_390 = tpu.memref_slice %arg2[%dma_start3A_388, %dma_start3A_389] : memref<10000x128xf32, #tpu.memory_space<hbm>> -> memref<10000x128xf32, #tpu.memory_space<hbm>>
      tpu.enqueue_indirect_dma source(%dma_start3A_390 : memref<10000x128xf32, #tpu.memory_space<hbm>>) target(%arg14 : memref<40x128xf32, #tpu.memory_space<vmem>>) offsets(%arg8 : memref<40xi32, #tpu.memory_space<vmem>>) semaphore(%arg23 : memref<!tpu.dma_semaphore, #tpu.memory_space<semaphore_mem>>)
      %dma_start3A_391 = arith.constant 0 : i32
      %dma_start3A_392 = arith.constant 0 : i32
      %dma_start3A_393 = tpu.memref_slice %arg3[%dma_start3A_391, %dma_start3A_392] : memref<10000x128xf32, #tpu.memory_space<hbm>> -> memref<10000x128xf32, #tpu.memory_space<hbm>>
      tpu.enqueue_indirect_dma source(%dma_start3A_393 : memref<10000x128xf32, #tpu.memory_space<hbm>>) target(%arg15 : memref<40x128xf32, #tpu.memory_space<vmem>>) offsets(%arg9 : memref<40xi32, #tpu.memory_space<vmem>>) semaphore(%arg23 : memref<!tpu.dma_semaphore, #tpu.memory_space<semaphore_mem>>)
      %dma_wait3A_394 = arith.constant 0 : i32
      %dma_wait3A_395 = arith.constant 0 : i32
      %dma_wait3A_396 = tpu.memref_slice %arg5[%add3A, %dma_wait3A_394, %dma_wait3A_395] : memref<32x250x40xi32, #tpu.memory_space<hbm>> -> memref<1x1x40xi32, #tpu.memory_space<hbm>>
      %dma_wait3A_397 = tpu.memref_squeeze %dma_wait3A_396 : memref<1x1x40xi32, #tpu.memory_space<hbm>> -> memref<40xi32, #tpu.memory_space<hbm>>
      %dma_wait3A_398 = arith.constant 0 : i32
      %dma_wait3A_399 = tpu.memref_slice %arg5[%add3A, %dma_wait3A_394, %dma_wait3A_398] : memref<32x250x40xi32, #tpu.memory_space<hbm>> -> memref<1x1x40xi32, #tpu.memory_space<hbm>>
      %dma_wait3A_400 = tpu.memref_squeeze %dma_wait3A_399 : memref<1x1x40xi32, #tpu.memory_space<hbm>> -> memref<40xi32, #tpu.memory_space<hbm>>
      tpu.wait_dma2 semaphore(%arg29 : memref<!tpu.dma_semaphore, #tpu.memory_space<semaphore_mem>>) src(%dma_wait3A_400 : memref<40xi32, #tpu.memory_space<hbm>>) dst(%arg10 : memref<40xi32, #tpu.memory_space<vmem>>)
      %dma_start3A_401 = arith.constant 0 : i32
      %dma_start3A_402 = arith.constant 0 : i32
      %dma_start3A_403 = tpu.memref_slice %arg21[%dma_start3A_401, %dma_start3A_402] : memref<10240x128xf32, #tpu.memory_space<vmem_shared>> -> memref<10240x128xf32, #tpu.memory_space<vmem_shared>>
      tpu.enqueue_indirect_dma source(%arg18 : memref<40x128xf32, #tpu.memory_space<vmem>>) target(%dma_start3A_403 : memref<10240x128xf32, #tpu.memory_space<vmem_shared>>) offsets(%arg10 : memref<40xi32, #tpu.memory_space<vmem>>) semaphore(%arg25 : memref<!tpu.dma_semaphore, #tpu.memory_space<semaphore_mem>>) {add = true}
      %dma_start3A_404 = arith.constant 0 : i32
      %dma_start3A_405 = arith.constant 0 : i32
      %dma_start3A_406 = tpu.memref_slice %arg22[%dma_start3A_404, %dma_start3A_405] : memref<10240x16xf32, #tpu.memory_space<vmem_shared>> -> memref<10240x16xf32, #tpu.memory_space<vmem_shared>>
      tpu.enqueue_indirect_dma source(%arg20 : memref<40x16xf32, #tpu.memory_space<vmem>>) target(%dma_start3A_406 : memref<10240x16xf32, #tpu.memory_space<vmem_shared>>) offsets(%arg10 : memref<40xi32, #tpu.memory_space<vmem>>) semaphore(%arg25 : memref<!tpu.dma_semaphore, #tpu.memory_space<semaphore_mem>>) {add = true}
      %mul3A_407 = arith.constant 2 : i32
      %mul3A_408 = arith.muli %mul3A_407, %scan3A_329 : i32
      %add3A_409 = arith.constant 3 : i32
      %add3A_410 = arith.addi %mul3A_408, %add3A_409 : i32
      %dma_wait3A_411 = arith.constant 0 : i32
      %dma_wait3A_412 = arith.constant 0 : i32
      %dma_wait3A_413 = tpu.memref_slice %arg21[%dma_wait3A_411, %dma_wait3A_412] : memref<10240x128xf32, #tpu.memory_space<vmem_shared>> -> memref<10240x128xf32, #tpu.memory_space<vmem_shared>>
      tpu.wait_indirect_dma semaphore(%arg26 : memref<!tpu.dma_semaphore, #tpu.memory_space<semaphore_mem>>) src(%arg19 : memref<40x128xf32, #tpu.memory_space<vmem>>) dst(%dma_wait3A_413 : memref<10240x128xf32, #tpu.memory_space<vmem_shared>>)
      %dma_wait3A_414 = arith.constant 0 : i32
      %dma_wait3A_415 = arith.constant 0 : i32
      %dma_wait3A_416 = tpu.memref_slice %arg22[%dma_wait3A_414, %dma_wait3A_415] : memref<10240x16xf32, #tpu.memory_space<vmem_shared>> -> memref<10240x16xf32, #tpu.memory_space<vmem_shared>>
      tpu.wait_indirect_dma semaphore(%arg26 : memref<!tpu.dma_semaphore, #tpu.memory_space<semaphore_mem>>) src(%arg20 : memref<40x16xf32, #tpu.memory_space<vmem>>) dst(%dma_wait3A_416 : memref<10240x16xf32, #tpu.memory_space<vmem_shared>>)
      %dma_start3A_417 = arith.constant 0 : i32
      %dma_start3A_418 = tpu.memref_slice %arg5[%add3A, %add3A_410, %dma_start3A_417] : memref<32x250x40xi32, #tpu.memory_space<hbm>> -> memref<1x1x40xi32, #tpu.memory_space<hbm>>
      %dma_start3A_419 = tpu.memref_squeeze %dma_start3A_418 : memref<1x1x40xi32, #tpu.memory_space<hbm>> -> memref<40xi32, #tpu.memory_space<hbm>>
      %dma_start3A_420 = arith.constant 0 : i32
      %dma_start3A_421 = tpu.memref_slice %arg5[%add3A, %add3A_410, %dma_start3A_420] : memref<32x250x40xi32, #tpu.memory_space<hbm>> -> memref<1x1x40xi32, #tpu.memory_space<hbm>>
      %dma_start3A_422 = tpu.memref_squeeze %dma_start3A_421 : memref<1x1x40xi32, #tpu.memory_space<hbm>> -> memref<40xi32, #tpu.memory_space<hbm>>
      tpu.enqueue_dma source(%dma_start3A_422 : memref<40xi32, #tpu.memory_space<hbm>>) target(%arg13 : memref<40xi32, #tpu.memory_space<vmem>>) target_semaphore(%arg30 : memref<!tpu.dma_semaphore, #tpu.memory_space<semaphore_mem>>)
      %dma_wait3A_423 = arith.constant 0 : i32
      %dma_wait3A_424 = arith.constant 0 : i32
      %dma_wait3A_425 = tpu.memref_slice %arg2[%dma_wait3A_423, %dma_wait3A_424] : memref<10000x128xf32, #tpu.memory_space<hbm>> -> memref<10000x128xf32, #tpu.memory_space<hbm>>
      tpu.wait_indirect_dma semaphore(%arg24 : memref<!tpu.dma_semaphore, #tpu.memory_space<semaphore_mem>>) src(%dma_wait3A_425 : memref<10000x128xf32, #tpu.memory_space<hbm>>) dst(%arg16 : memref<40x128xf32, #tpu.memory_space<vmem>>)
      %dma_wait3A_426 = arith.constant 0 : i32
      %dma_wait3A_427 = arith.constant 0 : i32
      %dma_wait3A_428 = tpu.memref_slice %arg3[%dma_wait3A_426, %dma_wait3A_427] : memref<10000x128xf32, #tpu.memory_space<hbm>> -> memref<10000x128xf32, #tpu.memory_space<hbm>>
      tpu.wait_indirect_dma semaphore(%arg24 : memref<!tpu.dma_semaphore, #tpu.memory_space<semaphore_mem>>) src(%dma_wait3A_428 : memref<10000x128xf32, #tpu.memory_space<hbm>>) dst(%arg17 : memref<40x128xf32, #tpu.memory_space<vmem>>)
      %add3A_429 = arith.constant 2 : i32
      %add3A_430 = arith.addi %add3A_410, %add3A_429 : i32
      %dma_start3A_431 = arith.constant 0 : i32
      %dma_start3A_432 = tpu.memref_slice %arg5[%add3A, %add3A_430, %dma_start3A_431] : memref<32x250x40xi32, #tpu.memory_space<hbm>> -> memref<1x1x40xi32, #tpu.memory_space<hbm>>
      %dma_start3A_433 = tpu.memref_squeeze %dma_start3A_432 : memref<1x1x40xi32, #tpu.memory_space<hbm>> -> memref<40xi32, #tpu.memory_space<hbm>>
      %dma_start3A_434 = arith.constant 0 : i32
      %dma_start3A_435 = tpu.memref_slice %arg5[%add3A, %add3A_430, %dma_start3A_434] : memref<32x250x40xi32, #tpu.memory_space<hbm>> -> memref<1x1x40xi32, #tpu.memory_space<hbm>>
      %dma_start3A_436 = tpu.memref_squeeze %dma_start3A_435 : memref<1x1x40xi32, #tpu.memory_space<hbm>> -> memref<40xi32, #tpu.memory_space<hbm>>
      tpu.enqueue_dma source(%dma_start3A_436 : memref<40xi32, #tpu.memory_space<hbm>>) target(%arg11 : memref<40xi32, #tpu.memory_space<vmem>>) target_semaphore(%arg28 : memref<!tpu.dma_semaphore, #tpu.memory_space<semaphore_mem>>)
      %dma_start3A_437 = arith.constant 0 : i32
      %dma_start3A_438 = tpu.memref_slice %arg4[%add3A, %add3A_430, %dma_start3A_437] : memref<32x250x40xi32, #tpu.memory_space<hbm>> -> memref<1x1x40xi32, #tpu.memory_space<hbm>>
      %dma_start3A_439 = tpu.memref_squeeze %dma_start3A_438 : memref<1x1x40xi32, #tpu.memory_space<hbm>> -> memref<40xi32, #tpu.memory_space<hbm>>
      %dma_start3A_440 = arith.constant 0 : i32
      %dma_start3A_441 = tpu.memref_slice %arg4[%add3A, %add3A_430, %dma_start3A_440] : memref<32x250x40xi32, #tpu.memory_space<hbm>> -> memref<1x1x40xi32, #tpu.memory_space<hbm>>
      %dma_start3A_442 = tpu.memref_squeeze %dma_start3A_441 : memref<1x1x40xi32, #tpu.memory_space<hbm>> -> memref<40xi32, #tpu.memory_space<hbm>>
      tpu.enqueue_dma source(%dma_start3A_442 : memref<40xi32, #tpu.memory_space<hbm>>) target(%arg12 : memref<40xi32, #tpu.memory_space<vmem>>) target_semaphore(%arg28 : memref<!tpu.dma_semaphore, #tpu.memory_space<semaphore_mem>>)
      %scan3A_443 = arith.constant 0 : i32
      %scan3A_444 = arith.constant 0 : i32
      %scan3A_445 = arith.constant 20 : i32
      %scan3A_446 = arith.addi %scan3A_444, %scan3A_445 : i32
      %scan3A_447 = arith.constant 1 : i32
      %scan3A_448 = scf.for %scan3A_484 = %scan3A_444 to %scan3A_446 step %scan3A_447 iter_args(%scan3A_485 = %scan3A_443) -> (i32)  : i32 {
        %mul3A_486 = arith.constant 2 : i32
        %mul3A_487 = arith.muli %scan3A_484, %mul3A_486 : i32
        %add3A_488 = arith.constant 0 : i32
        %add3A_489 = arith.addi %mul3A_487, %add3A_488 : i32
        %get3A = arith.index_cast %add3A_489 : i32 to index
        %get3A_490 = arith.constant 0 : index
        %get3A_491 = tpu.vector_load %arg16[%get3A, %get3A_490] {strides = array<i32>} : memref<40x128xf32, #tpu.memory_space<vmem>>, vector<16xf32>,
        %get3A_492 = arith.index_cast %add3A_489 : i32 to index
        %get3A_493 = arith.constant 0 : index
        %get3A_494 = tpu.vector_load %arg17[%get3A_492, %get3A_493] {strides = array<i32>} : memref<40x128xf32, #tpu.memory_space<vmem>>, vector<16xf32>,
        %add3A_495 = arith.addf %get3A_491, %get3A_494 : vector<16xf32>
        %max3A = arith.constant 0.000000e+00 : f32
        %max3A_496 = vector.broadcast %max3A : f32 to vector<16xf32>
        %max3A_497 = arith.maximumf %add3A_495, %max3A_496 : vector<16xf32>
        %swap3A = arith.index_cast %add3A_489 : i32 to index
        %swap3A_498 = arith.constant 0 : index
        %swap3A_499 = tpu.vector_load %arg19[%swap3A, %swap3A_498] {strides = array<i32>} : memref<40x128xf32, #tpu.memory_space<vmem>>, vector<16xf32>,
        tpu.vector_store %arg19[%swap3A, %swap3A_498], %max3A_497 {strides = array<i32>} : memref<40x128xf32, #tpu.memory_space<vmem>>, vector<16xf32>,
        %get3A_500 = arith.index_cast %add3A_489 : i32 to index
        %get3A_501 = arith.constant 16 : index
        %get3A_502 = tpu.vector_load %arg16[%get3A_500, %get3A_501] {strides = array<i32>} : memref<40x128xf32, #tpu.memory_space<vmem>>, vector<16xf32>,
        %get3A_503 = arith.index_cast %add3A_489 : i32 to index
        %get3A_504 = arith.constant 16 : index
        %get3A_505 = tpu.vector_load %arg17[%get3A_503, %get3A_504] {strides = array<i32>} : memref<40x128xf32, #tpu.memory_space<vmem>>, vector<16xf32>,
        %add3A_506 = arith.addf %get3A_502, %get3A_505 : vector<16xf32>
        %max3A_507 = arith.constant 0.000000e+00 : f32
        %max3A_508 = vector.broadcast %max3A_507 : f32 to vector<16xf32>
        %max3A_509 = arith.maximumf %add3A_506, %max3A_508 : vector<16xf32>
        %swap3A_510 = arith.index_cast %add3A_489 : i32 to index
        %swap3A_511 = arith.constant 16 : index
        %swap3A_512 = tpu.vector_load %arg19[%swap3A_510, %swap3A_511] {strides = array<i32>} : memref<40x128xf32, #tpu.memory_space<vmem>>, vector<16xf32>,
        tpu.vector_store %arg19[%swap3A_510, %swap3A_511], %max3A_509 {strides = array<i32>} : memref<40x128xf32, #tpu.memory_space<vmem>>, vector<16xf32>,
        %get3A_513 = arith.index_cast %add3A_489 : i32 to index
        %get3A_514 = arith.constant 32 : index
        %get3A_515 = tpu.vector_load %arg16[%get3A_513, %get3A_514] {strides = array<i32>} : memref<40x128xf32, #tpu.memory_space<vmem>>, vector<16xf32>,
        %get3A_516 = arith.index_cast %add3A_489 : i32 to index
        %get3A_517 = arith.constant 32 : index
        %get3A_518 = tpu.vector_load %arg17[%get3A_516, %get3A_517] {strides = array<i32>} : memref<40x128xf32, #tpu.memory_space<vmem>>, vector<16xf32>,
        %add3A_519 = arith.addf %get3A_515, %get3A_518 : vector<16xf32>
        %max3A_520 = arith.constant 0.000000e+00 : f32
        %max3A_521 = vector.broadcast %max3A_520 : f32 to vector<16xf32>
        %max3A_522 = arith.maximumf %add3A_519, %max3A_521 : vector<16xf32>
        %swap3A_523 = arith.index_cast %add3A_489 : i32 to index
        %swap3A_524 = arith.constant 32 : index
        %swap3A_525 = tpu.vector_load %arg19[%swap3A_523, %swap3A_524] {strides = array<i32>} : memref<40x128xf32, #tpu.memory_space<vmem>>, vector<16xf32>,
        tpu.vector_store %arg19[%swap3A_523, %swap3A_524], %max3A_522 {strides = array<i32>} : memref<40x128xf32, #tpu.memory_space<vmem>>, vector<16xf32>,
        %get3A_526 = arith.index_cast %add3A_489 : i32 to index
        %get3A_527 = arith.constant 48 : index
        %get3A_528 = tpu.vector_load %arg16[%get3A_526, %get3A_527] {strides = array<i32>} : memref<40x128xf32, #tpu.memory_space<vmem>>, vector<16xf32>,
        %get3A_529 = arith.index_cast %add3A_489 : i32 to index
        %get3A_530 = arith.constant 48 : index
        %get3A_531 = tpu.vector_load %arg17[%get3A_529, %get3A_530] {strides = array<i32>} : memref<40x128xf32, #tpu.memory_space<vmem>>, vector<16xf32>,
        %add3A_532 = arith.addf %get3A_528, %get3A_531 : vector<16xf32>
        %max3A_533 = arith.constant 0.000000e+00 : f32
        %max3A_534 = vector.broadcast %max3A_533 : f32 to vector<16xf32>
        %max3A_535 = arith.maximumf %add3A_532, %max3A_534 : vector<16xf32>
        %swap3A_536 = arith.index_cast %add3A_489 : i32 to index
        %swap3A_537 = arith.constant 48 : index
        %swap3A_538 = tpu.vector_load %arg19[%swap3A_536, %swap3A_537] {strides = array<i32>} : memref<40x128xf32, #tpu.memory_space<vmem>>, vector<16xf32>,
        tpu.vector_store %arg19[%swap3A_536, %swap3A_537], %max3A_535 {strides = array<i32>} : memref<40x128xf32, #tpu.memory_space<vmem>>, vector<16xf32>,
        %get3A_539 = arith.index_cast %add3A_489 : i32 to index
        %get3A_540 = arith.constant 64 : index
        %get3A_541 = tpu.vector_load %arg16[%get3A_539, %get3A_540] {strides = array<i32>} : memref<40x128xf32, #tpu.memory_space<vmem>>, vector<16xf32>,
        %get3A_542 = arith.index_cast %add3A_489 : i32 to index
        %get3A_543 = arith.constant 64 : index
        %get3A_544 = tpu.vector_load %arg17[%get3A_542, %get3A_543] {strides = array<i32>} : memref<40x128xf32, #tpu.memory_space<vmem>>, vector<16xf32>,
        %add3A_545 = arith.addf %get3A_541, %get3A_544 : vector<16xf32>
        %max3A_546 = arith.constant 0.000000e+00 : f32
        %max3A_547 = vector.broadcast %max3A_546 : f32 to vector<16xf32>
        %max3A_548 = arith.maximumf %add3A_545, %max3A_547 : vector<16xf32>
        %swap3A_549 = arith.index_cast %add3A_489 : i32 to index
        %swap3A_550 = arith.constant 64 : index
        %swap3A_551 = tpu.vector_load %arg19[%swap3A_549, %swap3A_550] {strides = array<i32>} : memref<40x128xf32, #tpu.memory_space<vmem>>, vector<16xf32>,
        tpu.vector_store %arg19[%swap3A_549, %swap3A_550], %max3A_548 {strides = array<i32>} : memref<40x128xf32, #tpu.memory_space<vmem>>, vector<16xf32>,
        %get3A_552 = arith.index_cast %add3A_489 : i32 to index
        %get3A_553 = arith.constant 80 : index
        %get3A_554 = tpu.vector_load %arg16[%get3A_552, %get3A_553] {strides = array<i32>} : memref<40x128xf32, #tpu.memory_space<vmem>>, vector<16xf32>,
        %get3A_555 = arith.index_cast %add3A_489 : i32 to index
        %get3A_556 = arith.constant 80 : index
        %get3A_557 = tpu.vector_load %arg17[%get3A_555, %get3A_556] {strides = array<i32>} : memref<40x128xf32, #tpu.memory_space<vmem>>, vector<16xf32>,
        %add3A_558 = arith.addf %get3A_554, %get3A_557 : vector<16xf32>
        %max3A_559 = arith.constant 0.000000e+00 : f32
        %max3A_560 = vector.broadcast %max3A_559 : f32 to vector<16xf32>
        %max3A_561 = arith.maximumf %add3A_558, %max3A_560 : vector<16xf32>
        %swap3A_562 = arith.index_cast %add3A_489 : i32 to index
        %swap3A_563 = arith.constant 80 : index
        %swap3A_564 = tpu.vector_load %arg19[%swap3A_562, %swap3A_563] {strides = array<i32>} : memref<40x128xf32, #tpu.memory_space<vmem>>, vector<16xf32>,
        tpu.vector_store %arg19[%swap3A_562, %swap3A_563], %max3A_561 {strides = array<i32>} : memref<40x128xf32, #tpu.memory_space<vmem>>, vector<16xf32>,
        %get3A_565 = arith.index_cast %add3A_489 : i32 to index
        %get3A_566 = arith.constant 96 : index
        %get3A_567 = tpu.vector_load %arg16[%get3A_565, %get3A_566] {strides = array<i32>} : memref<40x128xf32, #tpu.memory_space<vmem>>, vector<16xf32>,
        %get3A_568 = arith.index_cast %add3A_489 : i32 to index
        %get3A_569 = arith.constant 96 : index
        %get3A_570 = tpu.vector_load %arg17[%get3A_568, %get3A_569] {strides = array<i32>} : memref<40x128xf32, #tpu.memory_space<vmem>>, vector<16xf32>,
        %add3A_571 = arith.addf %get3A_567, %get3A_570 : vector<16xf32>
        %max3A_572 = arith.constant 0.000000e+00 : f32
        %max3A_573 = vector.broadcast %max3A_572 : f32 to vector<16xf32>
        %max3A_574 = arith.maximumf %add3A_571, %max3A_573 : vector<16xf32>
        %swap3A_575 = arith.index_cast %add3A_489 : i32 to index
        %swap3A_576 = arith.constant 96 : index
        %swap3A_577 = tpu.vector_load %arg19[%swap3A_575, %swap3A_576] {strides = array<i32>} : memref<40x128xf32, #tpu.memory_space<vmem>>, vector<16xf32>,
        tpu.vector_store %arg19[%swap3A_575, %swap3A_576], %max3A_574 {strides = array<i32>} : memref<40x128xf32, #tpu.memory_space<vmem>>, vector<16xf32>,
        %get3A_578 = arith.index_cast %add3A_489 : i32 to index
        %get3A_579 = arith.constant 112 : index
        %get3A_580 = tpu.vector_load %arg16[%get3A_578, %get3A_579] {strides = array<i32>} : memref<40x128xf32, #tpu.memory_space<vmem>>, vector<16xf32>,
        %get3A_581 = arith.index_cast %add3A_489 : i32 to index
        %get3A_582 = arith.constant 112 : index
        %get3A_583 = tpu.vector_load %arg17[%get3A_581, %get3A_582] {strides = array<i32>} : memref<40x128xf32, #tpu.memory_space<vmem>>, vector<16xf32>,
        %add3A_584 = arith.addf %get3A_580, %get3A_583 : vector<16xf32>
        %max3A_585 = arith.constant 0.000000e+00 : f32
        %max3A_586 = vector.broadcast %max3A_585 : f32 to vector<16xf32>
        %max3A_587 = arith.maximumf %add3A_584, %max3A_586 : vector<16xf32>
        %swap3A_588 = arith.index_cast %add3A_489 : i32 to index
        %swap3A_589 = arith.constant 112 : index
        %swap3A_590 = tpu.vector_load %arg19[%swap3A_588, %swap3A_589] {strides = array<i32>} : memref<40x128xf32, #tpu.memory_space<vmem>>, vector<16xf32>,
        tpu.vector_store %arg19[%swap3A_588, %swap3A_589], %max3A_587 {strides = array<i32>} : memref<40x128xf32, #tpu.memory_space<vmem>>, vector<16xf32>,
        %mul3A_591 = arith.constant 2 : i32
        %mul3A_592 = arith.muli %scan3A_484, %mul3A_591 : i32
        %add3A_593 = arith.constant 1 : i32
        %add3A_594 = arith.addi %mul3A_592, %add3A_593 : i32
        %get3A_595 = arith.index_cast %add3A_594 : i32 to index
        %get3A_596 = arith.constant 0 : index
        %get3A_597 = tpu.vector_load %arg16[%get3A_595, %get3A_596] {strides = array<i32>} : memref<40x128xf32, #tpu.memory_space<vmem>>, vector<16xf32>,
        %get3A_598 = arith.index_cast %add3A_594 : i32 to index
        %get3A_599 = arith.constant 0 : index
        %get3A_600 = tpu.vector_load %arg17[%get3A_598, %get3A_599] {strides = array<i32>} : memref<40x128xf32, #tpu.memory_space<vmem>>, vector<16xf32>,
        %add3A_601 = arith.addf %get3A_597, %get3A_600 : vector<16xf32>
        %max3A_602 = arith.constant 0.000000e+00 : f32
        %max3A_603 = vector.broadcast %max3A_602 : f32 to vector<16xf32>
        %max3A_604 = arith.maximumf %add3A_601, %max3A_603 : vector<16xf32>
        %swap3A_605 = arith.index_cast %add3A_594 : i32 to index
        %swap3A_606 = arith.constant 0 : index
        %swap3A_607 = tpu.vector_load %arg19[%swap3A_605, %swap3A_606] {strides = array<i32>} : memref<40x128xf32, #tpu.memory_space<vmem>>, vector<16xf32>,
        tpu.vector_store %arg19[%swap3A_605, %swap3A_606], %max3A_604 {strides = array<i32>} : memref<40x128xf32, #tpu.memory_space<vmem>>, vector<16xf32>,
        %get3A_608 = arith.index_cast %add3A_594 : i32 to index
        %get3A_609 = arith.constant 16 : index
        %get3A_610 = tpu.vector_load %arg16[%get3A_608, %get3A_609] {strides = array<i32>} : memref<40x128xf32, #tpu.memory_space<vmem>>, vector<16xf32>,
        %get3A_611 = arith.index_cast %add3A_594 : i32 to index
        %get3A_612 = arith.constant 16 : index
        %get3A_613 = tpu.vector_load %arg17[%get3A_611, %get3A_612] {strides = array<i32>} : memref<40x128xf32, #tpu.memory_space<vmem>>, vector<16xf32>,
        %add3A_614 = arith.addf %get3A_610, %get3A_613 : vector<16xf32>
        %max3A_615 = arith.constant 0.000000e+00 : f32
        %max3A_616 = vector.broadcast %max3A_615 : f32 to vector<16xf32>
        %max3A_617 = arith.maximumf %add3A_614, %max3A_616 : vector<16xf32>
        %swap3A_618 = arith.index_cast %add3A_594 : i32 to index
        %swap3A_619 = arith.constant 16 : index
        %swap3A_620 = tpu.vector_load %arg19[%swap3A_618, %swap3A_619] {strides = array<i32>} : memref<40x128xf32, #tpu.memory_space<vmem>>, vector<16xf32>,
        tpu.vector_store %arg19[%swap3A_618, %swap3A_619], %max3A_617 {strides = array<i32>} : memref<40x128xf32, #tpu.memory_space<vmem>>, vector<16xf32>,
        %get3A_621 = arith.index_cast %add3A_594 : i32 to index
        %get3A_622 = arith.constant 32 : index
        %get3A_623 = tpu.vector_load %arg16[%get3A_621, %get3A_622] {strides = array<i32>} : memref<40x128xf32, #tpu.memory_space<vmem>>, vector<16xf32>,
        %get3A_624 = arith.index_cast %add3A_594 : i32 to index
        %get3A_625 = arith.constant 32 : index
        %get3A_626 = tpu.vector_load %arg17[%get3A_624, %get3A_625] {strides = array<i32>} : memref<40x128xf32, #tpu.memory_space<vmem>>, vector<16xf32>,
        %add3A_627 = arith.addf %get3A_623, %get3A_626 : vector<16xf32>
        %max3A_628 = arith.constant 0.000000e+00 : f32
        %max3A_629 = vector.broadcast %max3A_628 : f32 to vector<16xf32>
        %max3A_630 = arith.maximumf %add3A_627, %max3A_629 : vector<16xf32>
        %swap3A_631 = arith.index_cast %add3A_594 : i32 to index
        %swap3A_632 = arith.constant 32 : index
        %swap3A_633 = tpu.vector_load %arg19[%swap3A_631, %swap3A_632] {strides = array<i32>} : memref<40x128xf32, #tpu.memory_space<vmem>>, vector<16xf32>,
        tpu.vector_store %arg19[%swap3A_631, %swap3A_632], %max3A_630 {strides = array<i32>} : memref<40x128xf32, #tpu.memory_space<vmem>>, vector<16xf32>,
        %get3A_634 = arith.index_cast %add3A_594 : i32 to index
        %get3A_635 = arith.constant 48 : index
        %get3A_636 = tpu.vector_load %arg16[%get3A_634, %get3A_635] {strides = array<i32>} : memref<40x128xf32, #tpu.memory_space<vmem>>, vector<16xf32>,
        %get3A_637 = arith.index_cast %add3A_594 : i32 to index
        %get3A_638 = arith.constant 48 : index
        %get3A_639 = tpu.vector_load %arg17[%get3A_637, %get3A_638] {strides = array<i32>} : memref<40x128xf32, #tpu.memory_space<vmem>>, vector<16xf32>,
        %add3A_640 = arith.addf %get3A_636, %get3A_639 : vector<16xf32>
        %max3A_641 = arith.constant 0.000000e+00 : f32
        %max3A_642 = vector.broadcast %max3A_641 : f32 to vector<16xf32>
        %max3A_643 = arith.maximumf %add3A_640, %max3A_642 : vector<16xf32>
        %swap3A_644 = arith.index_cast %add3A_594 : i32 to index
        %swap3A_645 = arith.constant 48 : index
        %swap3A_646 = tpu.vector_load %arg19[%swap3A_644, %swap3A_645] {strides = array<i32>} : memref<40x128xf32, #tpu.memory_space<vmem>>, vector<16xf32>,
        tpu.vector_store %arg19[%swap3A_644, %swap3A_645], %max3A_643 {strides = array<i32>} : memref<40x128xf32, #tpu.memory_space<vmem>>, vector<16xf32>,
        %get3A_647 = arith.index_cast %add3A_594 : i32 to index
        %get3A_648 = arith.constant 64 : index
        %get3A_649 = tpu.vector_load %arg16[%get3A_647, %get3A_648] {strides = array<i32>} : memref<40x128xf32, #tpu.memory_space<vmem>>, vector<16xf32>,
        %get3A_650 = arith.index_cast %add3A_594 : i32 to index
        %get3A_651 = arith.constant 64 : index
        %get3A_652 = tpu.vector_load %arg17[%get3A_650, %get3A_651] {strides = array<i32>} : memref<40x128xf32, #tpu.memory_space<vmem>>, vector<16xf32>,
        %add3A_653 = arith.addf %get3A_649, %get3A_652 : vector<16xf32>
        %max3A_654 = arith.constant 0.000000e+00 : f32
        %max3A_655 = vector.broadcast %max3A_654 : f32 to vector<16xf32>
        %max3A_656 = arith.maximumf %add3A_653, %max3A_655 : vector<16xf32>
        %swap3A_657 = arith.index_cast %add3A_594 : i32 to index
        %swap3A_658 = arith.constant 64 : index
        %swap3A_659 = tpu.vector_load %arg19[%swap3A_657, %swap3A_658] {strides = array<i32>} : memref<40x128xf32, #tpu.memory_space<vmem>>, vector<16xf32>,
        tpu.vector_store %arg19[%swap3A_657, %swap3A_658], %max3A_656 {strides = array<i32>} : memref<40x128xf32, #tpu.memory_space<vmem>>, vector<16xf32>,
        %get3A_660 = arith.index_cast %add3A_594 : i32 to index
        %get3A_661 = arith.constant 80 : index
        %get3A_662 = tpu.vector_load %arg16[%get3A_660, %get3A_661] {strides = array<i32>} : memref<40x128xf32, #tpu.memory_space<vmem>>, vector<16xf32>,
        %get3A_663 = arith.index_cast %add3A_594 : i32 to index
        %get3A_664 = arith.constant 80 : index
        %get3A_665 = tpu.vector_load %arg17[%get3A_663, %get3A_664] {strides = array<i32>} : memref<40x128xf32, #tpu.memory_space<vmem>>, vector<16xf32>,
        %add3A_666 = arith.addf %get3A_662, %get3A_665 : vector<16xf32>
        %max3A_667 = arith.constant 0.000000e+00 : f32
        %max3A_668 = vector.broadcast %max3A_667 : f32 to vector<16xf32>
        %max3A_669 = arith.maximumf %add3A_666, %max3A_668 : vector<16xf32>
        %swap3A_670 = arith.index_cast %add3A_594 : i32 to index
        %swap3A_671 = arith.constant 80 : index
        %swap3A_672 = tpu.vector_load %arg19[%swap3A_670, %swap3A_671] {strides = array<i32>} : memref<40x128xf32, #tpu.memory_space<vmem>>, vector<16xf32>,
        tpu.vector_store %arg19[%swap3A_670, %swap3A_671], %max3A_669 {strides = array<i32>} : memref<40x128xf32, #tpu.memory_space<vmem>>, vector<16xf32>,
        %get3A_673 = arith.index_cast %add3A_594 : i32 to index
        %get3A_674 = arith.constant 96 : index
        %get3A_675 = tpu.vector_load %arg16[%get3A_673, %get3A_674] {strides = array<i32>} : memref<40x128xf32, #tpu.memory_space<vmem>>, vector<16xf32>,
        %get3A_676 = arith.index_cast %add3A_594 : i32 to index
        %get3A_677 = arith.constant 96 : index
        %get3A_678 = tpu.vector_load %arg17[%get3A_676, %get3A_677] {strides = array<i32>} : memref<40x128xf32, #tpu.memory_space<vmem>>, vector<16xf32>,
        %add3A_679 = arith.addf %get3A_675, %get3A_678 : vector<16xf32>
        %max3A_680 = arith.constant 0.000000e+00 : f32
        %max3A_681 = vector.broadcast %max3A_680 : f32 to vector<16xf32>
        %max3A_682 = arith.maximumf %add3A_679, %max3A_681 : vector<16xf32>
        %swap3A_683 = arith.index_cast %add3A_594 : i32 to index
        %swap3A_684 = arith.constant 96 : index
        %swap3A_685 = tpu.vector_load %arg19[%swap3A_683, %swap3A_684] {strides = array<i32>} : memref<40x128xf32, #tpu.memory_space<vmem>>, vector<16xf32>,
        tpu.vector_store %arg19[%swap3A_683, %swap3A_684], %max3A_682 {strides = array<i32>} : memref<40x128xf32, #tpu.memory_space<vmem>>, vector<16xf32>,
        %get3A_686 = arith.index_cast %add3A_594 : i32 to index
        %get3A_687 = arith.constant 112 : index
        %get3A_688 = tpu.vector_load %arg16[%get3A_686, %get3A_687] {strides = array<i32>} : memref<40x128xf32, #tpu.memory_space<vmem>>, vector<16xf32>,
        %get3A_689 = arith.index_cast %add3A_594 : i32 to index
        %get3A_690 = arith.constant 112 : index
        %get3A_691 = tpu.vector_load %arg17[%get3A_689, %get3A_690] {strides = array<i32>} : memref<40x128xf32, #tpu.memory_space<vmem>>, vector<16xf32>,
        %add3A_692 = arith.addf %get3A_688, %get3A_691 : vector<16xf32>
        %max3A_693 = arith.constant 0.000000e+00 : f32
        %max3A_694 = vector.broadcast %max3A_693 : f32 to vector<16xf32>
        %max3A_695 = arith.maximumf %add3A_692, %max3A_694 : vector<16xf32>
        %swap3A_696 = arith.index_cast %add3A_594 : i32 to index
        %swap3A_697 = arith.constant 112 : index
        %swap3A_698 = tpu.vector_load %arg19[%swap3A_696, %swap3A_697] {strides = array<i32>} : memref<40x128xf32, #tpu.memory_space<vmem>>, vector<16xf32>,
        tpu.vector_store %arg19[%swap3A_696, %swap3A_697], %max3A_695 {strides = array<i32>} : memref<40x128xf32, #tpu.memory_space<vmem>>, vector<16xf32>,
        %scan3A_699 = arith.constant 0 : i32
        scf.yield %scan3A_699 : i32
      }
      %scan3A_449 = arith.constant 20 : i32
      %dma_wait3A_450 = arith.constant 0 : i32
      %dma_wait3A_451 = arith.constant 0 : i32
      %dma_wait3A_452 = tpu.memref_slice %arg5[%add3A, %dma_wait3A_450, %dma_wait3A_451] : memref<32x250x40xi32, #tpu.memory_space<hbm>> -> memref<1x1x40xi32, #tpu.memory_space<hbm>>
      %dma_wait3A_453 = tpu.memref_squeeze %dma_wait3A_452 : memref<1x1x40xi32, #tpu.memory_space<hbm>> -> memref<40xi32, #tpu.memory_space<hbm>>
      %dma_wait3A_454 = arith.constant 0 : i32
      %dma_wait3A_455 = tpu.memref_slice %arg5[%add3A, %dma_wait3A_450, %dma_wait3A_454] : memref<32x250x40xi32, #tpu.memory_space<hbm>> -> memref<1x1x40xi32, #tpu.memory_space<hbm>>
      %dma_wait3A_456 = tpu.memref_squeeze %dma_wait3A_455 : memref<1x1x40xi32, #tpu.memory_space<hbm>> -> memref<40xi32, #tpu.memory_space<hbm>>
      tpu.wait_dma2 semaphore(%arg28 : memref<!tpu.dma_semaphore, #tpu.memory_space<semaphore_mem>>) src(%dma_wait3A_456 : memref<40xi32, #tpu.memory_space<hbm>>) dst(%arg11 : memref<40xi32, #tpu.memory_space<vmem>>)
      %dma_wait3A_457 = arith.constant 0 : i32
      %dma_wait3A_458 = arith.constant 0 : i32
      %dma_wait3A_459 = tpu.memref_slice %arg4[%add3A, %dma_wait3A_457, %dma_wait3A_458] : memref<32x250x40xi32, #tpu.memory_space<hbm>> -> memref<1x1x40xi32, #tpu.memory_space<hbm>>
      %dma_wait3A_460 = tpu.memref_squeeze %dma_wait3A_459 : memref<1x1x40xi32, #tpu.memory_space<hbm>> -> memref<40xi32, #tpu.memory_space<hbm>>
      %dma_wait3A_461 = arith.constant 0 : i32
      %dma_wait3A_462 = tpu.memref_slice %arg4[%add3A, %dma_wait3A_457, %dma_wait3A_461] : memref<32x250x40xi32, #tpu.memory_space<hbm>> -> memref<1x1x40xi32, #tpu.memory_space<hbm>>
      %dma_wait3A_463 = tpu.memref_squeeze %dma_wait3A_462 : memref<1x1x40xi32, #tpu.memory_space<hbm>> -> memref<40xi32, #tpu.memory_space<hbm>>
      tpu.wait_dma2 semaphore(%arg28 : memref<!tpu.dma_semaphore, #tpu.memory_space<semaphore_mem>>) src(%dma_wait3A_463 : memref<40xi32, #tpu.memory_space<hbm>>) dst(%arg12 : memref<40xi32, #tpu.memory_space<vmem>>)
      %dma_start3A_464 = arith.constant 0 : i32
      %dma_start3A_465 = arith.constant 0 : i32
      %dma_start3A_466 = tpu.memref_slice %arg2[%dma_start3A_464, %dma_start3A_465] : memref<10000x128xf32, #tpu.memory_space<hbm>> -> memref<10000x128xf32, #tpu.memory_space<hbm>>
      tpu.enqueue_indirect_dma source(%dma_start3A_466 : memref<10000x128xf32, #tpu.memory_space<hbm>>) target(%arg16 : memref<40x128xf32, #tpu.memory_space<vmem>>) offsets(%arg11 : memref<40xi32, #tpu.memory_space<vmem>>) semaphore(%arg24 : memref<!tpu.dma_semaphore, #tpu.memory_space<semaphore_mem>>)
      %dma_start3A_467 = arith.constant 0 : i32
      %dma_start3A_468 = arith.constant 0 : i32
      %dma_start3A_469 = tpu.memref_slice %arg3[%dma_start3A_467, %dma_start3A_468] : memref<10000x128xf32, #tpu.memory_space<hbm>> -> memref<10000x128xf32, #tpu.memory_space<hbm>>
      tpu.enqueue_indirect_dma source(%dma_start3A_469 : memref<10000x128xf32, #tpu.memory_space<hbm>>) target(%arg17 : memref<40x128xf32, #tpu.memory_space<vmem>>) offsets(%arg12 : memref<40xi32, #tpu.memory_space<vmem>>) semaphore(%arg24 : memref<!tpu.dma_semaphore, #tpu.memory_space<semaphore_mem>>)
      %dma_wait3A_470 = arith.constant 0 : i32
      %dma_wait3A_471 = arith.constant 0 : i32
      %dma_wait3A_472 = tpu.memref_slice %arg5[%add3A, %dma_wait3A_470, %dma_wait3A_471] : memref<32x250x40xi32, #tpu.memory_space<hbm>> -> memref<1x1x40xi32, #tpu.memory_space<hbm>>
      %dma_wait3A_473 = tpu.memref_squeeze %dma_wait3A_472 : memref<1x1x40xi32, #tpu.memory_space<hbm>> -> memref<40xi32, #tpu.memory_space<hbm>>
      %dma_wait3A_474 = arith.constant 0 : i32
      %dma_wait3A_475 = tpu.memref_slice %arg5[%add3A, %dma_wait3A_470, %dma_wait3A_474] : memref<32x250x40xi32, #tpu.memory_space<hbm>> -> memref<1x1x40xi32, #tpu.memory_space<hbm>>
      %dma_wait3A_476 = tpu.memref_squeeze %dma_wait3A_475 : memref<1x1x40xi32, #tpu.memory_space<hbm>> -> memref<40xi32, #tpu.memory_space<hbm>>
      tpu.wait_dma2 semaphore(%arg30 : memref<!tpu.dma_semaphore, #tpu.memory_space<semaphore_mem>>) src(%dma_wait3A_476 : memref<40xi32, #tpu.memory_space<hbm>>) dst(%arg13 : memref<40xi32, #tpu.memory_space<vmem>>)
      %dma_start3A_477 = arith.constant 0 : i32
      %dma_start3A_478 = arith.constant 0 : i32
      %dma_start3A_479 = tpu.memref_slice %arg21[%dma_start3A_477, %dma_start3A_478] : memref<10240x128xf32, #tpu.memory_space<vmem_shared>> -> memref<10240x128xf32, #tpu.memory_space<vmem_shared>>
      tpu.enqueue_indirect_dma source(%arg19 : memref<40x128xf32, #tpu.memory_space<vmem>>) target(%dma_start3A_479 : memref<10240x128xf32, #tpu.memory_space<vmem_shared>>) offsets(%arg13 : memref<40xi32, #tpu.memory_space<vmem>>) semaphore(%arg26 : memref<!tpu.dma_semaphore, #tpu.memory_space<semaphore_mem>>) {add = true}
      %dma_start3A_480 = arith.constant 0 : i32
      %dma_start3A_481 = arith.constant 0 : i32
      %dma_start3A_482 = tpu.memref_slice %arg22[%dma_start3A_480, %dma_start3A_481] : memref<10240x16xf32, #tpu.memory_space<vmem_shared>> -> memref<10240x16xf32, #tpu.memory_space<vmem_shared>>
      tpu.enqueue_indirect_dma source(%arg20 : memref<40x16xf32, #tpu.memory_space<vmem>>) target(%dma_start3A_482 : memref<10240x16xf32, #tpu.memory_space<vmem_shared>>) offsets(%arg13 : memref<40xi32, #tpu.memory_space<vmem>>) semaphore(%arg26 : memref<!tpu.dma_semaphore, #tpu.memory_space<semaphore_mem>>) {add = true}
      %scan3A_483 = arith.constant 0 : i32
      scf.yield %scan3A_483 : i32
    }
    %scan3A_230 = arith.constant 123 : i32
    %dma_wait3A_231 = arith.constant 0 : i32
    %dma_wait3A_232 = arith.constant 0 : i32
    %dma_wait3A_233 = tpu.memref_slice %arg21[%dma_wait3A_231, %dma_wait3A_232] : memref<10240x128xf32, #tpu.memory_space<vmem_shared>> -> memref<10240x128xf32, #tpu.memory_space<vmem_shared>>
    tpu.wait_indirect_dma semaphore(%arg25 : memref<!tpu.dma_semaphore, #tpu.memory_space<semaphore_mem>>) src(%arg18 : memref<40x128xf32, #tpu.memory_space<vmem>>) dst(%dma_wait3A_233 : memref<10240x128xf32, #tpu.memory_space<vmem_shared>>)
    %dma_wait3A_234 = arith.constant 0 : i32
    %dma_wait3A_235 = arith.constant 0 : i32
    %dma_wait3A_236 = tpu.memref_slice %arg22[%dma_wait3A_234, %dma_wait3A_235] : memref<10240x16xf32, #tpu.memory_space<vmem_shared>> -> memref<10240x16xf32, #tpu.memory_space<vmem_shared>>
    tpu.wait_indirect_dma semaphore(%arg25 : memref<!tpu.dma_semaphore, #tpu.memory_space<semaphore_mem>>) src(%arg20 : memref<40x16xf32, #tpu.memory_space<vmem>>) dst(%dma_wait3A_236 : memref<10240x16xf32, #tpu.memory_space<vmem_shared>>)
    %dma_start3A_237 = arith.constant 248 : i32
    %dma_start3A_238 = arith.constant 0 : i32
    %dma_start3A_239 = tpu.memref_slice %arg5[%add3A, %dma_start3A_237, %dma_start3A_238] : memref<32x250x40xi32, #tpu.memory_space<hbm>> -> memref<1x1x40xi32, #tpu.memory_space<hbm>>
    %dma_start3A_240 = tpu.memref_squeeze %dma_start3A_239 : memref<1x1x40xi32, #tpu.memory_space<hbm>> -> memref<40xi32, #tpu.memory_space<hbm>>
    %dma_start3A_241 = arith.constant 0 : i32
    %dma_start3A_242 = tpu.memref_slice %arg5[%add3A, %dma_start3A_237, %dma_start3A_241] : memref<32x250x40xi32, #tpu.memory_space<hbm>> -> memref<1x1x40xi32, #tpu.memory_space<hbm>>
    %dma_start3A_243 = tpu.memref_squeeze %dma_start3A_242 : memref<1x1x40xi32, #tpu.memory_space<hbm>> -> memref<40xi32, #tpu.memory_space<hbm>>
    tpu.enqueue_dma source(%dma_start3A_243 : memref<40xi32, #tpu.memory_space<hbm>>) target(%arg10 : memref<40xi32, #tpu.memory_space<vmem>>) target_semaphore(%arg29 : memref<!tpu.dma_semaphore, #tpu.memory_space<semaphore_mem>>)
    %dma_wait3A_244 = arith.constant 0 : i32
    %dma_wait3A_245 = arith.constant 0 : i32
    %dma_wait3A_246 = tpu.memref_slice %arg2[%dma_wait3A_244, %dma_wait3A_245] : memref<10000x128xf32, #tpu.memory_space<hbm>> -> memref<10000x128xf32, #tpu.memory_space<hbm>>
    tpu.wait_indirect_dma semaphore(%arg23 : memref<!tpu.dma_semaphore, #tpu.memory_space<semaphore_mem>>) src(%dma_wait3A_246 : memref<10000x128xf32, #tpu.memory_space<hbm>>) dst(%arg14 : memref<40x128xf32, #tpu.memory_space<vmem>>)
    %dma_wait3A_247 = arith.constant 0 : i32
    %dma_wait3A_248 = arith.constant 0 : i32
    %dma_wait3A_249 = tpu.memref_slice %arg3[%dma_wait3A_247, %dma_wait3A_248] : memref<10000x128xf32, #tpu.memory_space<hbm>> -> memref<10000x128xf32, #tpu.memory_space<hbm>>
    tpu.wait_indirect_dma semaphore(%arg23 : memref<!tpu.dma_semaphore, #tpu.memory_space<semaphore_mem>>) src(%dma_wait3A_249 : memref<10000x128xf32, #tpu.memory_space<hbm>>) dst(%arg15 : memref<40x128xf32, #tpu.memory_space<vmem>>)
    %scan3A_250 = arith.constant 0 : i32
    %scan3A_251 = arith.constant 0 : i32
    %scan3A_252 = arith.constant 20 : i32
    %scan3A_253 = arith.addi %scan3A_251, %scan3A_252 : i32
    %scan3A_254 = arith.constant 1 : i32
    %scan3A_255 = scf.for %scan3A_329 = %scan3A_251 to %scan3A_253 step %scan3A_254 iter_args(%scan3A_330 = %scan3A_250) -> (i32)  : i32 {
      %mul3A_331 = arith.constant 2 : i32
      %mul3A_332 = arith.muli %scan3A_329, %mul3A_331 : i32
      %add3A_333 = arith.constant 0 : i32
      %add3A_334 = arith.addi %mul3A_332, %add3A_333 : i32
      %get3A = arith.index_cast %add3A_334 : i32 to index
      %get3A_335 = arith.constant 0 : index
      %get3A_336 = tpu.vector_load %arg14[%get3A, %get3A_335] {strides = array<i32>} : memref<40x128xf32, #tpu.memory_space<vmem>>, vector<16xf32>,
      %get3A_337 = arith.index_cast %add3A_334 : i32 to index
      %get3A_338 = arith.constant 0 : index
      %get3A_339 = tpu.vector_load %arg15[%get3A_337, %get3A_338] {strides = array<i32>} : memref<40x128xf32, #tpu.memory_space<vmem>>, vector<16xf32>,
      %add3A_340 = arith.addf %get3A_336, %get3A_339 : vector<16xf32>
      %max3A = arith.constant 0.000000e+00 : f32
      %max3A_341 = vector.broadcast %max3A : f32 to vector<16xf32>
      %max3A_342 = arith.maximumf %add3A_340, %max3A_341 : vector<16xf32>
      %swap3A = arith.index_cast %add3A_334 : i32 to index
      %swap3A_343 = arith.constant 0 : index
      %swap3A_344 = tpu.vector_load %arg18[%swap3A, %swap3A_343] {strides = array<i32>} : memref<40x128xf32, #tpu.memory_space<vmem>>, vector<16xf32>,
      tpu.vector_store %arg18[%swap3A, %swap3A_343], %max3A_342 {strides = array<i32>} : memref<40x128xf32, #tpu.memory_space<vmem>>, vector<16xf32>,
      %get3A_345 = arith.index_cast %add3A_334 : i32 to index
      %get3A_346 = arith.constant 16 : index
      %get3A_347 = tpu.vector_load %arg14[%get3A_345, %get3A_346] {strides = array<i32>} : memref<40x128xf32, #tpu.memory_space<vmem>>, vector<16xf32>,
      %get3A_348 = arith.index_cast %add3A_334 : i32 to index
      %get3A_349 = arith.constant 16 : index
      %get3A_350 = tpu.vector_load %arg15[%get3A_348, %get3A_349] {strides = array<i32>} : memref<40x128xf32, #tpu.memory_space<vmem>>, vector<16xf32>,
      %add3A_351 = arith.addf %get3A_347, %get3A_350 : vector<16xf32>
      %max3A_352 = arith.constant 0.000000e+00 : f32
      %max3A_353 = vector.broadcast %max3A_352 : f32 to vector<16xf32>
      %max3A_354 = arith.maximumf %add3A_351, %max3A_353 : vector<16xf32>
      %swap3A_355 = arith.index_cast %add3A_334 : i32 to index
      %swap3A_356 = arith.constant 16 : index
      %swap3A_357 = tpu.vector_load %arg18[%swap3A_355, %swap3A_356] {strides = array<i32>} : memref<40x128xf32, #tpu.memory_space<vmem>>, vector<16xf32>,
      tpu.vector_store %arg18[%swap3A_355, %swap3A_356], %max3A_354 {strides = array<i32>} : memref<40x128xf32, #tpu.memory_space<vmem>>, vector<16xf32>,
      %get3A_358 = arith.index_cast %add3A_334 : i32 to index
      %get3A_359 = arith.constant 32 : index
      %get3A_360 = tpu.vector_load %arg14[%get3A_358, %get3A_359] {strides = array<i32>} : memref<40x128xf32, #tpu.memory_space<vmem>>, vector<16xf32>,
      %get3A_361 = arith.index_cast %add3A_334 : i32 to index
      %get3A_362 = arith.constant 32 : index
      %get3A_363 = tpu.vector_load %arg15[%get3A_361, %get3A_362] {strides = array<i32>} : memref<40x128xf32, #tpu.memory_space<vmem>>, vector<16xf32>,
      %add3A_364 = arith.addf %get3A_360, %get3A_363 : vector<16xf32>
      %max3A_365 = arith.constant 0.000000e+00 : f32
      %max3A_366 = vector.broadcast %max3A_365 : f32 to vector<16xf32>
      %max3A_367 = arith.maximumf %add3A_364, %max3A_366 : vector<16xf32>
      %swap3A_368 = arith.index_cast %add3A_334 : i32 to index
      %swap3A_369 = arith.constant 32 : index
      %swap3A_370 = tpu.vector_load %arg18[%swap3A_368, %swap3A_369] {strides = array<i32>} : memref<40x128xf32, #tpu.memory_space<vmem>>, vector<16xf32>,
      tpu.vector_store %arg18[%swap3A_368, %swap3A_369], %max3A_367 {strides = array<i32>} : memref<40x128xf32, #tpu.memory_space<vmem>>, vector<16xf32>,
      %get3A_371 = arith.index_cast %add3A_334 : i32 to index
      %get3A_372 = arith.constant 48 : index
      %get3A_373 = tpu.vector_load %arg14[%get3A_371, %get3A_372] {strides = array<i32>} : memref<40x128xf32, #tpu.memory_space<vmem>>, vector<16xf32>,
      %get3A_374 = arith.index_cast %add3A_334 : i32 to index
      %get3A_375 = arith.constant 48 : index
      %get3A_376 = tpu.vector_load %arg15[%get3A_374, %get3A_375] {strides = array<i32>} : memref<40x128xf32, #tpu.memory_space<vmem>>, vector<16xf32>,
      %add3A_377 = arith.addf %get3A_373, %get3A_376 : vector<16xf32>
      %max3A_378 = arith.constant 0.000000e+00 : f32
      %max3A_379 = vector.broadcast %max3A_378 : f32 to vector<16xf32>
      %max3A_380 = arith.maximumf %add3A_377, %max3A_379 : vector<16xf32>
      %swap3A_381 = arith.index_cast %add3A_334 : i32 to index
      %swap3A_382 = arith.constant 48 : index
      %swap3A_383 = tpu.vector_load %arg18[%swap3A_381, %swap3A_382] {strides = array<i32>} : memref<40x128xf32, #tpu.memory_space<vmem>>, vector<16xf32>,
      tpu.vector_store %arg18[%swap3A_381, %swap3A_382], %max3A_380 {strides = array<i32>} : memref<40x128xf32, #tpu.memory_space<vmem>>, vector<16xf32>,
      %get3A_384 = arith.index_cast %add3A_334 : i32 to index
      %get3A_385 = arith.constant 64 : index
      %get3A_386 = tpu.vector_load %arg14[%get3A_384, %get3A_385] {strides = array<i32>} : memref<40x128xf32, #tpu.memory_space<vmem>>, vector<16xf32>,
      %get3A_387 = arith.index_cast %add3A_334 : i32 to index
      %get3A_388 = arith.constant 64 : index
      %get3A_389 = tpu.vector_load %arg15[%get3A_387, %get3A_388] {strides = array<i32>} : memref<40x128xf32, #tpu.memory_space<vmem>>, vector<16xf32>,
      %add3A_390 = arith.addf %get3A_386, %get3A_389 : vector<16xf32>
      %max3A_391 = arith.constant 0.000000e+00 : f32
      %max3A_392 = vector.broadcast %max3A_391 : f32 to vector<16xf32>
      %max3A_393 = arith.maximumf %add3A_390, %max3A_392 : vector<16xf32>
      %swap3A_394 = arith.index_cast %add3A_334 : i32 to index
      %swap3A_395 = arith.constant 64 : index
      %swap3A_396 = tpu.vector_load %arg18[%swap3A_394, %swap3A_395] {strides = array<i32>} : memref<40x128xf32, #tpu.memory_space<vmem>>, vector<16xf32>,
      tpu.vector_store %arg18[%swap3A_394, %swap3A_395], %max3A_393 {strides = array<i32>} : memref<40x128xf32, #tpu.memory_space<vmem>>, vector<16xf32>,
      %get3A_397 = arith.index_cast %add3A_334 : i32 to index
      %get3A_398 = arith.constant 80 : index
      %get3A_399 = tpu.vector_load %arg14[%get3A_397, %get3A_398] {strides = array<i32>} : memref<40x128xf32, #tpu.memory_space<vmem>>, vector<16xf32>,
      %get3A_400 = arith.index_cast %add3A_334 : i32 to index
      %get3A_401 = arith.constant 80 : index
      %get3A_402 = tpu.vector_load %arg15[%get3A_400, %get3A_401] {strides = array<i32>} : memref<40x128xf32, #tpu.memory_space<vmem>>, vector<16xf32>,
      %add3A_403 = arith.addf %get3A_399, %get3A_402 : vector<16xf32>
      %max3A_404 = arith.constant 0.000000e+00 : f32
      %max3A_405 = vector.broadcast %max3A_404 : f32 to vector<16xf32>
      %max3A_406 = arith.maximumf %add3A_403, %max3A_405 : vector<16xf32>
      %swap3A_407 = arith.index_cast %add3A_334 : i32 to index
      %swap3A_408 = arith.constant 80 : index
      %swap3A_409 = tpu.vector_load %arg18[%swap3A_407, %swap3A_408] {strides = array<i32>} : memref<40x128xf32, #tpu.memory_space<vmem>>, vector<16xf32>,
      tpu.vector_store %arg18[%swap3A_407, %swap3A_408], %max3A_406 {strides = array<i32>} : memref<40x128xf32, #tpu.memory_space<vmem>>, vector<16xf32>,
      %get3A_410 = arith.index_cast %add3A_334 : i32 to index
      %get3A_411 = arith.constant 96 : index
      %get3A_412 = tpu.vector_load %arg14[%get3A_410, %get3A_411] {strides = array<i32>} : memref<40x128xf32, #tpu.memory_space<vmem>>, vector<16xf32>,
      %get3A_413 = arith.index_cast %add3A_334 : i32 to index
      %get3A_414 = arith.constant 96 : index
      %get3A_415 = tpu.vector_load %arg15[%get3A_413, %get3A_414] {strides = array<i32>} : memref<40x128xf32, #tpu.memory_space<vmem>>, vector<16xf32>,
      %add3A_416 = arith.addf %get3A_412, %get3A_415 : vector<16xf32>
      %max3A_417 = arith.constant 0.000000e+00 : f32
      %max3A_418 = vector.broadcast %max3A_417 : f32 to vector<16xf32>
      %max3A_419 = arith.maximumf %add3A_416, %max3A_418 : vector<16xf32>
      %swap3A_420 = arith.index_cast %add3A_334 : i32 to index
      %swap3A_421 = arith.constant 96 : index
      %swap3A_422 = tpu.vector_load %arg18[%swap3A_420, %swap3A_421] {strides = array<i32>} : memref<40x128xf32, #tpu.memory_space<vmem>>, vector<16xf32>,
      tpu.vector_store %arg18[%swap3A_420, %swap3A_421], %max3A_419 {strides = array<i32>} : memref<40x128xf32, #tpu.memory_space<vmem>>, vector<16xf32>,
      %get3A_423 = arith.index_cast %add3A_334 : i32 to index
      %get3A_424 = arith.constant 112 : index
      %get3A_425 = tpu.vector_load %arg14[%get3A_423, %get3A_424] {strides = array<i32>} : memref<40x128xf32, #tpu.memory_space<vmem>>, vector<16xf32>,
      %get3A_426 = arith.index_cast %add3A_334 : i32 to index
      %get3A_427 = arith.constant 112 : index
      %get3A_428 = tpu.vector_load %arg15[%get3A_426, %get3A_427] {strides = array<i32>} : memref<40x128xf32, #tpu.memory_space<vmem>>, vector<16xf32>,
      %add3A_429 = arith.addf %get3A_425, %get3A_428 : vector<16xf32>
      %max3A_430 = arith.constant 0.000000e+00 : f32
      %max3A_431 = vector.broadcast %max3A_430 : f32 to vector<16xf32>
      %max3A_432 = arith.maximumf %add3A_429, %max3A_431 : vector<16xf32>
      %swap3A_433 = arith.index_cast %add3A_334 : i32 to index
      %swap3A_434 = arith.constant 112 : index
      %swap3A_435 = tpu.vector_load %arg18[%swap3A_433, %swap3A_434] {strides = array<i32>} : memref<40x128xf32, #tpu.memory_space<vmem>>, vector<16xf32>,
      tpu.vector_store %arg18[%swap3A_433, %swap3A_434], %max3A_432 {strides = array<i32>} : memref<40x128xf32, #tpu.memory_space<vmem>>, vector<16xf32>,
      %mul3A_436 = arith.constant 2 : i32
      %mul3A_437 = arith.muli %scan3A_329, %mul3A_436 : i32
      %add3A_438 = arith.constant 1 : i32
      %add3A_439 = arith.addi %mul3A_437, %add3A_438 : i32
      %get3A_440 = arith.index_cast %add3A_439 : i32 to index
      %get3A_441 = arith.constant 0 : index
      %get3A_442 = tpu.vector_load %arg14[%get3A_440, %get3A_441] {strides = array<i32>} : memref<40x128xf32, #tpu.memory_space<vmem>>, vector<16xf32>,
      %get3A_443 = arith.index_cast %add3A_439 : i32 to index
      %get3A_444 = arith.constant 0 : index
      %get3A_445 = tpu.vector_load %arg15[%get3A_443, %get3A_444] {strides = array<i32>} : memref<40x128xf32, #tpu.memory_space<vmem>>, vector<16xf32>,
      %add3A_446 = arith.addf %get3A_442, %get3A_445 : vector<16xf32>
      %max3A_447 = arith.constant 0.000000e+00 : f32
      %max3A_448 = vector.broadcast %max3A_447 : f32 to vector<16xf32>
      %max3A_449 = arith.maximumf %add3A_446, %max3A_448 : vector<16xf32>
      %swap3A_450 = arith.index_cast %add3A_439 : i32 to index
      %swap3A_451 = arith.constant 0 : index
      %swap3A_452 = tpu.vector_load %arg18[%swap3A_450, %swap3A_451] {strides = array<i32>} : memref<40x128xf32, #tpu.memory_space<vmem>>, vector<16xf32>,
      tpu.vector_store %arg18[%swap3A_450, %swap3A_451], %max3A_449 {strides = array<i32>} : memref<40x128xf32, #tpu.memory_space<vmem>>, vector<16xf32>,
      %get3A_453 = arith.index_cast %add3A_439 : i32 to index
      %get3A_454 = arith.constant 16 : index
      %get3A_455 = tpu.vector_load %arg14[%get3A_453, %get3A_454] {strides = array<i32>} : memref<40x128xf32, #tpu.memory_space<vmem>>, vector<16xf32>,
      %get3A_456 = arith.index_cast %add3A_439 : i32 to index
      %get3A_457 = arith.constant 16 : index
      %get3A_458 = tpu.vector_load %arg15[%get3A_456, %get3A_457] {strides = array<i32>} : memref<40x128xf32, #tpu.memory_space<vmem>>, vector<16xf32>,
      %add3A_459 = arith.addf %get3A_455, %get3A_458 : vector<16xf32>
      %max3A_460 = arith.constant 0.000000e+00 : f32
      %max3A_461 = vector.broadcast %max3A_460 : f32 to vector<16xf32>
      %max3A_462 = arith.maximumf %add3A_459, %max3A_461 : vector<16xf32>
      %swap3A_463 = arith.index_cast %add3A_439 : i32 to index
      %swap3A_464 = arith.constant 16 : index
      %swap3A_465 = tpu.vector_load %arg18[%swap3A_463, %swap3A_464] {strides = array<i32>} : memref<40x128xf32, #tpu.memory_space<vmem>>, vector<16xf32>,
      tpu.vector_store %arg18[%swap3A_463, %swap3A_464], %max3A_462 {strides = array<i32>} : memref<40x128xf32, #tpu.memory_space<vmem>>, vector<16xf32>,
      %get3A_466 = arith.index_cast %add3A_439 : i32 to index
      %get3A_467 = arith.constant 32 : index
      %get3A_468 = tpu.vector_load %arg14[%get3A_466, %get3A_467] {strides = array<i32>} : memref<40x128xf32, #tpu.memory_space<vmem>>, vector<16xf32>,
      %get3A_469 = arith.index_cast %add3A_439 : i32 to index
      %get3A_470 = arith.constant 32 : index
      %get3A_471 = tpu.vector_load %arg15[%get3A_469, %get3A_470] {strides = array<i32>} : memref<40x128xf32, #tpu.memory_space<vmem>>, vector<16xf32>,
      %add3A_472 = arith.addf %get3A_468, %get3A_471 : vector<16xf32>
      %max3A_473 = arith.constant 0.000000e+00 : f32
      %max3A_474 = vector.broadcast %max3A_473 : f32 to vector<16xf32>
      %max3A_475 = arith.maximumf %add3A_472, %max3A_474 : vector<16xf32>
      %swap3A_476 = arith.index_cast %add3A_439 : i32 to index
      %swap3A_477 = arith.constant 32 : index
      %swap3A_478 = tpu.vector_load %arg18[%swap3A_476, %swap3A_477] {strides = array<i32>} : memref<40x128xf32, #tpu.memory_space<vmem>>, vector<16xf32>,
      tpu.vector_store %arg18[%swap3A_476, %swap3A_477], %max3A_475 {strides = array<i32>} : memref<40x128xf32, #tpu.memory_space<vmem>>, vector<16xf32>,
      %get3A_479 = arith.index_cast %add3A_439 : i32 to index
      %get3A_480 = arith.constant 48 : index
      %get3A_481 = tpu.vector_load %arg14[%get3A_479, %get3A_480] {strides = array<i32>} : memref<40x128xf32, #tpu.memory_space<vmem>>, vector<16xf32>,
      %get3A_482 = arith.index_cast %add3A_439 : i32 to index
      %get3A_483 = arith.constant 48 : index
      %get3A_484 = tpu.vector_load %arg15[%get3A_482, %get3A_483] {strides = array<i32>} : memref<40x128xf32, #tpu.memory_space<vmem>>, vector<16xf32>,
      %add3A_485 = arith.addf %get3A_481, %get3A_484 : vector<16xf32>
      %max3A_486 = arith.constant 0.000000e+00 : f32
      %max3A_487 = vector.broadcast %max3A_486 : f32 to vector<16xf32>
      %max3A_488 = arith.maximumf %add3A_485, %max3A_487 : vector<16xf32>
      %swap3A_489 = arith.index_cast %add3A_439 : i32 to index
      %swap3A_490 = arith.constant 48 : index
      %swap3A_491 = tpu.vector_load %arg18[%swap3A_489, %swap3A_490] {strides = array<i32>} : memref<40x128xf32, #tpu.memory_space<vmem>>, vector<16xf32>,
      tpu.vector_store %arg18[%swap3A_489, %swap3A_490], %max3A_488 {strides = array<i32>} : memref<40x128xf32, #tpu.memory_space<vmem>>, vector<16xf32>,
      %get3A_492 = arith.index_cast %add3A_439 : i32 to index
      %get3A_493 = arith.constant 64 : index
      %get3A_494 = tpu.vector_load %arg14[%get3A_492, %get3A_493] {strides = array<i32>} : memref<40x128xf32, #tpu.memory_space<vmem>>, vector<16xf32>,
      %get3A_495 = arith.index_cast %add3A_439 : i32 to index
      %get3A_496 = arith.constant 64 : index
      %get3A_497 = tpu.vector_load %arg15[%get3A_495, %get3A_496] {strides = array<i32>} : memref<40x128xf32, #tpu.memory_space<vmem>>, vector<16xf32>,
      %add3A_498 = arith.addf %get3A_494, %get3A_497 : vector<16xf32>
      %max3A_499 = arith.constant 0.000000e+00 : f32
      %max3A_500 = vector.broadcast %max3A_499 : f32 to vector<16xf32>
      %max3A_501 = arith.maximumf %add3A_498, %max3A_500 : vector<16xf32>
      %swap3A_502 = arith.index_cast %add3A_439 : i32 to index
      %swap3A_503 = arith.constant 64 : index
      %swap3A_504 = tpu.vector_load %arg18[%swap3A_502, %swap3A_503] {strides = array<i32>} : memref<40x128xf32, #tpu.memory_space<vmem>>, vector<16xf32>,
      tpu.vector_store %arg18[%swap3A_502, %swap3A_503], %max3A_501 {strides = array<i32>} : memref<40x128xf32, #tpu.memory_space<vmem>>, vector<16xf32>,
      %get3A_505 = arith.index_cast %add3A_439 : i32 to index
      %get3A_506 = arith.constant 80 : index
      %get3A_507 = tpu.vector_load %arg14[%get3A_505, %get3A_506] {strides = array<i32>} : memref<40x128xf32, #tpu.memory_space<vmem>>, vector<16xf32>,
      %get3A_508 = arith.index_cast %add3A_439 : i32 to index
      %get3A_509 = arith.constant 80 : index
      %get3A_510 = tpu.vector_load %arg15[%get3A_508, %get3A_509] {strides = array<i32>} : memref<40x128xf32, #tpu.memory_space<vmem>>, vector<16xf32>,
      %add3A_511 = arith.addf %get3A_507, %get3A_510 : vector<16xf32>
      %max3A_512 = arith.constant 0.000000e+00 : f32
      %max3A_513 = vector.broadcast %max3A_512 : f32 to vector<16xf32>
      %max3A_514 = arith.maximumf %add3A_511, %max3A_513 : vector<16xf32>
      %swap3A_515 = arith.index_cast %add3A_439 : i32 to index
      %swap3A_516 = arith.constant 80 : index
      %swap3A_517 = tpu.vector_load %arg18[%swap3A_515, %swap3A_516] {strides = array<i32>} : memref<40x128xf32, #tpu.memory_space<vmem>>, vector<16xf32>,
      tpu.vector_store %arg18[%swap3A_515, %swap3A_516], %max3A_514 {strides = array<i32>} : memref<40x128xf32, #tpu.memory_space<vmem>>, vector<16xf32>,
      %get3A_518 = arith.index_cast %add3A_439 : i32 to index
      %get3A_519 = arith.constant 96 : index
      %get3A_520 = tpu.vector_load %arg14[%get3A_518, %get3A_519] {strides = array<i32>} : memref<40x128xf32, #tpu.memory_space<vmem>>, vector<16xf32>,
      %get3A_521 = arith.index_cast %add3A_439 : i32 to index
      %get3A_522 = arith.constant 96 : index
      %get3A_523 = tpu.vector_load %arg15[%get3A_521, %get3A_522] {strides = array<i32>} : memref<40x128xf32, #tpu.memory_space<vmem>>, vector<16xf32>,
      %add3A_524 = arith.addf %get3A_520, %get3A_523 : vector<16xf32>
      %max3A_525 = arith.constant 0.000000e+00 : f32
      %max3A_526 = vector.broadcast %max3A_525 : f32 to vector<16xf32>
      %max3A_527 = arith.maximumf %add3A_524, %max3A_526 : vector<16xf32>
      %swap3A_528 = arith.index_cast %add3A_439 : i32 to index
      %swap3A_529 = arith.constant 96 : index
      %swap3A_530 = tpu.vector_load %arg18[%swap3A_528, %swap3A_529] {strides = array<i32>} : memref<40x128xf32, #tpu.memory_space<vmem>>, vector<16xf32>,
      tpu.vector_store %arg18[%swap3A_528, %swap3A_529], %max3A_527 {strides = array<i32>} : memref<40x128xf32, #tpu.memory_space<vmem>>, vector<16xf32>,
      %get3A_531 = arith.index_cast %add3A_439 : i32 to index
      %get3A_532 = arith.constant 112 : index
      %get3A_533 = tpu.vector_load %arg14[%get3A_531, %get3A_532] {strides = array<i32>} : memref<40x128xf32, #tpu.memory_space<vmem>>, vector<16xf32>,
      %get3A_534 = arith.index_cast %add3A_439 : i32 to index
      %get3A_535 = arith.constant 112 : index
      %get3A_536 = tpu.vector_load %arg15[%get3A_534, %get3A_535] {strides = array<i32>} : memref<40x128xf32, #tpu.memory_space<vmem>>, vector<16xf32>,
      %add3A_537 = arith.addf %get3A_533, %get3A_536 : vector<16xf32>
      %max3A_538 = arith.constant 0.000000e+00 : f32
      %max3A_539 = vector.broadcast %max3A_538 : f32 to vector<16xf32>
      %max3A_540 = arith.maximumf %add3A_537, %max3A_539 : vector<16xf32>
      %swap3A_541 = arith.index_cast %add3A_439 : i32 to index
      %swap3A_542 = arith.constant 112 : index
      %swap3A_543 = tpu.vector_load %arg18[%swap3A_541, %swap3A_542] {strides = array<i32>} : memref<40x128xf32, #tpu.memory_space<vmem>>, vector<16xf32>,
      tpu.vector_store %arg18[%swap3A_541, %swap3A_542], %max3A_540 {strides = array<i32>} : memref<40x128xf32, #tpu.memory_space<vmem>>, vector<16xf32>,
      %scan3A_544 = arith.constant 0 : i32
      scf.yield %scan3A_544 : i32
    }
    %scan3A_256 = arith.constant 20 : i32
    %dma_wait3A_257 = arith.constant 0 : i32
    %dma_wait3A_258 = arith.constant 0 : i32
    %dma_wait3A_259 = tpu.memref_slice %arg5[%add3A, %dma_wait3A_257, %dma_wait3A_258] : memref<32x250x40xi32, #tpu.memory_space<hbm>> -> memref<1x1x40xi32, #tpu.memory_space<hbm>>
    %dma_wait3A_260 = tpu.memref_squeeze %dma_wait3A_259 : memref<1x1x40xi32, #tpu.memory_space<hbm>> -> memref<40xi32, #tpu.memory_space<hbm>>
    %dma_wait3A_261 = arith.constant 0 : i32
    %dma_wait3A_262 = tpu.memref_slice %arg5[%add3A, %dma_wait3A_257, %dma_wait3A_261] : memref<32x250x40xi32, #tpu.memory_space<hbm>> -> memref<1x1x40xi32, #tpu.memory_space<hbm>>
    %dma_wait3A_263 = tpu.memref_squeeze %dma_wait3A_262 : memref<1x1x40xi32, #tpu.memory_space<hbm>> -> memref<40xi32, #tpu.memory_space<hbm>>
    tpu.wait_dma2 semaphore(%arg29 : memref<!tpu.dma_semaphore, #tpu.memory_space<semaphore_mem>>) src(%dma_wait3A_263 : memref<40xi32, #tpu.memory_space<hbm>>) dst(%arg10 : memref<40xi32, #tpu.memory_space<vmem>>)
    %dma_start3A_264 = arith.constant 0 : i32
    %dma_start3A_265 = arith.constant 0 : i32
    %dma_start3A_266 = tpu.memref_slice %arg21[%dma_start3A_264, %dma_start3A_265] : memref<10240x128xf32, #tpu.memory_space<vmem_shared>> -> memref<10240x128xf32, #tpu.memory_space<vmem_shared>>
    tpu.enqueue_indirect_dma source(%arg18 : memref<40x128xf32, #tpu.memory_space<vmem>>) target(%dma_start3A_266 : memref<10240x128xf32, #tpu.memory_space<vmem_shared>>) offsets(%arg10 : memref<40xi32, #tpu.memory_space<vmem>>) semaphore(%arg25 : memref<!tpu.dma_semaphore, #tpu.memory_space<semaphore_mem>>) {add = true}
    %dma_start3A_267 = arith.constant 0 : i32
    %dma_start3A_268 = arith.constant 0 : i32
    %dma_start3A_269 = tpu.memref_slice %arg22[%dma_start3A_267, %dma_start3A_268] : memref<10240x16xf32, #tpu.memory_space<vmem_shared>> -> memref<10240x16xf32, #tpu.memory_space<vmem_shared>>
    tpu.enqueue_indirect_dma source(%arg20 : memref<40x16xf32, #tpu.memory_space<vmem>>) target(%dma_start3A_269 : memref<10240x16xf32, #tpu.memory_space<vmem_shared>>) offsets(%arg10 : memref<40xi32, #tpu.memory_space<vmem>>) semaphore(%arg25 : memref<!tpu.dma_semaphore, #tpu.memory_space<semaphore_mem>>) {add = true}
    %dma_wait3A_270 = arith.constant 0 : i32
    %dma_wait3A_271 = arith.constant 0 : i32
    %dma_wait3A_272 = tpu.memref_slice %arg21[%dma_wait3A_270, %dma_wait3A_271] : memref<10240x128xf32, #tpu.memory_space<vmem_shared>> -> memref<10240x128xf32, #tpu.memory_space<vmem_shared>>
    tpu.wait_indirect_dma semaphore(%arg26 : memref<!tpu.dma_semaphore, #tpu.memory_space<semaphore_mem>>) src(%arg19 : memref<40x128xf32, #tpu.memory_space<vmem>>) dst(%dma_wait3A_272 : memref<10240x128xf32, #tpu.memory_space<vmem_shared>>)
    %dma_wait3A_273 = arith.constant 0 : i32
    %dma_wait3A_274 = arith.constant 0 : i32
    %dma_wait3A_275 = tpu.memref_slice %arg22[%dma_wait3A_273, %dma_wait3A_274] : memref<10240x16xf32, #tpu.memory_space<vmem_shared>> -> memref<10240x16xf32, #tpu.memory_space<vmem_shared>>
    tpu.wait_indirect_dma semaphore(%arg26 : memref<!tpu.dma_semaphore, #tpu.memory_space<semaphore_mem>>) src(%arg20 : memref<40x16xf32, #tpu.memory_space<vmem>>) dst(%dma_wait3A_275 : memref<10240x16xf32, #tpu.memory_space<vmem_shared>>)
    %dma_start3A_276 = arith.constant 249 : i32
    %dma_start3A_277 = arith.constant 0 : i32
    %dma_start3A_278 = tpu.memref_slice %arg5[%add3A, %dma_start3A_276, %dma_start3A_277] : memref<32x250x40xi32, #tpu.memory_space<hbm>> -> memref<1x1x40xi32, #tpu.memory_space<hbm>>
    %dma_start3A_279 = tpu.memref_squeeze %dma_start3A_278 : memref<1x1x40xi32, #tpu.memory_space<hbm>> -> memref<40xi32, #tpu.memory_space<hbm>>
    %dma_start3A_280 = arith.constant 0 : i32
    %dma_start3A_281 = tpu.memref_slice %arg5[%add3A, %dma_start3A_276, %dma_start3A_280] : memref<32x250x40xi32, #tpu.memory_space<hbm>> -> memref<1x1x40xi32, #tpu.memory_space<hbm>>
    %dma_start3A_282 = tpu.memref_squeeze %dma_start3A_281 : memref<1x1x40xi32, #tpu.memory_space<hbm>> -> memref<40xi32, #tpu.memory_space<hbm>>
    tpu.enqueue_dma source(%dma_start3A_282 : memref<40xi32, #tpu.memory_space<hbm>>) target(%arg13 : memref<40xi32, #tpu.memory_space<vmem>>) target_semaphore(%arg30 : memref<!tpu.dma_semaphore, #tpu.memory_space<semaphore_mem>>)
    %dma_wait3A_283 = arith.constant 0 : i32
    %dma_wait3A_284 = arith.constant 0 : i32
    %dma_wait3A_285 = tpu.memref_slice %arg2[%dma_wait3A_283, %dma_wait3A_284] : memref<10000x128xf32, #tpu.memory_space<hbm>> -> memref<10000x128xf32, #tpu.memory_space<hbm>>
    tpu.wait_indirect_dma semaphore(%arg24 : memref<!tpu.dma_semaphore, #tpu.memory_space<semaphore_mem>>) src(%dma_wait3A_285 : memref<10000x128xf32, #tpu.memory_space<hbm>>) dst(%arg16 : memref<40x128xf32, #tpu.memory_space<vmem>>)
    %dma_wait3A_286 = arith.constant 0 : i32
    %dma_wait3A_287 = arith.constant 0 : i32
    %dma_wait3A_288 = tpu.memref_slice %arg3[%dma_wait3A_286, %dma_wait3A_287] : memref<10000x128xf32, #tpu.memory_space<hbm>> -> memref<10000x128xf32, #tpu.memory_space<hbm>>
    tpu.wait_indirect_dma semaphore(%arg24 : memref<!tpu.dma_semaphore, #tpu.memory_space<semaphore_mem>>) src(%dma_wait3A_288 : memref<10000x128xf32, #tpu.memory_space<hbm>>) dst(%arg17 : memref<40x128xf32, #tpu.memory_space<vmem>>)
    %scan3A_289 = arith.constant 0 : i32
    %scan3A_290 = arith.constant 0 : i32
    %scan3A_291 = arith.constant 20 : i32
    %scan3A_292 = arith.addi %scan3A_290, %scan3A_291 : i32
    %scan3A_293 = arith.constant 1 : i32
    %scan3A_294 = scf.for %scan3A_329 = %scan3A_290 to %scan3A_292 step %scan3A_293 iter_args(%scan3A_330 = %scan3A_289) -> (i32)  : i32 {
      %mul3A_331 = arith.constant 2 : i32
      %mul3A_332 = arith.muli %scan3A_329, %mul3A_331 : i32
      %add3A_333 = arith.constant 0 : i32
      %add3A_334 = arith.addi %mul3A_332, %add3A_333 : i32
      %get3A = arith.index_cast %add3A_334 : i32 to index
      %get3A_335 = arith.constant 0 : index
      %get3A_336 = tpu.vector_load %arg16[%get3A, %get3A_335] {strides = array<i32>} : memref<40x128xf32, #tpu.memory_space<vmem>>, vector<16xf32>,
      %get3A_337 = arith.index_cast %add3A_334 : i32 to index
      %get3A_338 = arith.constant 0 : index
      %get3A_339 = tpu.vector_load %arg17[%get3A_337, %get3A_338] {strides = array<i32>} : memref<40x128xf32, #tpu.memory_space<vmem>>, vector<16xf32>,
      %add3A_340 = arith.addf %get3A_336, %get3A_339 : vector<16xf32>
      %max3A = arith.constant 0.000000e+00 : f32
      %max3A_341 = vector.broadcast %max3A : f32 to vector<16xf32>
      %max3A_342 = arith.maximumf %add3A_340, %max3A_341 : vector<16xf32>
      %swap3A = arith.index_cast %add3A_334 : i32 to index
      %swap3A_343 = arith.constant 0 : index
      %swap3A_344 = tpu.vector_load %arg19[%swap3A, %swap3A_343] {strides = array<i32>} : memref<40x128xf32, #tpu.memory_space<vmem>>, vector<16xf32>,
      tpu.vector_store %arg19[%swap3A, %swap3A_343], %max3A_342 {strides = array<i32>} : memref<40x128xf32, #tpu.memory_space<vmem>>, vector<16xf32>,
      %get3A_345 = arith.index_cast %add3A_334 : i32 to index
      %get3A_346 = arith.constant 16 : index
      %get3A_347 = tpu.vector_load %arg16[%get3A_345, %get3A_346] {strides = array<i32>} : memref<40x128xf32, #tpu.memory_space<vmem>>, vector<16xf32>,
      %get3A_348 = arith.index_cast %add3A_334 : i32 to index
      %get3A_349 = arith.constant 16 : index
      %get3A_350 = tpu.vector_load %arg17[%get3A_348, %get3A_349] {strides = array<i32>} : memref<40x128xf32, #tpu.memory_space<vmem>>, vector<16xf32>,
      %add3A_351 = arith.addf %get3A_347, %get3A_350 : vector<16xf32>
      %max3A_352 = arith.constant 0.000000e+00 : f32
      %max3A_353 = vector.broadcast %max3A_352 : f32 to vector<16xf32>
      %max3A_354 = arith.maximumf %add3A_351, %max3A_353 : vector<16xf32>
      %swap3A_355 = arith.index_cast %add3A_334 : i32 to index
      %swap3A_356 = arith.constant 16 : index
      %swap3A_357 = tpu.vector_load %arg19[%swap3A_355, %swap3A_356] {strides = array<i32>} : memref<40x128xf32, #tpu.memory_space<vmem>>, vector<16xf32>,
      tpu.vector_store %arg19[%swap3A_355, %swap3A_356], %max3A_354 {strides = array<i32>} : memref<40x128xf32, #tpu.memory_space<vmem>>, vector<16xf32>,
      %get3A_358 = arith.index_cast %add3A_334 : i32 to index
      %get3A_359 = arith.constant 32 : index
      %get3A_360 = tpu.vector_load %arg16[%get3A_358, %get3A_359] {strides = array<i32>} : memref<40x128xf32, #tpu.memory_space<vmem>>, vector<16xf32>,
      %get3A_361 = arith.index_cast %add3A_334 : i32 to index
      %get3A_362 = arith.constant 32 : index
      %get3A_363 = tpu.vector_load %arg17[%get3A_361, %get3A_362] {strides = array<i32>} : memref<40x128xf32, #tpu.memory_space<vmem>>, vector<16xf32>,
      %add3A_364 = arith.addf %get3A_360, %get3A_363 : vector<16xf32>
      %max3A_365 = arith.constant 0.000000e+00 : f32
      %max3A_366 = vector.broadcast %max3A_365 : f32 to vector<16xf32>
      %max3A_367 = arith.maximumf %add3A_364, %max3A_366 : vector<16xf32>
      %swap3A_368 = arith.index_cast %add3A_334 : i32 to index
      %swap3A_369 = arith.constant 32 : index
      %swap3A_370 = tpu.vector_load %arg19[%swap3A_368, %swap3A_369] {strides = array<i32>} : memref<40x128xf32, #tpu.memory_space<vmem>>, vector<16xf32>,
      tpu.vector_store %arg19[%swap3A_368, %swap3A_369], %max3A_367 {strides = array<i32>} : memref<40x128xf32, #tpu.memory_space<vmem>>, vector<16xf32>,
      %get3A_371 = arith.index_cast %add3A_334 : i32 to index
      %get3A_372 = arith.constant 48 : index
      %get3A_373 = tpu.vector_load %arg16[%get3A_371, %get3A_372] {strides = array<i32>} : memref<40x128xf32, #tpu.memory_space<vmem>>, vector<16xf32>,
      %get3A_374 = arith.index_cast %add3A_334 : i32 to index
      %get3A_375 = arith.constant 48 : index
      %get3A_376 = tpu.vector_load %arg17[%get3A_374, %get3A_375] {strides = array<i32>} : memref<40x128xf32, #tpu.memory_space<vmem>>, vector<16xf32>,
      %add3A_377 = arith.addf %get3A_373, %get3A_376 : vector<16xf32>
      %max3A_378 = arith.constant 0.000000e+00 : f32
      %max3A_379 = vector.broadcast %max3A_378 : f32 to vector<16xf32>
      %max3A_380 = arith.maximumf %add3A_377, %max3A_379 : vector<16xf32>
      %swap3A_381 = arith.index_cast %add3A_334 : i32 to index
      %swap3A_382 = arith.constant 48 : index
      %swap3A_383 = tpu.vector_load %arg19[%swap3A_381, %swap3A_382] {strides = array<i32>} : memref<40x128xf32, #tpu.memory_space<vmem>>, vector<16xf32>,
      tpu.vector_store %arg19[%swap3A_381, %swap3A_382], %max3A_380 {strides = array<i32>} : memref<40x128xf32, #tpu.memory_space<vmem>>, vector<16xf32>,
      %get3A_384 = arith.index_cast %add3A_334 : i32 to index
      %get3A_385 = arith.constant 64 : index
      %get3A_386 = tpu.vector_load %arg16[%get3A_384, %get3A_385] {strides = array<i32>} : memref<40x128xf32, #tpu.memory_space<vmem>>, vector<16xf32>,
      %get3A_387 = arith.index_cast %add3A_334 : i32 to index
      %get3A_388 = arith.constant 64 : index
      %get3A_389 = tpu.vector_load %arg17[%get3A_387, %get3A_388] {strides = array<i32>} : memref<40x128xf32, #tpu.memory_space<vmem>>, vector<16xf32>,
      %add3A_390 = arith.addf %get3A_386, %get3A_389 : vector<16xf32>
      %max3A_391 = arith.constant 0.000000e+00 : f32
      %max3A_392 = vector.broadcast %max3A_391 : f32 to vector<16xf32>
      %max3A_393 = arith.maximumf %add3A_390, %max3A_392 : vector<16xf32>
      %swap3A_394 = arith.index_cast %add3A_334 : i32 to index
      %swap3A_395 = arith.constant 64 : index
      %swap3A_396 = tpu.vector_load %arg19[%swap3A_394, %swap3A_395] {strides = array<i32>} : memref<40x128xf32, #tpu.memory_space<vmem>>, vector<16xf32>,
      tpu.vector_store %arg19[%swap3A_394, %swap3A_395], %max3A_393 {strides = array<i32>} : memref<40x128xf32, #tpu.memory_space<vmem>>, vector<16xf32>,
      %get3A_397 = arith.index_cast %add3A_334 : i32 to index
      %get3A_398 = arith.constant 80 : index
      %get3A_399 = tpu.vector_load %arg16[%get3A_397, %get3A_398] {strides = array<i32>} : memref<40x128xf32, #tpu.memory_space<vmem>>, vector<16xf32>,
      %get3A_400 = arith.index_cast %add3A_334 : i32 to index
      %get3A_401 = arith.constant 80 : index
      %get3A_402 = tpu.vector_load %arg17[%get3A_400, %get3A_401] {strides = array<i32>} : memref<40x128xf32, #tpu.memory_space<vmem>>, vector<16xf32>,
      %add3A_403 = arith.addf %get3A_399, %get3A_402 : vector<16xf32>
      %max3A_404 = arith.constant 0.000000e+00 : f32
      %max3A_405 = vector.broadcast %max3A_404 : f32 to vector<16xf32>
      %max3A_406 = arith.maximumf %add3A_403, %max3A_405 : vector<16xf32>
      %swap3A_407 = arith.index_cast %add3A_334 : i32 to index
      %swap3A_408 = arith.constant 80 : index
      %swap3A_409 = tpu.vector_load %arg19[%swap3A_407, %swap3A_408] {strides = array<i32>} : memref<40x128xf32, #tpu.memory_space<vmem>>, vector<16xf32>,
      tpu.vector_store %arg19[%swap3A_407, %swap3A_408], %max3A_406 {strides = array<i32>} : memref<40x128xf32, #tpu.memory_space<vmem>>, vector<16xf32>,
      %get3A_410 = arith.index_cast %add3A_334 : i32 to index
      %get3A_411 = arith.constant 96 : index
      %get3A_412 = tpu.vector_load %arg16[%get3A_410, %get3A_411] {strides = array<i32>} : memref<40x128xf32, #tpu.memory_space<vmem>>, vector<16xf32>,
      %get3A_413 = arith.index_cast %add3A_334 : i32 to index
      %get3A_414 = arith.constant 96 : index
      %get3A_415 = tpu.vector_load %arg17[%get3A_413, %get3A_414] {strides = array<i32>} : memref<40x128xf32, #tpu.memory_space<vmem>>, vector<16xf32>,
      %add3A_416 = arith.addf %get3A_412, %get3A_415 : vector<16xf32>
      %max3A_417 = arith.constant 0.000000e+00 : f32
      %max3A_418 = vector.broadcast %max3A_417 : f32 to vector<16xf32>
      %max3A_419 = arith.maximumf %add3A_416, %max3A_418 : vector<16xf32>
      %swap3A_420 = arith.index_cast %add3A_334 : i32 to index
      %swap3A_421 = arith.constant 96 : index
      %swap3A_422 = tpu.vector_load %arg19[%swap3A_420, %swap3A_421] {strides = array<i32>} : memref<40x128xf32, #tpu.memory_space<vmem>>, vector<16xf32>,
      tpu.vector_store %arg19[%swap3A_420, %swap3A_421], %max3A_419 {strides = array<i32>} : memref<40x128xf32, #tpu.memory_space<vmem>>, vector<16xf32>,
      %get3A_423 = arith.index_cast %add3A_334 : i32 to index
      %get3A_424 = arith.constant 112 : index
      %get3A_425 = tpu.vector_load %arg16[%get3A_423, %get3A_424] {strides = array<i32>} : memref<40x128xf32, #tpu.memory_space<vmem>>, vector<16xf32>,
      %get3A_426 = arith.index_cast %add3A_334 : i32 to index
      %get3A_427 = arith.constant 112 : index
      %get3A_428 = tpu.vector_load %arg17[%get3A_426, %get3A_427] {strides = array<i32>} : memref<40x128xf32, #tpu.memory_space<vmem>>, vector<16xf32>,
      %add3A_429 = arith.addf %get3A_425, %get3A_428 : vector<16xf32>
      %max3A_430 = arith.constant 0.000000e+00 : f32
      %max3A_431 = vector.broadcast %max3A_430 : f32 to vector<16xf32>
      %max3A_432 = arith.maximumf %add3A_429, %max3A_431 : vector<16xf32>
      %swap3A_433 = arith.index_cast %add3A_334 : i32 to index
      %swap3A_434 = arith.constant 112 : index
      %swap3A_435 = tpu.vector_load %arg19[%swap3A_433, %swap3A_434] {strides = array<i32>} : memref<40x128xf32, #tpu.memory_space<vmem>>, vector<16xf32>,
      tpu.vector_store %arg19[%swap3A_433, %swap3A_434], %max3A_432 {strides = array<i32>} : memref<40x128xf32, #tpu.memory_space<vmem>>, vector<16xf32>,
      %mul3A_436 = arith.constant 2 : i32
      %mul3A_437 = arith.muli %scan3A_329, %mul3A_436 : i32
      %add3A_438 = arith.constant 1 : i32
      %add3A_439 = arith.addi %mul3A_437, %add3A_438 : i32
      %get3A_440 = arith.index_cast %add3A_439 : i32 to index
      %get3A_441 = arith.constant 0 : index
      %get3A_442 = tpu.vector_load %arg16[%get3A_440, %get3A_441] {strides = array<i32>} : memref<40x128xf32, #tpu.memory_space<vmem>>, vector<16xf32>,
      %get3A_443 = arith.index_cast %add3A_439 : i32 to index
      %get3A_444 = arith.constant 0 : index
      %get3A_445 = tpu.vector_load %arg17[%get3A_443, %get3A_444] {strides = array<i32>} : memref<40x128xf32, #tpu.memory_space<vmem>>, vector<16xf32>,
      %add3A_446 = arith.addf %get3A_442, %get3A_445 : vector<16xf32>
      %max3A_447 = arith.constant 0.000000e+00 : f32
      %max3A_448 = vector.broadcast %max3A_447 : f32 to vector<16xf32>
      %max3A_449 = arith.maximumf %add3A_446, %max3A_448 : vector<16xf32>
      %swap3A_450 = arith.index_cast %add3A_439 : i32 to index
      %swap3A_451 = arith.constant 0 : index
      %swap3A_452 = tpu.vector_load %arg19[%swap3A_450, %swap3A_451] {strides = array<i32>} : memref<40x128xf32, #tpu.memory_space<vmem>>, vector<16xf32>,
      tpu.vector_store %arg19[%swap3A_450, %swap3A_451], %max3A_449 {strides = array<i32>} : memref<40x128xf32, #tpu.memory_space<vmem>>, vector<16xf32>,
      %get3A_453 = arith.index_cast %add3A_439 : i32 to index
      %get3A_454 = arith.constant 16 : index
      %get3A_455 = tpu.vector_load %arg16[%get3A_453, %get3A_454] {strides = array<i32>} : memref<40x128xf32, #tpu.memory_space<vmem>>, vector<16xf32>,
      %get3A_456 = arith.index_cast %add3A_439 : i32 to index
      %get3A_457 = arith.constant 16 : index
      %get3A_458 = tpu.vector_load %arg17[%get3A_456, %get3A_457] {strides = array<i32>} : memref<40x128xf32, #tpu.memory_space<vmem>>, vector<16xf32>,
      %add3A_459 = arith.addf %get3A_455, %get3A_458 : vector<16xf32>
      %max3A_460 = arith.constant 0.000000e+00 : f32
      %max3A_461 = vector.broadcast %max3A_460 : f32 to vector<16xf32>
      %max3A_462 = arith.maximumf %add3A_459, %max3A_461 : vector<16xf32>
      %swap3A_463 = arith.index_cast %add3A_439 : i32 to index
      %swap3A_464 = arith.constant 16 : index
      %swap3A_465 = tpu.vector_load %arg19[%swap3A_463, %swap3A_464] {strides = array<i32>} : memref<40x128xf32, #tpu.memory_space<vmem>>, vector<16xf32>,
      tpu.vector_store %arg19[%swap3A_463, %swap3A_464], %max3A_462 {strides = array<i32>} : memref<40x128xf32, #tpu.memory_space<vmem>>, vector<16xf32>,
      %get3A_466 = arith.index_cast %add3A_439 : i32 to index
      %get3A_467 = arith.constant 32 : index
      %get3A_468 = tpu.vector_load %arg16[%get3A_466, %get3A_467] {strides = array<i32>} : memref<40x128xf32, #tpu.memory_space<vmem>>, vector<16xf32>,
      %get3A_469 = arith.index_cast %add3A_439 : i32 to index
      %get3A_470 = arith.constant 32 : index
      %get3A_471 = tpu.vector_load %arg17[%get3A_469, %get3A_470] {strides = array<i32>} : memref<40x128xf32, #tpu.memory_space<vmem>>, vector<16xf32>,
      %add3A_472 = arith.addf %get3A_468, %get3A_471 : vector<16xf32>
      %max3A_473 = arith.constant 0.000000e+00 : f32
      %max3A_474 = vector.broadcast %max3A_473 : f32 to vector<16xf32>
      %max3A_475 = arith.maximumf %add3A_472, %max3A_474 : vector<16xf32>
      %swap3A_476 = arith.index_cast %add3A_439 : i32 to index
      %swap3A_477 = arith.constant 32 : index
      %swap3A_478 = tpu.vector_load %arg19[%swap3A_476, %swap3A_477] {strides = array<i32>} : memref<40x128xf32, #tpu.memory_space<vmem>>, vector<16xf32>,
      tpu.vector_store %arg19[%swap3A_476, %swap3A_477], %max3A_475 {strides = array<i32>} : memref<40x128xf32, #tpu.memory_space<vmem>>, vector<16xf32>,
      %get3A_479 = arith.index_cast %add3A_439 : i32 to index
      %get3A_480 = arith.constant 48 : index
      %get3A_481 = tpu.vector_load %arg16[%get3A_479, %get3A_480] {strides = array<i32>} : memref<40x128xf32, #tpu.memory_space<vmem>>, vector<16xf32>,
      %get3A_482 = arith.index_cast %add3A_439 : i32 to index
      %get3A_483 = arith.constant 48 : index
      %get3A_484 = tpu.vector_load %arg17[%get3A_482, %get3A_483] {strides = array<i32>} : memref<40x128xf32, #tpu.memory_space<vmem>>, vector<16xf32>,
      %add3A_485 = arith.addf %get3A_481, %get3A_484 : vector<16xf32>
      %max3A_486 = arith.constant 0.000000e+00 : f32
      %max3A_487 = vector.broadcast %max3A_486 : f32 to vector<16xf32>
      %max3A_488 = arith.maximumf %add3A_485, %max3A_487 : vector<16xf32>
      %swap3A_489 = arith.index_cast %add3A_439 : i32 to index
      %swap3A_490 = arith.constant 48 : index
      %swap3A_491 = tpu.vector_load %arg19[%swap3A_489, %swap3A_490] {strides = array<i32>} : memref<40x128xf32, #tpu.memory_space<vmem>>, vector<16xf32>,
      tpu.vector_store %arg19[%swap3A_489, %swap3A_490], %max3A_488 {strides = array<i32>} : memref<40x128xf32, #tpu.memory_space<vmem>>, vector<16xf32>,
      %get3A_492 = arith.index_cast %add3A_439 : i32 to index
      %get3A_493 = arith.constant 64 : index
      %get3A_494 = tpu.vector_load %arg16[%get3A_492, %get3A_493] {strides = array<i32>} : memref<40x128xf32, #tpu.memory_space<vmem>>, vector<16xf32>,
      %get3A_495 = arith.index_cast %add3A_439 : i32 to index
      %get3A_496 = arith.constant 64 : index
      %get3A_497 = tpu.vector_load %arg17[%get3A_495, %get3A_496] {strides = array<i32>} : memref<40x128xf32, #tpu.memory_space<vmem>>, vector<16xf32>,
      %add3A_498 = arith.addf %get3A_494, %get3A_497 : vector<16xf32>
      %max3A_499 = arith.constant 0.000000e+00 : f32
      %max3A_500 = vector.broadcast %max3A_499 : f32 to vector<16xf32>
      %max3A_501 = arith.maximumf %add3A_498, %max3A_500 : vector<16xf32>
      %swap3A_502 = arith.index_cast %add3A_439 : i32 to index
      %swap3A_503 = arith.constant 64 : index
      %swap3A_504 = tpu.vector_load %arg19[%swap3A_502, %swap3A_503] {strides = array<i32>} : memref<40x128xf32, #tpu.memory_space<vmem>>, vector<16xf32>,
      tpu.vector_store %arg19[%swap3A_502, %swap3A_503], %max3A_501 {strides = array<i32>} : memref<40x128xf32, #tpu.memory_space<vmem>>, vector<16xf32>,
      %get3A_505 = arith.index_cast %add3A_439 : i32 to index
      %get3A_506 = arith.constant 80 : index
      %get3A_507 = tpu.vector_load %arg16[%get3A_505, %get3A_506] {strides = array<i32>} : memref<40x128xf32, #tpu.memory_space<vmem>>, vector<16xf32>,
      %get3A_508 = arith.index_cast %add3A_439 : i32 to index
      %get3A_509 = arith.constant 80 : index
      %get3A_510 = tpu.vector_load %arg17[%get3A_508, %get3A_509] {strides = array<i32>} : memref<40x128xf32, #tpu.memory_space<vmem>>, vector<16xf32>,
      %add3A_511 = arith.addf %get3A_507, %get3A_510 : vector<16xf32>
      %max3A_512 = arith.constant 0.000000e+00 : f32
      %max3A_513 = vector.broadcast %max3A_512 : f32 to vector<16xf32>
      %max3A_514 = arith.maximumf %add3A_511, %max3A_513 : vector<16xf32>
      %swap3A_515 = arith.index_cast %add3A_439 : i32 to index
      %swap3A_516 = arith.constant 80 : index
      %swap3A_517 = tpu.vector_load %arg19[%swap3A_515, %swap3A_516] {strides = array<i32>} : memref<40x128xf32, #tpu.memory_space<vmem>>, vector<16xf32>,
      tpu.vector_store %arg19[%swap3A_515, %swap3A_516], %max3A_514 {strides = array<i32>} : memref<40x128xf32, #tpu.memory_space<vmem>>, vector<16xf32>,
      %get3A_518 = arith.index_cast %add3A_439 : i32 to index
      %get3A_519 = arith.constant 96 : index
      %get3A_520 = tpu.vector_load %arg16[%get3A_518, %get3A_519] {strides = array<i32>} : memref<40x128xf32, #tpu.memory_space<vmem>>, vector<16xf32>,
      %get3A_521 = arith.index_cast %add3A_439 : i32 to index
      %get3A_522 = arith.constant 96 : index
      %get3A_523 = tpu.vector_load %arg17[%get3A_521, %get3A_522] {strides = array<i32>} : memref<40x128xf32, #tpu.memory_space<vmem>>, vector<16xf32>,
      %add3A_524 = arith.addf %get3A_520, %get3A_523 : vector<16xf32>
      %max3A_525 = arith.constant 0.000000e+00 : f32
      %max3A_526 = vector.broadcast %max3A_525 : f32 to vector<16xf32>
      %max3A_527 = arith.maximumf %add3A_524, %max3A_526 : vector<16xf32>
      %swap3A_528 = arith.index_cast %add3A_439 : i32 to index
      %swap3A_529 = arith.constant 96 : index
      %swap3A_530 = tpu.vector_load %arg19[%swap3A_528, %swap3A_529] {strides = array<i32>} : memref<40x128xf32, #tpu.memory_space<vmem>>, vector<16xf32>,
      tpu.vector_store %arg19[%swap3A_528, %swap3A_529], %max3A_527 {strides = array<i32>} : memref<40x128xf32, #tpu.memory_space<vmem>>, vector<16xf32>,
      %get3A_531 = arith.index_cast %add3A_439 : i32 to index
      %get3A_532 = arith.constant 112 : index
      %get3A_533 = tpu.vector_load %arg16[%get3A_531, %get3A_532] {strides = array<i32>} : memref<40x128xf32, #tpu.memory_space<vmem>>, vector<16xf32>,
      %get3A_534 = arith.index_cast %add3A_439 : i32 to index
      %get3A_535 = arith.constant 112 : index
      %get3A_536 = tpu.vector_load %arg17[%get3A_534, %get3A_535] {strides = array<i32>} : memref<40x128xf32, #tpu.memory_space<vmem>>, vector<16xf32>,
      %add3A_537 = arith.addf %get3A_533, %get3A_536 : vector<16xf32>
      %max3A_538 = arith.constant 0.000000e+00 : f32
      %max3A_539 = vector.broadcast %max3A_538 : f32 to vector<16xf32>
      %max3A_540 = arith.maximumf %add3A_537, %max3A_539 : vector<16xf32>
      %swap3A_541 = arith.index_cast %add3A_439 : i32 to index
      %swap3A_542 = arith.constant 112 : index
      %swap3A_543 = tpu.vector_load %arg19[%swap3A_541, %swap3A_542] {strides = array<i32>} : memref<40x128xf32, #tpu.memory_space<vmem>>, vector<16xf32>,
      tpu.vector_store %arg19[%swap3A_541, %swap3A_542], %max3A_540 {strides = array<i32>} : memref<40x128xf32, #tpu.memory_space<vmem>>, vector<16xf32>,
      %scan3A_544 = arith.constant 0 : i32
      scf.yield %scan3A_544 : i32
    }
    %scan3A_295 = arith.constant 20 : i32
    %dma_wait3A_296 = arith.constant 0 : i32
    %dma_wait3A_297 = arith.constant 0 : i32
    %dma_wait3A_298 = tpu.memref_slice %arg5[%add3A, %dma_wait3A_296, %dma_wait3A_297] : memref<32x250x40xi32, #tpu.memory_space<hbm>> -> memref<1x1x40xi32, #tpu.memory_space<hbm>>
    %dma_wait3A_299 = tpu.memref_squeeze %dma_wait3A_298 : memref<1x1x40xi32, #tpu.memory_space<hbm>> -> memref<40xi32, #tpu.memory_space<hbm>>
    %dma_wait3A_300 = arith.constant 0 : i32
    %dma_wait3A_301 = tpu.memref_slice %arg5[%add3A, %dma_wait3A_296, %dma_wait3A_300] : memref<32x250x40xi32, #tpu.memory_space<hbm>> -> memref<1x1x40xi32, #tpu.memory_space<hbm>>
    %dma_wait3A_302 = tpu.memref_squeeze %dma_wait3A_301 : memref<1x1x40xi32, #tpu.memory_space<hbm>> -> memref<40xi32, #tpu.memory_space<hbm>>
    tpu.wait_dma2 semaphore(%arg30 : memref<!tpu.dma_semaphore, #tpu.memory_space<semaphore_mem>>) src(%dma_wait3A_302 : memref<40xi32, #tpu.memory_space<hbm>>) dst(%arg13 : memref<40xi32, #tpu.memory_space<vmem>>)
    %dma_start3A_303 = arith.constant 0 : i32
    %dma_start3A_304 = arith.constant 0 : i32
    %dma_start3A_305 = tpu.memref_slice %arg21[%dma_start3A_303, %dma_start3A_304] : memref<10240x128xf32, #tpu.memory_space<vmem_shared>> -> memref<10240x128xf32, #tpu.memory_space<vmem_shared>>
    tpu.enqueue_indirect_dma source(%arg19 : memref<40x128xf32, #tpu.memory_space<vmem>>) target(%dma_start3A_305 : memref<10240x128xf32, #tpu.memory_space<vmem_shared>>) offsets(%arg13 : memref<40xi32, #tpu.memory_space<vmem>>) semaphore(%arg26 : memref<!tpu.dma_semaphore, #tpu.memory_space<semaphore_mem>>) {add = true}
    %dma_start3A_306 = arith.constant 0 : i32
    %dma_start3A_307 = arith.constant 0 : i32
    %dma_start3A_308 = tpu.memref_slice %arg22[%dma_start3A_306, %dma_start3A_307] : memref<10240x16xf32, #tpu.memory_space<vmem_shared>> -> memref<10240x16xf32, #tpu.memory_space<vmem_shared>>
    tpu.enqueue_indirect_dma source(%arg20 : memref<40x16xf32, #tpu.memory_space<vmem>>) target(%dma_start3A_308 : memref<10240x16xf32, #tpu.memory_space<vmem_shared>>) offsets(%arg13 : memref<40xi32, #tpu.memory_space<vmem>>) semaphore(%arg26 : memref<!tpu.dma_semaphore, #tpu.memory_space<semaphore_mem>>) {add = true}
    %dma_wait3A_309 = arith.constant 0 : i32
    %dma_wait3A_310 = arith.constant 0 : i32
    %dma_wait3A_311 = tpu.memref_slice %arg21[%dma_wait3A_309, %dma_wait3A_310] : memref<10240x128xf32, #tpu.memory_space<vmem_shared>> -> memref<10240x128xf32, #tpu.memory_space<vmem_shared>>
    tpu.wait_indirect_dma semaphore(%arg25 : memref<!tpu.dma_semaphore, #tpu.memory_space<semaphore_mem>>) src(%arg18 : memref<40x128xf32, #tpu.memory_space<vmem>>) dst(%dma_wait3A_311 : memref<10240x128xf32, #tpu.memory_space<vmem_shared>>)
    %dma_wait3A_312 = arith.constant 0 : i32
    %dma_wait3A_313 = arith.constant 0 : i32
    %dma_wait3A_314 = tpu.memref_slice %arg22[%dma_wait3A_312, %dma_wait3A_313] : memref<10240x16xf32, #tpu.memory_space<vmem_shared>> -> memref<10240x16xf32, #tpu.memory_space<vmem_shared>>
    tpu.wait_indirect_dma semaphore(%arg25 : memref<!tpu.dma_semaphore, #tpu.memory_space<semaphore_mem>>) src(%arg20 : memref<40x16xf32, #tpu.memory_space<vmem>>) dst(%dma_wait3A_314 : memref<10240x16xf32, #tpu.memory_space<vmem_shared>>)
    %dma_wait3A_315 = arith.constant 0 : i32
    %dma_wait3A_316 = arith.constant 0 : i32
    %dma_wait3A_317 = tpu.memref_slice %arg21[%dma_wait3A_315, %dma_wait3A_316] : memref<10240x128xf32, #tpu.memory_space<vmem_shared>> -> memref<10240x128xf32, #tpu.memory_space<vmem_shared>>
    tpu.wait_indirect_dma semaphore(%arg26 : memref<!tpu.dma_semaphore, #tpu.memory_space<semaphore_mem>>) src(%arg19 : memref<40x128xf32, #tpu.memory_space<vmem>>) dst(%dma_wait3A_317 : memref<10240x128xf32, #tpu.memory_space<vmem_shared>>)
    %dma_wait3A_318 = arith.constant 0 : i32
    %dma_wait3A_319 = arith.constant 0 : i32
    %dma_wait3A_320 = tpu.memref_slice %arg22[%dma_wait3A_318, %dma_wait3A_319] : memref<10240x16xf32, #tpu.memory_space<vmem_shared>> -> memref<10240x16xf32, #tpu.memory_space<vmem_shared>>
    tpu.wait_indirect_dma semaphore(%arg26 : memref<!tpu.dma_semaphore, #tpu.memory_space<semaphore_mem>>) src(%arg20 : memref<40x16xf32, #tpu.memory_space<vmem>>) dst(%dma_wait3A_320 : memref<10240x16xf32, #tpu.memory_space<vmem_shared>>)
    %barrier3A_321 = arith.constant 0 : index
    tpu.barrier barrier_id(%barrier3A_321)
    %scan3A_322 = arith.constant 0 : i32
    %scan3A_323 = arith.constant 0 : i32
    %scan3A_324 = arith.constant 16 : i32
    %scan3A_325 = arith.addi %scan3A_323, %scan3A_324 : i32
    %scan3A_326 = arith.constant 1 : i32
    %scan3A_327 = scf.for %scan3A_329 = %scan3A_323 to %scan3A_325 step %scan3A_326 iter_args(%scan3A_330 = %scan3A_322) -> (i32)  : i32 {
      %mul3A_331 = arith.constant 640 : i32
      %mul3A_332 = arith.muli %arg1, %mul3A_331 : i32
      %mul3A_333 = arith.constant 40 : i32
      %mul3A_334 = arith.muli %scan3A_329, %mul3A_333 : i32
      %add3A_335 = arith.addi %mul3A_332, %mul3A_334 : i32
      "tpu.region"() ({
        %run_scoped3A = tpu.sem_alloc : memref<!tpu.dma_semaphore, #tpu.memory_space<semaphore_mem>>
        %dma_start3A_337 = arith.constant 0 : i32
        %dma_start3A_338 = tpu.memref_slice %arg21[%add3A_335, %dma_start3A_337] : memref<10240x128xf32, #tpu.memory_space<vmem_shared>> -> memref<40x128xf32, #tpu.memory_space<vmem_shared>>
        %dma_start3A_339 = arith.constant 0 : i32
        %dma_start3A_340 = tpu.memref_slice %arg21[%add3A_335, %dma_start3A_339] : memref<10240x128xf32, #tpu.memory_space<vmem_shared>> -> memref<40x128xf32, #tpu.memory_space<vmem_shared>>
        tpu.enqueue_dma source(%dma_start3A_340 : memref<40x128xf32, #tpu.memory_space<vmem_shared>>) target(%arg18 : memref<40x128xf32, #tpu.memory_space<vmem>>) target_semaphore(%run_scoped3A : memref<!tpu.dma_semaphore, #tpu.memory_space<semaphore_mem>>)
        %dma_wait3A_341 = arith.constant 0 : i32
        %dma_wait3A_342 = tpu.memref_slice %arg21[%add3A_335, %dma_wait3A_341] : memref<10240x128xf32, #tpu.memory_space<vmem_shared>> -> memref<40x128xf32, #tpu.memory_space<vmem_shared>>
        %dma_wait3A_343 = arith.constant 0 : i32
        %dma_wait3A_344 = tpu.memref_slice %arg21[%add3A_335, %dma_wait3A_343] : memref<10240x128xf32, #tpu.memory_space<vmem_shared>> -> memref<40x128xf32, #tpu.memory_space<vmem_shared>>
        tpu.wait_dma2 semaphore(%run_scoped3A : memref<!tpu.dma_semaphore, #tpu.memory_space<semaphore_mem>>) src(%dma_wait3A_344 : memref<40x128xf32, #tpu.memory_space<vmem_shared>>) dst(%arg18 : memref<40x128xf32, #tpu.memory_space<vmem>>)
        tpu.yield
      }) : () -> ()
      "tpu.region"() ({
        %run_scoped3A = tpu.sem_alloc : memref<!tpu.dma_semaphore, #tpu.memory_space<semaphore_mem>>
        %dma_start3A_337 = arith.constant 0 : i32
        %dma_start3A_338 = tpu.memref_slice %arg6[%arg0, %add3A_335, %dma_start3A_337] : memref<2x10240x128xf32, #tpu.memory_space<hbm>> -> memref<1x40x128xf32, #tpu.memory_space<hbm>>
        %dma_start3A_339 = tpu.memref_squeeze %dma_start3A_338 : memref<1x40x128xf32, #tpu.memory_space<hbm>> -> memref<40x128xf32, #tpu.memory_space<hbm>>
        %dma_start3A_340 = arith.constant 0 : i32
        %dma_start3A_341 = tpu.memref_slice %arg6[%arg0, %add3A_335, %dma_start3A_340] : memref<2x10240x128xf32, #tpu.memory_space<hbm>> -> memref<1x40x128xf32, #tpu.memory_space<hbm>>
        %dma_start3A_342 = tpu.memref_squeeze %dma_start3A_341 : memref<1x40x128xf32, #tpu.memory_space<hbm>> -> memref<40x128xf32, #tpu.memory_space<hbm>>
        tpu.enqueue_dma source(%arg18 : memref<40x128xf32, #tpu.memory_space<vmem>>) target(%dma_start3A_342 : memref<40x128xf32, #tpu.memory_space<hbm>>) target_semaphore(%run_scoped3A : memref<!tpu.dma_semaphore, #tpu.memory_space<semaphore_mem>>)
        %dma_wait3A_343 = arith.constant 0 : i32
        %dma_wait3A_344 = tpu.memref_slice %arg6[%arg0, %add3A_335, %dma_wait3A_343] : memref<2x10240x128xf32, #tpu.memory_space<hbm>> -> memref<1x40x128xf32, #tpu.memory_space<hbm>>
        %dma_wait3A_345 = tpu.memref_squeeze %dma_wait3A_344 : memref<1x40x128xf32, #tpu.memory_space<hbm>> -> memref<40x128xf32, #tpu.memory_space<hbm>>
        %dma_wait3A_346 = arith.constant 0 : i32
        %dma_wait3A_347 = tpu.memref_slice %arg6[%arg0, %add3A_335, %dma_wait3A_346] : memref<2x10240x128xf32, #tpu.memory_space<hbm>> -> memref<1x40x128xf32, #tpu.memory_space<hbm>>
        %dma_wait3A_348 = tpu.memref_squeeze %dma_wait3A_347 : memref<1x40x128xf32, #tpu.memory_space<hbm>> -> memref<40x128xf32, #tpu.memory_space<hbm>>
        tpu.wait_dma2 semaphore(%run_scoped3A : memref<!tpu.dma_semaphore, #tpu.memory_space<semaphore_mem>>) src(%arg18 : memref<40x128xf32, #tpu.memory_space<vmem>>) dst(%dma_wait3A_348 : memref<40x128xf32, #tpu.memory_space<hbm>>)
        tpu.yield
      }) : () -> ()
      "tpu.region"() ({
        %run_scoped3A = tpu.sem_alloc : memref<!tpu.dma_semaphore, #tpu.memory_space<semaphore_mem>>
        %dma_start3A_337 = arith.constant 0 : i32
        %dma_start3A_338 = tpu.memref_slice %arg22[%add3A_335, %dma_start3A_337] : memref<10240x16xf32, #tpu.memory_space<vmem_shared>> -> memref<40x16xf32, #tpu.memory_space<vmem_shared>>
        %dma_start3A_339 = arith.constant 0 : i32
        %dma_start3A_340 = tpu.memref_slice %arg22[%add3A_335, %dma_start3A_339] : memref<10240x16xf32, #tpu.memory_space<vmem_shared>> -> memref<40x16xf32, #tpu.memory_space<vmem_shared>>
        tpu.enqueue_dma source(%dma_start3A_340 : memref<40x16xf32, #tpu.memory_space<vmem_shared>>) target(%arg20 : memref<40x16xf32, #tpu.memory_space<vmem>>) target_semaphore(%run_scoped3A : memref<!tpu.dma_semaphore, #tpu.memory_space<semaphore_mem>>)
        %dma_wait3A_341 = arith.constant 0 : i32
        %dma_wait3A_342 = tpu.memref_slice %arg22[%add3A_335, %dma_wait3A_341] : memref<10240x16xf32, #tpu.memory_space<vmem_shared>> -> memref<40x16xf32, #tpu.memory_space<vmem_shared>>
        %dma_wait3A_343 = arith.constant 0 : i32
        %dma_wait3A_344 = tpu.memref_slice %arg22[%add3A_335, %dma_wait3A_343] : memref<10240x16xf32, #tpu.memory_space<vmem_shared>> -> memref<40x16xf32, #tpu.memory_space<vmem_shared>>
        tpu.wait_dma2 semaphore(%run_scoped3A : memref<!tpu.dma_semaphore, #tpu.memory_space<semaphore_mem>>) src(%dma_wait3A_344 : memref<40x16xf32, #tpu.memory_space<vmem_shared>>) dst(%arg20 : memref<40x16xf32, #tpu.memory_space<vmem>>)
        tpu.yield
      }) : () -> ()
      "tpu.region"() ({
        %run_scoped3A = tpu.sem_alloc : memref<!tpu.dma_semaphore, #tpu.memory_space<semaphore_mem>>
        %dma_start3A_337 = arith.constant 0 : i32
        %dma_start3A_338 = tpu.memref_slice %arg7[%arg0, %add3A_335, %dma_start3A_337] : memref<2x10240x16xf32, #tpu.memory_space<hbm>> -> memref<1x40x16xf32, #tpu.memory_space<hbm>>
        %dma_start3A_339 = tpu.memref_squeeze %dma_start3A_338 : memref<1x40x16xf32, #tpu.memory_space<hbm>> -> memref<40x16xf32, #tpu.memory_space<hbm>>
        %dma_start3A_340 = arith.constant 0 : i32
        %dma_start3A_341 = tpu.memref_slice %arg7[%arg0, %add3A_335, %dma_start3A_340] : memref<2x10240x16xf32, #tpu.memory_space<hbm>> -> memref<1x40x16xf32, #tpu.memory_space<hbm>>
        %dma_start3A_342 = tpu.memref_squeeze %dma_start3A_341 : memref<1x40x16xf32, #tpu.memory_space<hbm>> -> memref<40x16xf32, #tpu.memory_space<hbm>>
        tpu.enqueue_dma source(%arg20 : memref<40x16xf32, #tpu.memory_space<vmem>>) target(%dma_start3A_342 : memref<40x16xf32, #tpu.memory_space<hbm>>) target_semaphore(%run_scoped3A : memref<!tpu.dma_semaphore, #tpu.memory_space<semaphore_mem>>)
        %dma_wait3A_343 = arith.constant 0 : i32
        %dma_wait3A_344 = tpu.memref_slice %arg7[%arg0, %add3A_335, %dma_wait3A_343] : memref<2x10240x16xf32, #tpu.memory_space<hbm>> -> memref<1x40x16xf32, #tpu.memory_space<hbm>>
        %dma_wait3A_345 = tpu.memref_squeeze %dma_wait3A_344 : memref<1x40x16xf32, #tpu.memory_space<hbm>> -> memref<40x16xf32, #tpu.memory_space<hbm>>
        %dma_wait3A_346 = arith.constant 0 : i32
        %dma_wait3A_347 = tpu.memref_slice %arg7[%arg0, %add3A_335, %dma_wait3A_346] : memref<2x10240x16xf32, #tpu.memory_space<hbm>> -> memref<1x40x16xf32, #tpu.memory_space<hbm>>
        %dma_wait3A_348 = tpu.memref_squeeze %dma_wait3A_347 : memref<1x40x16xf32, #tpu.memory_space<hbm>> -> memref<40x16xf32, #tpu.memory_space<hbm>>
        tpu.wait_dma2 semaphore(%run_scoped3A : memref<!tpu.dma_semaphore, #tpu.memory_space<semaphore_mem>>) src(%arg20 : memref<40x16xf32, #tpu.memory_space<vmem>>) dst(%dma_wait3A_348 : memref<40x16xf32, #tpu.memory_space<hbm>>)
        tpu.yield
      }) : () -> ()
      %scan3A_336 = arith.constant 0 : i32
      scf.yield %scan3A_336 : i32
    }
    %scan3A_328 = arith.constant 16 : i32
    return
  }
}

module attributes {stable_mosaic.version = 14 : i64} {
  func.func @_pre_body(%arg0: i32, %arg1: memref<2000x128xf32, #tpu.memory_space<vmem>>, %arg2: memref<1x1x2000xi32, #tpu.memory_space<vmem>>, %arg3: memref<16x8xf32, #tpu.memory_space<vmem>>, %arg4: memref<272x128xf32, #tpu.memory_space<vmem>>, %arg5: memref<1x128xf32, #tpu.memory_space<vmem>>, %arg6: memref<2000x128xf32, #tpu.memory_space<vmem>>, %arg7: memref<2000x128xf32, #tpu.memory_space<vmem>>) attributes {dimension_semantics = [#tpu.dimension_semantics<arbitrary>], iteration_bounds = array<i64: 5>, scalar_prefetch = 0 : i64, scratch_operands = 0 : i64, tpu.core_type = #tpu.core_type<tc>, window_params = [{transform_indices = @transform_0, window_bounds = array<i64: 2000, 128>}, {transform_indices = @transform_1, window_bounds = array<i64: 1, 1, 2000>}, {pipeline_mode = #tpu.pipeline_mode<synchronous>, transform_indices = @transform_2, window_bounds = array<i64: 16, 8>}, {pipeline_mode = #tpu.pipeline_mode<synchronous>, transform_indices = @transform_3, window_bounds = array<i64: 272, 128>}, {pipeline_mode = #tpu.pipeline_mode<synchronous>, transform_indices = @transform_4, window_bounds = array<i64: 1, 128>}, {transform_indices = @transform_5, window_bounds = array<i64: 2000, 128>}, {transform_indices = @transform_6, window_bounds = array<i64: 2000, 128>}]} {
    %get3A = arith.constant 0 : index
    %get3A_0 = arith.constant 0 : index
    %get3A_1 = vector.load %arg1[%get3A, %get3A_0] : memref<2000x128xf32, #tpu.memory_space<vmem>>, vector<2000x128xf32>
    %get3A_2 = arith.constant 0 : index
    %get3A_3 = arith.constant 0 : index
    %get3A_4 = arith.constant 0 : index
    %get3A_5 = vector.load %arg2[%get3A_2, %get3A_3, %get3A_4] : memref<1x1x2000xi32, #tpu.memory_space<vmem>>, vector<1x1x2000xi32>
    %get3A_6 = vector.shape_cast %get3A_5 : vector<1x1x2000xi32> to vector<2000xi32>
    %broadcast_in_dim3A = vector.shape_cast %get3A_6 : vector<2000xi32> to vector<2000x1xi32>
    %iota3A = tpu.iota {dimensions = array<i32: 1>} : vector<1x16xi32>
    %eq3A = vector.broadcast %broadcast_in_dim3A : vector<2000x1xi32> to vector<2000x16xi32>
    %eq3A_7 = vector.broadcast %iota3A : vector<1x16xi32> to vector<2000x16xi32>
    %eq3A_8 = arith.cmpi eq, %eq3A, %eq3A_7 : vector<2000x16xi32>
    %convert_element_type3A = arith.extui %eq3A_8 : vector<2000x16xi1> to vector<2000x16xi32>
    %convert_element_type3A_9 = arith.sitofp %convert_element_type3A : vector<2000x16xi32> to vector<2000x16xf32>
    %get3A_10 = arith.constant 0 : index
    %get3A_11 = arith.constant 0 : index
    %get3A_12 = vector.load %arg3[%get3A_10, %get3A_11] : memref<16x8xf32, #tpu.memory_space<vmem>>, vector<16x8xf32>
    %dot_general3A = arith.constant dense<0.000000e+00> : vector<2000x8xf32>
    %dot_general3A_13 = tpu.matmul %convert_element_type3A_9, %get3A_12, %dot_general3A {dimension_numbers = #tpu.dot_dimension_numbers<[1], [0], [0], [1], [0, 0, 1, 1], [], []>, transpose_lhs_hint = false} : vector<2000x16xf32>, vector<16x8xf32>, vector<2000x8xf32> -> vector<2000x8xf32>
    %get3A_14 = arith.constant 0 : index
    %get3A_15 = arith.constant 0 : index
    %get3A_16 = vector.load %arg4[%get3A_14, %get3A_15] : memref<272x128xf32, #tpu.memory_space<vmem>>, vector<128x128xf32>
    %get3A_17 = arith.constant 128 : index
    %get3A_18 = arith.constant 0 : index
    %get3A_19 = vector.load %arg4[%get3A_17, %get3A_18] : memref<272x128xf32, #tpu.memory_space<vmem>>, vector<8x128xf32>
    %get3A_20 = arith.constant 136 : index
    %get3A_21 = arith.constant 0 : index
    %get3A_22 = vector.load %arg4[%get3A_20, %get3A_21] : memref<272x128xf32, #tpu.memory_space<vmem>>, vector<128x128xf32>
    %get3A_23 = arith.constant 264 : index
    %get3A_24 = arith.constant 0 : index
    %get3A_25 = vector.load %arg4[%get3A_23, %get3A_24] : memref<272x128xf32, #tpu.memory_space<vmem>>, vector<8x128xf32>
    %get3A_26 = arith.constant 0 : index
    %get3A_27 = arith.constant 0 : index
    %get3A_28 = vector.load %arg5[%get3A_26, %get3A_27] : memref<1x128xf32, #tpu.memory_space<vmem>>, vector<1x128xf32>
    %get3A_29 = vector.shape_cast %get3A_28 : vector<1x128xf32> to vector<128xf32>
    %sub3A = arith.subf %get3A_16, %get3A_22 : vector<128x128xf32>
    %dot_general3A_30 = arith.constant dense<0.000000e+00> : vector<2000x128xf32>
    %dot_general3A_31 = tpu.matmul %get3A_1, %sub3A, %dot_general3A_30 {dimension_numbers = #tpu.dot_dimension_numbers<[1], [0], [0], [1], [0, 0, 1, 1], [], []>, transpose_lhs_hint = false} : vector<2000x128xf32>, vector<128x128xf32>, vector<2000x128xf32> -> vector<2000x128xf32>
    %sub3A_32 = arith.subf %get3A_19, %get3A_25 : vector<8x128xf32>
    %dot_general3A_33 = arith.constant dense<0.000000e+00> : vector<2000x128xf32>
    %dot_general3A_34 = tpu.matmul %dot_general3A_13, %sub3A_32, %dot_general3A_33 {dimension_numbers = #tpu.dot_dimension_numbers<[1], [0], [0], [1], [0, 0, 1, 1], [], []>, transpose_lhs_hint = false} : vector<2000x8xf32>, vector<8x128xf32>, vector<2000x128xf32> -> vector<2000x128xf32>
    %add3A = arith.addf %dot_general3A_31, %dot_general3A_34 : vector<2000x128xf32>
    %broadcast_in_dim3A_35 = vector.shape_cast %get3A_29 : vector<128xf32> to vector<1x128xf32>
    %add3A_36 = vector.broadcast %broadcast_in_dim3A_35 : vector<1x128xf32> to vector<2000x128xf32>
    %add3A_37 = arith.addf %add3A, %add3A_36 : vector<2000x128xf32>
    %swap3A = arith.constant 0 : index
    %swap3A_38 = arith.constant 0 : index
    %swap3A_39 = vector.load %arg6[%swap3A, %swap3A_38] : memref<2000x128xf32, #tpu.memory_space<vmem>>, vector<2000x128xf32>
    tpu.vector_store %arg6[%swap3A, %swap3A_38], %add3A_37 {strides = array<i32>} : memref<2000x128xf32, #tpu.memory_space<vmem>>, vector<2000x128xf32>,
    %dot_general3A_40 = arith.constant dense<0.000000e+00> : vector<2000x128xf32>
    %dot_general3A_41 = tpu.matmul %get3A_1, %get3A_22, %dot_general3A_40 {dimension_numbers = #tpu.dot_dimension_numbers<[1], [0], [0], [1], [0, 0, 1, 1], [], []>, transpose_lhs_hint = false} : vector<2000x128xf32>, vector<128x128xf32>, vector<2000x128xf32> -> vector<2000x128xf32>
    %dot_general3A_42 = arith.constant dense<0.000000e+00> : vector<2000x128xf32>
    %dot_general3A_43 = tpu.matmul %dot_general3A_13, %get3A_25, %dot_general3A_42 {dimension_numbers = #tpu.dot_dimension_numbers<[1], [0], [0], [1], [0, 0, 1, 1], [], []>, transpose_lhs_hint = false} : vector<2000x8xf32>, vector<8x128xf32>, vector<2000x128xf32> -> vector<2000x128xf32>
    %add3A_44 = arith.addf %dot_general3A_41, %dot_general3A_43 : vector<2000x128xf32>
    %swap3A_45 = arith.constant 0 : index
    %swap3A_46 = arith.constant 0 : index
    %swap3A_47 = vector.load %arg7[%swap3A_45, %swap3A_46] : memref<2000x128xf32, #tpu.memory_space<vmem>>, vector<2000x128xf32>
    tpu.vector_store %arg7[%swap3A_45, %swap3A_46], %add3A_44 {strides = array<i32>} : memref<2000x128xf32, #tpu.memory_space<vmem>>, vector<2000x128xf32>,
    return
  }
  func.func @transform_0(%arg0: i32) -> (i32, i32) {
    %c0_i32 = arith.constant 0 : i32
    %c0_i32_0 = arith.constant 0 : i32
    return %arg0, %c0_i32 : i32, i32
  }
  func.func @transform_1(%arg0: i32) -> (i32, i32, i32) {
    %c0_i32 = arith.constant 0 : i32
    %c0_i32_0 = arith.constant 0 : i32
    %c0_i32_1 = arith.constant 0 : i32
    return %arg0, %c0_i32, %c0_i32_0 : i32, i32, i32
  }
  func.func @transform_2(%arg0: i32) -> (i32, i32) {
    %c0_i32 = arith.constant 0 : i32
    %c0_i32_0 = arith.constant 0 : i32
    %c0_i32_1 = arith.constant 0 : i32
    return %c0_i32, %c0_i32_0 : i32, i32
  }
  func.func @transform_3(%arg0: i32) -> (i32, i32) {
    %c0_i32 = arith.constant 0 : i32
    %c0_i32_0 = arith.constant 0 : i32
    %c0_i32_1 = arith.constant 0 : i32
    return %c0_i32, %c0_i32_0 : i32, i32
  }
  func.func @transform_4(%arg0: i32) -> (i32, i32) {
    %c0_i32 = arith.constant 0 : i32
    %c0_i32_0 = arith.constant 0 : i32
    %c0_i32_1 = arith.constant 0 : i32
    return %c0_i32, %c0_i32_0 : i32, i32
  }
  func.func @transform_5(%arg0: i32) -> (i32, i32) {
    %c0_i32 = arith.constant 0 : i32
    %c0_i32_0 = arith.constant 0 : i32
    return %arg0, %c0_i32 : i32, i32
  }
  func.func @transform_6(%arg0: i32) -> (i32, i32) {
    %c0_i32 = arith.constant 0 : i32
    %c0_i32_0 = arith.constant 0 : i32
    return %arg0, %c0_i32 : i32, i32
  }
}

module attributes {stable_mosaic.version = 14 : i64} {
  func.func @_fin_body(%arg0: i32, %arg1: memref<2x2000x128xf32, #tpu.memory_space<vmem>>, %arg2: memref<2x2000x16xf32, #tpu.memory_space<vmem>>, %arg3: memref<128x128xf32, #tpu.memory_space<vmem>>, %arg4: memref<1x128xf32, #tpu.memory_space<vmem>>, %arg5: memref<2000x128xf32, #tpu.memory_space<vmem>>) attributes {dimension_semantics = [#tpu.dimension_semantics<arbitrary>], iteration_bounds = array<i64: 5>, scalar_prefetch = 0 : i64, scratch_operands = 0 : i64, tpu.core_type = #tpu.core_type<tc>, window_params = [{transform_indices = @transform_0, window_bounds = array<i64: 2, 2000, 128>}, {transform_indices = @transform_1, window_bounds = array<i64: 2, 2000, 16>}, {pipeline_mode = #tpu.pipeline_mode<synchronous>, transform_indices = @transform_2, window_bounds = array<i64: 128, 128>}, {pipeline_mode = #tpu.pipeline_mode<synchronous>, transform_indices = @transform_3, window_bounds = array<i64: 1, 128>}, {transform_indices = @transform_4, window_bounds = array<i64: 2000, 128>}]} {
    %get3A = arith.constant 0 : index
    %get3A_0 = arith.constant 0 : index
    %get3A_1 = arith.constant 0 : index
    %get3A_2 = vector.load %arg1[%get3A, %get3A_0, %get3A_1] : memref<2x2000x128xf32, #tpu.memory_space<vmem>>, vector<1x2000x128xf32>
    %get3A_3 = vector.shape_cast %get3A_2 : vector<1x2000x128xf32> to vector<2000x128xf32>
    %get3A_4 = arith.constant 1 : index
    %get3A_5 = arith.constant 0 : index
    %get3A_6 = arith.constant 0 : index
    %get3A_7 = vector.load %arg1[%get3A_4, %get3A_5, %get3A_6] : memref<2x2000x128xf32, #tpu.memory_space<vmem>>, vector<1x2000x128xf32>
    %get3A_8 = vector.shape_cast %get3A_7 : vector<1x2000x128xf32> to vector<2000x128xf32>
    %add3A = arith.addf %get3A_3, %get3A_8 : vector<2000x128xf32>
    %get3A_9 = arith.constant 0 : index
    %get3A_10 = arith.constant 0 : index
    %get3A_11 = arith.constant 0 : index
    %get3A_12 = vector.load %arg2[%get3A_9, %get3A_10, %get3A_11] : memref<2x2000x16xf32, #tpu.memory_space<vmem>>, vector<1x2000x1xf32>
    %get3A_13 = vector.shape_cast %get3A_12 : vector<1x2000x1xf32> to vector<2000xf32>
    %get3A_14 = arith.constant 1 : index
    %get3A_15 = arith.constant 0 : index
    %get3A_16 = arith.constant 0 : index
    %get3A_17 = vector.load %arg2[%get3A_14, %get3A_15, %get3A_16] : memref<2x2000x16xf32, #tpu.memory_space<vmem>>, vector<1x2000x1xf32>
    %get3A_18 = vector.shape_cast %get3A_17 : vector<1x2000x1xf32> to vector<2000xf32>
    %add3A_19 = arith.addf %get3A_13, %get3A_18 : vector<2000xf32>
    %get3A_20 = arith.constant 0 : index
    %get3A_21 = arith.constant 0 : index
    %get3A_22 = vector.load %arg3[%get3A_20, %get3A_21] : memref<128x128xf32, #tpu.memory_space<vmem>>, vector<128x128xf32>
    %dot_general3A = arith.constant dense<0.000000e+00> : vector<2000x128xf32>
    %dot_general3A_23 = tpu.matmul %add3A, %get3A_22, %dot_general3A {dimension_numbers = #tpu.dot_dimension_numbers<[1], [0], [0], [1], [0, 0, 1, 1], [], []>, transpose_lhs_hint = false} : vector<2000x128xf32>, vector<128x128xf32>, vector<2000x128xf32> -> vector<2000x128xf32>
    %broadcast_in_dim3A = vector.shape_cast %add3A_19 : vector<2000xf32> to vector<2000x1xf32>
    %get3A_24 = arith.constant 0 : index
    %get3A_25 = arith.constant 0 : index
    %get3A_26 = vector.load %arg4[%get3A_24, %get3A_25] : memref<1x128xf32, #tpu.memory_space<vmem>>, vector<1x128xf32>
    %get3A_27 = vector.shape_cast %get3A_26 : vector<1x128xf32> to vector<128xf32>
    %broadcast_in_dim3A_28 = vector.shape_cast %get3A_27 : vector<128xf32> to vector<1x128xf32>
    %mul3A = vector.broadcast %broadcast_in_dim3A : vector<2000x1xf32> to vector<2000x128xf32>
    %mul3A_29 = vector.broadcast %broadcast_in_dim3A_28 : vector<1x128xf32> to vector<2000x128xf32>
    %mul3A_30 = arith.mulf %mul3A, %mul3A_29 : vector<2000x128xf32>
    %add3A_31 = arith.addf %dot_general3A_23, %mul3A_30 : vector<2000x128xf32>
    %swap3A = arith.constant 0 : index
    %swap3A_32 = arith.constant 0 : index
    %swap3A_33 = vector.load %arg5[%swap3A, %swap3A_32] : memref<2000x128xf32, #tpu.memory_space<vmem>>, vector<2000x128xf32>
    tpu.vector_store %arg5[%swap3A, %swap3A_32], %add3A_31 {strides = array<i32>} : memref<2000x128xf32, #tpu.memory_space<vmem>>, vector<2000x128xf32>,
    return
  }
  func.func @transform_0(%arg0: i32) -> (i32, i32, i32) {
    %c0_i32 = arith.constant 0 : i32
    %c0_i32_0 = arith.constant 0 : i32
    %c0_i32_1 = arith.constant 0 : i32
    return %c0_i32, %arg0, %c0_i32_0 : i32, i32, i32
  }
  func.func @transform_1(%arg0: i32) -> (i32, i32, i32) {
    %c0_i32 = arith.constant 0 : i32
    %c0_i32_0 = arith.constant 0 : i32
    %c0_i32_1 = arith.constant 0 : i32
    return %c0_i32, %arg0, %c0_i32_0 : i32, i32, i32
  }
  func.func @transform_2(%arg0: i32) -> (i32, i32) {
    %c0_i32 = arith.constant 0 : i32
    %c0_i32_0 = arith.constant 0 : i32
    %c0_i32_1 = arith.constant 0 : i32
    return %c0_i32, %c0_i32_0 : i32, i32
  }
  func.func @transform_3(%arg0: i32) -> (i32, i32) {
    %c0_i32 = arith.constant 0 : i32
    %c0_i32_0 = arith.constant 0 : i32
    %c0_i32_1 = arith.constant 0 : i32
    return %c0_i32, %c0_i32_0 : i32, i32
  }
  func.func @transform_4(%arg0: i32) -> (i32, i32) {
    %c0_i32 = arith.constant 0 : i32
    %c0_i32_0 = arith.constant 0 : i32
    return %arg0, %c0_i32 : i32, i32
  }
}

</mosaic_0001>

<sc_bundles>
// kernel: kernel.5.cloned.1.call-start
scs
__scs_entry_jumppad:
0x0: {  	(pc) =	sbr.rel $0x88, $3  }
0x1: {  	(tag) =	ssettag $0x0;
	lr =	simm.s32 $0x1  }
0x2: {  	[smem:$0x3F99] =	sst lr;
	_ =	strace $0xD0000000  }
0x3: {  	_ = 	snop  }
0x4: {  	_ = 	snop  }
0x5: {  	_ = 	snop  }
0x6: {  	_ = 	snop  }
0x7: {  	_ = 	snop  }
__scs_overlays_trampoline_lowered:
0x8: {  	[smem:$0x3FA8] =	sst s0  }
0x9: {  	[smem:$0x3FA9] =	sst s1  }
0xa: {  	[smem:$0x3FAA] =	sst s2  }
0xb: {  	[smem:$0x3FAB] =	sst s3  }
0xc: {  	[smem:$0x3FAC] =	sst s4  }
0xd: {  	[smem:$0x3FAD] =	sst s5  }
0xe: {  	[smem:$0x3FAE] =	sst s6  }
0xf: {  	[smem:$0x3FAF] =	sst s7  }
0x10: {  	[smem:$0x3FB0] =	sst s8  }
0x11: {  	[smem:$0x3FB1] =	sst s9;
	s0 =	simm.s32 @!p0 $0x0  }
0x12: {  	s1 =	sld [smem:$0x3F97];
	s0 =	simm.s32 @p0 $0x1  }
0x13: {  	[smem:$0x3FB2] =	sst s0;
	s0 =	simm.s32 @!p1 $0x0  }
0x14: {  	s2 =	sld [smem:$0x3F96];
	s0 =	simm.s32 @p1 $0x1  }
0x15: {  	[smem:$0x3FB3] =	sst s0;
	s0 =	simm.s32 @!p2 $0x0  }
0x16: {  	s3 =	sld [smem:$0x3FDB];
	s0 =	simm.s32 @p2 $0x1  }
0x17: {  	s4 =	simm.s32 $0x1BF5;
	[smem:$0x3FB5] =	sst s0  }
0x18: {  	s0 =	sld [smem:$0x3F98];
	_ =	swait.ge [sflag:s4], $0x0  }
0x19: {  	s7 =	sld [smem:$0x3F99]  }
0x1a: {  	s8 =	sadd.s32 $0xFFFFE003, lr  }
0x1b: {  	s9 =	sadd.s32 $0xFFFFFEF7, lr;
	s5 =	simm.s32 $0xFFFFFFFF;
	p2 =	slt.u32 s8, $0xFFFFF086  }
0x1c: {  	p1 =	slt.u32 s9, $0xF7A;
	s5 =	simm.s32 @!p2 $0x0  }
0x1d: {  	s5 =	simm.s32 @p1 $0x1;
	p0 =	seq.s32 s7, s2  }
0x1e: {  	s7 =	smul.u32 @!p0 $0xF7A, s2;
	p2 =	seq.s32 @!p0 s5, $0x0  }
0x1f: {  	s9 =	smul.u32 $0xF7A, s1;
	s8 =	simm.s32 @!p0 $0x1BF5;
	p2 =	por !p2, p0  }
0x20: {  	[sflag:s8] =	ssyncset.s32 @!p0 $0xFFFFF086;
	s6 =	sadd.s32 @!p0 s3, s7;
	s7 =	simm.s32 @!p0 $0x108  }
0x21: {  	s3 =	sadd.s32 s3, s9;
	s6 =	sadd.s32 @!p0 $0x88, s6;
	s7 =	simm.s32 @p2 $0x1082  }
0x22: {  	[simem:s7], [sflag:s8] =	dma.local @!p0 [hbm:s6], $0xF7A  }
0x23: {  	s9 =	sor.u32 $0xD0000000, s2;
	s6 =	simm.s32 $0x108;
	_ =	swait.ge @!p0 [sflag:s8], $0x0  }
0x24: {  	s3 =	sadd.s32 $0x88, s3;
	s6 =	simm.s32 @!p1 $0x1082;
	[sflag:s4] =	ssyncset.s32 $0xFFFFF086  }
0x25: {  	[simem:s6], [sflag:s4] =	dma.local [hbm:s3], $0xF7A  }
0x26: {  	[smem:$0x3F99] =	sst s1;
	(tag) =	ssettag s2;
	_ =	strace s9  }
0x27: {  	s1 =	sld [smem:$0x3FA9]  }
0x28: {  	s2 =	sld [smem:$0x3FAA]  }
0x29: {  	s4 =	sld [smem:$0x3FAC]  }
0x2a: {  	p0 =	seq.s32 s5, $0x0;
	s5 =	sld [smem:$0x3FAD]  }
0x2b: {  	s6 =	sld [smem:$0x3FAE]  }
0x2c: {  	s7 =	sld [smem:$0x3FAF]  }
0x2d: {  	s3 =	simm.s32 $0x108;
	s8 =	sld [smem:$0x3FB0]  }
0x2e: {  	s3 =	simm.s32 @!p0 $0x1082;
	s9 =	sld [smem:$0x3FB1]  }
0x2f: {  	lr =	sadd.s32 s0, s3;
	s0 =	sld [smem:$0x3FA8]  }
0x30: {  	s3 =	sld [smem:$0x3FAB]  }
0x31: {  	[smem:$0x3FB4] =	sst s10  }
0x32: {  	s10 =	sld [smem:$0x3FB2];
	_ =	sdelay $0x3  }
0x33: {  	p0 =	seq.s32 s10, $0x1;
	s10 =	sld [smem:$0x3FB4];
	_ =	sdelay $0x3  }
0x34: {  	[smem:$0x3FB4] =	sst s10  }
0x35: {  	s10 =	sld [smem:$0x3FB3];
	_ =	sdelay $0x3  }
0x36: {  	p1 =	seq.s32 s10, $0x1;
	s10 =	sld [smem:$0x3FB4];
	_ =	sdelay $0x3  }
0x37: {  	[smem:$0x3FB4] =	sst s10  }
0x38: {  	s10 =	sld [smem:$0x3FB5]  }
0x39: {  	_ = 	snop;
	(pc) =	sbr.ind lr, $3  }
0x3a: {  	_ = 	snop  }
0x3b: {  	_ = 	snop  }
0x3c: {  	p2 =	seq.s32 s10, $0x1;
	s10 =	sld [smem:$0x3FB4]  }
0x3d: {  	_ =	shalt  }
0x3e: {  	_ =	shalt  }
0x3f: {  	_ =	shalt  }
0x40: {  	_ =	shalt  }
0x41: {  	_ =	shalt  }
0x42: {  	_ =	shalt  }
0x43: {  	_ =	shalt  }
0x44: {  	_ =	shalt  }
0x45: {  	_ =	shalt  }
0x46: {  	_ =	shalt  }
0x47: {  	_ =	shalt  }
0x48: {  	_ =	shalt  }
0x49: {  	_ =	shalt  }
0x4a: {  	_ =	shalt  }
0x4b: {  	_ =	shalt  }
0x4c: {  	_ =	shalt  }
0x4d: {  	_ =	shalt  }
0x4e: {  	_ =	shalt  }
0x4f: {  	_ =	shalt  }
0x50: {  	_ =	shalt  }
0x51: {  	_ =	shalt  }
0x52: {  	_ =	shalt  }
0x53: {  	_ =	shalt  }
0x54: {  	_ =	shalt  }
0x55: {  	_ =	shalt  }
0x56: {  	_ =	shalt  }
0x57: {  	_ =	shalt  }
0x58: {  	_ =	shalt  }
0x59: {  	_ =	shalt  }
0x5a: {  	_ =	shalt  }
0x5b: {  	_ =	shalt  }
0x5c: {  	_ =	shalt  }
0x5d: {  	_ =	shalt  }
0x5e: {  	_ =	shalt  }
0x5f: {  	_ =	shalt  }
0x60: {  	_ =	shalt  }
0x61: {  	_ =	shalt  }
0x62: {  	_ =	shalt  }
0x63: {  	_ =	shalt  }
0x64: {  	_ =	shalt  }
0x65: {  	_ =	shalt  }
0x66: {  	_ =	shalt  }
0x67: {  	_ =	shalt  }
0x68: {  	_ =	shalt  }
0x69: {  	_ =	shalt  }
0x6a: {  	_ =	shalt  }
0x6b: {  	_ =	shalt  }
0x6c: {  	_ =	shalt  }
0x6d: {  	_ =	shalt  }
0x6e: {  	_ =	shalt  }
0x6f: {  	_ =	shalt  }
0x70: {  	_ =	shalt  }
0x71: {  	_ =	shalt  }
0x72: {  	_ =	shalt  }
0x73: {  	_ =	shalt  }
0x74: {  	_ =	shalt  }
0x75: {  	_ =	shalt  }
0x76: {  	_ =	shalt  }
0x77: {  	_ =	shalt  }
0x78: {  	_ =	shalt  }
0x79: {  	_ =	shalt  }
0x7a: {  	_ =	shalt  }
0x7b: {  	_ =	shalt  }
0x7c: {  	_ =	shalt  }
0x7d: {  	_ =	shalt  }
0x7e: {  	_ =	shalt  }
0x7f: {  	_ =	shalt  }
0x80: {  	_ =	shalt  }
0x81: {  	_ =	shalt  }
0x82: {  	_ =	shalt  }
0x83: {  	_ =	shalt  }
0x84: {  	_ =	shalt  }
0x85: {  	_ =	shalt  }
0x86: {  	_ =	shalt  }
0x87: {  	_ =	shalt  }
.Lfunc_end0:
.L_simem_size_0:
called_computation_lowered:
.L_overlay_start_0:
0x88: {  	s2 =	sld [smem:$0x3FD9]  }
0x89: {  	s3 =	sld [smem:$0x3FFE];
	_ =	sdelay $0x1  }
0x8a: {  	s1 =	srdreg.scid  }
0x8b: {  	s0 =	sand.u32 $0x1, s1  }
0x8c: {  	s17 =	sshll.u32 s0, $0xA;
	s2 =	sadd.s32 s3, s2  }
0x8d: {  	s2 =	sadd.s32 s2, s17  }
0x8e: {  	[smem:$0x3FC0] =	sst s2  }
0x8f: {  	_ = 	snop  }
0x90: {  	s2 =	sld [smem:$0x3FD0];
	(tm) =	ssettm $0x1  }
0x91: {  	s18 =	sld [smem:$0x3FFB];
	_ =	sdelay $0x3  }
0x92: {  	_ =	strace s18  }
0x93: {  	s3 =	sld [smem:$0x3FFC];
	_ =	sdelay $0x3  }
0x94: {  	_ =	strace s3  }
0x95: {  	s3 =	sld [smem:$0x3FFD];
	_ =	sdelay $0x3  }
0x96: {  	_ =	strace s3  }
0x97: {  	_ =	strace $0x8FFFFFFF  }
0x98: {  	s19 =	sld [smem:$0x3FDB];
	_ =	sdelay $0x1  }
0x99: {  	s4 =	simm.s32 $_scs_section_size  }
0x9a: {  	s5 =	simm.s32 $_size__tile_overlayer_lowered;
	s6 =	simm.s32 $_tile_overlayer_lowered  }
0x9b: {  	s22 =	simm.s32 $0x1BFF;
	s21 =	sshll.u32 s6, $0x1;
	s3 =	sadd.s32 s4, s19  }
0x9c: {  	s7 =	simm.s32 $0x0;
	s20 =	sshll.u32 s5, $0x1;
	s5 =	sadd.s32 s21, s3  }
0x9d: {  	[timem:s7], [sflag:s22] =	dma.local [hbm:s5], s20  }
0x9e: {  	_ =	swait.ge [sflag:s22], s20  }
0x9f: {  	s4 =	ssub.s32 $0x0, s20;
	[sflag:s22] =	ssyncset.done $0x0  }
0xa0: {  	[sflag:s22] =	ssyncadd.s32 s4;
	_ =	sdelay $0x1  }
0xa1: {  	s23 =	simm.s32 $0x1B8B  }
0xa2: {  	_ =	swait.ge [sflag:s23], $0x1  }
0xa3: {  	[sflag:s23] =	ssyncset.done $0x0  }
0xa4: {  	s25 =	simm.s32 $0x1B8E;
	s24 =	sld [smem:$0x3FFE];
	[sflag:s23] =	ssyncadd.s32 $0xFFFFFFFF  }
0xa5: {  	s26 =	simm.s32 $execute0_lowered;
	[smem:$0x3FD2] =	sst s25  }
0xa6: {  	s5 =	sshll.u32 s26, $0x1;
	_ =	strace $0x80000046;
	[dreg:$0x1] =	wrdreg $0xFFFFFFFF  }
0xa7: {  	s28 =	simm.s32 $_size_execute0_lowered;
	s3 =	sadd.s32 s3, s5;
	[dreg:$0x0] =	wrdreg $0x0  }
0xa8: {  	s5 =	sshll.u32 s28, $0x1;
	[dreg:$0x2] =	wrdreg s3  }
0xa9: {  	[dreg:$0x3] =	wrdreg s5  }
0xaa: {  	[dreg:$0x4] =	wrdreg $0xC0  }
0xab: {  	_ =	task [dreg:s7], $0x5FFFF  }
0xac: {  	[dreg:$0x1] =	wrdreg $0xFFFFFFFF  }
0xad: {  	[dreg:$0x0] =	wrdreg $0x60  }
0xae: {  	[dreg:$0x2] =	wrdreg s2  }
0xaf: {  	[dreg:$0x3] =	wrdreg s24  }
0xb0: {  	[dreg:$0x4] =	wrdreg $0x7B700  }
0xb1: {  	[dreg:$0x5] =	wrdreg $0x1BB700  }
0xb2: {  	[dreg:$0x6] =	wrdreg $0x9  }
0xb3: {  	_ =	task.clear_ibuf [dreg:s7], $0x7FFFF;
	_ =	strace $0x90000046  }
0xb4: {  	s29 =	simm.s32 $0x9;
	_ =	strace $0x80000048  }
0xb5: {  	_ =	swait.ge [sflag:s29], $0x1  }
0xb6: {  	[sflag:s29] =	ssyncadd.s32 $0xFFFFFFFF  }
0xb7: {  	_ =	strace $0x90000048  }
0xb8: {  	_ =	sfence  }
0xb9: {  	s30 =	sld [smem:$0x0];
	_ =	sdelay $0x2  }
0xba: {  	s31 =	sshll.u32 s1, $0xD;
	s1 =	sshrl.u32 s1, $0x2  }
0xbb: {  	s3 =	sand.u32 $0x4000, s31;
	s1 =	sadd.s32 s1, s30  }
0xbc: {  	s0 =	sor.u32 s3, s0;
	s1 =	sshll.u32 s1, $0x11  }
0xbd: {  	s0 =	sor.u32 s1, s0  }
0xbe: {  	s0 =	sadd.s32 $0x8F2B, s0  }
0xbf: {  	[sflag:s0] =	ssyncadd.remote.s32 $0x1  }
0xc0: {  	_ =	sfence.sel $0xFFFF  }
0xc1: {  	[dreg:$0x0] =	wrdreg $0xFFFFFFFF;
	(pc) =	sbr.abs _section_cstart, $3  }
0xc2: {  	[dreg:$0x1] =	wrdreg $0xFFFFFFFF  }
0xc3: {  	_ =	task.clear_ibuf [dreg:s7], $0x2FFFF;
	_ =	strace $0x9FFFFFFF  }
0xc4: {  	(tm) =	ssettm $0x7FFFFFFF  }
0xc5: {  	_ =	shalt  }
tec
execute0_lowered:
.L_overlay_start_1:
0x0: {  	(tag) =	ssettag $0x1  }
0x1: {  	s0 =	rddreg [dreg:$0x0]  }
0x2: {  	s1 =	rddreg [dreg:$0x1]  }
0x3: {  	s3 =	rddreg [dreg:$0x2];
	s2 =	srdreg.scid  }
0x4: {  	s4 =	rddreg [dreg:$0x3];
	s14 =	stileid.u32  }
0x5: {  	s5 =	simm.s32 $0x0;
	s29 =	simm.s32 $0x50F0;
	s30 =	simm.s32 $0x9  }
0x6: {  	s31 =	simm.s32 $0x78F0;
	s28 =	simm.s32 $0x1;
	s10 =	smul.u32 $0x14000, s14  }
0x7: {  	s2 =	sand.u32 $0x1, s2;
	[smem:$0x7FF] =	sst s5;
	s12 =	smul.u32 $0x2800, s14  }
0x8: {  	s6 =	sadd.s32 $0x14E00, s1;
	s7 =	sadd.s32 $0xB000, s1;
	s26 =	smul.u32 $0xA000, s14  }
0x9: {  	s8 =	sadd.s32 $0x1200, s1;
	s13 =	sshll.u32 s14, $0x1;
	s9 =	smul.u32 $0x140000, s2  }
0xa: {  	s11 =	smul.u32 $0x28000, s2;
	s13 =	sor.u32 s2, s13;
	s2 =	ssub.s32 $0x2, s2  }
0xb: {  	_ =	strace $0x80000047;
	s15 =	sshrl.u32 s2, $0x1;
	s9 =	sadd.s32 s10, s9  }
0xc: {  	s12 =	sadd.s32 s12, s11;
	s11 =	smul.u32 $0x2710, s13;
	s2 =	ssub.s32 s2, s15  }
0xd: {  	s13 =	simm.s32 $0x5;
	s9 =	sshrl.u32 s9, $0x3;
	s10 =	sshrl.u32 s12, $0x3  }
0xe: {  	s2 =	smax.u32 s2, $0x1;
	s9 =	sadd.s32 s9, s1;
	s1 =	sadd.s32 s10, s1  }
0xf: {  	s16 =	sshrl.u32 s11, $0x3;
	s17 =	sadd.s32 $0x28, s11;
	s20 =	sadd.s32 $0x50, s11  }
0x10: {  	s22 =	sadd.s32 $0x78, s11;
	s25 =	sadd.s32 $0x26E8, s11;
	[dreg:$0x11] =	wrdreg s2  }
0x11: {  	s2 =	simm.s32 $0x78;
	s15 =	sadd.s32 s8, s16;
	s18 =	sshrl.u32 s17, $0x3  }
0x12: {  	s12 =	sadd.s32 s7, s16;
	[dreg:$0x9] =	wrdreg s20;
	s21 =	sshrl.u32 s20, $0x3  }
0x13: {  	s20 =	smov.u32 s22;
	s24 =	sshrl.u32 s22, $0x3;
	s16 =	smul.u32 $0x50000, s14  }
0x14: {  	s17 =	sadd.s32 $0xA0, s11;
	s11 =	sadd.s32 $0xC8, s11;
	[dreg:$0x6] =	wrdreg s12  }
0x15: {  	s14 =	simm.s32 $0x0;
	s19 =	sadd.s32 s8, s18;
	[dreg:$0xe] =	wrdreg s17  }
0x16: {  	s10 =	sadd.s32 s7, s18;
	s23 =	sadd.s32 s8, s21;
	[dreg:$0xf] =	wrdreg s11  }
0x17: {  	s12 =	sadd.s32 s8, s24;
	s18 =	sshrl.u32 s26, $0x2;
	[dreg:$0x5] =	wrdreg s15  }
0x18: {  	s26 =	sadd.s32 $0x4D8, s15;
	s17 =	simm.s32 $0x6;
	[dreg:$0x8] =	wrdreg s10  }
0x19: {  	s11 =	simm.s32 $0x7;
	[dreg:$0xa] =	wrdreg s23;
	s10 =	sadd.s32 s7, s21  }
0x1a: {  	[dreg:$0xc] =	wrdreg s12;
	s12 =	sshrl.u32 s25, $0x3;
	s21 =	sshrl.u32 s16, $0x2  }
0x1b: {  	s23 =	sadd.s32 s18, s4;
	s25 =	sadd.s32 $0x3C000, s1;
	[dreg:$0x14] =	wrdreg s26  }
0x1c: {  	s1 =	simm.s32 $0x28;
	s26 =	simm.s32 $0xC8;
	[dreg:$0x7] =	wrdreg s19  }
0x1d: {  	s16 =	simm.s32 $0x3;
	[dreg:$0xb] =	wrdreg s10;
	s10 =	sadd.s32 s7, s24  }
0x1e: {  	s18 =	simm.s32 $0x4;
	s22 =	sadd.s32 s21, s3;
	[dreg:$0xd] =	wrdreg s10  }
0x1f: {  	s24 =	sadd.s32 $0x46000, s9;
	s9 =	simm.s32 $0x2;
	[dreg:$0x12] =	wrdreg s22  }
0x20: {  	s10 =	sadd.s32 s8, s12;
	[dreg:$0x13] =	wrdreg s24;
	s22 =	simm.s32 $0x50  }
0x21: {  	v0 =	vimm.f32 $0.0e+00;
	v1 =	vimm.f32 $1.000000000e+00;
	s24 =	simm.s32 $0x8;
	[dreg:$0x10] =	wrdreg s10;
	s10 =	simm.s32 $0xA0  }
.LBB2_1:
0x22: {  	s12 =	simm.s32 $0x5130  }
0x23: {  	[tilespmem:s12+$0xFFFFFFD0] =	vst v0  }
0x24: {  	[tilespmem:s12+$0xFFFFFFE0] =	vst v0  }
0x25: {  	[tilespmem:s12+$0xFFFFFFF0] =	vst v0  }
0x26: {  	[tilespmem:s12+$0x0] =	vst v0  }
0x27: {  	[tilespmem:s12+$0x10] =	vst v0  }
0x28: {  	[tilespmem:s12+$0x20] =	vst v0  }
0x29: {  	[tilespmem:s12+$0x30] =	vst v0  }
0x2a: {  	[dreg:$0x15] =	wrdreg s14;
	s15 =	simm.s32 $0x0;
	s14 =	simm.s32 $0x40;
	[tilespmem:s12+$0xFFFFFFC0] =	vst v0  }
.LBB2_2:
0x2b: {  	p0 =	sne.s32 s14, $0x9C0;
	[tilespmem:s15+$0x78F0] =	vst v0;
	s12 =	sadd.s32 $0x80, s12  }
0x2c: {  	[tilespmem:s12+$0xFFFFFFD0] =	vst v0  }
0x2d: {  	[tilespmem:s12+$0xFFFFFFE0] =	vst v0  }
0x2e: {  	[tilespmem:s12+$0xFFFFFFF0] =	vst v0  }
.Ltmp0:
0x2f: {  	[tilespmem:s12+$0x0] =	vst v0;
	(pc) =	sbr.rel @p0 .LBB2_2-.Ltmp0, $4  }
0x30: {  	[tilespmem:s12+$0x10] =	vst v0  }
0x31: {  	[tilespmem:s12+$0x20] =	vst v0  }
0x32: {  	[tilespmem:s12+$0x30] =	vst v0  }
0x33: {  	s15 =	sshra.s32 s14, $0x2;
	s14 =	sadd.s32 $0x40, s14;
	[tilespmem:s12+$0xFFFFFFC0] =	vst v0  }
0x34: {  	[tilespmem:s15+$0x78F0] =	vst v0;
	s14 =	rddreg [dreg:$0x12]  }
0x35: {  	[spmem:s14] =	stream.linear.scatter [tilespmem:s29], [sflag:$0x9], $0x1400, $0x38;
	[tilespmem:$0x1E370] =	vst v63  }
0x36: {  	_ =	swait.ge [sflag:s30], $0x1400  }
0x37: {  	[sflag:s30] =	ssyncset.done $0x0  }
0x38: {  	s12 =	sadd.s32 $0x0, s23;
	[sflag:s30] =	ssyncadd.s32 $0xFFFFEC00  }
0x39: {  	[spmem:s12] =	stream.linear.scatter [tilespmem:s31], [sflag:$0x9], $0x280, $0x38;
	[tilespmem:$0x1E370] =	vst v63  }
0x3a: {  	_ =	swait.ge [sflag:s30], $0x280  }
0x3b: {  	s12 =	simm.s32 $0xA00;
	[sflag:s30] =	ssyncset.done $0x0  }
.LBB2_4:
0x3c: {  	p0 =	sne.s32 s12, $0x9600;
	[sflag:s30] =	ssyncadd.s32 $0xFFFFFD80;
	s14 =	sadd.s32 $0x1400, s14  }
0x3d: {  	[spmem:s14] =	stream.linear.scatter [tilespmem:s29], [sflag:$0x9], $0x1400, $0x38;
	[tilespmem:$0x1E370] =	vst v63  }
0x3e: {  	s15 =	smov.u32 s12;
	s12 =	sadd.s32 $0xA00, s12;
	_ =	swait.ge [sflag:s30], $0x1400  }
.Ltmp1:
0x3f: {  	s15 =	sshra.s32 s15, $0x2;
	[sflag:s30] =	ssyncset.done $0x0;
	(pc) =	sbr.rel @p0 .LBB2_4-.Ltmp1, $4  }
0x40: {  	s15 =	sadd.s32 s15, s23;
	[sflag:s30] =	ssyncadd.s32 $0xFFFFEC00  }
0x41: {  	[spmem:s15] =	stream.linear.scatter [tilespmem:s31], [sflag:$0x9], $0x280, $0x38;
	[tilespmem:$0x1E370] =	vst v63  }
0x42: {  	_ =	swait.ge [sflag:s30], $0x280  }
0x43: {  	[sflag:s30] =	ssyncset.done $0x0  }
0x44: {  	[sflag:s30] =	ssyncadd.s32 $0xFFFFFD80  }
0x45: {  	[bflag:$0x0] =	sbarrier.arrive $0xFFFF  }
0x46: {  	[tilespmem:$0x78F0] =	vst v1  }
0x47: {  	[tilespmem:$0x7900] =	vst v1  }
0x48: {  	[tilespmem:$0x7910] =	vst v1  }
0x49: {  	[tilespmem:$0x7920] =	vst v1  }
0x4a: {  	[tilespmem:$0x7930] =	vst v1  }
0x4b: {  	[tilespmem:$0x7940] =	vst v1  }
0x4c: {  	[tilespmem:$0x7950] =	vst v1  }
0x4d: {  	[tilespmem:$0x7960] =	vst v1  }
0x4e: {  	[tilespmem:$0x7970] =	vst v1  }
0x4f: {  	[tilespmem:$0x7980] =	vst v1  }
0x50: {  	[tilespmem:$0x7990] =	vst v1  }
0x51: {  	[tilespmem:$0x79A0] =	vst v1  }
0x52: {  	[tilespmem:$0x79B0] =	vst v1  }
0x53: {  	[tilespmem:$0x79C0] =	vst v1  }
0x54: {  	[tilespmem:$0x79D0] =	vst v1  }
0x55: {  	[tilespmem:$0x79E0] =	vst v1  }
0x56: {  	[tilespmem:$0x79F0] =	vst v1  }
0x57: {  	[tilespmem:$0x7A00] =	vst v1  }
0x58: {  	[tilespmem:$0x7A10] =	vst v1  }
0x59: {  	[tilespmem:$0x7A20] =	vst v1  }
0x5a: {  	[tilespmem:$0x7A30] =	vst v1  }
0x5b: {  	[tilespmem:$0x7A40] =	vst v1  }
0x5c: {  	[tilespmem:$0x7A50] =	vst v1  }
0x5d: {  	[tilespmem:$0x7A60] =	vst v1  }
0x5e: {  	[tilespmem:$0x7A70] =	vst v1  }
0x5f: {  	[tilespmem:$0x7A80] =	vst v1  }
0x60: {  	[tilespmem:$0x7A90] =	vst v1  }
0x61: {  	[tilespmem:$0x7AA0] =	vst v1  }
0x62: {  	[tilespmem:$0x7AB0] =	vst v1  }
0x63: {  	[tilespmem:$0x7AC0] =	vst v1  }
0x64: {  	[tilespmem:$0x7AD0] =	vst v1  }
0x65: {  	[tilespmem:$0x7AE0] =	vst v1  }
0x66: {  	[tilespmem:$0x7AF0] =	vst v1  }
0x67: {  	[tilespmem:$0x7B00] =	vst v1  }
0x68: {  	[tilespmem:$0x7B10] =	vst v1  }
0x69: {  	[tilespmem:$0x7B20] =	vst v1  }
0x6a: {  	[tilespmem:$0x7B30] =	vst v1  }
0x6b: {  	[tilespmem:$0x7B40] =	vst v1  }
0x6c: {  	[tilespmem:$0x7B50] =	vst v1  }
0x6d: {  	[tilespmem:$0x7B60] =	vst v1;
	s12 =	rddreg [dreg:$0x5]  }
0x6e: {  	[tilespmem:s5], [sflag:$0x5] =	stream.linear.gather [hbm4b:s12+s5], $0x28, $0x38;
	[tilespmem:$0x1E370] =	vst v63  }
0x6f: {  	s14 =	rddreg [dreg:$0x6]  }
0x70: {  	[tilespmem:s1], [sflag:$0x5] =	stream.linear.gather [hbm4b:s14+s5], $0x28, $0x38;
	[tilespmem:$0x1E370] =	vst v63  }
0x71: {  	_ = 	snop  }
0x72: {  	[tilespmem:s2], [sflag:$0x6] =	stream.linear.gather [hbm4b:s19+s5], $0x28, $0x38;
	[tilespmem:$0x1E370] =	vst v63  }
0x73: {  	s21 =	rddreg [dreg:$0x8]  }
0x74: {  	[tilespmem:s10], [sflag:$0x6] =	stream.linear.gather [hbm4b:s21+s5], $0x28, $0x38;
	[tilespmem:$0x1E370] =	vst v63  }
0x75: {  	_ =	swait.ge [sflag:s13], $0x28  }
0x76: {  	[sflag:s13] =	ssyncset.done $0x0  }
0x77: {  	[sflag:s13] =	ssyncadd.s32 $0xFFFFFFD8  }
0x78: {  	_ =	swait.ge [sflag:s13], $0x28  }
0x79: {  	[sflag:s13] =	ssyncset.done $0x0  }
0x7a: {  	s15 =	simm.s32 $0xF0;
	[sflag:s13] =	ssyncadd.s32 $0xFFFFFFD8  }
0x7b: {  	[tilespmem:s15], [sflag:$0x1] =	stream.indirect.gather [hbm4b:s0+s1], $0x80, s5, s1, $0xb8;
	[tilespmem:$0x1E370] =	vst v63  }
0x7c: {  	s21 =	simm.s32 $0x14F0  }
0x7d: {  	[tilespmem:s21], [sflag:$0x1] =	stream.indirect.gather [hbm4b:s6+s1], $0x80, s1, s1, $0xb8;
	[tilespmem:$0x1E370] =	vst v63  }
0x7e: {  	_ =	swait.ge [sflag:s17], $0x28  }
0x7f: {  	[sflag:s17] =	ssyncset.done $0x0  }
0x80: {  	[sflag:s17] =	ssyncadd.s32 $0xFFFFFFD8  }
0x81: {  	_ =	swait.ge [sflag:s17], $0x28  }
0x82: {  	[sflag:s17] =	ssyncset.done $0x0  }
0x83: {  	s15 =	simm.s32 $0x28F0;
	[sflag:s17] =	ssyncadd.s32 $0xFFFFFFD8  }
0x84: {  	[tilespmem:s15], [sflag:$0x2] =	stream.indirect.gather [hbm4b:s0+s1], $0x80, s2, s1, $0xb8;
	[tilespmem:$0x1E370] =	vst v63  }
0x85: {  	s21 =	simm.s32 $0x3CF0  }
0x86: {  	[tilespmem:s21], [sflag:$0x2] =	stream.indirect.gather [hbm4b:s6+s1], $0x80, s10, s1, $0xb8;
	[tilespmem:$0x1E370] =	vst v63  }
0x87: {  	_ = 	snop  }
0x88: {  	[tilespmem:s22], [sflag:$0x7] =	stream.linear.gather [hbm4b:s12+s5], $0x28, $0x38;
	[tilespmem:$0x1E370] =	vst v63  }
0x89: {  	_ =	swait.ge [sflag:s28], $0x1400  }
0x8a: {  	[sflag:s28] =	ssyncset.done $0x0  }
0x8b: {  	[sflag:s28] =	ssyncadd.s32 $0xFFFFEC00  }
0x8c: {  	_ =	swait.ge [sflag:s28], $0x1400  }
0x8d: {  	[sflag:s28] =	ssyncset.done $0x0  }
0x8e: {  	s15 =	rddreg [dreg:$0xa];
	[sflag:s28] =	ssyncadd.s32 $0xFFFFEC00  }
0x8f: {  	[tilespmem:s5], [sflag:$0x5] =	stream.linear.gather [hbm4b:s15+s5], $0x28, $0x38;
	[tilespmem:$0x1E370] =	vst v63  }
0x90: {  	s21 =	rddreg [dreg:$0xb];
	s15 =	simm.s32 $0xF0  }
0x91: {  	[tilespmem:s1], [sflag:$0x5] =	stream.linear.gather [hbm4b:s21+s5], $0x28, $0x38;
	[tilespmem:$0x1E370] =	vst v63  }
0x92: {  	v2 =	vld [tilespmem:s15+$0xF0]  }
0x93: {  	v3 =	vld [tilespmem:s15+$0x14F0]  }
0x94: {  	v4 =	vld [tilespmem:s15+$0x0]  }
0x95: {  	v5 =	vld [tilespmem:s15+$0x1400]  }
0x96: {  	v6 =	vld [tilespmem:s15+$0x10]  }
0x97: {  	v7 =	vld [tilespmem:s15+$0x1410]  }
0x98: {  	v8 =	vld [tilespmem:s15+$0x20]  }
0x99: {  	v2 =	vadd.f32 v3, v2;
	v3 =	vld [tilespmem:s15+$0x1420]  }
0x9a: {  	v9 =	vld [tilespmem:s15+$0x30]  }
0x9b: {  	v4 =	vadd.f32 v5, v4;
	v5 =	vld [tilespmem:s15+$0x1430]  }
0x9c: {  	v6 =	vadd.f32 v7, v6;
	v7 =	vld [tilespmem:s15+$0x50];
	v2 =	vmax.f32 v2, $0.0e+00  }
0x9d: {  	[tilespmem:s15+$0x50F0] =	vst v2;
	v2 =	vmax.f32 v4, $0.0e+00;
	v4 =	vld [tilespmem:s15+$0x40]  }
0x9e: {  	v6 =	vmax.f32 v6, $0.0e+00;
	[tilespmem:s15+$0x5000] =	vst v2;
	v2 =	vld [tilespmem:s15+$0x1440];
	v3 =	vadd.f32 v3, v8  }
0x9f: {  	[tilespmem:s15+$0x5010] =	vst v6;
	v6 =	vld [tilespmem:s15+$0x1450]  }
0xa0: {  	v8 =	vld [tilespmem:s15+$0x60];
	v3 =	vmax.f32 v3, $0.0e+00  }
0xa1: {  	v5 =	vadd.f32 v5, v9;
	[tilespmem:s15+$0x5020] =	vst v3;
	v3 =	vld [tilespmem:s15+$0x1460]  }
0xa2: {  	v9 =	vld [tilespmem:s15+$0x70]  }
0xa3: {  	v5 =	vmax.f32 v5, $0.0e+00;
	v2 =	vadd.f32 v2, v4;
	v4 =	vld [tilespmem:s15+$0x1470]  }
0xa4: {  	[tilespmem:s15+$0x5030] =	vst v5;
	v5 =	vld [tilespmem:s15+$0x80];
	v6 =	vadd.f32 v6, v7  }
0xa5: {  	v7 =	vld [tilespmem:s15+$0x90];
	v2 =	vmax.f32 v2, $0.0e+00  }
0xa6: {  	v6 =	vmax.f32 v6, $0.0e+00;
	[tilespmem:s15+$0x5040] =	vst v2;
	v2 =	vld [tilespmem:s15+$0x1480];
	v3 =	vadd.f32 v3, v8  }
0xa7: {  	[tilespmem:s15+$0x5050] =	vst v6;
	v6 =	vld [tilespmem:s15+$0x1490]  }
0xa8: {  	v8 =	vld [tilespmem:s15+$0xA0];
	v4 =	vadd.f32 v4, v9;
	v3 =	vmax.f32 v3, $0.0e+00  }
0xa9: {  	[tilespmem:s15+$0x5060] =	vst v3;
	v3 =	vld [tilespmem:s15+$0x14A0]  }
0xaa: {  	v9 =	vld [tilespmem:s15+$0xB0];
	v4 =	vmax.f32 v4, $0.0e+00  }
0xab: {  	v2 =	vadd.f32 v2, v5;
	[tilespmem:s15+$0x5070] =	vst v4;
	v4 =	vld [tilespmem:s15+$0x14B0]  }
0xac: {  	v10 =	vld [tilespmem:s15+$0xC0];
	v5 =	vadd.f32 v6, v7  }
0xad: {  	v7 =	vld [tilespmem:s15+$0x14C0];
	v2 =	vmax.f32 v2, $0.0e+00  }
0xae: {  	v5 =	vmax.f32 v5, $0.0e+00;
	[tilespmem:s15+$0x5080] =	vst v2;
	v2 =	vld [tilespmem:s15+$0xD0];
	v3 =	vadd.f32 v3, v8  }
0xaf: {  	[tilespmem:s15+$0x5090] =	vst v5;
	v5 =	vld [tilespmem:s15+$0x14D0]  }
0xb0: {  	v8 =	vadd.f32 v4, v9;
	v6 =	vmax.f32 v3, $0.0e+00;
	v3 =	vld [tilespmem:s15+$0xE0]  }
0xb1: {  	s12 =	simm.s32 $0x1F0;
	[tilespmem:s15+$0x50A0] =	vst v6;
	v6 =	vld [tilespmem:s15+$0x14E0]  }
0xb2: {  	s14 =	simm.s32 $0xBC0;
	v7 =	vadd.f32 v7, v10;
	v8 =	vmax.f32 v8, $0.0e+00;
	v4 =	vld [tilespmem:s12+$0xF0]  }
.LBB2_6:
0xb3: {  	p0 =	sne.s32 s14, $0x4FC0;
	v9 =	vld [tilespmem:s12+$0x14F0];
	[tilespmem:s15+$0x50B0] =	vst v8  }
0xb4: {  	v8 =	vld [tilespmem:s12+$0x0];
	v7 =	vmax.f32 v7, $0.0e+00;
	v2 =	vadd.f32 v5, v2  }
0xb5: {  	v5 =	vld [tilespmem:s12+$0x1400];
	[tilespmem:s15+$0x50C0] =	vst v7  }
0xb6: {  	v7 =	vld [tilespmem:s12+$0x10];
	v2 =	vmax.f32 v2, $0.0e+00;
	v3 =	vadd.f32 v6, v3  }
0xb7: {  	v6 =	vld [tilespmem:s12+$0x1410];
	[tilespmem:s15+$0x50D0] =	vst v2  }
0xb8: {  	v2 =	vld [tilespmem:s12+$0x20];
	v4 =	vadd.f32 v9, v4;
	v3 =	vmax.f32 v3, $0.0e+00  }
0xb9: {  	v9 =	vld [tilespmem:s12+$0x1420];
	[tilespmem:s15+$0x50E0] =	vst v3;
	s15 =	smov.u32 s12  }
0xba: {  	v3 =	vadd.f32 v5, v8;
	v5 =	vld [tilespmem:s15+$0x30];
	v4 =	vmax.f32 v4, $0.0e+00  }
0xbb: {  	v8 =	vld [tilespmem:s15+$0x1430];
	[tilespmem:s15+$0x50F0] =	vst v4  }
0xbc: {  	v3 =	vmax.f32 v3, $0.0e+00;
	v4 =	vadd.f32 v6, v7;
	v6 =	vld [tilespmem:s15+$0x40]  }
0xbd: {  	[tilespmem:s15+$0x5000] =	vst v3;
	v3 =	vld [tilespmem:s15+$0x1440]  }
0xbe: {  	v4 =	vmax.f32 v4, $0.0e+00;
	v2 =	vadd.f32 v9, v2;
	v7 =	vld [tilespmem:s15+$0x50]  }
0xbf: {  	[tilespmem:s15+$0x5010] =	vst v4;
	v4 =	vld [tilespmem:s15+$0x1450]  }
0xc0: {  	v2 =	vmax.f32 v2, $0.0e+00;
	v5 =	vadd.f32 v8, v5;
	v8 =	vld [tilespmem:s15+$0x60]  }
0xc1: {  	[tilespmem:s15+$0x5020] =	vst v2;
	v2 =	vld [tilespmem:s15+$0x1460]  }
0xc2: {  	v5 =	vmax.f32 v5, $0.0e+00;
	v3 =	vadd.f32 v3, v6;
	v6 =	vld [tilespmem:s15+$0x70]  }
0xc3: {  	[tilespmem:s15+$0x5030] =	vst v5;
	v5 =	vld [tilespmem:s15+$0x1470]  }
0xc4: {  	v3 =	vmax.f32 v3, $0.0e+00;
	v4 =	vadd.f32 v4, v7;
	v7 =	vld [tilespmem:s15+$0x80]  }
0xc5: {  	[tilespmem:s15+$0x5040] =	vst v3;
	v3 =	vld [tilespmem:s15+$0x1480]  }
0xc6: {  	v4 =	vmax.f32 v4, $0.0e+00;
	v2 =	vadd.f32 v2, v8;
	v8 =	vld [tilespmem:s15+$0x90]  }
0xc7: {  	[tilespmem:s15+$0x5050] =	vst v4;
	v4 =	vld [tilespmem:s15+$0x1490]  }
0xc8: {  	v2 =	vmax.f32 v2, $0.0e+00;
	v5 =	vadd.f32 v5, v6;
	v6 =	vld [tilespmem:s15+$0xA0]  }
0xc9: {  	[tilespmem:s15+$0x5060] =	vst v2;
	v2 =	vld [tilespmem:s15+$0x14A0]  }
0xca: {  	v5 =	vmax.f32 v5, $0.0e+00;
	v3 =	vadd.f32 v3, v7;
	v7 =	vld [tilespmem:s15+$0xB0]  }
0xcb: {  	[tilespmem:s15+$0x5070] =	vst v5;
	v9 =	vld [tilespmem:s15+$0x14B0]  }
0xcc: {  	v3 =	vmax.f32 v3, $0.0e+00;
	v4 =	vadd.f32 v4, v8;
	v10 =	vld [tilespmem:s15+$0xC0]  }
0xcd: {  	[tilespmem:s15+$0x5080] =	vst v3;
	v11 =	vld [tilespmem:s15+$0x14C0]  }
.Ltmp2:
0xce: {  	v3 =	vmax.f32 v4, $0.0e+00;
	v4 =	vadd.f32 v2, v6;
	v2 =	vld [tilespmem:s15+$0xD0];
	(pc) =	sbr.rel @p0 .LBB2_6-.Ltmp2, $4  }
0xcf: {  	[tilespmem:s15+$0x5090] =	vst v3;
	v5 =	vld [tilespmem:s15+$0x14D0]  }
0xd0: {  	v4 =	vmax.f32 v4, $0.0e+00;
	v7 =	vadd.f32 v9, v7;
	v3 =	vld [tilespmem:s15+$0xE0]  }
0xd1: {  	s12 =	sshra.s32 s14, $0x2;
	[tilespmem:s15+$0x50A0] =	vst v4;
	v6 =	vld [tilespmem:s15+$0x14E0]  }
0xd2: {  	s14 =	sadd.s32 $0x400, s14;
	v4 =	vld [tilespmem:s12+$0xF0];
	v8 =	vmax.f32 v7, $0.0e+00;
	v7 =	vadd.f32 v11, v10  }
0xd3: {  	v9 =	vld [tilespmem:s12+$0x14F0];
	[tilespmem:s15+$0x50B0] =	vst v8  }
0xd4: {  	v8 =	vld [tilespmem:s12+$0x0];
	v7 =	vmax.f32 v7, $0.0e+00;
	v2 =	vadd.f32 v5, v2  }
0xd5: {  	v10 =	vld [tilespmem:s12+$0x1400];
	[tilespmem:s15+$0x50C0] =	vst v7  }
0xd6: {  	v5 =	vld [tilespmem:s12+$0x10];
	v2 =	vmax.f32 v2, $0.0e+00;
	v3 =	vadd.f32 v6, v3  }
0xd7: {  	v7 =	vld [tilespmem:s12+$0x1410];
	[tilespmem:s15+$0x50D0] =	vst v2  }
0xd8: {  	v2 =	vld [tilespmem:s12+$0x20];
	v3 =	vmax.f32 v3, $0.0e+00  }
0xd9: {  	v6 =	vld [tilespmem:s12+$0x1420];
	v4 =	vadd.f32 v9, v4;
	[tilespmem:s15+$0x50E0] =	vst v3  }
0xda: {  	v8 =	vadd.f32 v10, v8;
	v3 =	vld [tilespmem:s12+$0x30]  }
0xdb: {  	v4 =	vmax.f32 v4, $0.0e+00;
	v9 =	vld [tilespmem:s12+$0x1430]  }
0xdc: {  	[tilespmem:s12+$0x50F0] =	vst v4;
	v4 =	vmax.f32 v8, $0.0e+00;
	v8 =	vld [tilespmem:s12+$0x40]  }
0xdd: {  	v5 =	vadd.f32 v7, v5;
	v7 =	vld [tilespmem:s12+$0x50]  }
0xde: {  	[tilespmem:s12+$0x5000] =	vst v4;
	v4 =	vld [tilespmem:s12+$0x1440];
	v2 =	vadd.f32 v6, v2  }
0xdf: {  	v5 =	vmax.f32 v5, $0.0e+00;
	v6 =	vld [tilespmem:s12+$0x60]  }
0xe0: {  	[tilespmem:s12+$0x5010] =	vst v5;
	v5 =	vld [tilespmem:s12+$0x1450];
	v2 =	vmax.f32 v2, $0.0e+00  }
0xe1: {  	v3 =	vadd.f32 v9, v3;
	[tilespmem:s12+$0x5020] =	vst v2;
	v2 =	vld [tilespmem:s12+$0x1460]  }
0xe2: {  	v9 =	vld [tilespmem:s12+$0x70]  }
0xe3: {  	v3 =	vmax.f32 v3, $0.0e+00;
	v4 =	vadd.f32 v4, v8;
	v8 =	vld [tilespmem:s12+$0x80]  }
0xe4: {  	[tilespmem:s12+$0x5030] =	vst v3;
	v3 =	vld [tilespmem:s12+$0x1470]  }
0xe5: {  	v4 =	vmax.f32 v4, $0.0e+00;
	v5 =	vadd.f32 v5, v7;
	v7 =	vld [tilespmem:s12+$0x90]  }
0xe6: {  	[tilespmem:s12+$0x5040] =	vst v4;
	v4 =	vld [tilespmem:s12+$0x1480];
	v2 =	vadd.f32 v2, v6  }
0xe7: {  	v5 =	vmax.f32 v5, $0.0e+00;
	v6 =	vld [tilespmem:s12+$0xA0]  }
0xe8: {  	[tilespmem:s12+$0x5050] =	vst v5;
	v5 =	vld [tilespmem:s12+$0x1490];
	v2 =	vmax.f32 v2, $0.0e+00  }
0xe9: {  	v3 =	vadd.f32 v3, v9;
	[tilespmem:s12+$0x5060] =	vst v2;
	v2 =	vld [tilespmem:s12+$0x14A0]  }
0xea: {  	v9 =	vld [tilespmem:s12+$0xB0]  }
0xeb: {  	v3 =	vmax.f32 v3, $0.0e+00;
	v4 =	vadd.f32 v4, v8;
	v8 =	vld [tilespmem:s12+$0xC0]  }
0xec: {  	[tilespmem:s12+$0x5070] =	vst v3;
	v3 =	vld [tilespmem:s12+$0x14B0]  }
0xed: {  	v4 =	vmax.f32 v4, $0.0e+00;
	v5 =	vadd.f32 v5, v7;
	v7 =	vld [tilespmem:s12+$0xD0]  }
0xee: {  	[tilespmem:s12+$0x5080] =	vst v4;
	v4 =	vld [tilespmem:s12+$0x14C0];
	v2 =	vadd.f32 v2, v6  }
0xef: {  	v5 =	vmax.f32 v5, $0.0e+00;
	v6 =	vld [tilespmem:s12+$0xE0]  }
0xf0: {  	[tilespmem:s12+$0x5090] =	vst v5;
	v5 =	vld [tilespmem:s12+$0x14D0];
	v2 =	vmax.f32 v2, $0.0e+00  }
0xf1: {  	[tilespmem:s12+$0x50A0] =	vst v2;
	v2 =	vld [tilespmem:s12+$0x14E0];
	_ =	sdelay $0x1  }
0xf2: {  	v3 =	vadd.f32 v3, v9  }
0xf3: {  	v4 =	vadd.f32 v4, v8  }
0xf4: {  	v3 =	vmax.f32 v3, $0.0e+00;
	v5 =	vadd.f32 v5, v7  }
0xf5: {  	[tilespmem:s12+$0x50B0] =	vst v3;
	v3 =	vmax.f32 v4, $0.0e+00;
	v2 =	vadd.f32 v2, v6  }
0xf6: {  	[tilespmem:s12+$0x50C0] =	vst v3;
	v3 =	vmax.f32 v5, $0.0e+00  }
0xf7: {  	[tilespmem:s12+$0x50D0] =	vst v3;
	v2 =	vmax.f32 v2, $0.0e+00  }
0xf8: {  	[tilespmem:s12+$0x50E0] =	vst v2  }
0xf9: {  	_ =	swait.ge [sflag:s13], $0x28  }
0xfa: {  	[sflag:s13] =	ssyncset.done $0x0  }
0xfb: {  	[sflag:s13] =	ssyncadd.s32 $0xFFFFFFD8  }
0xfc: {  	_ =	swait.ge [sflag:s13], $0x28  }
0xfd: {  	[sflag:s13] =	ssyncset.done $0x0  }
0xfe: {  	s14 =	simm.s32 $0xF0;
	[sflag:s13] =	ssyncadd.s32 $0xFFFFFFD8  }
0xff: {  	[tilespmem:s14], [sflag:$0x1] =	stream.indirect.gather [hbm4b:s0+s1], $0x80, s5, s1, $0xb8;
	[tilespmem:$0x1E370] =	vst v63  }
0x100: {  	s15 =	simm.s32 $0x14F0  }
0x101: {  	[tilespmem:s15], [sflag:$0x1] =	stream.indirect.gather [hbm4b:s6+s1], $0x80, s1, s1, $0xb8;
	[tilespmem:$0x1E370] =	vst v63  }
0x102: {  	_ =	swait.ge [sflag:s11], $0x28  }
0x103: {  	[sflag:s11] =	ssyncset.done $0x0  }
0x104: {  	[sflag:s11] =	ssyncadd.s32 $0xFFFFFFD8  }
0x105: {  	[spmem:s3] =	stream.indirect.scatter.add.f32 [tilespmem:s29], [sflag:$0x3], $0x80, s22, s1, $0xb8;
	[tilespmem:$0x1E370] =	vst v63  }
0x106: {  	_ = 	snop  }
0x107: {  	[spmem:s4] =	stream.indirect.scatter.add.f32 [tilespmem:s31], [sflag:$0x3], $0x10, s22, s1, $0xb8;
	[tilespmem:$0x1E370] =	vst v63  }
0x108: {  	_ = 	snop  }
0x109: {  	[tilespmem:s26], [sflag:$0x8] =	stream.linear.gather [hbm4b:s19+s5], $0x28, $0x38;
	[tilespmem:$0x1E370] =	vst v63  }
0x10a: {  	_ =	swait.ge [sflag:s9], $0x1400  }
0x10b: {  	[sflag:s9] =	ssyncset.done $0x0  }
0x10c: {  	[sflag:s9] =	ssyncadd.s32 $0xFFFFEC00  }
0x10d: {  	_ =	swait.ge [sflag:s9], $0x1400  }
0x10e: {  	[sflag:s9] =	ssyncset.done $0x0  }
0x10f: {  	s19 =	rddreg [dreg:$0xc];
	[sflag:s9] =	ssyncadd.s32 $0xFFFFEC00  }
0x110: {  	[tilespmem:s2], [sflag:$0x6] =	stream.linear.gather [hbm4b:s19+s5], $0x28, $0x38;
	[tilespmem:$0x1E370] =	vst v63  }
0x111: {  	s15 =	simm.s32 $0xF0;
	s21 =	rddreg [dreg:$0xd]  }
0x112: {  	[tilespmem:s10], [sflag:$0x6] =	stream.linear.gather [hbm4b:s21+s5], $0x28, $0x38;
	[tilespmem:$0x1E370] =	vst v63  }
0x113: {  	v2 =	vld [tilespmem:s15+$0x28F0]  }
0x114: {  	v3 =	vld [tilespmem:s15+$0x3CF0]  }
0x115: {  	v4 =	vld [tilespmem:s15+$0x2800]  }
0x116: {  	v5 =	vld [tilespmem:s15+$0x3C00]  }
0x117: {  	v6 =	vld [tilespmem:s15+$0x2810]  }
0x118: {  	v7 =	vld [tilespmem:s15+$0x3C10]  }
0x119: {  	v8 =	vld [tilespmem:s15+$0x2820]  }
0x11a: {  	v2 =	vadd.f32 v3, v2;
	v3 =	vld [tilespmem:s15+$0x3C20]  }
0x11b: {  	v9 =	vld [tilespmem:s15+$0x2830]  }
0x11c: {  	v4 =	vadd.f32 v5, v4;
	v5 =	vld [tilespmem:s15+$0x3C30]  }
0x11d: {  	v6 =	vadd.f32 v7, v6;
	v7 =	vld [tilespmem:s15+$0x2850];
	v2 =	vmax.f32 v2, $0.0e+00  }
0x11e: {  	[tilespmem:s15+$0x64F0] =	vst v2;
	v2 =	vmax.f32 v4, $0.0e+00;
	v4 =	vld [tilespmem:s15+$0x2840]  }
0x11f: {  	v6 =	vmax.f32 v6, $0.0e+00;
	[tilespmem:s15+$0x6400] =	vst v2;
	v2 =	vld [tilespmem:s15+$0x3C40];
	v3 =	vadd.f32 v3, v8  }
0x120: {  	[tilespmem:s15+$0x6410] =	vst v6;
	v6 =	vld [tilespmem:s15+$0x3C50]  }
0x121: {  	v8 =	vld [tilespmem:s15+$0x2860];
	v3 =	vmax.f32 v3, $0.0e+00  }
0x122: {  	v5 =	vadd.f32 v5, v9;
	[tilespmem:s15+$0x6420] =	vst v3;
	v3 =	vld [tilespmem:s15+$0x3C60]  }
0x123: {  	v9 =	vld [tilespmem:s15+$0x2870]  }
0x124: {  	v5 =	vmax.f32 v5, $0.0e+00;
	v2 =	vadd.f32 v2, v4;
	v4 =	vld [tilespmem:s15+$0x3C70]  }
0x125: {  	[tilespmem:s15+$0x6430] =	vst v5;
	v5 =	vld [tilespmem:s15+$0x2880];
	v6 =	vadd.f32 v6, v7  }
0x126: {  	v7 =	vld [tilespmem:s15+$0x2890];
	v2 =	vmax.f32 v2, $0.0e+00  }
0x127: {  	v6 =	vmax.f32 v6, $0.0e+00;
	[tilespmem:s15+$0x6440] =	vst v2;
	v2 =	vld [tilespmem:s15+$0x3C80];
	v3 =	vadd.f32 v3, v8  }
0x128: {  	[tilespmem:s15+$0x6450] =	vst v6;
	v6 =	vld [tilespmem:s15+$0x3C90]  }
0x129: {  	v8 =	vld [tilespmem:s15+$0x28A0];
	v4 =	vadd.f32 v4, v9;
	v3 =	vmax.f32 v3, $0.0e+00  }
0x12a: {  	[tilespmem:s15+$0x6460] =	vst v3;
	v3 =	vld [tilespmem:s15+$0x3CA0]  }
0x12b: {  	v9 =	vld [tilespmem:s15+$0x28B0];
	v4 =	vmax.f32 v4, $0.0e+00  }
0x12c: {  	v2 =	vadd.f32 v2, v5;
	[tilespmem:s15+$0x6470] =	vst v4;
	v4 =	vld [tilespmem:s15+$0x3CB0]  }
0x12d: {  	v10 =	vld [tilespmem:s15+$0x28C0];
	v5 =	vadd.f32 v6, v7  }
0x12e: {  	v7 =	vld [tilespmem:s15+$0x3CC0];
	v2 =	vmax.f32 v2, $0.0e+00  }
0x12f: {  	v5 =	vmax.f32 v5, $0.0e+00;
	[tilespmem:s15+$0x6480] =	vst v2;
	v2 =	vld [tilespmem:s15+$0x28D0];
	v3 =	vadd.f32 v3, v8  }
0x130: {  	[tilespmem:s15+$0x6490] =	vst v5;
	v5 =	vld [tilespmem:s15+$0x3CD0]  }
0x131: {  	v8 =	vadd.f32 v4, v9;
	v6 =	vmax.f32 v3, $0.0e+00;
	v3 =	vld [tilespmem:s15+$0x28E0]  }
0x132: {  	s12 =	simm.s32 $0x1F0;
	[tilespmem:s15+$0x64A0] =	vst v6;
	v6 =	vld [tilespmem:s15+$0x3CE0]  }
0x133: {  	s14 =	simm.s32 $0xBC0;
	v7 =	vadd.f32 v7, v10;
	v8 =	vmax.f32 v8, $0.0e+00;
	v4 =	vld [tilespmem:s12+$0x28F0]  }
.LBB2_8:
0x134: {  	p0 =	sne.s32 s14, $0x4FC0;
	v9 =	vld [tilespmem:s12+$0x3CF0];
	[tilespmem:s15+$0x64B0] =	vst v8  }
0x135: {  	v8 =	vld [tilespmem:s12+$0x2800];
	v7 =	vmax.f32 v7, $0.0e+00;
	v2 =	vadd.f32 v5, v2  }
0x136: {  	v5 =	vld [tilespmem:s12+$0x3C00];
	[tilespmem:s15+$0x64C0] =	vst v7  }
0x137: {  	v7 =	vld [tilespmem:s12+$0x2810];
	v2 =	vmax.f32 v2, $0.0e+00;
	v3 =	vadd.f32 v6, v3  }
0x138: {  	v6 =	vld [tilespmem:s12+$0x3C10];
	[tilespmem:s15+$0x64D0] =	vst v2  }
0x139: {  	v2 =	vld [tilespmem:s12+$0x2820];
	v4 =	vadd.f32 v9, v4;
	v3 =	vmax.f32 v3, $0.0e+00  }
0x13a: {  	v9 =	vld [tilespmem:s12+$0x3C20];
	[tilespmem:s15+$0x64E0] =	vst v3;
	s15 =	smov.u32 s12  }
0x13b: {  	v3 =	vadd.f32 v5, v8;
	v5 =	vld [tilespmem:s15+$0x2830];
	v4 =	vmax.f32 v4, $0.0e+00  }
0x13c: {  	v8 =	vld [tilespmem:s15+$0x3C30];
	[tilespmem:s15+$0x64F0] =	vst v4  }
0x13d: {  	v3 =	vmax.f32 v3, $0.0e+00;
	v4 =	vadd.f32 v6, v7;
	v6 =	vld [tilespmem:s15+$0x2840]  }
0x13e: {  	[tilespmem:s15+$0x6400] =	vst v3;
	v3 =	vld [tilespmem:s15+$0x3C40]  }
0x13f: {  	v4 =	vmax.f32 v4, $0.0e+00;
	v2 =	vadd.f32 v9, v2;
	v7 =	vld [tilespmem:s15+$0x2850]  }
0x140: {  	[tilespmem:s15+$0x6410] =	vst v4;
	v4 =	vld [tilespmem:s15+$0x3C50]  }
0x141: {  	v2 =	vmax.f32 v2, $0.0e+00;
	v5 =	vadd.f32 v8, v5;
	v8 =	vld [tilespmem:s15+$0x2860]  }
0x142: {  	[tilespmem:s15+$0x6420] =	vst v2;
	v2 =	vld [tilespmem:s15+$0x3C60]  }
0x143: {  	v5 =	vmax.f32 v5, $0.0e+00;
	v3 =	vadd.f32 v3, v6;
	v6 =	vld [tilespmem:s15+$0x2870]  }
0x144: {  	[tilespmem:s15+$0x6430] =	vst v5;
	v5 =	vld [tilespmem:s15+$0x3C70]  }
0x145: {  	v3 =	vmax.f32 v3, $0.0e+00;
	v4 =	vadd.f32 v4, v7;
	v7 =	vld [tilespmem:s15+$0x2880]  }
0x146: {  	[tilespmem:s15+$0x6440] =	vst v3;
	v3 =	vld [tilespmem:s15+$0x3C80]  }
0x147: {  	v4 =	vmax.f32 v4, $0.0e+00;
	v2 =	vadd.f32 v2, v8;
	v8 =	vld [tilespmem:s15+$0x2890]  }
0x148: {  	[tilespmem:s15+$0x6450] =	vst v4;
	v4 =	vld [tilespmem:s15+$0x3C90]  }
0x149: {  	v2 =	vmax.f32 v2, $0.0e+00;
	v5 =	vadd.f32 v5, v6;
	v6 =	vld [tilespmem:s15+$0x28A0]  }
0x14a: {  	[tilespmem:s15+$0x6460] =	vst v2;
	v2 =	vld [tilespmem:s15+$0x3CA0]  }
0x14b: {  	v5 =	vmax.f32 v5, $0.0e+00;
	v3 =	vadd.f32 v3, v7;
	v7 =	vld [tilespmem:s15+$0x28B0]  }
0x14c: {  	[tilespmem:s15+$0x6470] =	vst v5;
	v9 =	vld [tilespmem:s15+$0x3CB0]  }
0x14d: {  	v3 =	vmax.f32 v3, $0.0e+00;
	v4 =	vadd.f32 v4, v8;
	v10 =	vld [tilespmem:s15+$0x28C0]  }
0x14e: {  	[tilespmem:s15+$0x6480] =	vst v3;
	v11 =	vld [tilespmem:s15+$0x3CC0]  }
.Ltmp3:
0x14f: {  	v3 =	vmax.f32 v4, $0.0e+00;
	v4 =	vadd.f32 v2, v6;
	v2 =	vld [tilespmem:s15+$0x28D0];
	(pc) =	sbr.rel @p0 .LBB2_8-.Ltmp3, $4  }
0x150: {  	[tilespmem:s15+$0x6490] =	vst v3;
	v5 =	vld [tilespmem:s15+$0x3CD0]  }
0x151: {  	v4 =	vmax.f32 v4, $0.0e+00;
	v7 =	vadd.f32 v9, v7;
	v3 =	vld [tilespmem:s15+$0x28E0]  }
0x152: {  	s12 =	sshra.s32 s14, $0x2;
	[tilespmem:s15+$0x64A0] =	vst v4;
	v6 =	vld [tilespmem:s15+$0x3CE0]  }
0x153: {  	s14 =	sadd.s32 $0x400, s14;
	v4 =	vld [tilespmem:s12+$0x28F0];
	v8 =	vmax.f32 v7, $0.0e+00;
	v7 =	vadd.f32 v11, v10  }
0x154: {  	v9 =	vld [tilespmem:s12+$0x3CF0];
	[tilespmem:s15+$0x64B0] =	vst v8  }
0x155: {  	v8 =	vld [tilespmem:s12+$0x2800];
	v7 =	vmax.f32 v7, $0.0e+00;
	v2 =	vadd.f32 v5, v2  }
0x156: {  	v10 =	vld [tilespmem:s12+$0x3C00];
	[tilespmem:s15+$0x64C0] =	vst v7  }
0x157: {  	v43 =	vld [tilespmem:s12+$0x2810];
	v2 =	vmax.f32 v2, $0.0e+00;
	v3 =	vadd.f32 v6, v3  }
0x158: {  	v7 =	vld [tilespmem:s12+$0x3C10];
	[tilespmem:s15+$0x64D0] =	vst v2  }
0x159: {  	v2 =	vld [tilespmem:s12+$0x2820];
	v3 =	vmax.f32 v3, $0.0e+00  }
0x15a: {  	v44 =	vld [tilespmem:s12+$0x3C20];
	[tilespmem:s15+$0x64E0] =	vst v3  }
0x15b: {  	v3 =	vld [tilespmem:s12+$0x2830]  }
0x15c: {  	v45 =	vld [tilespmem:s12+$0x3C30]  }
0x15d: {  	v47 =	vld [tilespmem:s12+$0x2840]  }
0x15e: {  	v48 =	vld [tilespmem:s12+$0x3C40]  }
0x15f: {  	v49 =	vld [tilespmem:s12+$0x2850];
	v2 =	vadd.f32 v44, v2  }
0x160: {  	v50 =	vld [tilespmem:s12+$0x3C50]  }
0x161: {  	v51 =	vld [tilespmem:s12+$0x2860];
	v2 =	vmax.f32 v2, $0.0e+00  }
0x162: {  	[tilespmem:s12+$0x6420] =	vst v2;
	v2 =	vld [tilespmem:s12+$0x3C60]  }
0x163: {  	v52 =	vld [tilespmem:s12+$0x2870]  }
0x164: {  	v53 =	vld [tilespmem:s12+$0x2880];
	v3 =	vadd.f32 v45, v3  }
0x165: {  	v54 =	vld [tilespmem:s12+$0x3C80]  }
0x166: {  	v55 =	vld [tilespmem:s12+$0x2890];
	v3 =	vmax.f32 v3, $0.0e+00  }
0x167: {  	[tilespmem:s12+$0x6430] =	vst v3;
	v3 =	vld [tilespmem:s12+$0x3C70];
	v2 =	vadd.f32 v2, v51  }
0x168: {  	v56 =	vld [tilespmem:s12+$0x3C90]  }
0x169: {  	v57 =	vld [tilespmem:s12+$0x28A0];
	v2 =	vmax.f32 v2, $0.0e+00  }
0x16a: {  	[tilespmem:s12+$0x6460] =	vst v2;
	v2 =	vld [tilespmem:s12+$0x3CA0]  }
0x16b: {  	v4 =	vadd.f32 v9, v4;
	v58 =	vld [tilespmem:s12+$0x28B0]  }
0x16c: {  	v59 =	vld [tilespmem:s12+$0x28C0];
	v3 =	vadd.f32 v3, v52  }
0x16d: {  	v4 =	vmax.f32 v4, $0.0e+00;
	v60 =	vld [tilespmem:s12+$0x3CC0];
	v5 =	vadd.f32 v7, v43  }
0x16e: {  	v61 =	vld [tilespmem:s12+$0x28D0];
	[tilespmem:s12+$0x64F0] =	vst v4;
	v4 =	vadd.f32 v48, v47;
	v3 =	vmax.f32 v3, $0.0e+00  }
0x16f: {  	v5 =	vmax.f32 v5, $0.0e+00;
	[tilespmem:s12+$0x6470] =	vst v3;
	v3 =	vld [tilespmem:s12+$0x3CB0];
	v2 =	vadd.f32 v2, v57  }
0x170: {  	v62 =	vld [tilespmem:s12+$0x3CD0];
	[tilespmem:s12+$0x6410] =	vst v5;
	v5 =	vadd.f32 v50, v49;
	v4 =	vmax.f32 v4, $0.0e+00  }
0x171: {  	v8 =	vadd.f32 v10, v8;
	v63 =	vld [tilespmem:s12+$0x28E0];
	[tilespmem:s12+$0x6440] =	vst v4;
	v2 =	vmax.f32 v2, $0.0e+00  }
0x172: {  	v5 =	vmax.f32 v5, $0.0e+00;
	v4 =	vadd.f32 v54, v53;
	[tilespmem:s12+$0x64A0] =	vst v2;
	v2 =	vld [tilespmem:s12+$0x3CE0]  }
0x173: {  	v46 =	vmax.f32 v8, $0.0e+00;
	[tilespmem:s12+$0x6450] =	vst v5;
	v5 =	vadd.f32 v56, v55  }
0x174: {  	[tilespmem:s12+$0x6400] =	vst v46;
	v4 =	vmax.f32 v4, $0.0e+00;
	v3 =	vadd.f32 v3, v58  }
0x175: {  	v5 =	vmax.f32 v5, $0.0e+00;
	[tilespmem:s12+$0x6480] =	vst v4;
	v4 =	vadd.f32 v60, v59  }
0x176: {  	[tilespmem:s12+$0x6490] =	vst v5;
	v5 =	vadd.f32 v62, v61;
	v3 =	vmax.f32 v3, $0.0e+00  }
0x177: {  	[tilespmem:s12+$0x64B0] =	vst v3;
	v3 =	vmax.f32 v4, $0.0e+00;
	v2 =	vadd.f32 v2, v63  }
0x178: {  	[tilespmem:s12+$0x64C0] =	vst v3;
	v3 =	vmax.f32 v5, $0.0e+00  }
0x179: {  	[tilespmem:s12+$0x64D0] =	vst v3;
	v2 =	vmax.f32 v2, $0.0e+00  }
0x17a: {  	[tilespmem:s12+$0x64E0] =	vst v2  }
0x17b: {  	_ =	swait.ge [sflag:s17], $0x28  }
0x17c: {  	[sflag:s17] =	ssyncset.done $0x0  }
0x17d: {  	[sflag:s17] =	ssyncadd.s32 $0xFFFFFFD8  }
0x17e: {  	_ =	swait.ge [sflag:s17], $0x28  }
0x17f: {  	[sflag:s17] =	ssyncset.done $0x0  }
0x180: {  	s15 =	simm.s32 $0x28F0;
	[sflag:s17] =	ssyncadd.s32 $0xFFFFFFD8  }
0x181: {  	[tilespmem:s15], [sflag:$0x2] =	stream.indirect.gather [hbm4b:s0+s1], $0x80, s2, s1, $0xb8;
	[tilespmem:$0x1E370] =	vst v63  }
0x182: {  	s19 =	simm.s32 $0x3CF0  }
0x183: {  	[tilespmem:s19], [sflag:$0x2] =	stream.indirect.gather [hbm4b:s6+s1], $0x80, s10, s1, $0xb8;
	[tilespmem:$0x1E370] =	vst v63  }
0x184: {  	_ =	swait.ge [sflag:s24], $0x28  }
0x185: {  	[sflag:s24] =	ssyncset.done $0x0  }
0x186: {  	s21 =	simm.s32 $0x64F0;
	[sflag:s24] =	ssyncadd.s32 $0xFFFFFFD8  }
0x187: {  	[spmem:s3] =	stream.indirect.scatter.add.f32 [tilespmem:s21], [sflag:$0x4], $0x80, s26, s1, $0xb8;
	[tilespmem:$0x1E370] =	vst v63  }
0x188: {  	s21 =	simm.s32 $0x0  }
0x189: {  	[spmem:s4] =	stream.indirect.scatter.add.f32 [tilespmem:s31], [sflag:$0x4], $0x10, s26, s1, $0xb8;
	[tilespmem:$0x1E370] =	vst v63  }
.LBB2_10:
0x18a: {  	_ =	swait.ge [sflag:s16], $0x1400  }
0x18b: {  	[sflag:s16] =	ssyncset.done $0x0  }
0x18c: {  	[sflag:s16] =	ssyncadd.s32 $0xFFFFEC00  }
0x18d: {  	s15 =	smul.u32 $0x50, s21;
	_ =	swait.ge [sflag:s16], $0x280  }
0x18e: {  	s12 =	rddreg [dreg:$0x9]  }
0x18f: {  	s12 =	sadd.s32 s15, s12  }
0x190: {  	[sflag:s16] =	ssyncset.done $0x0;
	s12 =	sshrl.u32 s12, $0x3  }
0x191: {  	[sflag:s16] =	ssyncadd.s32 $0xFFFFFD80;
	s12 =	sadd.s32 s8, s12  }
0x192: {  	[tilespmem:s22], [sflag:$0x7] =	stream.linear.gather [hbm4b:s12+s5], $0x28, $0x38;
	[tilespmem:$0x1E370] =	vst v63  }
0x193: {  	_ =	swait.ge [sflag:s28], $0x1400  }
0x194: {  	[sflag:s28] =	ssyncset.done $0x0  }
0x195: {  	[sflag:s28] =	ssyncadd.s32 $0xFFFFEC00  }
0x196: {  	_ =	swait.ge [sflag:s28], $0x1400  }
0x197: {  	s19 =	rddreg [dreg:$0xe]  }
0x198: {  	s12 =	sadd.s32 s15, s19  }
0x199: {  	[sflag:s28] =	ssyncset.done $0x0;
	s12 =	sshrl.u32 s12, $0x3  }
0x19a: {  	[sflag:s28] =	ssyncadd.s32 $0xFFFFEC00;
	s14 =	sadd.s32 s8, s12  }
0x19b: {  	[tilespmem:s5], [sflag:$0x5] =	stream.linear.gather [hbm4b:s14+s5], $0x28, $0x38;
	[tilespmem:$0x1E370] =	vst v63  }
0x19c: {  	s12 =	sadd.s32 s7, s12  }
0x19d: {  	[tilespmem:s1], [sflag:$0x5] =	stream.linear.gather [hbm4b:s12+s5], $0x28, $0x38;
	[tilespmem:$0x1E370] =	vst v63  }
0x19e: {  	s12 =	simm.s32 $0xF0  }
0x19f: {  	v2 =	vld [tilespmem:s12+$0xF0]  }
0x1a0: {  	v3 =	vld [tilespmem:s12+$0x14F0]  }
0x1a1: {  	v4 =	vld [tilespmem:s12+$0x0]  }
0x1a2: {  	v5 =	vld [tilespmem:s12+$0x1400]  }
0x1a3: {  	v6 =	vld [tilespmem:s12+$0x10]  }
0x1a4: {  	v7 =	vld [tilespmem:s12+$0x1410]  }
0x1a5: {  	v8 =	vld [tilespmem:s12+$0x20]  }
0x1a6: {  	v2 =	vadd.f32 v3, v2;
	v3 =	vld [tilespmem:s12+$0x1420]  }
0x1a7: {  	v9 =	vld [tilespmem:s12+$0x30]  }
0x1a8: {  	v4 =	vadd.f32 v5, v4;
	v5 =	vld [tilespmem:s12+$0x1430]  }
0x1a9: {  	v6 =	vadd.f32 v7, v6;
	v7 =	vld [tilespmem:s12+$0x50];
	v2 =	vmax.f32 v2, $0.0e+00  }
0x1aa: {  	[tilespmem:s12+$0x50F0] =	vst v2;
	v2 =	vmax.f32 v4, $0.0e+00;
	v4 =	vld [tilespmem:s12+$0x40]  }
0x1ab: {  	v6 =	vmax.f32 v6, $0.0e+00;
	[tilespmem:s12+$0x5000] =	vst v2;
	v2 =	vld [tilespmem:s12+$0x1440];
	v3 =	vadd.f32 v3, v8  }
0x1ac: {  	[tilespmem:s12+$0x5010] =	vst v6;
	v6 =	vld [tilespmem:s12+$0x1450]  }
0x1ad: {  	v8 =	vld [tilespmem:s12+$0x60];
	v3 =	vmax.f32 v3, $0.0e+00  }
0x1ae: {  	v5 =	vadd.f32 v5, v9;
	[tilespmem:s12+$0x5020] =	vst v3;
	v3 =	vld [tilespmem:s12+$0x1460]  }
0x1af: {  	v9 =	vld [tilespmem:s12+$0x70]  }
0x1b0: {  	v5 =	vmax.f32 v5, $0.0e+00;
	v2 =	vadd.f32 v2, v4;
	v4 =	vld [tilespmem:s12+$0x1470]  }
0x1b1: {  	[tilespmem:s12+$0x5030] =	vst v5;
	v5 =	vld [tilespmem:s12+$0x80];
	v6 =	vadd.f32 v6, v7  }
0x1b2: {  	v7 =	vld [tilespmem:s12+$0x90];
	v2 =	vmax.f32 v2, $0.0e+00  }
0x1b3: {  	v6 =	vmax.f32 v6, $0.0e+00;
	[tilespmem:s12+$0x5040] =	vst v2;
	v2 =	vld [tilespmem:s12+$0x1480];
	v3 =	vadd.f32 v3, v8  }
0x1b4: {  	[tilespmem:s12+$0x5050] =	vst v6;
	v6 =	vld [tilespmem:s12+$0x1490]  }
0x1b5: {  	v8 =	vld [tilespmem:s12+$0xA0];
	v4 =	vadd.f32 v4, v9;
	v3 =	vmax.f32 v3, $0.0e+00  }
0x1b6: {  	[tilespmem:s12+$0x5060] =	vst v3;
	v3 =	vld [tilespmem:s12+$0x14A0]  }
0x1b7: {  	v9 =	vld [tilespmem:s12+$0xB0];
	v4 =	vmax.f32 v4, $0.0e+00  }
0x1b8: {  	v2 =	vadd.f32 v2, v5;
	[tilespmem:s12+$0x5070] =	vst v4;
	v4 =	vld [tilespmem:s12+$0x14B0]  }
0x1b9: {  	v10 =	vld [tilespmem:s12+$0xC0];
	v5 =	vadd.f32 v6, v7  }
0x1ba: {  	v7 =	vld [tilespmem:s12+$0x14C0];
	v2 =	vmax.f32 v2, $0.0e+00  }
0x1bb: {  	v5 =	vmax.f32 v5, $0.0e+00;
	[tilespmem:s12+$0x5080] =	vst v2;
	v2 =	vld [tilespmem:s12+$0xD0];
	v3 =	vadd.f32 v3, v8  }
0x1bc: {  	[tilespmem:s12+$0x5090] =	vst v5;
	v5 =	vld [tilespmem:s12+$0x14D0]  }
0x1bd: {  	v8 =	vadd.f32 v4, v9;
	v6 =	vmax.f32 v3, $0.0e+00;
	v3 =	vld [tilespmem:s12+$0xE0]  }
0x1be: {  	s14 =	simm.s32 $0x1F0;
	[tilespmem:s12+$0x50A0] =	vst v6;
	v6 =	vld [tilespmem:s12+$0x14E0]  }
0x1bf: {  	s19 =	simm.s32 $0xBC0;
	v7 =	vadd.f32 v7, v10;
	v8 =	vmax.f32 v8, $0.0e+00;
	v4 =	vld [tilespmem:s14+$0xF0]  }
.LBB2_11:
0x1c0: {  	p0 =	sne.s32 s19, $0x4FC0;
	v9 =	vld [tilespmem:s14+$0x14F0];
	[tilespmem:s12+$0x50B0] =	vst v8  }
0x1c1: {  	v8 =	vld [tilespmem:s14+$0x0];
	v7 =	vmax.f32 v7, $0.0e+00;
	v2 =	vadd.f32 v5, v2  }
0x1c2: {  	v5 =	vld [tilespmem:s14+$0x1400];
	[tilespmem:s12+$0x50C0] =	vst v7  }
0x1c3: {  	v7 =	vld [tilespmem:s14+$0x10];
	v2 =	vmax.f32 v2, $0.0e+00;
	v3 =	vadd.f32 v6, v3  }
0x1c4: {  	v6 =	vld [tilespmem:s14+$0x1410];
	[tilespmem:s12+$0x50D0] =	vst v2  }
0x1c5: {  	v2 =	vld [tilespmem:s14+$0x20];
	v4 =	vadd.f32 v9, v4;
	v3 =	vmax.f32 v3, $0.0e+00  }
0x1c6: {  	v9 =	vld [tilespmem:s14+$0x1420];
	[tilespmem:s12+$0x50E0] =	vst v3;
	s12 =	smov.u32 s14  }
0x1c7: {  	v3 =	vadd.f32 v5, v8;
	v5 =	vld [tilespmem:s12+$0x30];
	v4 =	vmax.f32 v4, $0.0e+00  }
0x1c8: {  	v8 =	vld [tilespmem:s12+$0x1430];
	[tilespmem:s12+$0x50F0] =	vst v4  }
0x1c9: {  	v3 =	vmax.f32 v3, $0.0e+00;
	v4 =	vadd.f32 v6, v7;
	v6 =	vld [tilespmem:s12+$0x40]  }
0x1ca: {  	[tilespmem:s12+$0x5000] =	vst v3;
	v3 =	vld [tilespmem:s12+$0x1440]  }
0x1cb: {  	v4 =	vmax.f32 v4, $0.0e+00;
	v2 =	vadd.f32 v9, v2;
	v7 =	vld [tilespmem:s12+$0x50]  }
0x1cc: {  	[tilespmem:s12+$0x5010] =	vst v4;
	v4 =	vld [tilespmem:s12+$0x1450]  }
0x1cd: {  	v2 =	vmax.f32 v2, $0.0e+00;
	v5 =	vadd.f32 v8, v5;
	v8 =	vld [tilespmem:s12+$0x60]  }
0x1ce: {  	[tilespmem:s12+$0x5020] =	vst v2;
	v2 =	vld [tilespmem:s12+$0x1460]  }
0x1cf: {  	v5 =	vmax.f32 v5, $0.0e+00;
	v3 =	vadd.f32 v3, v6;
	v6 =	vld [tilespmem:s12+$0x70]  }
0x1d0: {  	[tilespmem:s12+$0x5030] =	vst v5;
	v5 =	vld [tilespmem:s12+$0x1470]  }
0x1d1: {  	v3 =	vmax.f32 v3, $0.0e+00;
	v4 =	vadd.f32 v4, v7;
	v7 =	vld [tilespmem:s12+$0x80]  }
0x1d2: {  	[tilespmem:s12+$0x5040] =	vst v3;
	v3 =	vld [tilespmem:s12+$0x1480]  }
0x1d3: {  	v4 =	vmax.f32 v4, $0.0e+00;
	v2 =	vadd.f32 v2, v8;
	v8 =	vld [tilespmem:s12+$0x90]  }
0x1d4: {  	[tilespmem:s12+$0x5050] =	vst v4;
	v4 =	vld [tilespmem:s12+$0x1490]  }
0x1d5: {  	v2 =	vmax.f32 v2, $0.0e+00;
	v5 =	vadd.f32 v5, v6;
	v6 =	vld [tilespmem:s12+$0xA0]  }
0x1d6: {  	[tilespmem:s12+$0x5060] =	vst v2;
	v2 =	vld [tilespmem:s12+$0x14A0]  }
0x1d7: {  	v5 =	vmax.f32 v5, $0.0e+00;
	v3 =	vadd.f32 v3, v7;
	v7 =	vld [tilespmem:s12+$0xB0]  }
0x1d8: {  	[tilespmem:s12+$0x5070] =	vst v5;
	v9 =	vld [tilespmem:s12+$0x14B0]  }
0x1d9: {  	v3 =	vmax.f32 v3, $0.0e+00;
	v4 =	vadd.f32 v4, v8;
	v10 =	vld [tilespmem:s12+$0xC0]  }
0x1da: {  	[tilespmem:s12+$0x5080] =	vst v3;
	v11 =	vld [tilespmem:s12+$0x14C0]  }
.Ltmp4:
0x1db: {  	v3 =	vmax.f32 v4, $0.0e+00;
	v4 =	vadd.f32 v2, v6;
	v2 =	vld [tilespmem:s12+$0xD0];
	(pc) =	sbr.rel @p0 .LBB2_11-.Ltmp4, $4  }
0x1dc: {  	[tilespmem:s12+$0x5090] =	vst v3;
	v5 =	vld [tilespmem:s12+$0x14D0]  }
0x1dd: {  	v4 =	vmax.f32 v4, $0.0e+00;
	v7 =	vadd.f32 v9, v7;
	v3 =	vld [tilespmem:s12+$0xE0]  }
0x1de: {  	s14 =	sshra.s32 s19, $0x2;
	[tilespmem:s12+$0x50A0] =	vst v4;
	v6 =	vld [tilespmem:s12+$0x14E0]  }
0x1df: {  	s19 =	sadd.s32 $0x400, s19;
	v4 =	vld [tilespmem:s14+$0xF0];
	v8 =	vmax.f32 v7, $0.0e+00;
	v7 =	vadd.f32 v11, v10  }
0x1e0: {  	v9 =	vld [tilespmem:s14+$0x14F0];
	[tilespmem:s12+$0x50B0] =	vst v8  }
0x1e1: {  	v8 =	vld [tilespmem:s14+$0x0];
	v7 =	vmax.f32 v7, $0.0e+00;
	v2 =	vadd.f32 v5, v2  }
0x1e2: {  	v10 =	vld [tilespmem:s14+$0x1400];
	[tilespmem:s12+$0x50C0] =	vst v7  }
0x1e3: {  	v5 =	vld [tilespmem:s14+$0x10];
	v2 =	vmax.f32 v2, $0.0e+00;
	v3 =	vadd.f32 v6, v3  }
0x1e4: {  	v7 =	vld [tilespmem:s14+$0x1410];
	[tilespmem:s12+$0x50D0] =	vst v2  }
0x1e5: {  	v2 =	vld [tilespmem:s14+$0x20];
	v3 =	vmax.f32 v3, $0.0e+00  }
0x1e6: {  	v6 =	vld [tilespmem:s14+$0x1420];
	v4 =	vadd.f32 v9, v4;
	[tilespmem:s12+$0x50E0] =	vst v3  }
0x1e7: {  	v8 =	vadd.f32 v10, v8;
	v3 =	vld [tilespmem:s14+$0x30]  }
0x1e8: {  	v4 =	vmax.f32 v4, $0.0e+00;
	v9 =	vld [tilespmem:s14+$0x1430]  }
0x1e9: {  	[tilespmem:s14+$0x50F0] =	vst v4;
	v4 =	vmax.f32 v8, $0.0e+00;
	v8 =	vld [tilespmem:s14+$0x40]  }
0x1ea: {  	v5 =	vadd.f32 v7, v5;
	v7 =	vld [tilespmem:s14+$0x50]  }
0x1eb: {  	[tilespmem:s14+$0x5000] =	vst v4;
	v4 =	vld [tilespmem:s14+$0x1440];
	v2 =	vadd.f32 v6, v2  }
0x1ec: {  	v5 =	vmax.f32 v5, $0.0e+00;
	v6 =	vld [tilespmem:s14+$0x60]  }
0x1ed: {  	[tilespmem:s14+$0x5010] =	vst v5;
	v5 =	vld [tilespmem:s14+$0x1450];
	v2 =	vmax.f32 v2, $0.0e+00  }
0x1ee: {  	v3 =	vadd.f32 v9, v3;
	[tilespmem:s14+$0x5020] =	vst v2;
	v2 =	vld [tilespmem:s14+$0x1460]  }
0x1ef: {  	v9 =	vld [tilespmem:s14+$0x70]  }
0x1f0: {  	v3 =	vmax.f32 v3, $0.0e+00;
	v4 =	vadd.f32 v4, v8;
	v8 =	vld [tilespmem:s14+$0x80]  }
0x1f1: {  	[tilespmem:s14+$0x5030] =	vst v3;
	v3 =	vld [tilespmem:s14+$0x1470]  }
0x1f2: {  	v4 =	vmax.f32 v4, $0.0e+00;
	v5 =	vadd.f32 v5, v7;
	v7 =	vld [tilespmem:s14+$0x90]  }
0x1f3: {  	[tilespmem:s14+$0x5040] =	vst v4;
	v4 =	vld [tilespmem:s14+$0x1480];
	v2 =	vadd.f32 v2, v6  }
0x1f4: {  	v5 =	vmax.f32 v5, $0.0e+00;
	v6 =	vld [tilespmem:s14+$0xA0]  }
0x1f5: {  	[tilespmem:s14+$0x5050] =	vst v5;
	v5 =	vld [tilespmem:s14+$0x1490];
	v2 =	vmax.f32 v2, $0.0e+00  }
0x1f6: {  	v3 =	vadd.f32 v3, v9;
	[tilespmem:s14+$0x5060] =	vst v2;
	v2 =	vld [tilespmem:s14+$0x14A0]  }
0x1f7: {  	v9 =	vld [tilespmem:s14+$0xB0]  }
0x1f8: {  	v3 =	vmax.f32 v3, $0.0e+00;
	v4 =	vadd.f32 v4, v8;
	v8 =	vld [tilespmem:s14+$0xC0]  }
0x1f9: {  	[tilespmem:s14+$0x5070] =	vst v3;
	v3 =	vld [tilespmem:s14+$0x14B0]  }
0x1fa: {  	v4 =	vmax.f32 v4, $0.0e+00;
	v5 =	vadd.f32 v5, v7;
	v7 =	vld [tilespmem:s14+$0xD0]  }
0x1fb: {  	[tilespmem:s14+$0x5080] =	vst v4;
	v4 =	vld [tilespmem:s14+$0x14C0];
	v2 =	vadd.f32 v2, v6  }
0x1fc: {  	v5 =	vmax.f32 v5, $0.0e+00;
	v6 =	vld [tilespmem:s14+$0xE0]  }
0x1fd: {  	[tilespmem:s14+$0x5090] =	vst v5;
	v5 =	vld [tilespmem:s14+$0x14D0];
	v2 =	vmax.f32 v2, $0.0e+00  }
0x1fe: {  	[tilespmem:s14+$0x50A0] =	vst v2;
	v2 =	vld [tilespmem:s14+$0x14E0];
	_ =	sdelay $0x1  }
0x1ff: {  	v3 =	vadd.f32 v3, v9  }
0x200: {  	v4 =	vadd.f32 v4, v8  }
0x201: {  	v3 =	vmax.f32 v3, $0.0e+00;
	v5 =	vadd.f32 v5, v7  }
0x202: {  	[tilespmem:s14+$0x50B0] =	vst v3;
	v3 =	vmax.f32 v4, $0.0e+00;
	v2 =	vadd.f32 v2, v6  }
0x203: {  	[tilespmem:s14+$0x50C0] =	vst v3;
	v3 =	vmax.f32 v5, $0.0e+00  }
0x204: {  	[tilespmem:s14+$0x50D0] =	vst v3;
	v2 =	vmax.f32 v2, $0.0e+00  }
0x205: {  	[tilespmem:s14+$0x50E0] =	vst v2  }
0x206: {  	_ =	swait.ge [sflag:s13], $0x28  }
0x207: {  	[sflag:s13] =	ssyncset.done $0x0  }
0x208: {  	[sflag:s13] =	ssyncadd.s32 $0xFFFFFFD8  }
0x209: {  	_ =	swait.ge [sflag:s13], $0x28  }
0x20a: {  	[sflag:s13] =	ssyncset.done $0x0  }
0x20b: {  	s19 =	simm.s32 $0xF0;
	[sflag:s13] =	ssyncadd.s32 $0xFFFFFFD8  }
0x20c: {  	[tilespmem:s19], [sflag:$0x1] =	stream.indirect.gather [hbm4b:s0+s1], $0x80, s5, s1, $0xb8;
	[tilespmem:$0x1E370] =	vst v63  }
0x20d: {  	s14 =	simm.s32 $0x14F0  }
0x20e: {  	[tilespmem:s14], [sflag:$0x1] =	stream.indirect.gather [hbm4b:s6+s1], $0x80, s1, s1, $0xb8;
	[tilespmem:$0x1E370] =	vst v63  }
0x20f: {  	_ =	swait.ge [sflag:s11], $0x28  }
0x210: {  	[sflag:s11] =	ssyncset.done $0x0  }
0x211: {  	[sflag:s11] =	ssyncadd.s32 $0xFFFFFFD8  }
0x212: {  	[spmem:s3] =	stream.indirect.scatter.add.f32 [tilespmem:s29], [sflag:$0x3], $0x80, s22, s1, $0xb8;
	[tilespmem:$0x1E370] =	vst v63  }
0x213: {  	_ = 	snop  }
0x214: {  	[spmem:s4] =	stream.indirect.scatter.add.f32 [tilespmem:s31], [sflag:$0x3], $0x10, s22, s1, $0xb8;
	[tilespmem:$0x1E370] =	vst v63  }
0x215: {  	_ =	swait.ge [sflag:s18], $0x1400  }
0x216: {  	[sflag:s18] =	ssyncset.done $0x0  }
0x217: {  	[sflag:s18] =	ssyncadd.s32 $0xFFFFEC00  }
0x218: {  	s19 =	sadd.s32 s15, s20;
	_ =	swait.ge [sflag:s18], $0x280  }
0x219: {  	s12 =	sshrl.u32 s19, $0x3;
	[sflag:s18] =	ssyncset.done $0x0  }
0x21a: {  	s12 =	sadd.s32 s8, s12;
	[sflag:s18] =	ssyncadd.s32 $0xFFFFFD80  }
0x21b: {  	[tilespmem:s26], [sflag:$0x8] =	stream.linear.gather [hbm4b:s12+s5], $0x28, $0x38;
	[tilespmem:$0x1E370] =	vst v63  }
0x21c: {  	_ =	swait.ge [sflag:s9], $0x1400  }
0x21d: {  	[sflag:s9] =	ssyncset.done $0x0  }
0x21e: {  	[sflag:s9] =	ssyncadd.s32 $0xFFFFEC00  }
0x21f: {  	_ =	swait.ge [sflag:s9], $0x1400  }
0x220: {  	s14 =	rddreg [dreg:$0xf]  }
0x221: {  	s12 =	sadd.s32 s15, s14  }
0x222: {  	[sflag:s9] =	ssyncset.done $0x0;
	s12 =	sshrl.u32 s12, $0x3  }
0x223: {  	[sflag:s9] =	ssyncadd.s32 $0xFFFFEC00;
	s19 =	sadd.s32 s8, s12  }
0x224: {  	[tilespmem:s2], [sflag:$0x6] =	stream.linear.gather [hbm4b:s19+s5], $0x28, $0x38;
	[tilespmem:$0x1E370] =	vst v63  }
0x225: {  	s12 =	sadd.s32 s7, s12  }
0x226: {  	[tilespmem:s10], [sflag:$0x6] =	stream.linear.gather [hbm4b:s12+s5], $0x28, $0x38;
	[tilespmem:$0x1E370] =	vst v63  }
0x227: {  	s12 =	simm.s32 $0xF0  }
0x228: {  	v2 =	vld [tilespmem:s12+$0x28F0]  }
0x229: {  	v3 =	vld [tilespmem:s12+$0x3CF0]  }
0x22a: {  	v4 =	vld [tilespmem:s12+$0x2800]  }
0x22b: {  	v5 =	vld [tilespmem:s12+$0x3C00]  }
0x22c: {  	v6 =	vld [tilespmem:s12+$0x2810]  }
0x22d: {  	v7 =	vld [tilespmem:s12+$0x3C10]  }
0x22e: {  	v8 =	vld [tilespmem:s12+$0x2820]  }
0x22f: {  	v2 =	vadd.f32 v3, v2;
	v3 =	vld [tilespmem:s12+$0x3C20]  }
0x230: {  	v9 =	vld [tilespmem:s12+$0x2830]  }
0x231: {  	v4 =	vadd.f32 v5, v4;
	v5 =	vld [tilespmem:s12+$0x3C30]  }
0x232: {  	v6 =	vadd.f32 v7, v6;
	v7 =	vld [tilespmem:s12+$0x2850];
	v2 =	vmax.f32 v2, $0.0e+00  }
0x233: {  	[tilespmem:s12+$0x64F0] =	vst v2;
	v2 =	vmax.f32 v4, $0.0e+00;
	v4 =	vld [tilespmem:s12+$0x2840]  }
0x234: {  	v6 =	vmax.f32 v6, $0.0e+00;
	[tilespmem:s12+$0x6400] =	vst v2;
	v2 =	vld [tilespmem:s12+$0x3C40];
	v3 =	vadd.f32 v3, v8  }
0x235: {  	[tilespmem:s12+$0x6410] =	vst v6;
	v6 =	vld [tilespmem:s12+$0x3C50]  }
0x236: {  	v8 =	vld [tilespmem:s12+$0x2860];
	v3 =	vmax.f32 v3, $0.0e+00  }
0x237: {  	v5 =	vadd.f32 v5, v9;
	[tilespmem:s12+$0x6420] =	vst v3;
	v3 =	vld [tilespmem:s12+$0x3C60]  }
0x238: {  	v9 =	vld [tilespmem:s12+$0x2870]  }
0x239: {  	v5 =	vmax.f32 v5, $0.0e+00;
	v2 =	vadd.f32 v2, v4;
	v4 =	vld [tilespmem:s12+$0x3C70]  }
0x23a: {  	[tilespmem:s12+$0x6430] =	vst v5;
	v5 =	vld [tilespmem:s12+$0x2880];
	v6 =	vadd.f32 v6, v7  }
0x23b: {  	v7 =	vld [tilespmem:s12+$0x2890];
	v2 =	vmax.f32 v2, $0.0e+00  }
0x23c: {  	v6 =	vmax.f32 v6, $0.0e+00;
	[tilespmem:s12+$0x6440] =	vst v2;
	v2 =	vld [tilespmem:s12+$0x3C80];
	v3 =	vadd.f32 v3, v8  }
0x23d: {  	[tilespmem:s12+$0x6450] =	vst v6;
	v6 =	vld [tilespmem:s12+$0x3C90]  }
0x23e: {  	v8 =	vld [tilespmem:s12+$0x28A0];
	v4 =	vadd.f32 v4, v9;
	v3 =	vmax.f32 v3, $0.0e+00  }
0x23f: {  	[tilespmem:s12+$0x6460] =	vst v3;
	v3 =	vld [tilespmem:s12+$0x3CA0]  }
0x240: {  	v9 =	vld [tilespmem:s12+$0x28B0];
	v4 =	vmax.f32 v4, $0.0e+00  }
0x241: {  	v2 =	vadd.f32 v2, v5;
	[tilespmem:s12+$0x6470] =	vst v4;
	v4 =	vld [tilespmem:s12+$0x3CB0]  }
0x242: {  	v10 =	vld [tilespmem:s12+$0x28C0];
	v5 =	vadd.f32 v6, v7  }
0x243: {  	v7 =	vld [tilespmem:s12+$0x3CC0];
	v2 =	vmax.f32 v2, $0.0e+00  }
0x244: {  	v5 =	vmax.f32 v5, $0.0e+00;
	[tilespmem:s12+$0x6480] =	vst v2;
	v2 =	vld [tilespmem:s12+$0x28D0];
	v3 =	vadd.f32 v3, v8  }
0x245: {  	[tilespmem:s12+$0x6490] =	vst v5;
	v5 =	vld [tilespmem:s12+$0x3CD0]  }
0x246: {  	v8 =	vadd.f32 v4, v9;
	v6 =	vmax.f32 v3, $0.0e+00;
	v3 =	vld [tilespmem:s12+$0x28E0]  }
0x247: {  	s14 =	simm.s32 $0x1F0;
	[tilespmem:s12+$0x64A0] =	vst v6;
	v6 =	vld [tilespmem:s12+$0x3CE0]  }
0x248: {  	s15 =	simm.s32 $0xBC0;
	v7 =	vadd.f32 v7, v10;
	v8 =	vmax.f32 v8, $0.0e+00;
	v4 =	vld [tilespmem:s14+$0x28F0]  }
.LBB2_13:
0x249: {  	p0 =	sne.s32 s15, $0x4FC0;
	v9 =	vld [tilespmem:s14+$0x3CF0];
	[tilespmem:s12+$0x64B0] =	vst v8  }
0x24a: {  	v8 =	vld [tilespmem:s14+$0x2800];
	v7 =	vmax.f32 v7, $0.0e+00;
	v2 =	vadd.f32 v5, v2  }
0x24b: {  	v5 =	vld [tilespmem:s14+$0x3C00];
	[tilespmem:s12+$0x64C0] =	vst v7  }
0x24c: {  	v7 =	vld [tilespmem:s14+$0x2810];
	v2 =	vmax.f32 v2, $0.0e+00;
	v3 =	vadd.f32 v6, v3  }
0x24d: {  	v6 =	vld [tilespmem:s14+$0x3C10];
	[tilespmem:s12+$0x64D0] =	vst v2  }
0x24e: {  	v2 =	vld [tilespmem:s14+$0x2820];
	v4 =	vadd.f32 v9, v4;
	v3 =	vmax.f32 v3, $0.0e+00  }
0x24f: {  	v9 =	vld [tilespmem:s14+$0x3C20];
	[tilespmem:s12+$0x64E0] =	vst v3;
	s12 =	smov.u32 s14  }
0x250: {  	v3 =	vadd.f32 v5, v8;
	v5 =	vld [tilespmem:s12+$0x2830];
	v4 =	vmax.f32 v4, $0.0e+00  }
0x251: {  	v8 =	vld [tilespmem:s12+$0x3C30];
	[tilespmem:s12+$0x64F0] =	vst v4  }
0x252: {  	v3 =	vmax.f32 v3, $0.0e+00;
	v4 =	vadd.f32 v6, v7;
	v6 =	vld [tilespmem:s12+$0x2840]  }
0x253: {  	[tilespmem:s12+$0x6400] =	vst v3;
	v3 =	vld [tilespmem:s12+$0x3C40]  }
0x254: {  	v4 =	vmax.f32 v4, $0.0e+00;
	v2 =	vadd.f32 v9, v2;
	v7 =	vld [tilespmem:s12+$0x2850]  }
0x255: {  	[tilespmem:s12+$0x6410] =	vst v4;
	v4 =	vld [tilespmem:s12+$0x3C50]  }
0x256: {  	v2 =	vmax.f32 v2, $0.0e+00;
	v5 =	vadd.f32 v8, v5;
	v8 =	vld [tilespmem:s12+$0x2860]  }
0x257: {  	[tilespmem:s12+$0x6420] =	vst v2;
	v2 =	vld [tilespmem:s12+$0x3C60]  }
0x258: {  	v5 =	vmax.f32 v5, $0.0e+00;
	v3 =	vadd.f32 v3, v6;
	v6 =	vld [tilespmem:s12+$0x2870]  }
0x259: {  	[tilespmem:s12+$0x6430] =	vst v5;
	v5 =	vld [tilespmem:s12+$0x3C70]  }
0x25a: {  	v3 =	vmax.f32 v3, $0.0e+00;
	v4 =	vadd.f32 v4, v7;
	v7 =	vld [tilespmem:s12+$0x2880]  }
0x25b: {  	[tilespmem:s12+$0x6440] =	vst v3;
	v3 =	vld [tilespmem:s12+$0x3C80]  }
0x25c: {  	v4 =	vmax.f32 v4, $0.0e+00;
	v2 =	vadd.f32 v2, v8;
	v8 =	vld [tilespmem:s12+$0x2890]  }
0x25d: {  	[tilespmem:s12+$0x6450] =	vst v4;
	v4 =	vld [tilespmem:s12+$0x3C90]  }
0x25e: {  	v2 =	vmax.f32 v2, $0.0e+00;
	v5 =	vadd.f32 v5, v6;
	v6 =	vld [tilespmem:s12+$0x28A0]  }
0x25f: {  	[tilespmem:s12+$0x6460] =	vst v2;
	v2 =	vld [tilespmem:s12+$0x3CA0]  }
0x260: {  	v5 =	vmax.f32 v5, $0.0e+00;
	v3 =	vadd.f32 v3, v7;
	v7 =	vld [tilespmem:s12+$0x28B0]  }
0x261: {  	[tilespmem:s12+$0x6470] =	vst v5;
	v9 =	vld [tilespmem:s12+$0x3CB0]  }
0x262: {  	v3 =	vmax.f32 v3, $0.0e+00;
	v4 =	vadd.f32 v4, v8;
	v10 =	vld [tilespmem:s12+$0x28C0]  }
0x263: {  	[tilespmem:s12+$0x6480] =	vst v3;
	v11 =	vld [tilespmem:s12+$0x3CC0]  }
.Ltmp5:
0x264: {  	v3 =	vmax.f32 v4, $0.0e+00;
	v4 =	vadd.f32 v2, v6;
	v2 =	vld [tilespmem:s12+$0x28D0];
	(pc) =	sbr.rel @p0 .LBB2_13-.Ltmp5, $4  }
0x265: {  	[tilespmem:s12+$0x6490] =	vst v3;
	v5 =	vld [tilespmem:s12+$0x3CD0]  }
0x266: {  	v4 =	vmax.f32 v4, $0.0e+00;
	v7 =	vadd.f32 v9, v7;
	v3 =	vld [tilespmem:s12+$0x28E0]  }
0x267: {  	s14 =	sshra.s32 s15, $0x2;
	[tilespmem:s12+$0x64A0] =	vst v4;
	v6 =	vld [tilespmem:s12+$0x3CE0]  }
0x268: {  	s15 =	sadd.s32 $0x400, s15;
	v4 =	vld [tilespmem:s14+$0x28F0];
	v8 =	vmax.f32 v7, $0.0e+00;
	v7 =	vadd.f32 v11, v10  }
0x269: {  	v9 =	vld [tilespmem:s14+$0x3CF0];
	[tilespmem:s12+$0x64B0] =	vst v8  }
0x26a: {  	v8 =	vld [tilespmem:s14+$0x2800];
	v7 =	vmax.f32 v7, $0.0e+00;
	v2 =	vadd.f32 v5, v2  }
0x26b: {  	v10 =	vld [tilespmem:s14+$0x3C00];
	[tilespmem:s12+$0x64C0] =	vst v7  }
0x26c: {  	v43 =	vld [tilespmem:s14+$0x2810];
	v2 =	vmax.f32 v2, $0.0e+00;
	v3 =	vadd.f32 v6, v3  }
0x26d: {  	v7 =	vld [tilespmem:s14+$0x3C10];
	[tilespmem:s12+$0x64D0] =	vst v2  }
0x26e: {  	v2 =	vld [tilespmem:s14+$0x2820];
	v3 =	vmax.f32 v3, $0.0e+00  }
0x26f: {  	v44 =	vld [tilespmem:s14+$0x3C20];
	[tilespmem:s12+$0x64E0] =	vst v3  }
0x270: {  	v3 =	vld [tilespmem:s14+$0x2830]  }
0x271: {  	v45 =	vld [tilespmem:s14+$0x3C30]  }
0x272: {  	v47 =	vld [tilespmem:s14+$0x2840]  }
0x273: {  	v48 =	vld [tilespmem:s14+$0x3C40]  }
0x274: {  	v49 =	vld [tilespmem:s14+$0x2850];
	v2 =	vadd.f32 v44, v2  }
0x275: {  	v50 =	vld [tilespmem:s14+$0x3C50]  }
0x276: {  	v51 =	vld [tilespmem:s14+$0x2860];
	v2 =	vmax.f32 v2, $0.0e+00  }
0x277: {  	[tilespmem:s14+$0x6420] =	vst v2;
	v2 =	vld [tilespmem:s14+$0x3C60]  }
0x278: {  	v52 =	vld [tilespmem:s14+$0x2870]  }
0x279: {  	v53 =	vld [tilespmem:s14+$0x2880];
	v3 =	vadd.f32 v45, v3  }
0x27a: {  	v54 =	vld [tilespmem:s14+$0x3C80]  }
0x27b: {  	v55 =	vld [tilespmem:s14+$0x2890];
	v3 =	vmax.f32 v3, $0.0e+00  }
0x27c: {  	[tilespmem:s14+$0x6430] =	vst v3;
	v3 =	vld [tilespmem:s14+$0x3C70];
	v2 =	vadd.f32 v2, v51  }
0x27d: {  	v56 =	vld [tilespmem:s14+$0x3C90]  }
0x27e: {  	v57 =	vld [tilespmem:s14+$0x28A0];
	v2 =	vmax.f32 v2, $0.0e+00  }
0x27f: {  	[tilespmem:s14+$0x6460] =	vst v2;
	v2 =	vld [tilespmem:s14+$0x3CA0]  }
0x280: {  	v4 =	vadd.f32 v9, v4;
	v58 =	vld [tilespmem:s14+$0x28B0]  }
0x281: {  	v59 =	vld [tilespmem:s14+$0x28C0];
	v3 =	vadd.f32 v3, v52  }
0x282: {  	v4 =	vmax.f32 v4, $0.0e+00;
	v60 =	vld [tilespmem:s14+$0x3CC0];
	v5 =	vadd.f32 v7, v43  }
0x283: {  	v61 =	vld [tilespmem:s14+$0x28D0];
	[tilespmem:s14+$0x64F0] =	vst v4;
	v4 =	vadd.f32 v48, v47;
	v3 =	vmax.f32 v3, $0.0e+00  }
0x284: {  	v5 =	vmax.f32 v5, $0.0e+00;
	[tilespmem:s14+$0x6470] =	vst v3;
	v3 =	vld [tilespmem:s14+$0x3CB0];
	v2 =	vadd.f32 v2, v57  }
0x285: {  	v62 =	vld [tilespmem:s14+$0x3CD0];
	[tilespmem:s14+$0x6410] =	vst v5;
	v5 =	vadd.f32 v50, v49;
	v4 =	vmax.f32 v4, $0.0e+00  }
0x286: {  	v8 =	vadd.f32 v10, v8;
	v63 =	vld [tilespmem:s14+$0x28E0];
	[tilespmem:s14+$0x6440] =	vst v4;
	v2 =	vmax.f32 v2, $0.0e+00  }
0x287: {  	v5 =	vmax.f32 v5, $0.0e+00;
	v4 =	vadd.f32 v54, v53;
	[tilespmem:s14+$0x64A0] =	vst v2;
	v2 =	vld [tilespmem:s14+$0x3CE0]  }
0x288: {  	v46 =	vmax.f32 v8, $0.0e+00;
	[tilespmem:s14+$0x6450] =	vst v5;
	v5 =	vadd.f32 v56, v55  }
0x289: {  	[tilespmem:s14+$0x6400] =	vst v46;
	v4 =	vmax.f32 v4, $0.0e+00;
	v3 =	vadd.f32 v3, v58  }
0x28a: {  	v5 =	vmax.f32 v5, $0.0e+00;
	[tilespmem:s14+$0x6480] =	vst v4;
	v4 =	vadd.f32 v60, v59  }
0x28b: {  	[tilespmem:s14+$0x6490] =	vst v5;
	v5 =	vadd.f32 v62, v61;
	v3 =	vmax.f32 v3, $0.0e+00  }
0x28c: {  	[tilespmem:s14+$0x64B0] =	vst v3;
	v3 =	vmax.f32 v4, $0.0e+00;
	v2 =	vadd.f32 v2, v63  }
0x28d: {  	[tilespmem:s14+$0x64C0] =	vst v3;
	v3 =	vmax.f32 v5, $0.0e+00  }
0x28e: {  	[tilespmem:s14+$0x64D0] =	vst v3;
	v2 =	vmax.f32 v2, $0.0e+00  }
0x28f: {  	[tilespmem:s14+$0x64E0] =	vst v2  }
0x290: {  	_ =	swait.ge [sflag:s17], $0x28  }
0x291: {  	[sflag:s17] =	ssyncset.done $0x0  }
0x292: {  	[sflag:s17] =	ssyncadd.s32 $0xFFFFFFD8  }
0x293: {  	_ =	swait.ge [sflag:s17], $0x28  }
0x294: {  	[sflag:s17] =	ssyncset.done $0x0  }
0x295: {  	s14 =	simm.s32 $0x28F0;
	[sflag:s17] =	ssyncadd.s32 $0xFFFFFFD8  }
0x296: {  	[tilespmem:s14], [sflag:$0x2] =	stream.indirect.gather [hbm4b:s0+s1], $0x80, s2, s1, $0xb8;
	[tilespmem:$0x1E370] =	vst v63  }
0x297: {  	s15 =	simm.s32 $0x3CF0;
	s21 =	sadd.s32 $0x1, s21  }
0x298: {  	[tilespmem:s15], [sflag:$0x2] =	stream.indirect.gather [hbm4b:s6+s1], $0x80, s10, s1, $0xb8;
	[tilespmem:$0x1E370] =	vst v63  }
0x299: {  	p0 =	sne.s32 s21, $0x7B;
	_ =	swait.ge [sflag:s24], $0x28  }
.Ltmp6:
0x29a: {  	[sflag:s24] =	ssyncset.done $0x0;
	(pc) =	sbr.rel @p0 .LBB2_10-.Ltmp6, $4  }
0x29b: {  	s19 =	simm.s32 $0x64F0;
	[sflag:s24] =	ssyncadd.s32 $0xFFFFFFD8  }
0x29c: {  	[spmem:s3] =	stream.indirect.scatter.add.f32 [tilespmem:s19], [sflag:$0x4], $0x80, s26, s1, $0xb8;
	[tilespmem:$0x1E370] =	vst v63  }
0x29d: {  	_ = 	snop  }
0x29e: {  	[spmem:s4] =	stream.indirect.scatter.add.f32 [tilespmem:s31], [sflag:$0x4], $0x10, s26, s1, $0xb8;
	[tilespmem:$0x1E370] =	vst v63  }
0x29f: {  	_ =	swait.ge [sflag:s16], $0x1400  }
0x2a0: {  	[sflag:s16] =	ssyncset.done $0x0  }
0x2a1: {  	[sflag:s16] =	ssyncadd.s32 $0xFFFFEC00  }
0x2a2: {  	_ =	swait.ge [sflag:s16], $0x280  }
0x2a3: {  	[sflag:s16] =	ssyncset.done $0x0  }
0x2a4: {  	s12 =	rddreg [dreg:$0x14];
	[sflag:s16] =	ssyncadd.s32 $0xFFFFFD80  }
0x2a5: {  	[tilespmem:s22], [sflag:$0x7] =	stream.linear.gather [hbm4b:s12+s5], $0x28, $0x38;
	[tilespmem:$0x1E370] =	vst v63  }
0x2a6: {  	_ =	swait.ge [sflag:s28], $0x1400  }
0x2a7: {  	[sflag:s28] =	ssyncset.done $0x0  }
0x2a8: {  	[sflag:s28] =	ssyncadd.s32 $0xFFFFEC00  }
0x2a9: {  	_ =	swait.ge [sflag:s28], $0x1400  }
0x2aa: {  	[sflag:s28] =	ssyncset.done $0x0  }
0x2ab: {  	s12 =	simm.s32 $0xF0;
	[sflag:s28] =	ssyncadd.s32 $0xFFFFEC00  }
0x2ac: {  	v2 =	vld [tilespmem:s12+$0xF0]  }
0x2ad: {  	v3 =	vld [tilespmem:s12+$0x14F0]  }
0x2ae: {  	v4 =	vld [tilespmem:s12+$0x0]  }
0x2af: {  	v5 =	vld [tilespmem:s12+$0x1400]  }
0x2b0: {  	v6 =	vld [tilespmem:s12+$0x10]  }
0x2b1: {  	v7 =	vld [tilespmem:s12+$0x1410]  }
0x2b2: {  	v8 =	vld [tilespmem:s12+$0x20]  }
0x2b3: {  	v2 =	vadd.f32 v3, v2;
	v3 =	vld [tilespmem:s12+$0x1420]  }
0x2b4: {  	v9 =	vld [tilespmem:s12+$0x30]  }
0x2b5: {  	v4 =	vadd.f32 v5, v4;
	v5 =	vld [tilespmem:s12+$0x1430]  }
0x2b6: {  	v6 =	vadd.f32 v7, v6;
	v7 =	vld [tilespmem:s12+$0x50];
	v2 =	vmax.f32 v2, $0.0e+00  }
0x2b7: {  	[tilespmem:s12+$0x50F0] =	vst v2;
	v2 =	vmax.f32 v4, $0.0e+00;
	v4 =	vld [tilespmem:s12+$0x40]  }
0x2b8: {  	v6 =	vmax.f32 v6, $0.0e+00;
	[tilespmem:s12+$0x5000] =	vst v2;
	v2 =	vld [tilespmem:s12+$0x1440];
	v3 =	vadd.f32 v3, v8  }
0x2b9: {  	[tilespmem:s12+$0x5010] =	vst v6;
	v6 =	vld [tilespmem:s12+$0x1450]  }
0x2ba: {  	v8 =	vld [tilespmem:s12+$0x60];
	v3 =	vmax.f32 v3, $0.0e+00  }
0x2bb: {  	v5 =	vadd.f32 v5, v9;
	[tilespmem:s12+$0x5020] =	vst v3;
	v3 =	vld [tilespmem:s12+$0x1460]  }
0x2bc: {  	v9 =	vld [tilespmem:s12+$0x70]  }
0x2bd: {  	v5 =	vmax.f32 v5, $0.0e+00;
	v2 =	vadd.f32 v2, v4;
	v4 =	vld [tilespmem:s12+$0x1470]  }
0x2be: {  	[tilespmem:s12+$0x5030] =	vst v5;
	v5 =	vld [tilespmem:s12+$0x80];
	v6 =	vadd.f32 v6, v7  }
0x2bf: {  	v7 =	vld [tilespmem:s12+$0x90];
	v2 =	vmax.f32 v2, $0.0e+00  }
0x2c0: {  	v6 =	vmax.f32 v6, $0.0e+00;
	[tilespmem:s12+$0x5040] =	vst v2;
	v2 =	vld [tilespmem:s12+$0x1480];
	v3 =	vadd.f32 v3, v8  }
0x2c1: {  	[tilespmem:s12+$0x5050] =	vst v6;
	v6 =	vld [tilespmem:s12+$0x1490]  }
0x2c2: {  	v8 =	vld [tilespmem:s12+$0xA0];
	v4 =	vadd.f32 v4, v9;
	v3 =	vmax.f32 v3, $0.0e+00  }
0x2c3: {  	[tilespmem:s12+$0x5060] =	vst v3;
	v3 =	vld [tilespmem:s12+$0x14A0]  }
0x2c4: {  	v9 =	vld [tilespmem:s12+$0xB0];
	v4 =	vmax.f32 v4, $0.0e+00  }
0x2c5: {  	v2 =	vadd.f32 v2, v5;
	[tilespmem:s12+$0x5070] =	vst v4;
	v4 =	vld [tilespmem:s12+$0x14B0]  }
0x2c6: {  	v10 =	vld [tilespmem:s12+$0xC0];
	v5 =	vadd.f32 v6, v7  }
0x2c7: {  	v7 =	vld [tilespmem:s12+$0x14C0];
	v2 =	vmax.f32 v2, $0.0e+00  }
0x2c8: {  	v5 =	vmax.f32 v5, $0.0e+00;
	[tilespmem:s12+$0x5080] =	vst v2;
	v2 =	vld [tilespmem:s12+$0xD0];
	v3 =	vadd.f32 v3, v8  }
0x2c9: {  	[tilespmem:s12+$0x5090] =	vst v5;
	v5 =	vld [tilespmem:s12+$0x14D0]  }
0x2ca: {  	v8 =	vadd.f32 v4, v9;
	v6 =	vmax.f32 v3, $0.0e+00;
	v3 =	vld [tilespmem:s12+$0xE0]  }
0x2cb: {  	s14 =	simm.s32 $0x1F0;
	[tilespmem:s12+$0x50A0] =	vst v6;
	v6 =	vld [tilespmem:s12+$0x14E0]  }
0x2cc: {  	s15 =	simm.s32 $0xBC0;
	v7 =	vadd.f32 v7, v10;
	v8 =	vmax.f32 v8, $0.0e+00;
	v4 =	vld [tilespmem:s14+$0xF0]  }
.LBB2_16:
0x2cd: {  	p0 =	sne.s32 s15, $0x4FC0;
	v9 =	vld [tilespmem:s14+$0x14F0];
	[tilespmem:s12+$0x50B0] =	vst v8  }
0x2ce: {  	v8 =	vld [tilespmem:s14+$0x0];
	v7 =	vmax.f32 v7, $0.0e+00;
	v2 =	vadd.f32 v5, v2  }
0x2cf: {  	v5 =	vld [tilespmem:s14+$0x1400];
	[tilespmem:s12+$0x50C0] =	vst v7  }
0x2d0: {  	v7 =	vld [tilespmem:s14+$0x10];
	v2 =	vmax.f32 v2, $0.0e+00;
	v3 =	vadd.f32 v6, v3  }
0x2d1: {  	v6 =	vld [tilespmem:s14+$0x1410];
	[tilespmem:s12+$0x50D0] =	vst v2  }
0x2d2: {  	v2 =	vld [tilespmem:s14+$0x20];
	v4 =	vadd.f32 v9, v4;
	v3 =	vmax.f32 v3, $0.0e+00  }
0x2d3: {  	v9 =	vld [tilespmem:s14+$0x1420];
	[tilespmem:s12+$0x50E0] =	vst v3;
	s12 =	smov.u32 s14  }
0x2d4: {  	v3 =	vadd.f32 v5, v8;
	v5 =	vld [tilespmem:s12+$0x30];
	v4 =	vmax.f32 v4, $0.0e+00  }
0x2d5: {  	v8 =	vld [tilespmem:s12+$0x1430];
	[tilespmem:s12+$0x50F0] =	vst v4  }
0x2d6: {  	v3 =	vmax.f32 v3, $0.0e+00;
	v4 =	vadd.f32 v6, v7;
	v6 =	vld [tilespmem:s12+$0x40]  }
0x2d7: {  	[tilespmem:s12+$0x5000] =	vst v3;
	v3 =	vld [tilespmem:s12+$0x1440]  }
0x2d8: {  	v4 =	vmax.f32 v4, $0.0e+00;
	v2 =	vadd.f32 v9, v2;
	v7 =	vld [tilespmem:s12+$0x50]  }
0x2d9: {  	[tilespmem:s12+$0x5010] =	vst v4;
	v4 =	vld [tilespmem:s12+$0x1450]  }
0x2da: {  	v2 =	vmax.f32 v2, $0.0e+00;
	v5 =	vadd.f32 v8, v5;
	v8 =	vld [tilespmem:s12+$0x60]  }
0x2db: {  	[tilespmem:s12+$0x5020] =	vst v2;
	v2 =	vld [tilespmem:s12+$0x1460]  }
0x2dc: {  	v5 =	vmax.f32 v5, $0.0e+00;
	v3 =	vadd.f32 v3, v6;
	v6 =	vld [tilespmem:s12+$0x70]  }
0x2dd: {  	[tilespmem:s12+$0x5030] =	vst v5;
	v5 =	vld [tilespmem:s12+$0x1470]  }
0x2de: {  	v3 =	vmax.f32 v3, $0.0e+00;
	v4 =	vadd.f32 v4, v7;
	v7 =	vld [tilespmem:s12+$0x80]  }
0x2df: {  	[tilespmem:s12+$0x5040] =	vst v3;
	v3 =	vld [tilespmem:s12+$0x1480]  }
0x2e0: {  	v4 =	vmax.f32 v4, $0.0e+00;
	v2 =	vadd.f32 v2, v8;
	v8 =	vld [tilespmem:s12+$0x90]  }
0x2e1: {  	[tilespmem:s12+$0x5050] =	vst v4;
	v4 =	vld [tilespmem:s12+$0x1490]  }
0x2e2: {  	v2 =	vmax.f32 v2, $0.0e+00;
	v5 =	vadd.f32 v5, v6;
	v6 =	vld [tilespmem:s12+$0xA0]  }
0x2e3: {  	[tilespmem:s12+$0x5060] =	vst v2;
	v2 =	vld [tilespmem:s12+$0x14A0]  }
0x2e4: {  	v5 =	vmax.f32 v5, $0.0e+00;
	v3 =	vadd.f32 v3, v7;
	v7 =	vld [tilespmem:s12+$0xB0]  }
0x2e5: {  	[tilespmem:s12+$0x5070] =	vst v5;
	v9 =	vld [tilespmem:s12+$0x14B0]  }
0x2e6: {  	v3 =	vmax.f32 v3, $0.0e+00;
	v4 =	vadd.f32 v4, v8;
	v10 =	vld [tilespmem:s12+$0xC0]  }
0x2e7: {  	[tilespmem:s12+$0x5080] =	vst v3;
	v11 =	vld [tilespmem:s12+$0x14C0]  }
.Ltmp7:
0x2e8: {  	v3 =	vmax.f32 v4, $0.0e+00;
	v4 =	vadd.f32 v2, v6;
	v2 =	vld [tilespmem:s12+$0xD0];
	(pc) =	sbr.rel @p0 .LBB2_16-.Ltmp7, $4  }
0x2e9: {  	[tilespmem:s12+$0x5090] =	vst v3;
	v5 =	vld [tilespmem:s12+$0x14D0]  }
0x2ea: {  	v4 =	vmax.f32 v4, $0.0e+00;
	v7 =	vadd.f32 v9, v7;
	v3 =	vld [tilespmem:s12+$0xE0]  }
0x2eb: {  	s14 =	sshra.s32 s15, $0x2;
	[tilespmem:s12+$0x50A0] =	vst v4;
	v6 =	vld [tilespmem:s12+$0x14E0]  }
0x2ec: {  	s15 =	sadd.s32 $0x400, s15;
	v4 =	vld [tilespmem:s14+$0xF0];
	v8 =	vmax.f32 v7, $0.0e+00;
	v7 =	vadd.f32 v11, v10  }
0x2ed: {  	v9 =	vld [tilespmem:s14+$0x14F0];
	[tilespmem:s12+$0x50B0] =	vst v8  }
0x2ee: {  	v8 =	vld [tilespmem:s14+$0x0];
	v7 =	vmax.f32 v7, $0.0e+00;
	v2 =	vadd.f32 v5, v2  }
0x2ef: {  	v10 =	vld [tilespmem:s14+$0x1400];
	[tilespmem:s12+$0x50C0] =	vst v7  }
0x2f0: {  	v5 =	vld [tilespmem:s14+$0x10];
	v2 =	vmax.f32 v2, $0.0e+00;
	v3 =	vadd.f32 v6, v3  }
0x2f1: {  	v7 =	vld [tilespmem:s14+$0x1410];
	[tilespmem:s12+$0x50D0] =	vst v2  }
0x2f2: {  	v2 =	vld [tilespmem:s14+$0x20];
	v3 =	vmax.f32 v3, $0.0e+00  }
0x2f3: {  	v6 =	vld [tilespmem:s14+$0x1420];
	v4 =	vadd.f32 v9, v4;
	[tilespmem:s12+$0x50E0] =	vst v3  }
0x2f4: {  	v8 =	vadd.f32 v10, v8;
	v3 =	vld [tilespmem:s14+$0x30]  }
0x2f5: {  	v4 =	vmax.f32 v4, $0.0e+00;
	v9 =	vld [tilespmem:s14+$0x1430]  }
0x2f6: {  	[tilespmem:s14+$0x50F0] =	vst v4;
	v4 =	vmax.f32 v8, $0.0e+00;
	v8 =	vld [tilespmem:s14+$0x40]  }
0x2f7: {  	v5 =	vadd.f32 v7, v5;
	v7 =	vld [tilespmem:s14+$0x50]  }
0x2f8: {  	[tilespmem:s14+$0x5000] =	vst v4;
	v4 =	vld [tilespmem:s14+$0x1440];
	v2 =	vadd.f32 v6, v2  }
0x2f9: {  	v5 =	vmax.f32 v5, $0.0e+00;
	v6 =	vld [tilespmem:s14+$0x60]  }
0x2fa: {  	[tilespmem:s14+$0x5010] =	vst v5;
	v5 =	vld [tilespmem:s14+$0x1450];
	v2 =	vmax.f32 v2, $0.0e+00  }
0x2fb: {  	v3 =	vadd.f32 v9, v3;
	[tilespmem:s14+$0x5020] =	vst v2;
	v2 =	vld [tilespmem:s14+$0x1460]  }
0x2fc: {  	v9 =	vld [tilespmem:s14+$0x70]  }
0x2fd: {  	v3 =	vmax.f32 v3, $0.0e+00;
	v4 =	vadd.f32 v4, v8;
	v8 =	vld [tilespmem:s14+$0x80]  }
0x2fe: {  	[tilespmem:s14+$0x5030] =	vst v3;
	v3 =	vld [tilespmem:s14+$0x1470]  }
0x2ff: {  	v4 =	vmax.f32 v4, $0.0e+00;
	v5 =	vadd.f32 v5, v7;
	v7 =	vld [tilespmem:s14+$0x90]  }
0x300: {  	[tilespmem:s14+$0x5040] =	vst v4;
	v4 =	vld [tilespmem:s14+$0x1480];
	v2 =	vadd.f32 v2, v6  }
0x301: {  	v5 =	vmax.f32 v5, $0.0e+00;
	v6 =	vld [tilespmem:s14+$0xA0]  }
0x302: {  	[tilespmem:s14+$0x5050] =	vst v5;
	v5 =	vld [tilespmem:s14+$0x1490];
	v2 =	vmax.f32 v2, $0.0e+00  }
0x303: {  	v3 =	vadd.f32 v3, v9;
	[tilespmem:s14+$0x5060] =	vst v2;
	v2 =	vld [tilespmem:s14+$0x14A0]  }
0x304: {  	v9 =	vld [tilespmem:s14+$0xB0]  }
0x305: {  	v3 =	vmax.f32 v3, $0.0e+00;
	v4 =	vadd.f32 v4, v8;
	v8 =	vld [tilespmem:s14+$0xC0]  }
0x306: {  	[tilespmem:s14+$0x5070] =	vst v3;
	v3 =	vld [tilespmem:s14+$0x14B0]  }
0x307: {  	v4 =	vmax.f32 v4, $0.0e+00;
	v5 =	vadd.f32 v5, v7;
	v7 =	vld [tilespmem:s14+$0xD0]  }
0x308: {  	[tilespmem:s14+$0x5080] =	vst v4;
	v4 =	vld [tilespmem:s14+$0x14C0];
	v2 =	vadd.f32 v2, v6  }
0x309: {  	v5 =	vmax.f32 v5, $0.0e+00;
	v6 =	vld [tilespmem:s14+$0xE0]  }
0x30a: {  	[tilespmem:s14+$0x5090] =	vst v5;
	v5 =	vld [tilespmem:s14+$0x14D0];
	v2 =	vmax.f32 v2, $0.0e+00  }
0x30b: {  	[tilespmem:s14+$0x50A0] =	vst v2;
	v2 =	vld [tilespmem:s14+$0x14E0];
	_ =	sdelay $0x1  }
0x30c: {  	v3 =	vadd.f32 v3, v9  }
0x30d: {  	v4 =	vadd.f32 v4, v8  }
0x30e: {  	v3 =	vmax.f32 v3, $0.0e+00;
	v5 =	vadd.f32 v5, v7  }
0x30f: {  	[tilespmem:s14+$0x50B0] =	vst v3;
	v3 =	vmax.f32 v4, $0.0e+00;
	v2 =	vadd.f32 v2, v6  }
0x310: {  	[tilespmem:s14+$0x50C0] =	vst v3;
	v3 =	vmax.f32 v5, $0.0e+00  }
0x311: {  	[tilespmem:s14+$0x50D0] =	vst v3;
	v2 =	vmax.f32 v2, $0.0e+00  }
0x312: {  	[tilespmem:s14+$0x50E0] =	vst v2  }
0x313: {  	_ =	swait.ge [sflag:s11], $0x28  }
0x314: {  	[sflag:s11] =	ssyncset.done $0x0  }
0x315: {  	[sflag:s11] =	ssyncadd.s32 $0xFFFFFFD8  }
0x316: {  	[spmem:s3] =	stream.indirect.scatter.add.f32 [tilespmem:s29], [sflag:$0x3], $0x80, s22, s1, $0xb8;
	[tilespmem:$0x1E370] =	vst v63  }
0x317: {  	_ = 	snop  }
0x318: {  	[spmem:s4] =	stream.indirect.scatter.add.f32 [tilespmem:s31], [sflag:$0x3], $0x10, s22, s1, $0xb8;
	[tilespmem:$0x1E370] =	vst v63  }
0x319: {  	_ =	swait.ge [sflag:s18], $0x1400  }
0x31a: {  	[sflag:s18] =	ssyncset.done $0x0  }
0x31b: {  	[sflag:s18] =	ssyncadd.s32 $0xFFFFEC00  }
0x31c: {  	_ =	swait.ge [sflag:s18], $0x280  }
0x31d: {  	[sflag:s18] =	ssyncset.done $0x0  }
0x31e: {  	s21 =	rddreg [dreg:$0x10];
	[sflag:s18] =	ssyncadd.s32 $0xFFFFFD80  }
0x31f: {  	[tilespmem:s26], [sflag:$0x8] =	stream.linear.gather [hbm4b:s21+s5], $0x28, $0x38;
	[tilespmem:$0x1E370] =	vst v63  }
0x320: {  	_ =	swait.ge [sflag:s9], $0x1400  }
0x321: {  	[sflag:s9] =	ssyncset.done $0x0  }
0x322: {  	[sflag:s9] =	ssyncadd.s32 $0xFFFFEC00  }
0x323: {  	_ =	swait.ge [sflag:s9], $0x1400  }
0x324: {  	[sflag:s9] =	ssyncset.done $0x0  }
0x325: {  	s12 =	simm.s32 $0xF0;
	[sflag:s9] =	ssyncadd.s32 $0xFFFFEC00  }
0x326: {  	v2 =	vld [tilespmem:s12+$0x28F0]  }
0x327: {  	v3 =	vld [tilespmem:s12+$0x3CF0]  }
0x328: {  	v4 =	vld [tilespmem:s12+$0x2800]  }
0x329: {  	v5 =	vld [tilespmem:s12+$0x3C00]  }
0x32a: {  	v6 =	vld [tilespmem:s12+$0x2810]  }
0x32b: {  	v7 =	vld [tilespmem:s12+$0x3C10]  }
0x32c: {  	v8 =	vld [tilespmem:s12+$0x2820]  }
0x32d: {  	v2 =	vadd.f32 v3, v2;
	v3 =	vld [tilespmem:s12+$0x3C20]  }
0x32e: {  	v9 =	vld [tilespmem:s12+$0x2830]  }
0x32f: {  	v4 =	vadd.f32 v5, v4;
	v5 =	vld [tilespmem:s12+$0x3C30]  }
0x330: {  	v6 =	vadd.f32 v7, v6;
	v7 =	vld [tilespmem:s12+$0x2850];
	v2 =	vmax.f32 v2, $0.0e+00  }
0x331: {  	[tilespmem:s12+$0x64F0] =	vst v2;
	v2 =	vmax.f32 v4, $0.0e+00;
	v4 =	vld [tilespmem:s12+$0x2840]  }
0x332: {  	v6 =	vmax.f32 v6, $0.0e+00;
	[tilespmem:s12+$0x6400] =	vst v2;
	v2 =	vld [tilespmem:s12+$0x3C40];
	v3 =	vadd.f32 v3, v8  }
0x333: {  	[tilespmem:s12+$0x6410] =	vst v6;
	v6 =	vld [tilespmem:s12+$0x3C50]  }
0x334: {  	v8 =	vld [tilespmem:s12+$0x2860];
	v3 =	vmax.f32 v3, $0.0e+00  }
0x335: {  	v5 =	vadd.f32 v5, v9;
	[tilespmem:s12+$0x6420] =	vst v3;
	v3 =	vld [tilespmem:s12+$0x3C60]  }
0x336: {  	v9 =	vld [tilespmem:s12+$0x2870]  }
0x337: {  	v5 =	vmax.f32 v5, $0.0e+00;
	v2 =	vadd.f32 v2, v4;
	v4 =	vld [tilespmem:s12+$0x3C70]  }
0x338: {  	[tilespmem:s12+$0x6430] =	vst v5;
	v5 =	vld [tilespmem:s12+$0x2880];
	v6 =	vadd.f32 v6, v7  }
0x339: {  	v7 =	vld [tilespmem:s12+$0x2890];
	v2 =	vmax.f32 v2, $0.0e+00  }
0x33a: {  	v6 =	vmax.f32 v6, $0.0e+00;
	[tilespmem:s12+$0x6440] =	vst v2;
	v2 =	vld [tilespmem:s12+$0x3C80];
	v3 =	vadd.f32 v3, v8  }
0x33b: {  	[tilespmem:s12+$0x6450] =	vst v6;
	v6 =	vld [tilespmem:s12+$0x3C90]  }
0x33c: {  	v8 =	vld [tilespmem:s12+$0x28A0];
	v4 =	vadd.f32 v4, v9;
	v3 =	vmax.f32 v3, $0.0e+00  }
0x33d: {  	[tilespmem:s12+$0x6460] =	vst v3;
	v3 =	vld [tilespmem:s12+$0x3CA0]  }
0x33e: {  	v9 =	vld [tilespmem:s12+$0x28B0];
	v4 =	vmax.f32 v4, $0.0e+00  }
0x33f: {  	v2 =	vadd.f32 v2, v5;
	[tilespmem:s12+$0x6470] =	vst v4;
	v4 =	vld [tilespmem:s12+$0x3CB0]  }
0x340: {  	v10 =	vld [tilespmem:s12+$0x28C0];
	v5 =	vadd.f32 v6, v7  }
0x341: {  	v7 =	vld [tilespmem:s12+$0x3CC0];
	v2 =	vmax.f32 v2, $0.0e+00  }
0x342: {  	v5 =	vmax.f32 v5, $0.0e+00;
	[tilespmem:s12+$0x6480] =	vst v2;
	v2 =	vld [tilespmem:s12+$0x28D0];
	v3 =	vadd.f32 v3, v8  }
0x343: {  	[tilespmem:s12+$0x6490] =	vst v5;
	v5 =	vld [tilespmem:s12+$0x3CD0]  }
0x344: {  	v8 =	vadd.f32 v4, v9;
	v6 =	vmax.f32 v3, $0.0e+00;
	v3 =	vld [tilespmem:s12+$0x28E0]  }
0x345: {  	s14 =	simm.s32 $0x1F0;
	[tilespmem:s12+$0x64A0] =	vst v6;
	v6 =	vld [tilespmem:s12+$0x3CE0]  }
0x346: {  	s15 =	simm.s32 $0xBC0;
	v7 =	vadd.f32 v7, v10;
	v8 =	vmax.f32 v8, $0.0e+00;
	v4 =	vld [tilespmem:s14+$0x28F0]  }
.LBB2_18:
0x347: {  	p0 =	sne.s32 s15, $0x4FC0;
	v9 =	vld [tilespmem:s14+$0x3CF0];
	[tilespmem:s12+$0x64B0] =	vst v8  }
0x348: {  	v8 =	vld [tilespmem:s14+$0x2800];
	v7 =	vmax.f32 v7, $0.0e+00;
	v2 =	vadd.f32 v5, v2  }
0x349: {  	v5 =	vld [tilespmem:s14+$0x3C00];
	[tilespmem:s12+$0x64C0] =	vst v7  }
0x34a: {  	v7 =	vld [tilespmem:s14+$0x2810];
	v2 =	vmax.f32 v2, $0.0e+00;
	v3 =	vadd.f32 v6, v3  }
0x34b: {  	v6 =	vld [tilespmem:s14+$0x3C10];
	[tilespmem:s12+$0x64D0] =	vst v2  }
0x34c: {  	v2 =	vld [tilespmem:s14+$0x2820];
	v4 =	vadd.f32 v9, v4;
	v3 =	vmax.f32 v3, $0.0e+00  }
0x34d: {  	v9 =	vld [tilespmem:s14+$0x3C20];
	[tilespmem:s12+$0x64E0] =	vst v3;
	s12 =	smov.u32 s14  }
0x34e: {  	v3 =	vadd.f32 v5, v8;
	v5 =	vld [tilespmem:s12+$0x2830];
	v4 =	vmax.f32 v4, $0.0e+00  }
0x34f: {  	v8 =	vld [tilespmem:s12+$0x3C30];
	[tilespmem:s12+$0x64F0] =	vst v4  }
0x350: {  	v3 =	vmax.f32 v3, $0.0e+00;
	v4 =	vadd.f32 v6, v7;
	v6 =	vld [tilespmem:s12+$0x2840]  }
0x351: {  	[tilespmem:s12+$0x6400] =	vst v3;
	v3 =	vld [tilespmem:s12+$0x3C40]  }
0x352: {  	v4 =	vmax.f32 v4, $0.0e+00;
	v2 =	vadd.f32 v9, v2;
	v7 =	vld [tilespmem:s12+$0x2850]  }
0x353: {  	[tilespmem:s12+$0x6410] =	vst v4;
	v4 =	vld [tilespmem:s12+$0x3C50]  }
0x354: {  	v2 =	vmax.f32 v2, $0.0e+00;
	v5 =	vadd.f32 v8, v5;
	v8 =	vld [tilespmem:s12+$0x2860]  }
0x355: {  	[tilespmem:s12+$0x6420] =	vst v2;
	v2 =	vld [tilespmem:s12+$0x3C60]  }
0x356: {  	v5 =	vmax.f32 v5, $0.0e+00;
	v3 =	vadd.f32 v3, v6;
	v6 =	vld [tilespmem:s12+$0x2870]  }
0x357: {  	[tilespmem:s12+$0x6430] =	vst v5;
	v5 =	vld [tilespmem:s12+$0x3C70]  }
0x358: {  	v3 =	vmax.f32 v3, $0.0e+00;
	v4 =	vadd.f32 v4, v7;
	v7 =	vld [tilespmem:s12+$0x2880]  }
0x359: {  	[tilespmem:s12+$0x6440] =	vst v3;
	v3 =	vld [tilespmem:s12+$0x3C80]  }
0x35a: {  	v4 =	vmax.f32 v4, $0.0e+00;
	v2 =	vadd.f32 v2, v8;
	v8 =	vld [tilespmem:s12+$0x2890]  }
0x35b: {  	[tilespmem:s12+$0x6450] =	vst v4;
	v4 =	vld [tilespmem:s12+$0x3C90]  }
0x35c: {  	v2 =	vmax.f32 v2, $0.0e+00;
	v5 =	vadd.f32 v5, v6;
	v6 =	vld [tilespmem:s12+$0x28A0]  }
0x35d: {  	[tilespmem:s12+$0x6460] =	vst v2;
	v2 =	vld [tilespmem:s12+$0x3CA0]  }
0x35e: {  	v5 =	vmax.f32 v5, $0.0e+00;
	v3 =	vadd.f32 v3, v7;
	v7 =	vld [tilespmem:s12+$0x28B0]  }
0x35f: {  	[tilespmem:s12+$0x6470] =	vst v5;
	v9 =	vld [tilespmem:s12+$0x3CB0]  }
0x360: {  	v3 =	vmax.f32 v3, $0.0e+00;
	v4 =	vadd.f32 v4, v8;
	v10 =	vld [tilespmem:s12+$0x28C0]  }
0x361: {  	[tilespmem:s12+$0x6480] =	vst v3;
	v11 =	vld [tilespmem:s12+$0x3CC0]  }
.Ltmp8:
0x362: {  	v3 =	vmax.f32 v4, $0.0e+00;
	v4 =	vadd.f32 v2, v6;
	v2 =	vld [tilespmem:s12+$0x28D0];
	(pc) =	sbr.rel @p0 .LBB2_18-.Ltmp8, $4  }
0x363: {  	[tilespmem:s12+$0x6490] =	vst v3;
	v5 =	vld [tilespmem:s12+$0x3CD0]  }
0x364: {  	v4 =	vmax.f32 v4, $0.0e+00;
	v7 =	vadd.f32 v9, v7;
	v3 =	vld [tilespmem:s12+$0x28E0]  }
0x365: {  	s14 =	sshra.s32 s15, $0x2;
	[tilespmem:s12+$0x64A0] =	vst v4;
	v6 =	vld [tilespmem:s12+$0x3CE0]  }
0x366: {  	s15 =	sadd.s32 $0x400, s15;
	v4 =	vld [tilespmem:s14+$0x28F0];
	v8 =	vmax.f32 v7, $0.0e+00;
	v7 =	vadd.f32 v11, v10  }
0x367: {  	v9 =	vld [tilespmem:s14+$0x3CF0];
	[tilespmem:s12+$0x64B0] =	vst v8  }
0x368: {  	v8 =	vld [tilespmem:s14+$0x2800];
	v7 =	vmax.f32 v7, $0.0e+00;
	v2 =	vadd.f32 v5, v2  }
0x369: {  	v10 =	vld [tilespmem:s14+$0x3C00];
	[tilespmem:s12+$0x64C0] =	vst v7  }
0x36a: {  	v43 =	vld [tilespmem:s14+$0x2810];
	v2 =	vmax.f32 v2, $0.0e+00;
	v3 =	vadd.f32 v6, v3  }
0x36b: {  	v7 =	vld [tilespmem:s14+$0x3C10];
	[tilespmem:s12+$0x64D0] =	vst v2  }
0x36c: {  	v2 =	vld [tilespmem:s14+$0x2820];
	v3 =	vmax.f32 v3, $0.0e+00  }
0x36d: {  	v44 =	vld [tilespmem:s14+$0x3C20];
	[tilespmem:s12+$0x64E0] =	vst v3  }
0x36e: {  	v3 =	vld [tilespmem:s14+$0x2830]  }
0x36f: {  	v45 =	vld [tilespmem:s14+$0x3C30]  }
0x370: {  	v47 =	vld [tilespmem:s14+$0x2840]  }
0x371: {  	v48 =	vld [tilespmem:s14+$0x3C40]  }
0x372: {  	v49 =	vld [tilespmem:s14+$0x2850];
	v2 =	vadd.f32 v44, v2  }
0x373: {  	v50 =	vld [tilespmem:s14+$0x3C50]  }
0x374: {  	v51 =	vld [tilespmem:s14+$0x2860];
	v2 =	vmax.f32 v2, $0.0e+00  }
0x375: {  	[tilespmem:s14+$0x6420] =	vst v2;
	v2 =	vld [tilespmem:s14+$0x3C60]  }
0x376: {  	v52 =	vld [tilespmem:s14+$0x2870]  }
0x377: {  	v53 =	vld [tilespmem:s14+$0x2880];
	v3 =	vadd.f32 v45, v3  }
0x378: {  	v54 =	vld [tilespmem:s14+$0x3C80]  }
0x379: {  	v55 =	vld [tilespmem:s14+$0x2890];
	v3 =	vmax.f32 v3, $0.0e+00  }
0x37a: {  	[tilespmem:s14+$0x6430] =	vst v3;
	v3 =	vld [tilespmem:s14+$0x3C70];
	v2 =	vadd.f32 v2, v51  }
0x37b: {  	v56 =	vld [tilespmem:s14+$0x3C90]  }
0x37c: {  	v57 =	vld [tilespmem:s14+$0x28A0];
	v2 =	vmax.f32 v2, $0.0e+00  }
0x37d: {  	[tilespmem:s14+$0x6460] =	vst v2;
	v2 =	vld [tilespmem:s14+$0x3CA0]  }
0x37e: {  	v4 =	vadd.f32 v9, v4;
	v58 =	vld [tilespmem:s14+$0x28B0]  }
0x37f: {  	v59 =	vld [tilespmem:s14+$0x28C0];
	v3 =	vadd.f32 v3, v52  }
0x380: {  	v4 =	vmax.f32 v4, $0.0e+00;
	v60 =	vld [tilespmem:s14+$0x3CC0];
	v5 =	vadd.f32 v7, v43  }
0x381: {  	v61 =	vld [tilespmem:s14+$0x28D0];
	[tilespmem:s14+$0x64F0] =	vst v4;
	v4 =	vadd.f32 v48, v47;
	v3 =	vmax.f32 v3, $0.0e+00  }
0x382: {  	v5 =	vmax.f32 v5, $0.0e+00;
	[tilespmem:s14+$0x6470] =	vst v3;
	v3 =	vld [tilespmem:s14+$0x3CB0];
	v2 =	vadd.f32 v2, v57  }
0x383: {  	v62 =	vld [tilespmem:s14+$0x3CD0];
	[tilespmem:s14+$0x6410] =	vst v5;
	v5 =	vadd.f32 v50, v49;
	v4 =	vmax.f32 v4, $0.0e+00  }
0x384: {  	v8 =	vadd.f32 v10, v8;
	v63 =	vld [tilespmem:s14+$0x28E0];
	[tilespmem:s14+$0x6440] =	vst v4;
	v2 =	vmax.f32 v2, $0.0e+00  }
0x385: {  	v5 =	vmax.f32 v5, $0.0e+00;
	v4 =	vadd.f32 v54, v53;
	[tilespmem:s14+$0x64A0] =	vst v2;
	v2 =	vld [tilespmem:s14+$0x3CE0]  }
0x386: {  	v46 =	vmax.f32 v8, $0.0e+00;
	[tilespmem:s14+$0x6450] =	vst v5;
	v5 =	vadd.f32 v56, v55  }
0x387: {  	[tilespmem:s14+$0x6400] =	vst v46;
	v4 =	vmax.f32 v4, $0.0e+00;
	v3 =	vadd.f32 v3, v58  }
0x388: {  	v5 =	vmax.f32 v5, $0.0e+00;
	[tilespmem:s14+$0x6480] =	vst v4;
	v4 =	vadd.f32 v60, v59  }
0x389: {  	[tilespmem:s14+$0x6490] =	vst v5;
	v5 =	vadd.f32 v62, v61;
	v3 =	vmax.f32 v3, $0.0e+00  }
0x38a: {  	[tilespmem:s14+$0x64B0] =	vst v3;
	v3 =	vmax.f32 v4, $0.0e+00;
	v2 =	vadd.f32 v2, v63  }
0x38b: {  	[tilespmem:s14+$0x64C0] =	vst v3;
	v3 =	vmax.f32 v5, $0.0e+00  }
0x38c: {  	[tilespmem:s14+$0x64D0] =	vst v3;
	v2 =	vmax.f32 v2, $0.0e+00  }
0x38d: {  	[tilespmem:s14+$0x64E0] =	vst v2  }
0x38e: {  	_ =	swait.ge [sflag:s24], $0x28  }
0x38f: {  	[sflag:s24] =	ssyncset.done $0x0  }
0x390: {  	s14 =	simm.s32 $0x64F0;
	[sflag:s24] =	ssyncadd.s32 $0xFFFFFFD8  }
0x391: {  	[spmem:s3] =	stream.indirect.scatter.add.f32 [tilespmem:s14], [sflag:$0x4], $0x80, s26, s1, $0xb8;
	[tilespmem:$0x1E370] =	vst v63  }
0x392: {  	_ = 	snop  }
0x393: {  	[spmem:s4] =	stream.indirect.scatter.add.f32 [tilespmem:s31], [sflag:$0x4], $0x10, s26, s1, $0xb8;
	[tilespmem:$0x1E370] =	vst v63  }
0x394: {  	_ =	swait.ge [sflag:s16], $0x1400  }
0x395: {  	[sflag:s16] =	ssyncset.done $0x0  }
0x396: {  	[sflag:s16] =	ssyncadd.s32 $0xFFFFEC00  }
0x397: {  	_ =	swait.ge [sflag:s16], $0x280  }
0x398: {  	[sflag:s16] =	ssyncset.done $0x0  }
0x399: {  	[sflag:s16] =	ssyncadd.s32 $0xFFFFFD80  }
0x39a: {  	_ =	swait.ge [sflag:s18], $0x1400  }
0x39b: {  	[sflag:s18] =	ssyncset.done $0x0  }
0x39c: {  	[sflag:s18] =	ssyncadd.s32 $0xFFFFEC00  }
0x39d: {  	_ =	swait.ge [sflag:s18], $0x280  }
0x39e: {  	[sflag:s18] =	ssyncset.done $0x0  }
0x39f: {  	[sflag:s18] =	ssyncadd.s32 $0xFFFFFD80  }
0x3a0: {  	[bflag:$0x0] =	sbarrier.arrive $0xFFFF  }
0x3a1: {  	s19 =	rddreg [dreg:$0x12]  }
0x3a2: {  	[tilespmem:s29], [sflag:$0x9] =	stream.linear.gather [spmem:s19], $0x1400, $0x38;
	[tilespmem:$0x1E370] =	vst v63  }
0x3a3: {  	_ =	swait.ge [sflag:s30], $0x1400  }
0x3a4: {  	[sflag:s30] =	ssyncset.done $0x0  }
0x3a5: {  	s15 =	rddreg [dreg:$0x13];
	[sflag:s30] =	ssyncadd.s32 $0xFFFFEC00  }
0x3a6: {  	[hbm4b:s15+s5] =	stream.linear.scatter [tilespmem:s29], [sflag:$0x9], $0x1400, $0x38;
	[tilespmem:$0x1E370] =	vst v63  }
0x3a7: {  	_ =	swait.ge [sflag:s30], $0x1400  }
0x3a8: {  	[sflag:s30] =	ssyncset.done $0x0  }
0x3a9: {  	[sflag:s30] =	ssyncadd.s32 $0xFFFFEC00  }
0x3aa: {  	[tilespmem:s31], [sflag:$0x9] =	stream.linear.gather [spmem:s23], $0x280, $0x38;
	[tilespmem:$0x1E370] =	vst v63  }
0x3ab: {  	_ =	swait.ge [sflag:s30], $0x280  }
0x3ac: {  	[sflag:s30] =	ssyncset.done $0x0  }
0x3ad: {  	s21 =	sadd.s32 $0x0, s25;
	[sflag:s30] =	ssyncadd.s32 $0xFFFFFD80  }
0x3ae: {  	[hbm4b:s21+s5] =	stream.linear.scatter [tilespmem:s31], [sflag:$0x9], $0x280, $0x38;
	[tilespmem:$0x1E370] =	vst v63  }
0x3af: {  	s12 =	simm.s32 $0x50;
	_ =	swait.ge [sflag:s30], $0x280  }
0x3b0: {  	s14 =	sadd.s32 $0x280, s15;
	s15 =	smov.u32 s23;
	[sflag:s30] =	ssyncset.done $0x0  }
.LBB2_20:
0x3b1: {  	[sflag:s30] =	ssyncadd.s32 $0xFFFFFD80  }
0x3b2: {  	s15 =	sadd.s32 $0x280, s15;
	s19 =	sadd.s32 $0x1400, s19;
	s21 =	smov.u32 s12  }
0x3b3: {  	[tilespmem:s29], [sflag:$0x9] =	stream.linear.gather [spmem:s19], $0x1400, $0x38;
	[tilespmem:$0x1E370] =	vst v63  }
0x3b4: {  	p0 =	sne.s32 s12, $0x4B0;
	s12 =	sadd.s32 $0x50, s12;
	_ =	swait.ge [sflag:s30], $0x1400  }
0x3b5: {  	[sflag:s30] =	ssyncset.done $0x0  }
0x3b6: {  	[sflag:s30] =	ssyncadd.s32 $0xFFFFEC00  }
0x3b7: {  	[hbm4b:s14+s5] =	stream.linear.scatter [tilespmem:s29], [sflag:$0x9], $0x1400, $0x38;
	[tilespmem:$0x1E370] =	vst v63  }
0x3b8: {  	_ =	swait.ge [sflag:s30], $0x1400  }
0x3b9: {  	[sflag:s30] =	ssyncset.done $0x0  }
0x3ba: {  	[sflag:s30] =	ssyncadd.s32 $0xFFFFEC00  }
0x3bb: {  	[tilespmem:s31], [sflag:$0x9] =	stream.linear.gather [spmem:s15], $0x280, $0x38;
	[tilespmem:$0x1E370] =	vst v63  }
0x3bc: {  	_ =	swait.ge [sflag:s30], $0x280  }
.Ltmp9:
0x3bd: {  	[sflag:s30] =	ssyncset.done $0x0;
	(pc) =	sbr.rel @p0 .LBB2_20-.Ltmp9, $4  }
0x3be: {  	s21 =	sadd.s32 s21, s25;
	[sflag:s30] =	ssyncadd.s32 $0xFFFFFD80  }
0x3bf: {  	[hbm4b:s21+s5] =	stream.linear.scatter [tilespmem:s31], [sflag:$0x9], $0x280, $0x38;
	[tilespmem:$0x1E370] =	vst v63  }
0x3c0: {  	_ =	swait.ge [sflag:s30], $0x280  }
0x3c1: {  	s14 =	sadd.s32 $0x280, s14;
	[sflag:s30] =	ssyncset.done $0x0  }
0x3c2: {  	s14 =	rddreg [dreg:$0x15]  }
0x3c3: {  	s12 =	rddreg [dreg:$0x11];
	s14 =	sadd.s32 $0x1, s14  }
0x3c4: {  	p0 =	sne.s32 s14, s12  }
.Ltmp10:
0x3c5: {  	_ = 	snop;
	(pc) =	sbr.rel @p0 .LBB2_1-.Ltmp10, $2  }
0x3c6: {  	_ =	sdelay $0x2  }
0x3c7: {  	[sflag:s30] =	ssyncadd.s32 $0xFFFFFD80;
	s19 =	rddreg [dreg:$0x7]  }
0x3c8: {  	_ =	sfence.sel $0x180000  }
0x3c9: {  	[bflag:$0x0] =	sbarrier.arrive $0xFFFF  }
0x3ca: {  	_ =	strace $0x90000047  }
0x3cb: {  	s0 =	stileid.u32;
	[bflag:$0x2] =	sbarrier.arrive $0xFFFF  }
0x3cc: {  	p0 =	sne.s32 s0, $0x0;
	s0 =	rddreg [dreg:$0x4]  }
0x3cd: {  	s0 =	sadd.s32 @!p0 $0x100000, s0  }
0x3ce: {  	[sflag:s0] =	ssyncadd.tile.s32 @!p0 $0x1;
	_ =	shalt  }
.Lfunc_end2:
_tile_overlayer_lowered:
.L_overlay_start_2:
0x3cf: {  	(tag) =	ssettag $0x2  }
0x3d0: {  	s0 =	rddreg [dreg:$0x0];
	s2 =	stileid.u32  }
0x3d1: {  	s1 =	rddreg [dreg:$0x1];
	p0 =	sne.s32 s2, $0x0  }
0x3d2: {  	s3 =	rddreg [dreg:$0x2];
	[bflag:$0x3] =	sbarrier.arrive $0xFFFF;
	s2 =	simm.s32 @!p0 $0x1C09  }
0x3d3: {  	[timem:s3], [sflag:s2] =	dma.local @!p0 [hbm:s0], s1  }
0x3d4: {  	s0 =	simm.s32 @!p0 $0x9  }
0x3d5: {  	_ =	swait.ge @!p0 [sflag:s0], s1  }
0x3d6: {  	s1 =	ssub.s32 @!p0 $0x0, s1;
	[sflag:s0] =	ssyncset.done @!p0 $0x0  }
0x3d7: {  	[sflag:s0] =	ssyncadd.s32 @!p0 s1  }
0x3d8: {  	[bflag:$0x3] =	sbarrier.arrive $0xFFFF  }
0x3d9: {  	_ =	shalt  }

</sc_bundles>
